<compile_context>
chip_gen: v7x
topology: tpu7x:2x2x1
jax: 0.10.2.dev20260603
libtpu: 0.0.44.dev20260713+nightly
codegen_flags: <defaults>
</compile_context>

<pallas_src>
import functools

import numpy as np
import jax
import jax.numpy as jnp
from jax import lax
from jax.experimental import pallas as pl
from jax.experimental.pallas import tpu as pltpu
from jax.experimental.pallas import tpu_sc as plsc

N = 10000
E = 160000
D = 128
H = 128
NC = 4
ED = 16
NFB = 32

NP = 10240
NSC = 2
NSUB = 16
NW = NSC * NSUB
EW = E // NW
CH = 128
NFULL = EW // CH
TAIL = EW - NFULL * CH

ROWS_PER_SUB = NP // NSUB


def _silu(v):
    return v * jax.nn.sigmoid(v)


_TWO_PI = np.float32(2.0 * np.pi)
_INV_TWO_PI = np.float32(1.0 / (2.0 * np.pi))
_PI = np.float32(np.pi)
_HALF_PI = np.float32(np.pi / 2.0)


def _fast_sin(x):
    y = x * _INV_TWO_PI
    t = (y - jnp.round(y)) * _TWO_PI
    at = jnp.abs(t)
    f = jnp.where(at > _HALF_PI, _PI - at, at)
    f2 = f * f
    p = f * (1.0 + f2 * (np.float32(-1.0 / 6.0)
                         + f2 * (np.float32(1.0 / 120.0)
                                 + f2 * (np.float32(-1.0 / 5040.0)
                                         + f2 * np.float32(1.0 / 362880.0)))))
    return jnp.where(t < 0.0, -p, p)


def _build_consts():
    g1 = np.zeros((16, 48), np.float32)
    g2 = np.zeros((16, 48), np.float32)
    s = np.zeros((48, 16), np.float32)
    for i in range(4):
        for k in range(4):
            for j in range(3):
                p = (i * 4 + k) * 3 + j
                g1[3 * i + j, p] = 1.0
                g2[3 * k + j, p] = 1.0
                s[p, i * 4 + k] = 1.0
    r = np.zeros((4, 12), np.float32)
    for i in range(4):
        for j in range(3):
            r[i, 3 * i + j] = 1.0
    return g1, g2, s, r


_G1, _G2, _S, _R = _build_consts()


def _k1_body(x_ref, ws_ref, wt_ref, b_ref, xs_ref, xt_ref):
    x = x_ref[...]
    xs_ref[...] = jnp.dot(x, ws_ref[...], preferred_element_type=jnp.float32) + b_ref[...]
    xt_ref[...] = jnp.dot(x, wt_ref[...], preferred_element_type=jnp.float32)


def _k1(x, ws, wt, nib):
    return pl.pallas_call(
        _k1_body,
        out_shape=(
            jax.ShapeDtypeStruct((N, D), jnp.float32),
            jax.ShapeDtypeStruct((N, D), jnp.float32),
        ),
    )(x, ws, wt, nib)


def _gather_body(row_hbm, col_hbm, xs_hbm, xt_hbm, cp_hbm, ni_out, cd_out,
                 ridx0, cidx0, ridx1, cidx1, r8, c8,
                 a0, b0, p0, q0, a1, b1, p1, q1, sg0, sg1, so0, so1):
    wid = lax.axis_index("s") * NSC + lax.axis_index("c")
    base = wid * EW

    set0 = (ridx0, cidx0, a0, b0, p0, q0, sg0, so0)
    set1 = (ridx1, cidx1, a1, b1, p1, q1, sg1, so1)

    def load_idx(goff, st):
        ridx, cidx = st[0], st[1]
        pltpu.sync_copy(row_hbm.at[pl.ds(goff, CH)], ridx)
        pltpu.sync_copy(col_hbm.at[pl.ds(goff, CH)], cidx)

    def issue(st):
        ridx, cidx, a, b, p, q, sg, _ = st
        pltpu.async_copy(xs_hbm.at[ridx], a, sg)
        pltpu.async_copy(xt_hbm.at[cidx], b, sg)
        pltpu.async_copy(cp_hbm.at[ridx], p, sg)
        pltpu.async_copy(cp_hbm.at[cidx], q, sg)

    def wait_g(st):
        _, _, a, b, p, q, sg, _ = st
        pltpu.make_async_copy(xs_hbm.at[pl.ds(0, CH)], a, sg).wait()
        pltpu.make_async_copy(xs_hbm.at[pl.ds(0, CH)], b, sg).wait()
        pltpu.make_async_copy(cp_hbm.at[pl.ds(0, CH)], p, sg).wait()
        pltpu.make_async_copy(cp_hbm.at[pl.ds(0, CH)], q, sg).wait()

    def compute(st, size):
        _, _, a, b, p, q, _, _ = st

        def body(rr, carry):
            for j in range(8):
                sl = pl.ds(16 * j, 16)
                a[rr, sl] = a[rr, sl] + b[rr, sl]
            p[rr, :] = p[rr, :] - q[rr, :]
            return carry

        lax.fori_loop(0, size, body, 0)

    def out_async(goff, st):
        _, _, a, _, p, _, _, so = st
        pltpu.async_copy(a, ni_out.at[pl.ds(goff, CH)], so)
        pltpu.async_copy(p, cd_out.at[pl.ds(goff, CH)], so)

    def wait_o(st):
        _, _, a, _, p, _, _, so = st
        pltpu.make_async_copy(a, ni_out.at[pl.ds(0, CH)], so).wait()
        pltpu.make_async_copy(p, cd_out.at[pl.ds(0, CH)], so).wait()

    load_idx(base, set0)
    issue(set0)

    def loop_body(h, carry):
        c0 = base + (2 * h) * CH
        c1 = base + (2 * h + 1) * CH
        wait_g(set0)
        load_idx(c1, set1)
        issue(set1)
        compute(set0, CH)
        out_async(c0, set0)
        wait_g(set1)
        load_idx(c0 + 2 * CH, set0)
        wait_o(set0)
        issue(set0)
        compute(set1, CH)
        out_async(c1, set1)
        wait_o(set1)
        return carry

    lax.fori_loop(0, (NFULL - 1) // 2, loop_body, 0)

    gl = base + (NFULL - 1) * CH
    wait_g(set0)
    compute(set0, CH)
    out_async(gl, set0)
    wait_o(set0)

    gt = base + NFULL * CH
    pltpu.sync_copy(row_hbm.at[pl.ds(gt, TAIL)], r8)
    pltpu.sync_copy(col_hbm.at[pl.ds(gt, TAIL)], c8)
    pltpu.async_copy(xs_hbm.at[r8], a0.at[pl.ds(0, TAIL)], sg0).wait()
    pltpu.async_copy(xt_hbm.at[c8], b0.at[pl.ds(0, TAIL)], sg0).wait()
    pltpu.async_copy(cp_hbm.at[r8], p0.at[pl.ds(0, TAIL)], sg0).wait()
    pltpu.async_copy(cp_hbm.at[c8], q0.at[pl.ds(0, TAIL)], sg0).wait()
    compute(set0, TAIL)
    pltpu.sync_copy(a0.at[pl.ds(0, TAIL)], ni_out.at[pl.ds(gt, TAIL)])
    pltpu.sync_copy(p0.at[pl.ds(0, TAIL)], cd_out.at[pl.ds(gt, TAIL)])


def _gather_sc(row, col, xs, xt, coord16):
    mesh = plsc.VectorSubcoreMesh(
        core_axis_name="c", subcore_axis_name="s",
        num_cores=NSC, num_subcores=NSUB)
    fn = functools.partial(
        pl.kernel,
        out_type=(
            jax.ShapeDtypeStruct((E, D), jnp.float32),
            jax.ShapeDtypeStruct((E, 16), jnp.float32),
        ),
        mesh=mesh,
        scratch_types=[
            pltpu.VMEM((CH,), jnp.int32),
            pltpu.VMEM((CH,), jnp.int32),
            pltpu.VMEM((CH,), jnp.int32),
            pltpu.VMEM((CH,), jnp.int32),
            pltpu.VMEM((TAIL,), jnp.int32),
            pltpu.VMEM((TAIL,), jnp.int32),
            pltpu.VMEM((CH, D), jnp.float32),
            pltpu.VMEM((CH, D), jnp.float32),
            pltpu.VMEM((CH, 16), jnp.float32),
            pltpu.VMEM((CH, 16), jnp.float32),
            pltpu.VMEM((CH, D), jnp.float32),
            pltpu.VMEM((CH, D), jnp.float32),
            pltpu.VMEM((CH, 16), jnp.float32),
            pltpu.VMEM((CH, 16), jnp.float32),
            pltpu.SemaphoreType.DMA,
            pltpu.SemaphoreType.DMA,
            pltpu.SemaphoreType.DMA,
            pltpu.SemaphoreType.DMA,
        ],
        compiler_params=pltpu.CompilerParams(use_tc_tiling_on_sc=False),
    )(_gather_body)
    return fn(row, col, xs, xt, coord16)


_P1C = 2000


def _p1_body(cd_ref, g1_ref, g2_ref, s_ref, out_ref):
    cd = cd_ref[...]
    u = jnp.dot(cd, g1_ref[...], preferred_element_type=jnp.float32)
    v = jnp.dot(cd, g2_ref[...], preferred_element_type=jnp.float32)
    rad = jnp.dot(u * v, s_ref[...], preferred_element_type=jnp.float32)
    part = jnp.sum(rad * rad, axis=0, keepdims=True)

    @pl.when(pl.program_id(0) == 0)
    def _():
        out_ref[...] = jnp.zeros_like(out_ref)

    out_ref[...] += part


def _p1(cd16):
    grid = E // _P1C
    return pl.pallas_call(
        _p1_body,
        grid=(grid,),
        in_specs=[
            pl.BlockSpec((_P1C, 16), lambda i: (i, 0)),
            pl.BlockSpec((16, 48), lambda i: (0, 0)),
            pl.BlockSpec((16, 48), lambda i: (0, 0)),
            pl.BlockSpec((48, 16), lambda i: (0, 0)),
        ],
        out_specs=pl.BlockSpec((1, 16), lambda i: (0, 0)),
        out_shape=jax.ShapeDtypeStruct((1, 16), jnp.float32),
    )(cd16, jnp.asarray(_G1), jnp.asarray(_G2), jnp.asarray(_S))


_P2C = 1000


def _p2_body(ni_ref, cd_ref, ea_ref, g1_ref, g2_ref, s_ref,
             w1s_ref, b1_ref, w2_ref, b2_ref,
             scm_ref, ph_ref, w1sc_ref, w1dist_ref, w1dir_ref, pb1_ref,
             wp2_ref, pb2_ref,
             ma_ref, mb_ref, mc_ref, mb1_ref, mw2_ref, mb2_ref,
             cw1_ref, cb1_ref, c2r_ref,
             m_ref, t_ref):
    cd = cd_ref[...]
    u = jnp.dot(cd, g1_ref[...], preferred_element_type=jnp.float32)
    v = jnp.dot(cd, g2_ref[...], preferred_element_type=jnp.float32)
    rad = jnp.dot(u * v, s_ref[...], preferred_element_type=jnp.float32)
    h1 = _silu(jnp.dot(rad, w1s_ref[...], preferred_element_type=jnp.float32) + b1_ref[...])
    cdiff = jnp.dot(h1, w2_ref[...], preferred_element_type=jnp.float32) + b2_ref[...]
    d2 = jnp.sum(cdiff * cdiff, axis=1, keepdims=True)
    dist = jnp.sqrt(d2)
    direction = cdiff * (1.0 / (dist + 1e-8))
    sincos = _fast_sin(jnp.dot(cdiff, scm_ref[...], preferred_element_type=jnp.float32) + ph_ref[...])
    enc1 = (jnp.dot(sincos, w1sc_ref[...], preferred_element_type=jnp.float32)
            + dist * w1dist_ref[...]
            + jnp.dot(direction, w1dir_ref[...], preferred_element_type=jnp.float32)
            + pb1_ref[...])
    pos = jnp.dot(_silu(enc1), wp2_ref[...], preferred_element_type=jnp.float32) + pb2_ref[...]
    ni = _silu(ni_ref[...])
    m1 = _silu(jnp.dot(ni, ma_ref[...], preferred_element_type=jnp.float32)
               + jnp.dot(pos, mb_ref[...], preferred_element_type=jnp.float32)
               + jnp.dot(ea_ref[...], mc_ref[...], preferred_element_type=jnp.float32)
               + mb1_ref[...])
    m = _silu(jnp.dot(m1, mw2_ref[...], preferred_element_type=jnp.float32) + mb2_ref[...])
    m_ref[...] = m
    s1 = _silu(jnp.dot(m, cw1_ref[...], preferred_element_type=jnp.float32) + cb1_ref[...])
    scale16 = jnp.dot(s1, c2r_ref[...], preferred_element_type=jnp.float32)
    lane = lax.broadcasted_iota(jnp.int32, (_P2C, 16), 1)
    ones12 = jnp.where(lane == 12, 1.0, 0.0).astype(jnp.float32)
    t_ref[...] = cd * scale16 + ones12


def _p2(pre_ni, cd16, edge_attr, w1s, b1, w2p, b2p, scm, ph, w1sc, w1dist,
        w1dir, pb1, wp2, pb2, ma, mb, mc, mb1, mw2, mb2, cw1, cb1, c2r):
    grid = E // _P2C
    full = lambda shape: pl.BlockSpec(shape, lambda i: tuple(0 for _ in shape))
    return pl.pallas_call(
        _p2_body,
        grid=(grid,),
        in_specs=[
            pl.BlockSpec((_P2C, D), lambda i: (i, 0)),
            pl.BlockSpec((_P2C, 16), lambda i: (i, 0)),
            pl.BlockSpec((_P2C, ED), lambda i: (i, 0)),
            full((16, 48)), full((16, 48)), full((48, 16)),
            full((16, D)), full((1, D)), full((D, D)), full((1, D)),
            full((D, 192)), full((1, 192)), full((192, 32)), full((1, 32)),
            full((D, 32)), full((1, 32)),
            full((32, 32)), full((1, 32)),
            full((D, D)), full((32, D)), full((ED, D)), full((1, D)),
            full((D, D)), full((1, D)),
            full((D, D)), full((1, D)), full((D, 16)),
        ],
        out_specs=(
            pl.BlockSpec((_P2C, D), lambda i: (i, 0)),
            pl.BlockSpec((_P2C, 16), lambda i: (i, 0)),
        ),
        out_shape=(
            jax.ShapeDtypeStruct((E, D), jnp.float32),
            jax.ShapeDtypeStruct((E, 16), jnp.float32),
        ),
    )(pre_ni, cd16, edge_attr, jnp.asarray(_G1), jnp.asarray(_G2),
      jnp.asarray(_S), w1s, b1, w2p, b2p, scm, ph, w1sc, w1dist,
      w1dir, pb1, wp2, pb2, ma, mb, mc, mb1, mw2, mb2, cw1, cb1, c2r)


def _scatter_body(row_hbm, m_hbm, t_hbm, pm_out, pt_out,
                  idx0, idx8, bm0, bt0, idx1, bm1, bt1, sl0, sl1, shm, sht):
    cid = lax.axis_index("c")
    sid = lax.axis_index("s")
    wid = sid * NSC + cid
    base = wid * EW
    roff = sid * ROWS_PER_SUB

    set0 = (idx0, bm0, bt0, sl0)
    set1 = (idx1, bm1, bt1, sl1)

    zero16 = jnp.zeros((16,), jnp.float32)

    def zb(rr, carry):
        for j in range(8):
            bm0[rr, pl.ds(16 * j, 16)] = zero16
        bt0[rr, :] = zero16
        return carry

    lax.fori_loop(0, CH, zb, 0)
    for k in range(ROWS_PER_SUB // CH):
        sl = pl.ds(roff + k * CH, CH)
        pltpu.sync_copy(bm0, shm.at[sl])
        pltpu.sync_copy(bt0, sht.at[sl])
    plsc.subcore_barrier()

    def issue_load(goff, st):
        idx, bm, bt, sem = st
        pltpu.async_copy(row_hbm.at[pl.ds(goff, CH)], idx, sem)
        pltpu.async_copy(m_hbm.at[pl.ds(goff, CH)], bm, sem)
        pltpu.async_copy(t_hbm.at[pl.ds(goff, CH)], bt, sem)

    def wait_load(st):
        idx, bm, bt, sem = st
        pltpu.make_async_copy(row_hbm.at[pl.ds(0, CH)], idx, sem).wait()
        pltpu.make_async_copy(m_hbm.at[pl.ds(0, CH)], bm, sem).wait()
        pltpu.make_async_copy(t_hbm.at[pl.ds(0, CH)], bt, sem).wait()

    def scat(st):
        idx, bm, bt, _ = st
        pltpu.sync_copy(bm, shm.at[idx], add=True)
        pltpu.sync_copy(bt, sht.at[idx], add=True)

    issue_load(base, set0)

    def loop_body(h, carry):
        c0 = base + (2 * h) * CH
        c1 = base + (2 * h + 1) * CH
        wait_load(set0)
        issue_load(c1, set1)
        scat(set0)
        issue_load(c0 + 2 * CH, set0)
        wait_load(set1)
        scat(set1)
        return carry

    lax.fori_loop(0, (NFULL - 1) // 2, loop_body, 0)
    wait_load(set0)
    scat(set0)

    goff = base + NFULL * CH
    pltpu.sync_copy(row_hbm.at[pl.ds(goff, TAIL)], idx8)
    pltpu.sync_copy(m_hbm.at[pl.ds(goff, TAIL)], bm0.at[pl.ds(0, TAIL)])
    pltpu.sync_copy(t_hbm.at[pl.ds(goff, TAIL)], bt0.at[pl.ds(0, TAIL)])
    pltpu.sync_copy(bm0.at[pl.ds(0, TAIL)], shm.at[idx8], add=True)
    pltpu.sync_copy(bt0.at[pl.ds(0, TAIL)], sht.at[idx8], add=True)
    plsc.subcore_barrier()

    for k in range(ROWS_PER_SUB // CH):
        sl = pl.ds(roff + k * CH, CH)
        pltpu.sync_copy(shm.at[sl], bm0)
        pltpu.sync_copy(sht.at[sl], bt0)
        pltpu.sync_copy(bm0, pm_out.at[cid, sl])
        pltpu.sync_copy(bt0, pt_out.at[cid, sl])


def _scatter_sc(row, m, t16):
    mesh = plsc.VectorSubcoreMesh(
        core_axis_name="c", subcore_axis_name="s",
        num_cores=NSC, num_subcores=NSUB)
    fn = functools.partial(
        pl.kernel,
        out_type=(
            jax.ShapeDtypeStruct((NSC, NP, D), jnp.float32),
            jax.ShapeDtypeStruct((NSC, NP, 16), jnp.float32),
        ),
        mesh=mesh,
        scratch_types=[
            pltpu.VMEM((CH,), jnp.int32),
            pltpu.VMEM((TAIL,), jnp.int32),
            pltpu.VMEM((CH, D), jnp.float32),
            pltpu.VMEM((CH, 16), jnp.float32),
            pltpu.VMEM((CH,), jnp.int32),
            pltpu.VMEM((CH, D), jnp.float32),
            pltpu.VMEM((CH, 16), jnp.float32),
            pltpu.SemaphoreType.DMA,
            pltpu.SemaphoreType.DMA,
            pltpu.VMEM_SHARED((NP, D), jnp.float32),
            pltpu.VMEM_SHARED((NP, 16), jnp.float32),
        ],
        compiler_params=pltpu.CompilerParams(use_tc_tiling_on_sc=False),
    )(_scatter_body)
    return fn(row, m, t16)


def _k5_body(x_ref, c16_ref, pm_ref, pt_ref, geo_ref,
             nx_ref, na_ref, nb1_ref, nw2_ref, nb2_ref, h_ref, co_ref):
    aggm = (pm_ref[0] + pm_ref[1])[:N]
    agg = jnp.dot(aggm, geo_ref[...], preferred_element_type=jnp.float32)
    x = x_ref[...]
    h1 = _silu(jnp.dot(x, nx_ref[...], preferred_element_type=jnp.float32)
               + jnp.dot(agg, na_ref[...], preferred_element_type=jnp.float32)
               + nb1_ref[...])
    h_ref[...] = x + jnp.dot(h1, nw2_ref[...], preferred_element_type=jnp.float32) + nb2_ref[...]
    qt = (pt_ref[0] + pt_ref[1])[:N]
    cnt = qt[:, 12:13]
    lane = lax.broadcasted_iota(jnp.int32, (N, 16), 1)
    tr = jnp.where(lane < 12, qt, 0.0)
    co_ref[...] = c16_ref[...] + tr * (1.0 / jnp.maximum(cnt, 1.0))


def _k5(x, coord16, pm, pt, geo, nx, na, nb1, nw2, nb2):
    return pl.pallas_call(
        _k5_body,
        out_shape=(
            jax.ShapeDtypeStruct((N, D), jnp.float32),
            jax.ShapeDtypeStruct((N, 16), jnp.float32),
        ),
    )(x, coord16, pm, pt, geo, nx, na, nb1, nw2, nb2)


def kernel(x, coord, edge_attr, edge_index, pe_w1, pe_b1, pe_w2, pe_b2,
           pe_p_w1, pe_p_b1, pe_p_w2, pe_p_b2, ni_w, ni_b, mm_w1, mm_b1,
           mm_w2, mm_b2, geo_w, nm_w1, nm_b1, nm_w2, nm_b2, cm_w1, cm_b1,
           cm_w2, frequencies):
    f32 = jnp.float32
    row = edge_index[0]
    col = edge_index[1]
    coord16 = jnp.pad(coord.reshape(N, 12), ((0, 0), (0, 4))).astype(f32)

    ni_wT = ni_w.T
    ws, wt = ni_wT[:D], ni_wT[D:]
    nib = ni_b.reshape(1, D)

    pe_w1T = pe_w1.T
    b1 = pe_b1.reshape(1, D)
    w2p = jnp.pad(pe_w2.T, ((0, 0), (0, D - 3)))
    b2p = jnp.pad(pe_b2.reshape(1, 3), ((0, 0), (0, D - 3)))

    m3 = jnp.kron(jnp.eye(3, dtype=f32), frequencies.reshape(1, NFB))
    scm = jnp.pad(jnp.concatenate([m3, m3], axis=1), ((0, D - 3), (0, 0)))
    ph = jnp.concatenate([jnp.zeros((1, 96), f32),
                          jnp.full((1, 96), np.float32(np.pi / 2))], axis=1)

    w1T = pe_p_w1.T
    w1sc = w1T[:192]
    w1dist = w1T[192:193]
    w1dir = jnp.pad(w1T[193:196], ((0, D - 3), (0, 0)))
    pb1 = pe_p_b1.reshape(1, 32)
    wp2 = pe_p_w2.T
    pb2 = pe_p_b2.reshape(1, 32)

    mm_w1T = mm_w1.T
    ma, mb, mc = mm_w1T[:D], mm_w1T[D:D + 32], mm_w1T[D + 32:]
    mb1 = mm_b1.reshape(1, D)
    mw2 = mm_w2.T
    mb2 = mm_b2.reshape(1, D)

    cw1 = cm_w1.T
    cb1 = cm_b1.reshape(1, D)
    c2r = jnp.pad(cm_w2.T @ jnp.asarray(_R), ((0, 0), (0, 4)))

    geo = geo_w.T
    nm_w1T = nm_w1.T
    nx, na = nm_w1T[:D], nm_w1T[D:]
    nb1 = nm_b1.reshape(1, D)
    nw2 = nm_w2.T
    nb2 = nm_b2.reshape(1, D)

    xs, xt = _k1(x, ws, wt, nib)
    pre_ni, cd16 = _gather_sc(row, col, xs, xt, coord16)
    sumsq = _p1(cd16)
    nrm = jnp.sqrt(sumsq.reshape(16))
    w1s = pe_w1T * (1.0 / jnp.maximum(nrm, 1e-12))[:, None]
    m, t16 = _p2(pre_ni, cd16, edge_attr, w1s, b1, w2p, b2p, scm, ph,
                 w1sc, w1dist, w1dir, pb1, wp2, pb2,
                 ma, mb, mc, mb1, mw2, mb2, cw1, cb1, c2r)
    pm, pt = _scatter_sc(row, m, t16)
    h_out, co16 = _k5(x, coord16, pm, pt, geo, nx, na, nb1, nw2, nb2)
    coord_out = co16[:, :12].reshape(N, NC, 3)
    return (h_out, coord_out)

# --- scband reference (transcript-rebuilt; emitter-appended) ---
"""Pipeline reference for scband-gampnn-17763984736415 (READ-ONLY COPY).

The authoritative reference and input builder live on the scoring server;
editing this copy changes nothing except your own understanding.
"""

import jax, jax.numpy as jnp
import numpy as np

N = 10000
E = 160000
D = 128
H = 128
NC = 4
ED = 16
NFB = 32

def _silu(x):
    return x * jax.nn.sigmoid(x)

def setup_inputs(seed: int = 0):
    key = jax.random.key(seed)
    ks = jax.random.split(key, 20)
    def w(i, shape, s=0.05):
        return jax.random.normal(ks[i], shape, dtype=jnp.float32) * s
    inp = {}
    inp['x'] = jax.random.normal(ks[0], (N, D), dtype=jnp.float32)
    inp['coord'] = jax.random.normal(ks[1], (N, NC, 3), dtype=jnp.float32)
    inp['edge_attr'] = jax.random.normal(ks[2], (E, ED), dtype=jnp.float32)
    inp['edge_index'] = jax.random.randint(ks[3], (2, E), 0, N, dtype=jnp.int32)
    inp['pe_w1'] = w(4, (128, 16)); inp['pe_b1'] = jnp.zeros((128,), jnp.float32)
    inp['pe_w2'] = w(5, (3, 128)); inp['pe_b2'] = jnp.zeros((3,), jnp.float32)
    inp['pe_p_w1'] = w(6, (32, 3 * NFB * 2 + 4)); inp['pe_p_b1'] = jnp.zeros((32,), jnp.float32)
    inp['pe_p_w2'] = w(7, (32, 32)); inp['pe_p_b2'] = jnp.zeros((32,), jnp.float32)
    inp['ni_w'] = w(8, (H, 2 * D)); inp['ni_b'] = jnp.zeros((H,), jnp.float32)
    inp['mm_w1'] = w(9, (H, H + 32 + ED)); inp['mm_b1'] = jnp.zeros((H,), jnp.float32)
    inp['mm_w2'] = w(10, (H, H)); inp['mm_b2'] = jnp.zeros((H,), jnp.float32)
    inp['geo_w'] = w(11, (D, D))
    inp['nm_w1'] = w(12, (H, H + D)); inp['nm_b1'] = jnp.zeros((H,), jnp.float32)
    inp['nm_w2'] = w(13, (D, H)); inp['nm_b2'] = jnp.zeros((D,), jnp.float32)
    inp['cm_w1'] = w(14, (H, H)); inp['cm_b1'] = jnp.zeros((H,), jnp.float32)
    inp['cm_w2'] = w(15, (NC, H), 0.001)
    inp['frequencies'] = jnp.logspace(-1.0, 2.0, NFB, dtype=jnp.float32)
    return inp

def reference(x, coord, edge_attr, edge_index, pe_w1, pe_b1, pe_w2, pe_b2, pe_p_w1, pe_p_b1, pe_p_w2, pe_p_b2, ni_w, ni_b, mm_w1, mm_b1, mm_w2, mm_b2, geo_w, nm_w1, nm_b1, nm_w2, nm_b2, cm_w1, cm_b1, cm_w2, frequencies):
    n = x.shape[0]
    row, col = edge_index[0], edge_index[1]
    # coord2radial
    coord_diff = coord[row] - coord[col]                      # [E, NC, 3]
    radial = jnp.einsum('eij,ekj->eik', coord_diff, coord_diff)  # bmm(cd, cd^T) [E, NC, NC]
    nrm = jnp.sqrt(jnp.sum(radial * radial, axis=0, keepdims=True))
    radial = radial / jnp.maximum(nrm, 1e-12)                 # F.normalize(dim=0)
    e = radial.shape[0]
    # PositionEncoder (autocast ignored: fp32 math)
    rflat = radial.reshape(e, -1)
    h1 = _silu(rflat @ pe_w1.T + pe_b1)
    cdiff = h1 @ pe_w2.T + pe_b2                              # [E, 3]
    dist = jnp.linalg.norm(cdiff, axis=1, keepdims=True)
    direction = cdiff / (dist + 1e-8)
    scaled = cdiff[:, :, None] * frequencies                  # [E, 3, NFB]
    enc = jnp.concatenate([jnp.sin(scaled).reshape(e, -1), jnp.cos(scaled).reshape(e, -1), dist, direction], axis=1)
    pos = _silu(enc @ pe_p_w1.T + pe_p_b1) @ pe_p_w2.T + pe_p_b2  # [E, 32]
    # message_model (dropout = identity in eval)
    source = x[row]
    target = x[col]
    ni = _silu(jnp.concatenate([source, target], axis=1) @ ni_w.T + ni_b)
    m = jnp.concatenate([ni, pos, edge_attr], axis=1)
    m = _silu(m @ mm_w1.T + mm_b1)
    m = _silu(m @ mm_w2.T + mm_b2)                            # edge features [E, H]
    # coord_model (single edge type -> coord_mlp[0])
    scale = _silu(m @ cm_w1.T + cm_b1) @ cm_w2.T              # [E, NC]
    trans = coord_diff * scale[:, :, None]                    # [E, NC, 3]
    agg_sum = jax.ops.segment_sum(trans, row, num_segments=n)
    cnt = jax.ops.segment_sum(jnp.ones_like(trans), row, num_segments=n)
    coord_out = coord + agg_sum / jnp.maximum(cnt, 1.0)       # unsorted_segment_mean
    # node_model (single edge type -> Geo_mlp[0], attention terms unused for i=0)
    agg = jax.ops.segment_sum(m, row, num_segments=n) @ geo_w.T
    h_out = _silu(jnp.concatenate([x, agg], axis=1) @ nm_w1.T + nm_b1) @ nm_w2.T + nm_b2
    h_out = x + h_out
    return (h_out, coord_out)

if __name__ == "__main__":
    import jax
    _d = setup_inputs()
    print(jax.jit(kernel)(*tuple(_d.values())))

</pallas_src>

<mosaic_0001>
#map = affine_map<(d0, d1) -> (0)>
#map1 = affine_map<(d0, d1) -> (0, 0)>
module attributes {stable_mosaic.version = 14 : i64} {
  func.func @_gather_body(%arg0: i32, %arg1: i32, %arg2: memref<160000xi32, #tpu.memory_space<hbm>>, %arg3: memref<160000xi32, #tpu.memory_space<hbm>>, %arg4: memref<10000x128xf32, #tpu.memory_space<hbm>>, %arg5: memref<10000x128xf32, #tpu.memory_space<hbm>>, %arg6: memref<10000x16xf32, #tpu.memory_space<hbm>>, %arg7: memref<160000x128xf32, #tpu.memory_space<hbm>>, %arg8: memref<160000x16xf32, #tpu.memory_space<hbm>>, %arg9: memref<128xi32, #tpu.memory_space<vmem>>, %arg10: memref<128xi32, #tpu.memory_space<vmem>>, %arg11: memref<128xi32, #tpu.memory_space<vmem>>, %arg12: memref<128xi32, #tpu.memory_space<vmem>>, %arg13: memref<8xi32, #tpu.memory_space<vmem>>, %arg14: memref<8xi32, #tpu.memory_space<vmem>>, %arg15: memref<128x128xf32, #tpu.memory_space<vmem>>, %arg16: memref<128x128xf32, #tpu.memory_space<vmem>>, %arg17: memref<128x16xf32, #tpu.memory_space<vmem>>, %arg18: memref<128x16xf32, #tpu.memory_space<vmem>>, %arg19: memref<128x128xf32, #tpu.memory_space<vmem>>, %arg20: memref<128x128xf32, #tpu.memory_space<vmem>>, %arg21: memref<128x16xf32, #tpu.memory_space<vmem>>, %arg22: memref<128x16xf32, #tpu.memory_space<vmem>>, %arg23: memref<!tpu.dma_semaphore, #tpu.memory_space<semaphore_mem>>, %arg24: memref<!tpu.dma_semaphore, #tpu.memory_space<semaphore_mem>>, %arg25: memref<!tpu.dma_semaphore, #tpu.memory_space<semaphore_mem>>, %arg26: memref<!tpu.dma_semaphore, #tpu.memory_space<semaphore_mem>>) attributes {dimension_semantics = [#tpu.dimension_semantics<core_parallel>, #tpu.dimension_semantics<subcore_parallel>], iteration_bounds = array<i64: 2, 16>, scalar_prefetch = 0 : i64, scratch_operands = 18 : i64, tpu.core_type = #tpu.core_type<sc_vector_subcore>, window_params = [{transform_indices = #map}, {transform_indices = #map}, {transform_indices = #map1}, {transform_indices = #map1}, {transform_indices = #map1}, {transform_indices = #map1}, {transform_indices = #map1}]} {
    %mul3A = arith.constant 2 : i32
    %mul3A_0 = arith.muli %arg1, %mul3A : i32
    %add3A = arith.addi %mul3A_0, %arg0 : i32
    %mul3A_1 = arith.constant 5000 : i32
    %mul3A_2 = arith.muli %add3A, %mul3A_1 : i32
    "tpu.region"() ({
      %run_scoped3A = tpu.sem_alloc : memref<!tpu.dma_semaphore, #tpu.memory_space<semaphore_mem>>
      %dma_start3A_126 = tpu.memref_slice %arg2[%mul3A_2] : memref<160000xi32, #tpu.memory_space<hbm>> -> memref<128xi32, #tpu.memory_space<hbm>>
      %dma_start3A_127 = tpu.memref_slice %arg2[%mul3A_2] : memref<160000xi32, #tpu.memory_space<hbm>> -> memref<128xi32, #tpu.memory_space<hbm>>
      tpu.enqueue_dma source(%dma_start3A_127 : memref<128xi32, #tpu.memory_space<hbm>>) target(%arg9 : memref<128xi32, #tpu.memory_space<vmem>>) target_semaphore(%run_scoped3A : memref<!tpu.dma_semaphore, #tpu.memory_space<semaphore_mem>>)
      %dma_wait3A_128 = tpu.memref_slice %arg2[%mul3A_2] : memref<160000xi32, #tpu.memory_space<hbm>> -> memref<128xi32, #tpu.memory_space<hbm>>
      %dma_wait3A_129 = tpu.memref_slice %arg2[%mul3A_2] : memref<160000xi32, #tpu.memory_space<hbm>> -> memref<128xi32, #tpu.memory_space<hbm>>
      tpu.wait_dma2 semaphore(%run_scoped3A : memref<!tpu.dma_semaphore, #tpu.memory_space<semaphore_mem>>) src(%dma_wait3A_129 : memref<128xi32, #tpu.memory_space<hbm>>) dst(%arg9 : memref<128xi32, #tpu.memory_space<vmem>>)
      tpu.yield
    }) : () -> ()
    "tpu.region"() ({
      %run_scoped3A = tpu.sem_alloc : memref<!tpu.dma_semaphore, #tpu.memory_space<semaphore_mem>>
      %dma_start3A_126 = tpu.memref_slice %arg3[%mul3A_2] : memref<160000xi32, #tpu.memory_space<hbm>> -> memref<128xi32, #tpu.memory_space<hbm>>
      %dma_start3A_127 = tpu.memref_slice %arg3[%mul3A_2] : memref<160000xi32, #tpu.memory_space<hbm>> -> memref<128xi32, #tpu.memory_space<hbm>>
      tpu.enqueue_dma source(%dma_start3A_127 : memref<128xi32, #tpu.memory_space<hbm>>) target(%arg10 : memref<128xi32, #tpu.memory_space<vmem>>) target_semaphore(%run_scoped3A : memref<!tpu.dma_semaphore, #tpu.memory_space<semaphore_mem>>)
      %dma_wait3A_128 = tpu.memref_slice %arg3[%mul3A_2] : memref<160000xi32, #tpu.memory_space<hbm>> -> memref<128xi32, #tpu.memory_space<hbm>>
      %dma_wait3A_129 = tpu.memref_slice %arg3[%mul3A_2] : memref<160000xi32, #tpu.memory_space<hbm>> -> memref<128xi32, #tpu.memory_space<hbm>>
      tpu.wait_dma2 semaphore(%run_scoped3A : memref<!tpu.dma_semaphore, #tpu.memory_space<semaphore_mem>>) src(%dma_wait3A_129 : memref<128xi32, #tpu.memory_space<hbm>>) dst(%arg10 : memref<128xi32, #tpu.memory_space<vmem>>)
      tpu.yield
    }) : () -> ()
    %dma_start3A = arith.constant 0 : i32
    %dma_start3A_3 = arith.constant 0 : i32
    %dma_start3A_4 = tpu.memref_slice %arg4[%dma_start3A, %dma_start3A_3] : memref<10000x128xf32, #tpu.memory_space<hbm>> -> memref<10000x128xf32, #tpu.memory_space<hbm>>
    tpu.enqueue_indirect_dma source(%dma_start3A_4 : memref<10000x128xf32, #tpu.memory_space<hbm>>) target(%arg15 : memref<128x128xf32, #tpu.memory_space<vmem>>) offsets(%arg9 : memref<128xi32, #tpu.memory_space<vmem>>) semaphore(%arg23 : memref<!tpu.dma_semaphore, #tpu.memory_space<semaphore_mem>>)
    %dma_start3A_5 = arith.constant 0 : i32
    %dma_start3A_6 = arith.constant 0 : i32
    %dma_start3A_7 = tpu.memref_slice %arg5[%dma_start3A_5, %dma_start3A_6] : memref<10000x128xf32, #tpu.memory_space<hbm>> -> memref<10000x128xf32, #tpu.memory_space<hbm>>
    tpu.enqueue_indirect_dma source(%dma_start3A_7 : memref<10000x128xf32, #tpu.memory_space<hbm>>) target(%arg16 : memref<128x128xf32, #tpu.memory_space<vmem>>) offsets(%arg10 : memref<128xi32, #tpu.memory_space<vmem>>) semaphore(%arg23 : memref<!tpu.dma_semaphore, #tpu.memory_space<semaphore_mem>>)
    %dma_start3A_8 = arith.constant 0 : i32
    %dma_start3A_9 = arith.constant 0 : i32
    %dma_start3A_10 = tpu.memref_slice %arg6[%dma_start3A_8, %dma_start3A_9] : memref<10000x16xf32, #tpu.memory_space<hbm>> -> memref<10000x16xf32, #tpu.memory_space<hbm>>
    tpu.enqueue_indirect_dma source(%dma_start3A_10 : memref<10000x16xf32, #tpu.memory_space<hbm>>) target(%arg17 : memref<128x16xf32, #tpu.memory_space<vmem>>) offsets(%arg9 : memref<128xi32, #tpu.memory_space<vmem>>) semaphore(%arg23 : memref<!tpu.dma_semaphore, #tpu.memory_space<semaphore_mem>>)
    %dma_start3A_11 = arith.constant 0 : i32
    %dma_start3A_12 = arith.constant 0 : i32
    %dma_start3A_13 = tpu.memref_slice %arg6[%dma_start3A_11, %dma_start3A_12] : memref<10000x16xf32, #tpu.memory_space<hbm>> -> memref<10000x16xf32, #tpu.memory_space<hbm>>
    tpu.enqueue_indirect_dma source(%dma_start3A_13 : memref<10000x16xf32, #tpu.memory_space<hbm>>) target(%arg18 : memref<128x16xf32, #tpu.memory_space<vmem>>) offsets(%arg10 : memref<128xi32, #tpu.memory_space<vmem>>) semaphore(%arg23 : memref<!tpu.dma_semaphore, #tpu.memory_space<semaphore_mem>>)
    %scan3A = arith.constant 0 : i32
    %scan3A_14 = arith.constant 0 : i32
    %scan3A_15 = arith.constant 19 : i32
    %scan3A_16 = arith.addi %scan3A_14, %scan3A_15 : i32
    %scan3A_17 = arith.constant 1 : i32
    scf.for %scan3A_126 = %scan3A_14 to %scan3A_16 step %scan3A_17  : i32 {
      %mul3A_127 = arith.constant 2 : i32
      %mul3A_128 = arith.muli %mul3A_127, %scan3A_126 : i32
      %mul3A_129 = arith.constant 128 : i32
      %mul3A_130 = arith.muli %mul3A_128, %mul3A_129 : i32
      %add3A_131 = arith.addi %mul3A_2, %mul3A_130 : i32
      %mul3A_132 = arith.constant 2 : i32
      %mul3A_133 = arith.muli %mul3A_132, %scan3A_126 : i32
      %add3A_134 = arith.constant 1 : i32
      %add3A_135 = arith.addi %mul3A_133, %add3A_134 : i32
      %mul3A_136 = arith.constant 128 : i32
      %mul3A_137 = arith.muli %add3A_135, %mul3A_136 : i32
      %add3A_138 = arith.addi %mul3A_2, %mul3A_137 : i32
      %dma_wait3A_139 = arith.constant 0 : i32
      %dma_wait3A_140 = arith.constant 0 : i32
      %dma_wait3A_141 = tpu.memref_slice %arg4[%dma_wait3A_139, %dma_wait3A_140] : memref<10000x128xf32, #tpu.memory_space<hbm>> -> memref<128x128xf32, #tpu.memory_space<hbm>>
      %dma_wait3A_142 = arith.constant 0 : i32
      %dma_wait3A_143 = arith.constant 0 : i32
      %dma_wait3A_144 = tpu.memref_slice %arg4[%dma_wait3A_142, %dma_wait3A_143] : memref<10000x128xf32, #tpu.memory_space<hbm>> -> memref<128x128xf32, #tpu.memory_space<hbm>>
      tpu.wait_dma2 semaphore(%arg23 : memref<!tpu.dma_semaphore, #tpu.memory_space<semaphore_mem>>) src(%dma_wait3A_144 : memref<128x128xf32, #tpu.memory_space<hbm>>) dst(%arg15 : memref<128x128xf32, #tpu.memory_space<vmem>>)
      %dma_wait3A_145 = arith.constant 0 : i32
      %dma_wait3A_146 = arith.constant 0 : i32
      %dma_wait3A_147 = tpu.memref_slice %arg4[%dma_wait3A_145, %dma_wait3A_146] : memref<10000x128xf32, #tpu.memory_space<hbm>> -> memref<128x128xf32, #tpu.memory_space<hbm>>
      %dma_wait3A_148 = arith.constant 0 : i32
      %dma_wait3A_149 = arith.constant 0 : i32
      %dma_wait3A_150 = tpu.memref_slice %arg4[%dma_wait3A_148, %dma_wait3A_149] : memref<10000x128xf32, #tpu.memory_space<hbm>> -> memref<128x128xf32, #tpu.memory_space<hbm>>
      tpu.wait_dma2 semaphore(%arg23 : memref<!tpu.dma_semaphore, #tpu.memory_space<semaphore_mem>>) src(%dma_wait3A_150 : memref<128x128xf32, #tpu.memory_space<hbm>>) dst(%arg16 : memref<128x128xf32, #tpu.memory_space<vmem>>)
      %dma_wait3A_151 = arith.constant 0 : i32
      %dma_wait3A_152 = arith.constant 0 : i32
      %dma_wait3A_153 = tpu.memref_slice %arg6[%dma_wait3A_151, %dma_wait3A_152] : memref<10000x16xf32, #tpu.memory_space<hbm>> -> memref<128x16xf32, #tpu.memory_space<hbm>>
      %dma_wait3A_154 = arith.constant 0 : i32
      %dma_wait3A_155 = arith.constant 0 : i32
      %dma_wait3A_156 = tpu.memref_slice %arg6[%dma_wait3A_154, %dma_wait3A_155] : memref<10000x16xf32, #tpu.memory_space<hbm>> -> memref<128x16xf32, #tpu.memory_space<hbm>>
      tpu.wait_dma2 semaphore(%arg23 : memref<!tpu.dma_semaphore, #tpu.memory_space<semaphore_mem>>) src(%dma_wait3A_156 : memref<128x16xf32, #tpu.memory_space<hbm>>) dst(%arg17 : memref<128x16xf32, #tpu.memory_space<vmem>>)
      %dma_wait3A_157 = arith.constant 0 : i32
      %dma_wait3A_158 = arith.constant 0 : i32
      %dma_wait3A_159 = tpu.memref_slice %arg6[%dma_wait3A_157, %dma_wait3A_158] : memref<10000x16xf32, #tpu.memory_space<hbm>> -> memref<128x16xf32, #tpu.memory_space<hbm>>
      %dma_wait3A_160 = arith.constant 0 : i32
      %dma_wait3A_161 = arith.constant 0 : i32
      %dma_wait3A_162 = tpu.memref_slice %arg6[%dma_wait3A_160, %dma_wait3A_161] : memref<10000x16xf32, #tpu.memory_space<hbm>> -> memref<128x16xf32, #tpu.memory_space<hbm>>
      tpu.wait_dma2 semaphore(%arg23 : memref<!tpu.dma_semaphore, #tpu.memory_space<semaphore_mem>>) src(%dma_wait3A_162 : memref<128x16xf32, #tpu.memory_space<hbm>>) dst(%arg18 : memref<128x16xf32, #tpu.memory_space<vmem>>)
      "tpu.region"() ({
        %run_scoped3A = tpu.sem_alloc : memref<!tpu.dma_semaphore, #tpu.memory_space<semaphore_mem>>
        %dma_start3A_265 = tpu.memref_slice %arg2[%add3A_138] : memref<160000xi32, #tpu.memory_space<hbm>> -> memref<128xi32, #tpu.memory_space<hbm>>
        %dma_start3A_266 = tpu.memref_slice %arg2[%add3A_138] : memref<160000xi32, #tpu.memory_space<hbm>> -> memref<128xi32, #tpu.memory_space<hbm>>
        tpu.enqueue_dma source(%dma_start3A_266 : memref<128xi32, #tpu.memory_space<hbm>>) target(%arg11 : memref<128xi32, #tpu.memory_space<vmem>>) target_semaphore(%run_scoped3A : memref<!tpu.dma_semaphore, #tpu.memory_space<semaphore_mem>>)
        %dma_wait3A_267 = tpu.memref_slice %arg2[%add3A_138] : memref<160000xi32, #tpu.memory_space<hbm>> -> memref<128xi32, #tpu.memory_space<hbm>>
        %dma_wait3A_268 = tpu.memref_slice %arg2[%add3A_138] : memref<160000xi32, #tpu.memory_space<hbm>> -> memref<128xi32, #tpu.memory_space<hbm>>
        tpu.wait_dma2 semaphore(%run_scoped3A : memref<!tpu.dma_semaphore, #tpu.memory_space<semaphore_mem>>) src(%dma_wait3A_268 : memref<128xi32, #tpu.memory_space<hbm>>) dst(%arg11 : memref<128xi32, #tpu.memory_space<vmem>>)
        tpu.yield
      }) : () -> ()
      "tpu.region"() ({
        %run_scoped3A = tpu.sem_alloc : memref<!tpu.dma_semaphore, #tpu.memory_space<semaphore_mem>>
        %dma_start3A_265 = tpu.memref_slice %arg3[%add3A_138] : memref<160000xi32, #tpu.memory_space<hbm>> -> memref<128xi32, #tpu.memory_space<hbm>>
        %dma_start3A_266 = tpu.memref_slice %arg3[%add3A_138] : memref<160000xi32, #tpu.memory_space<hbm>> -> memref<128xi32, #tpu.memory_space<hbm>>
        tpu.enqueue_dma source(%dma_start3A_266 : memref<128xi32, #tpu.memory_space<hbm>>) target(%arg12 : memref<128xi32, #tpu.memory_space<vmem>>) target_semaphore(%run_scoped3A : memref<!tpu.dma_semaphore, #tpu.memory_space<semaphore_mem>>)
        %dma_wait3A_267 = tpu.memref_slice %arg3[%add3A_138] : memref<160000xi32, #tpu.memory_space<hbm>> -> memref<128xi32, #tpu.memory_space<hbm>>
        %dma_wait3A_268 = tpu.memref_slice %arg3[%add3A_138] : memref<160000xi32, #tpu.memory_space<hbm>> -> memref<128xi32, #tpu.memory_space<hbm>>
        tpu.wait_dma2 semaphore(%run_scoped3A : memref<!tpu.dma_semaphore, #tpu.memory_space<semaphore_mem>>) src(%dma_wait3A_268 : memref<128xi32, #tpu.memory_space<hbm>>) dst(%arg12 : memref<128xi32, #tpu.memory_space<vmem>>)
        tpu.yield
      }) : () -> ()
      %dma_start3A_163 = arith.constant 0 : i32
      %dma_start3A_164 = arith.constant 0 : i32
      %dma_start3A_165 = tpu.memref_slice %arg4[%dma_start3A_163, %dma_start3A_164] : memref<10000x128xf32, #tpu.memory_space<hbm>> -> memref<10000x128xf32, #tpu.memory_space<hbm>>
      tpu.enqueue_indirect_dma source(%dma_start3A_165 : memref<10000x128xf32, #tpu.memory_space<hbm>>) target(%arg19 : memref<128x128xf32, #tpu.memory_space<vmem>>) offsets(%arg11 : memref<128xi32, #tpu.memory_space<vmem>>) semaphore(%arg24 : memref<!tpu.dma_semaphore, #tpu.memory_space<semaphore_mem>>)
      %dma_start3A_166 = arith.constant 0 : i32
      %dma_start3A_167 = arith.constant 0 : i32
      %dma_start3A_168 = tpu.memref_slice %arg5[%dma_start3A_166, %dma_start3A_167] : memref<10000x128xf32, #tpu.memory_space<hbm>> -> memref<10000x128xf32, #tpu.memory_space<hbm>>
      tpu.enqueue_indirect_dma source(%dma_start3A_168 : memref<10000x128xf32, #tpu.memory_space<hbm>>) target(%arg20 : memref<128x128xf32, #tpu.memory_space<vmem>>) offsets(%arg12 : memref<128xi32, #tpu.memory_space<vmem>>) semaphore(%arg24 : memref<!tpu.dma_semaphore, #tpu.memory_space<semaphore_mem>>)
      %dma_start3A_169 = arith.constant 0 : i32
      %dma_start3A_170 = arith.constant 0 : i32
      %dma_start3A_171 = tpu.memref_slice %arg6[%dma_start3A_169, %dma_start3A_170] : memref<10000x16xf32, #tpu.memory_space<hbm>> -> memref<10000x16xf32, #tpu.memory_space<hbm>>
      tpu.enqueue_indirect_dma source(%dma_start3A_171 : memref<10000x16xf32, #tpu.memory_space<hbm>>) target(%arg21 : memref<128x16xf32, #tpu.memory_space<vmem>>) offsets(%arg11 : memref<128xi32, #tpu.memory_space<vmem>>) semaphore(%arg24 : memref<!tpu.dma_semaphore, #tpu.memory_space<semaphore_mem>>)
      %dma_start3A_172 = arith.constant 0 : i32
      %dma_start3A_173 = arith.constant 0 : i32
      %dma_start3A_174 = tpu.memref_slice %arg6[%dma_start3A_172, %dma_start3A_173] : memref<10000x16xf32, #tpu.memory_space<hbm>> -> memref<10000x16xf32, #tpu.memory_space<hbm>>
      tpu.enqueue_indirect_dma source(%dma_start3A_174 : memref<10000x16xf32, #tpu.memory_space<hbm>>) target(%arg22 : memref<128x16xf32, #tpu.memory_space<vmem>>) offsets(%arg12 : memref<128xi32, #tpu.memory_space<vmem>>) semaphore(%arg24 : memref<!tpu.dma_semaphore, #tpu.memory_space<semaphore_mem>>)
      %scan3A_175 = arith.constant 0 : i32
      %scan3A_176 = arith.constant 0 : i32
      %scan3A_177 = arith.constant 128 : i32
      %scan3A_178 = arith.addi %scan3A_176, %scan3A_177 : i32
      %scan3A_179 = arith.constant 1 : i32
      scf.for %scan3A_265 = %scan3A_176 to %scan3A_178 step %scan3A_179  : i32 {
        %get3A = arith.index_cast %scan3A_265 : i32 to index
        %get3A_266 = arith.constant 0 : index
        %get3A_267 = tpu.vector_load %arg15[%get3A, %get3A_266] {strides = array<i32>} : memref<128x128xf32, #tpu.memory_space<vmem>>, vector<1x16xf32>,
        %get3A_268 = vector.shape_cast %get3A_267 : vector<1x16xf32> to vector<16xf32>
        %get3A_269 = arith.index_cast %scan3A_265 : i32 to index
        %get3A_270 = arith.constant 0 : index
        %get3A_271 = tpu.vector_load %arg16[%get3A_269, %get3A_270] {strides = array<i32>} : memref<128x128xf32, #tpu.memory_space<vmem>>, vector<1x16xf32>,
        %get3A_272 = vector.shape_cast %get3A_271 : vector<1x16xf32> to vector<16xf32>
        %add3A_273 = arith.addf %get3A_268, %get3A_272 : vector<16xf32>
        %swap3A = arith.index_cast %scan3A_265 : i32 to index
        %swap3A_274 = arith.constant 0 : index
        %swap3A_275 = tpu.vector_load %arg15[%swap3A, %swap3A_274] {strides = array<i32>} : memref<128x128xf32, #tpu.memory_space<vmem>>, vector<1x16xf32>,
        %swap3A_276 = vector.shape_cast %swap3A_275 : vector<1x16xf32> to vector<16xf32>
        %swap3A_277 = vector.shape_cast %add3A_273 : vector<16xf32> to vector<1x16xf32>
        tpu.vector_store %arg15[%swap3A, %swap3A_274], %swap3A_277 {strides = array<i32>} : memref<128x128xf32, #tpu.memory_space<vmem>>, vector<1x16xf32>,
        %get3A_278 = arith.index_cast %scan3A_265 : i32 to index
        %get3A_279 = arith.constant 16 : index
        %get3A_280 = tpu.vector_load %arg15[%get3A_278, %get3A_279] {strides = array<i32>} : memref<128x128xf32, #tpu.memory_space<vmem>>, vector<1x16xf32>,
        %get3A_281 = vector.shape_cast %get3A_280 : vector<1x16xf32> to vector<16xf32>
        %get3A_282 = arith.index_cast %scan3A_265 : i32 to index
        %get3A_283 = arith.constant 16 : index
        %get3A_284 = tpu.vector_load %arg16[%get3A_282, %get3A_283] {strides = array<i32>} : memref<128x128xf32, #tpu.memory_space<vmem>>, vector<1x16xf32>,
        %get3A_285 = vector.shape_cast %get3A_284 : vector<1x16xf32> to vector<16xf32>
        %add3A_286 = arith.addf %get3A_281, %get3A_285 : vector<16xf32>
        %swap3A_287 = arith.index_cast %scan3A_265 : i32 to index
        %swap3A_288 = arith.constant 16 : index
        %swap3A_289 = tpu.vector_load %arg15[%swap3A_287, %swap3A_288] {strides = array<i32>} : memref<128x128xf32, #tpu.memory_space<vmem>>, vector<1x16xf32>,
        %swap3A_290 = vector.shape_cast %swap3A_289 : vector<1x16xf32> to vector<16xf32>
        %swap3A_291 = vector.shape_cast %add3A_286 : vector<16xf32> to vector<1x16xf32>
        tpu.vector_store %arg15[%swap3A_287, %swap3A_288], %swap3A_291 {strides = array<i32>} : memref<128x128xf32, #tpu.memory_space<vmem>>, vector<1x16xf32>,
        %get3A_292 = arith.index_cast %scan3A_265 : i32 to index
        %get3A_293 = arith.constant 32 : index
        %get3A_294 = tpu.vector_load %arg15[%get3A_292, %get3A_293] {strides = array<i32>} : memref<128x128xf32, #tpu.memory_space<vmem>>, vector<1x16xf32>,
        %get3A_295 = vector.shape_cast %get3A_294 : vector<1x16xf32> to vector<16xf32>
        %get3A_296 = arith.index_cast %scan3A_265 : i32 to index
        %get3A_297 = arith.constant 32 : index
        %get3A_298 = tpu.vector_load %arg16[%get3A_296, %get3A_297] {strides = array<i32>} : memref<128x128xf32, #tpu.memory_space<vmem>>, vector<1x16xf32>,
        %get3A_299 = vector.shape_cast %get3A_298 : vector<1x16xf32> to vector<16xf32>
        %add3A_300 = arith.addf %get3A_295, %get3A_299 : vector<16xf32>
        %swap3A_301 = arith.index_cast %scan3A_265 : i32 to index
        %swap3A_302 = arith.constant 32 : index
        %swap3A_303 = tpu.vector_load %arg15[%swap3A_301, %swap3A_302] {strides = array<i32>} : memref<128x128xf32, #tpu.memory_space<vmem>>, vector<1x16xf32>,
        %swap3A_304 = vector.shape_cast %swap3A_303 : vector<1x16xf32> to vector<16xf32>
        %swap3A_305 = vector.shape_cast %add3A_300 : vector<16xf32> to vector<1x16xf32>
        tpu.vector_store %arg15[%swap3A_301, %swap3A_302], %swap3A_305 {strides = array<i32>} : memref<128x128xf32, #tpu.memory_space<vmem>>, vector<1x16xf32>,
        %get3A_306 = arith.index_cast %scan3A_265 : i32 to index
        %get3A_307 = arith.constant 48 : index
        %get3A_308 = tpu.vector_load %arg15[%get3A_306, %get3A_307] {strides = array<i32>} : memref<128x128xf32, #tpu.memory_space<vmem>>, vector<1x16xf32>,
        %get3A_309 = vector.shape_cast %get3A_308 : vector<1x16xf32> to vector<16xf32>
        %get3A_310 = arith.index_cast %scan3A_265 : i32 to index
        %get3A_311 = arith.constant 48 : index
        %get3A_312 = tpu.vector_load %arg16[%get3A_310, %get3A_311] {strides = array<i32>} : memref<128x128xf32, #tpu.memory_space<vmem>>, vector<1x16xf32>,
        %get3A_313 = vector.shape_cast %get3A_312 : vector<1x16xf32> to vector<16xf32>
        %add3A_314 = arith.addf %get3A_309, %get3A_313 : vector<16xf32>
        %swap3A_315 = arith.index_cast %scan3A_265 : i32 to index
        %swap3A_316 = arith.constant 48 : index
        %swap3A_317 = tpu.vector_load %arg15[%swap3A_315, %swap3A_316] {strides = array<i32>} : memref<128x128xf32, #tpu.memory_space<vmem>>, vector<1x16xf32>,
        %swap3A_318 = vector.shape_cast %swap3A_317 : vector<1x16xf32> to vector<16xf32>
        %swap3A_319 = vector.shape_cast %add3A_314 : vector<16xf32> to vector<1x16xf32>
        tpu.vector_store %arg15[%swap3A_315, %swap3A_316], %swap3A_319 {strides = array<i32>} : memref<128x128xf32, #tpu.memory_space<vmem>>, vector<1x16xf32>,
        %get3A_320 = arith.index_cast %scan3A_265 : i32 to index
        %get3A_321 = arith.constant 64 : index
        %get3A_322 = tpu.vector_load %arg15[%get3A_320, %get3A_321] {strides = array<i32>} : memref<128x128xf32, #tpu.memory_space<vmem>>, vector<1x16xf32>,
        %get3A_323 = vector.shape_cast %get3A_322 : vector<1x16xf32> to vector<16xf32>
        %get3A_324 = arith.index_cast %scan3A_265 : i32 to index
        %get3A_325 = arith.constant 64 : index
        %get3A_326 = tpu.vector_load %arg16[%get3A_324, %get3A_325] {strides = array<i32>} : memref<128x128xf32, #tpu.memory_space<vmem>>, vector<1x16xf32>,
        %get3A_327 = vector.shape_cast %get3A_326 : vector<1x16xf32> to vector<16xf32>
        %add3A_328 = arith.addf %get3A_323, %get3A_327 : vector<16xf32>
        %swap3A_329 = arith.index_cast %scan3A_265 : i32 to index
        %swap3A_330 = arith.constant 64 : index
        %swap3A_331 = tpu.vector_load %arg15[%swap3A_329, %swap3A_330] {strides = array<i32>} : memref<128x128xf32, #tpu.memory_space<vmem>>, vector<1x16xf32>,
        %swap3A_332 = vector.shape_cast %swap3A_331 : vector<1x16xf32> to vector<16xf32>
        %swap3A_333 = vector.shape_cast %add3A_328 : vector<16xf32> to vector<1x16xf32>
        tpu.vector_store %arg15[%swap3A_329, %swap3A_330], %swap3A_333 {strides = array<i32>} : memref<128x128xf32, #tpu.memory_space<vmem>>, vector<1x16xf32>,
        %get3A_334 = arith.index_cast %scan3A_265 : i32 to index
        %get3A_335 = arith.constant 80 : index
        %get3A_336 = tpu.vector_load %arg15[%get3A_334, %get3A_335] {strides = array<i32>} : memref<128x128xf32, #tpu.memory_space<vmem>>, vector<1x16xf32>,
        %get3A_337 = vector.shape_cast %get3A_336 : vector<1x16xf32> to vector<16xf32>
        %get3A_338 = arith.index_cast %scan3A_265 : i32 to index
        %get3A_339 = arith.constant 80 : index
        %get3A_340 = tpu.vector_load %arg16[%get3A_338, %get3A_339] {strides = array<i32>} : memref<128x128xf32, #tpu.memory_space<vmem>>, vector<1x16xf32>,
        %get3A_341 = vector.shape_cast %get3A_340 : vector<1x16xf32> to vector<16xf32>
        %add3A_342 = arith.addf %get3A_337, %get3A_341 : vector<16xf32>
        %swap3A_343 = arith.index_cast %scan3A_265 : i32 to index
        %swap3A_344 = arith.constant 80 : index
        %swap3A_345 = tpu.vector_load %arg15[%swap3A_343, %swap3A_344] {strides = array<i32>} : memref<128x128xf32, #tpu.memory_space<vmem>>, vector<1x16xf32>,
        %swap3A_346 = vector.shape_cast %swap3A_345 : vector<1x16xf32> to vector<16xf32>
        %swap3A_347 = vector.shape_cast %add3A_342 : vector<16xf32> to vector<1x16xf32>
        tpu.vector_store %arg15[%swap3A_343, %swap3A_344], %swap3A_347 {strides = array<i32>} : memref<128x128xf32, #tpu.memory_space<vmem>>, vector<1x16xf32>,
        %get3A_348 = arith.index_cast %scan3A_265 : i32 to index
        %get3A_349 = arith.constant 96 : index
        %get3A_350 = tpu.vector_load %arg15[%get3A_348, %get3A_349] {strides = array<i32>} : memref<128x128xf32, #tpu.memory_space<vmem>>, vector<1x16xf32>,
        %get3A_351 = vector.shape_cast %get3A_350 : vector<1x16xf32> to vector<16xf32>
        %get3A_352 = arith.index_cast %scan3A_265 : i32 to index
        %get3A_353 = arith.constant 96 : index
        %get3A_354 = tpu.vector_load %arg16[%get3A_352, %get3A_353] {strides = array<i32>} : memref<128x128xf32, #tpu.memory_space<vmem>>, vector<1x16xf32>,
        %get3A_355 = vector.shape_cast %get3A_354 : vector<1x16xf32> to vector<16xf32>
        %add3A_356 = arith.addf %get3A_351, %get3A_355 : vector<16xf32>
        %swap3A_357 = arith.index_cast %scan3A_265 : i32 to index
        %swap3A_358 = arith.constant 96 : index
        %swap3A_359 = tpu.vector_load %arg15[%swap3A_357, %swap3A_358] {strides = array<i32>} : memref<128x128xf32, #tpu.memory_space<vmem>>, vector<1x16xf32>,
        %swap3A_360 = vector.shape_cast %swap3A_359 : vector<1x16xf32> to vector<16xf32>
        %swap3A_361 = vector.shape_cast %add3A_356 : vector<16xf32> to vector<1x16xf32>
        tpu.vector_store %arg15[%swap3A_357, %swap3A_358], %swap3A_361 {strides = array<i32>} : memref<128x128xf32, #tpu.memory_space<vmem>>, vector<1x16xf32>,
        %get3A_362 = arith.index_cast %scan3A_265 : i32 to index
        %get3A_363 = arith.constant 112 : index
        %get3A_364 = tpu.vector_load %arg15[%get3A_362, %get3A_363] {strides = array<i32>} : memref<128x128xf32, #tpu.memory_space<vmem>>, vector<1x16xf32>,
        %get3A_365 = vector.shape_cast %get3A_364 : vector<1x16xf32> to vector<16xf32>
        %get3A_366 = arith.index_cast %scan3A_265 : i32 to index
        %get3A_367 = arith.constant 112 : index
        %get3A_368 = tpu.vector_load %arg16[%get3A_366, %get3A_367] {strides = array<i32>} : memref<128x128xf32, #tpu.memory_space<vmem>>, vector<1x16xf32>,
        %get3A_369 = vector.shape_cast %get3A_368 : vector<1x16xf32> to vector<16xf32>
        %add3A_370 = arith.addf %get3A_365, %get3A_369 : vector<16xf32>
        %swap3A_371 = arith.index_cast %scan3A_265 : i32 to index
        %swap3A_372 = arith.constant 112 : index
        %swap3A_373 = tpu.vector_load %arg15[%swap3A_371, %swap3A_372] {strides = array<i32>} : memref<128x128xf32, #tpu.memory_space<vmem>>, vector<1x16xf32>,
        %swap3A_374 = vector.shape_cast %swap3A_373 : vector<1x16xf32> to vector<16xf32>
        %swap3A_375 = vector.shape_cast %add3A_370 : vector<16xf32> to vector<1x16xf32>
        tpu.vector_store %arg15[%swap3A_371, %swap3A_372], %swap3A_375 {strides = array<i32>} : memref<128x128xf32, #tpu.memory_space<vmem>>, vector<1x16xf32>,
        %get3A_376 = arith.index_cast %scan3A_265 : i32 to index
        %get3A_377 = arith.constant 0 : index
        %get3A_378 = tpu.vector_load %arg17[%get3A_376, %get3A_377] {strides = array<i32>} : memref<128x16xf32, #tpu.memory_space<vmem>>, vector<1x16xf32>,
        %get3A_379 = vector.shape_cast %get3A_378 : vector<1x16xf32> to vector<16xf32>
        %get3A_380 = arith.index_cast %scan3A_265 : i32 to index
        %get3A_381 = arith.constant 0 : index
        %get3A_382 = tpu.vector_load %arg18[%get3A_380, %get3A_381] {strides = array<i32>} : memref<128x16xf32, #tpu.memory_space<vmem>>, vector<1x16xf32>,
        %get3A_383 = vector.shape_cast %get3A_382 : vector<1x16xf32> to vector<16xf32>
        %sub3A = arith.subf %get3A_379, %get3A_383 : vector<16xf32>
        %swap3A_384 = arith.index_cast %scan3A_265 : i32 to index
        %swap3A_385 = arith.constant 0 : index
        %swap3A_386 = tpu.vector_load %arg17[%swap3A_384, %swap3A_385] {strides = array<i32>} : memref<128x16xf32, #tpu.memory_space<vmem>>, vector<1x16xf32>,
        %swap3A_387 = vector.shape_cast %swap3A_386 : vector<1x16xf32> to vector<16xf32>
        %swap3A_388 = vector.shape_cast %sub3A : vector<16xf32> to vector<1x16xf32>
        tpu.vector_store %arg17[%swap3A_384, %swap3A_385], %swap3A_388 {strides = array<i32>} : memref<128x16xf32, #tpu.memory_space<vmem>>, vector<1x16xf32>,
      }
      %scan3A_180 = arith.constant 128 : i32
      %dma_start3A_181 = arith.constant 0 : i32
      %dma_start3A_182 = tpu.memref_slice %arg7[%add3A_131, %dma_start3A_181] : memref<160000x128xf32, #tpu.memory_space<hbm>> -> memref<128x128xf32, #tpu.memory_space<hbm>>
      %dma_start3A_183 = arith.constant 0 : i32
      %dma_start3A_184 = tpu.memref_slice %arg7[%add3A_131, %dma_start3A_183] : memref<160000x128xf32, #tpu.memory_space<hbm>> -> memref<128x128xf32, #tpu.memory_space<hbm>>
      tpu.enqueue_dma source(%arg15 : memref<128x128xf32, #tpu.memory_space<vmem>>) target(%dma_start3A_184 : memref<128x128xf32, #tpu.memory_space<hbm>>) target_semaphore(%arg25 : memref<!tpu.dma_semaphore, #tpu.memory_space<semaphore_mem>>)
      %dma_start3A_185 = arith.constant 0 : i32
      %dma_start3A_186 = tpu.memref_slice %arg8[%add3A_131, %dma_start3A_185] : memref<160000x16xf32, #tpu.memory_space<hbm>> -> memref<128x16xf32, #tpu.memory_space<hbm>>
      %dma_start3A_187 = arith.constant 0 : i32
      %dma_start3A_188 = tpu.memref_slice %arg8[%add3A_131, %dma_start3A_187] : memref<160000x16xf32, #tpu.memory_space<hbm>> -> memref<128x16xf32, #tpu.memory_space<hbm>>
      tpu.enqueue_dma source(%arg17 : memref<128x16xf32, #tpu.memory_space<vmem>>) target(%dma_start3A_188 : memref<128x16xf32, #tpu.memory_space<hbm>>) target_semaphore(%arg25 : memref<!tpu.dma_semaphore, #tpu.memory_space<semaphore_mem>>)
      %dma_wait3A_189 = arith.constant 0 : i32
      %dma_wait3A_190 = arith.constant 0 : i32
      %dma_wait3A_191 = tpu.memref_slice %arg4[%dma_wait3A_189, %dma_wait3A_190] : memref<10000x128xf32, #tpu.memory_space<hbm>> -> memref<128x128xf32, #tpu.memory_space<hbm>>
      %dma_wait3A_192 = arith.constant 0 : i32
      %dma_wait3A_193 = arith.constant 0 : i32
      %dma_wait3A_194 = tpu.memref_slice %arg4[%dma_wait3A_192, %dma_wait3A_193] : memref<10000x128xf32, #tpu.memory_space<hbm>> -> memref<128x128xf32, #tpu.memory_space<hbm>>
      tpu.wait_dma2 semaphore(%arg24 : memref<!tpu.dma_semaphore, #tpu.memory_space<semaphore_mem>>) src(%dma_wait3A_194 : memref<128x128xf32, #tpu.memory_space<hbm>>) dst(%arg19 : memref<128x128xf32, #tpu.memory_space<vmem>>)
      %dma_wait3A_195 = arith.constant 0 : i32
      %dma_wait3A_196 = arith.constant 0 : i32
      %dma_wait3A_197 = tpu.memref_slice %arg4[%dma_wait3A_195, %dma_wait3A_196] : memref<10000x128xf32, #tpu.memory_space<hbm>> -> memref<128x128xf32, #tpu.memory_space<hbm>>
      %dma_wait3A_198 = arith.constant 0 : i32
      %dma_wait3A_199 = arith.constant 0 : i32
      %dma_wait3A_200 = tpu.memref_slice %arg4[%dma_wait3A_198, %dma_wait3A_199] : memref<10000x128xf32, #tpu.memory_space<hbm>> -> memref<128x128xf32, #tpu.memory_space<hbm>>
      tpu.wait_dma2 semaphore(%arg24 : memref<!tpu.dma_semaphore, #tpu.memory_space<semaphore_mem>>) src(%dma_wait3A_200 : memref<128x128xf32, #tpu.memory_space<hbm>>) dst(%arg20 : memref<128x128xf32, #tpu.memory_space<vmem>>)
      %dma_wait3A_201 = arith.constant 0 : i32
      %dma_wait3A_202 = arith.constant 0 : i32
      %dma_wait3A_203 = tpu.memref_slice %arg6[%dma_wait3A_201, %dma_wait3A_202] : memref<10000x16xf32, #tpu.memory_space<hbm>> -> memref<128x16xf32, #tpu.memory_space<hbm>>
      %dma_wait3A_204 = arith.constant 0 : i32
      %dma_wait3A_205 = arith.constant 0 : i32
      %dma_wait3A_206 = tpu.memref_slice %arg6[%dma_wait3A_204, %dma_wait3A_205] : memref<10000x16xf32, #tpu.memory_space<hbm>> -> memref<128x16xf32, #tpu.memory_space<hbm>>
      tpu.wait_dma2 semaphore(%arg24 : memref<!tpu.dma_semaphore, #tpu.memory_space<semaphore_mem>>) src(%dma_wait3A_206 : memref<128x16xf32, #tpu.memory_space<hbm>>) dst(%arg21 : memref<128x16xf32, #tpu.memory_space<vmem>>)
      %dma_wait3A_207 = arith.constant 0 : i32
      %dma_wait3A_208 = arith.constant 0 : i32
      %dma_wait3A_209 = tpu.memref_slice %arg6[%dma_wait3A_207, %dma_wait3A_208] : memref<10000x16xf32, #tpu.memory_space<hbm>> -> memref<128x16xf32, #tpu.memory_space<hbm>>
      %dma_wait3A_210 = arith.constant 0 : i32
      %dma_wait3A_211 = arith.constant 0 : i32
      %dma_wait3A_212 = tpu.memref_slice %arg6[%dma_wait3A_210, %dma_wait3A_211] : memref<10000x16xf32, #tpu.memory_space<hbm>> -> memref<128x16xf32, #tpu.memory_space<hbm>>
      tpu.wait_dma2 semaphore(%arg24 : memref<!tpu.dma_semaphore, #tpu.memory_space<semaphore_mem>>) src(%dma_wait3A_212 : memref<128x16xf32, #tpu.memory_space<hbm>>) dst(%arg22 : memref<128x16xf32, #tpu.memory_space<vmem>>)
      %add3A_213 = arith.constant 256 : i32
      %add3A_214 = arith.addi %add3A_131, %add3A_213 : i32
      "tpu.region"() ({
        %run_scoped3A = tpu.sem_alloc : memref<!tpu.dma_semaphore, #tpu.memory_space<semaphore_mem>>
        %dma_start3A_265 = tpu.memref_slice %arg2[%add3A_214] : memref<160000xi32, #tpu.memory_space<hbm>> -> memref<128xi32, #tpu.memory_space<hbm>>
        %dma_start3A_266 = tpu.memref_slice %arg2[%add3A_214] : memref<160000xi32, #tpu.memory_space<hbm>> -> memref<128xi32, #tpu.memory_space<hbm>>
        tpu.enqueue_dma source(%dma_start3A_266 : memref<128xi32, #tpu.memory_space<hbm>>) target(%arg9 : memref<128xi32, #tpu.memory_space<vmem>>) target_semaphore(%run_scoped3A : memref<!tpu.dma_semaphore, #tpu.memory_space<semaphore_mem>>)
        %dma_wait3A_267 = tpu.memref_slice %arg2[%add3A_214] : memref<160000xi32, #tpu.memory_space<hbm>> -> memref<128xi32, #tpu.memory_space<hbm>>
        %dma_wait3A_268 = tpu.memref_slice %arg2[%add3A_214] : memref<160000xi32, #tpu.memory_space<hbm>> -> memref<128xi32, #tpu.memory_space<hbm>>
        tpu.wait_dma2 semaphore(%run_scoped3A : memref<!tpu.dma_semaphore, #tpu.memory_space<semaphore_mem>>) src(%dma_wait3A_268 : memref<128xi32, #tpu.memory_space<hbm>>) dst(%arg9 : memref<128xi32, #tpu.memory_space<vmem>>)
        tpu.yield
      }) : () -> ()
      "tpu.region"() ({
        %run_scoped3A = tpu.sem_alloc : memref<!tpu.dma_semaphore, #tpu.memory_space<semaphore_mem>>
        %dma_start3A_265 = tpu.memref_slice %arg3[%add3A_214] : memref<160000xi32, #tpu.memory_space<hbm>> -> memref<128xi32, #tpu.memory_space<hbm>>
        %dma_start3A_266 = tpu.memref_slice %arg3[%add3A_214] : memref<160000xi32, #tpu.memory_space<hbm>> -> memref<128xi32, #tpu.memory_space<hbm>>
        tpu.enqueue_dma source(%dma_start3A_266 : memref<128xi32, #tpu.memory_space<hbm>>) target(%arg10 : memref<128xi32, #tpu.memory_space<vmem>>) target_semaphore(%run_scoped3A : memref<!tpu.dma_semaphore, #tpu.memory_space<semaphore_mem>>)
        %dma_wait3A_267 = tpu.memref_slice %arg3[%add3A_214] : memref<160000xi32, #tpu.memory_space<hbm>> -> memref<128xi32, #tpu.memory_space<hbm>>
        %dma_wait3A_268 = tpu.memref_slice %arg3[%add3A_214] : memref<160000xi32, #tpu.memory_space<hbm>> -> memref<128xi32, #tpu.memory_space<hbm>>
        tpu.wait_dma2 semaphore(%run_scoped3A : memref<!tpu.dma_semaphore, #tpu.memory_space<semaphore_mem>>) src(%dma_wait3A_268 : memref<128xi32, #tpu.memory_space<hbm>>) dst(%arg10 : memref<128xi32, #tpu.memory_space<vmem>>)
        tpu.yield
      }) : () -> ()
      %dma_wait3A_215 = arith.constant 0 : i32
      %dma_wait3A_216 = arith.constant 0 : i32
      %dma_wait3A_217 = tpu.memref_slice %arg7[%dma_wait3A_215, %dma_wait3A_216] : memref<160000x128xf32, #tpu.memory_space<hbm>> -> memref<128x128xf32, #tpu.memory_space<hbm>>
      %dma_wait3A_218 = arith.constant 0 : i32
      %dma_wait3A_219 = arith.constant 0 : i32
      %dma_wait3A_220 = tpu.memref_slice %arg7[%dma_wait3A_218, %dma_wait3A_219] : memref<160000x128xf32, #tpu.memory_space<hbm>> -> memref<128x128xf32, #tpu.memory_space<hbm>>
      tpu.wait_dma2 semaphore(%arg25 : memref<!tpu.dma_semaphore, #tpu.memory_space<semaphore_mem>>) src(%arg15 : memref<128x128xf32, #tpu.memory_space<vmem>>) dst(%dma_wait3A_220 : memref<128x128xf32, #tpu.memory_space<hbm>>)
      %dma_wait3A_221 = arith.constant 0 : i32
      %dma_wait3A_222 = arith.constant 0 : i32
      %dma_wait3A_223 = tpu.memref_slice %arg8[%dma_wait3A_221, %dma_wait3A_222] : memref<160000x16xf32, #tpu.memory_space<hbm>> -> memref<128x16xf32, #tpu.memory_space<hbm>>
      %dma_wait3A_224 = arith.constant 0 : i32
      %dma_wait3A_225 = arith.constant 0 : i32
      %dma_wait3A_226 = tpu.memref_slice %arg8[%dma_wait3A_224, %dma_wait3A_225] : memref<160000x16xf32, #tpu.memory_space<hbm>> -> memref<128x16xf32, #tpu.memory_space<hbm>>
      tpu.wait_dma2 semaphore(%arg25 : memref<!tpu.dma_semaphore, #tpu.memory_space<semaphore_mem>>) src(%arg17 : memref<128x16xf32, #tpu.memory_space<vmem>>) dst(%dma_wait3A_226 : memref<128x16xf32, #tpu.memory_space<hbm>>)
      %dma_start3A_227 = arith.constant 0 : i32
      %dma_start3A_228 = arith.constant 0 : i32
      %dma_start3A_229 = tpu.memref_slice %arg4[%dma_start3A_227, %dma_start3A_228] : memref<10000x128xf32, #tpu.memory_space<hbm>> -> memref<10000x128xf32, #tpu.memory_space<hbm>>
      tpu.enqueue_indirect_dma source(%dma_start3A_229 : memref<10000x128xf32, #tpu.memory_space<hbm>>) target(%arg15 : memref<128x128xf32, #tpu.memory_space<vmem>>) offsets(%arg9 : memref<128xi32, #tpu.memory_space<vmem>>) semaphore(%arg23 : memref<!tpu.dma_semaphore, #tpu.memory_space<semaphore_mem>>)
      %dma_start3A_230 = arith.constant 0 : i32
      %dma_start3A_231 = arith.constant 0 : i32
      %dma_start3A_232 = tpu.memref_slice %arg5[%dma_start3A_230, %dma_start3A_231] : memref<10000x128xf32, #tpu.memory_space<hbm>> -> memref<10000x128xf32, #tpu.memory_space<hbm>>
      tpu.enqueue_indirect_dma source(%dma_start3A_232 : memref<10000x128xf32, #tpu.memory_space<hbm>>) target(%arg16 : memref<128x128xf32, #tpu.memory_space<vmem>>) offsets(%arg10 : memref<128xi32, #tpu.memory_space<vmem>>) semaphore(%arg23 : memref<!tpu.dma_semaphore, #tpu.memory_space<semaphore_mem>>)
      %dma_start3A_233 = arith.constant 0 : i32
      %dma_start3A_234 = arith.constant 0 : i32
      %dma_start3A_235 = tpu.memref_slice %arg6[%dma_start3A_233, %dma_start3A_234] : memref<10000x16xf32, #tpu.memory_space<hbm>> -> memref<10000x16xf32, #tpu.memory_space<hbm>>
      tpu.enqueue_indirect_dma source(%dma_start3A_235 : memref<10000x16xf32, #tpu.memory_space<hbm>>) target(%arg17 : memref<128x16xf32, #tpu.memory_space<vmem>>) offsets(%arg9 : memref<128xi32, #tpu.memory_space<vmem>>) semaphore(%arg23 : memref<!tpu.dma_semaphore, #tpu.memory_space<semaphore_mem>>)
      %dma_start3A_236 = arith.constant 0 : i32
      %dma_start3A_237 = arith.constant 0 : i32
      %dma_start3A_238 = tpu.memref_slice %arg6[%dma_start3A_236, %dma_start3A_237] : memref<10000x16xf32, #tpu.memory_space<hbm>> -> memref<10000x16xf32, #tpu.memory_space<hbm>>
      tpu.enqueue_indirect_dma source(%dma_start3A_238 : memref<10000x16xf32, #tpu.memory_space<hbm>>) target(%arg18 : memref<128x16xf32, #tpu.memory_space<vmem>>) offsets(%arg10 : memref<128xi32, #tpu.memory_space<vmem>>) semaphore(%arg23 : memref<!tpu.dma_semaphore, #tpu.memory_space<semaphore_mem>>)
      %scan3A_239 = arith.constant 0 : i32
      %scan3A_240 = arith.constant 0 : i32
      %scan3A_241 = arith.constant 128 : i32
      %scan3A_242 = arith.addi %scan3A_240, %scan3A_241 : i32
      %scan3A_243 = arith.constant 1 : i32
      scf.for %scan3A_265 = %scan3A_240 to %scan3A_242 step %scan3A_243  : i32 {
        %get3A = arith.index_cast %scan3A_265 : i32 to index
        %get3A_266 = arith.constant 0 : index
        %get3A_267 = tpu.vector_load %arg19[%get3A, %get3A_266] {strides = array<i32>} : memref<128x128xf32, #tpu.memory_space<vmem>>, vector<1x16xf32>,
        %get3A_268 = vector.shape_cast %get3A_267 : vector<1x16xf32> to vector<16xf32>
        %get3A_269 = arith.index_cast %scan3A_265 : i32 to index
        %get3A_270 = arith.constant 0 : index
        %get3A_271 = tpu.vector_load %arg20[%get3A_269, %get3A_270] {strides = array<i32>} : memref<128x128xf32, #tpu.memory_space<vmem>>, vector<1x16xf32>,
        %get3A_272 = vector.shape_cast %get3A_271 : vector<1x16xf32> to vector<16xf32>
        %add3A_273 = arith.addf %get3A_268, %get3A_272 : vector<16xf32>
        %swap3A = arith.index_cast %scan3A_265 : i32 to index
        %swap3A_274 = arith.constant 0 : index
        %swap3A_275 = tpu.vector_load %arg19[%swap3A, %swap3A_274] {strides = array<i32>} : memref<128x128xf32, #tpu.memory_space<vmem>>, vector<1x16xf32>,
        %swap3A_276 = vector.shape_cast %swap3A_275 : vector<1x16xf32> to vector<16xf32>
        %swap3A_277 = vector.shape_cast %add3A_273 : vector<16xf32> to vector<1x16xf32>
        tpu.vector_store %arg19[%swap3A, %swap3A_274], %swap3A_277 {strides = array<i32>} : memref<128x128xf32, #tpu.memory_space<vmem>>, vector<1x16xf32>,
        %get3A_278 = arith.index_cast %scan3A_265 : i32 to index
        %get3A_279 = arith.constant 16 : index
        %get3A_280 = tpu.vector_load %arg19[%get3A_278, %get3A_279] {strides = array<i32>} : memref<128x128xf32, #tpu.memory_space<vmem>>, vector<1x16xf32>,
        %get3A_281 = vector.shape_cast %get3A_280 : vector<1x16xf32> to vector<16xf32>
        %get3A_282 = arith.index_cast %scan3A_265 : i32 to index
        %get3A_283 = arith.constant 16 : index
        %get3A_284 = tpu.vector_load %arg20[%get3A_282, %get3A_283] {strides = array<i32>} : memref<128x128xf32, #tpu.memory_space<vmem>>, vector<1x16xf32>,
        %get3A_285 = vector.shape_cast %get3A_284 : vector<1x16xf32> to vector<16xf32>
        %add3A_286 = arith.addf %get3A_281, %get3A_285 : vector<16xf32>
        %swap3A_287 = arith.index_cast %scan3A_265 : i32 to index
        %swap3A_288 = arith.constant 16 : index
        %swap3A_289 = tpu.vector_load %arg19[%swap3A_287, %swap3A_288] {strides = array<i32>} : memref<128x128xf32, #tpu.memory_space<vmem>>, vector<1x16xf32>,
        %swap3A_290 = vector.shape_cast %swap3A_289 : vector<1x16xf32> to vector<16xf32>
        %swap3A_291 = vector.shape_cast %add3A_286 : vector<16xf32> to vector<1x16xf32>
        tpu.vector_store %arg19[%swap3A_287, %swap3A_288], %swap3A_291 {strides = array<i32>} : memref<128x128xf32, #tpu.memory_space<vmem>>, vector<1x16xf32>,
        %get3A_292 = arith.index_cast %scan3A_265 : i32 to index
        %get3A_293 = arith.constant 32 : index
        %get3A_294 = tpu.vector_load %arg19[%get3A_292, %get3A_293] {strides = array<i32>} : memref<128x128xf32, #tpu.memory_space<vmem>>, vector<1x16xf32>,
        %get3A_295 = vector.shape_cast %get3A_294 : vector<1x16xf32> to vector<16xf32>
        %get3A_296 = arith.index_cast %scan3A_265 : i32 to index
        %get3A_297 = arith.constant 32 : index
        %get3A_298 = tpu.vector_load %arg20[%get3A_296, %get3A_297] {strides = array<i32>} : memref<128x128xf32, #tpu.memory_space<vmem>>, vector<1x16xf32>,
        %get3A_299 = vector.shape_cast %get3A_298 : vector<1x16xf32> to vector<16xf32>
        %add3A_300 = arith.addf %get3A_295, %get3A_299 : vector<16xf32>
        %swap3A_301 = arith.index_cast %scan3A_265 : i32 to index
        %swap3A_302 = arith.constant 32 : index
        %swap3A_303 = tpu.vector_load %arg19[%swap3A_301, %swap3A_302] {strides = array<i32>} : memref<128x128xf32, #tpu.memory_space<vmem>>, vector<1x16xf32>,
        %swap3A_304 = vector.shape_cast %swap3A_303 : vector<1x16xf32> to vector<16xf32>
        %swap3A_305 = vector.shape_cast %add3A_300 : vector<16xf32> to vector<1x16xf32>
        tpu.vector_store %arg19[%swap3A_301, %swap3A_302], %swap3A_305 {strides = array<i32>} : memref<128x128xf32, #tpu.memory_space<vmem>>, vector<1x16xf32>,
        %get3A_306 = arith.index_cast %scan3A_265 : i32 to index
        %get3A_307 = arith.constant 48 : index
        %get3A_308 = tpu.vector_load %arg19[%get3A_306, %get3A_307] {strides = array<i32>} : memref<128x128xf32, #tpu.memory_space<vmem>>, vector<1x16xf32>,
        %get3A_309 = vector.shape_cast %get3A_308 : vector<1x16xf32> to vector<16xf32>
        %get3A_310 = arith.index_cast %scan3A_265 : i32 to index
        %get3A_311 = arith.constant 48 : index
        %get3A_312 = tpu.vector_load %arg20[%get3A_310, %get3A_311] {strides = array<i32>} : memref<128x128xf32, #tpu.memory_space<vmem>>, vector<1x16xf32>,
        %get3A_313 = vector.shape_cast %get3A_312 : vector<1x16xf32> to vector<16xf32>
        %add3A_314 = arith.addf %get3A_309, %get3A_313 : vector<16xf32>
        %swap3A_315 = arith.index_cast %scan3A_265 : i32 to index
        %swap3A_316 = arith.constant 48 : index
        %swap3A_317 = tpu.vector_load %arg19[%swap3A_315, %swap3A_316] {strides = array<i32>} : memref<128x128xf32, #tpu.memory_space<vmem>>, vector<1x16xf32>,
        %swap3A_318 = vector.shape_cast %swap3A_317 : vector<1x16xf32> to vector<16xf32>
        %swap3A_319 = vector.shape_cast %add3A_314 : vector<16xf32> to vector<1x16xf32>
        tpu.vector_store %arg19[%swap3A_315, %swap3A_316], %swap3A_319 {strides = array<i32>} : memref<128x128xf32, #tpu.memory_space<vmem>>, vector<1x16xf32>,
        %get3A_320 = arith.index_cast %scan3A_265 : i32 to index
        %get3A_321 = arith.constant 64 : index
        %get3A_322 = tpu.vector_load %arg19[%get3A_320, %get3A_321] {strides = array<i32>} : memref<128x128xf32, #tpu.memory_space<vmem>>, vector<1x16xf32>,
        %get3A_323 = vector.shape_cast %get3A_322 : vector<1x16xf32> to vector<16xf32>
        %get3A_324 = arith.index_cast %scan3A_265 : i32 to index
        %get3A_325 = arith.constant 64 : index
        %get3A_326 = tpu.vector_load %arg20[%get3A_324, %get3A_325] {strides = array<i32>} : memref<128x128xf32, #tpu.memory_space<vmem>>, vector<1x16xf32>,
        %get3A_327 = vector.shape_cast %get3A_326 : vector<1x16xf32> to vector<16xf32>
        %add3A_328 = arith.addf %get3A_323, %get3A_327 : vector<16xf32>
        %swap3A_329 = arith.index_cast %scan3A_265 : i32 to index
        %swap3A_330 = arith.constant 64 : index
        %swap3A_331 = tpu.vector_load %arg19[%swap3A_329, %swap3A_330] {strides = array<i32>} : memref<128x128xf32, #tpu.memory_space<vmem>>, vector<1x16xf32>,
        %swap3A_332 = vector.shape_cast %swap3A_331 : vector<1x16xf32> to vector<16xf32>
        %swap3A_333 = vector.shape_cast %add3A_328 : vector<16xf32> to vector<1x16xf32>
        tpu.vector_store %arg19[%swap3A_329, %swap3A_330], %swap3A_333 {strides = array<i32>} : memref<128x128xf32, #tpu.memory_space<vmem>>, vector<1x16xf32>,
        %get3A_334 = arith.index_cast %scan3A_265 : i32 to index
        %get3A_335 = arith.constant 80 : index
        %get3A_336 = tpu.vector_load %arg19[%get3A_334, %get3A_335] {strides = array<i32>} : memref<128x128xf32, #tpu.memory_space<vmem>>, vector<1x16xf32>,
        %get3A_337 = vector.shape_cast %get3A_336 : vector<1x16xf32> to vector<16xf32>
        %get3A_338 = arith.index_cast %scan3A_265 : i32 to index
        %get3A_339 = arith.constant 80 : index
        %get3A_340 = tpu.vector_load %arg20[%get3A_338, %get3A_339] {strides = array<i32>} : memref<128x128xf32, #tpu.memory_space<vmem>>, vector<1x16xf32>,
        %get3A_341 = vector.shape_cast %get3A_340 : vector<1x16xf32> to vector<16xf32>
        %add3A_342 = arith.addf %get3A_337, %get3A_341 : vector<16xf32>
        %swap3A_343 = arith.index_cast %scan3A_265 : i32 to index
        %swap3A_344 = arith.constant 80 : index
        %swap3A_345 = tpu.vector_load %arg19[%swap3A_343, %swap3A_344] {strides = array<i32>} : memref<128x128xf32, #tpu.memory_space<vmem>>, vector<1x16xf32>,
        %swap3A_346 = vector.shape_cast %swap3A_345 : vector<1x16xf32> to vector<16xf32>
        %swap3A_347 = vector.shape_cast %add3A_342 : vector<16xf32> to vector<1x16xf32>
        tpu.vector_store %arg19[%swap3A_343, %swap3A_344], %swap3A_347 {strides = array<i32>} : memref<128x128xf32, #tpu.memory_space<vmem>>, vector<1x16xf32>,
        %get3A_348 = arith.index_cast %scan3A_265 : i32 to index
        %get3A_349 = arith.constant 96 : index
        %get3A_350 = tpu.vector_load %arg19[%get3A_348, %get3A_349] {strides = array<i32>} : memref<128x128xf32, #tpu.memory_space<vmem>>, vector<1x16xf32>,
        %get3A_351 = vector.shape_cast %get3A_350 : vector<1x16xf32> to vector<16xf32>
        %get3A_352 = arith.index_cast %scan3A_265 : i32 to index
        %get3A_353 = arith.constant 96 : index
        %get3A_354 = tpu.vector_load %arg20[%get3A_352, %get3A_353] {strides = array<i32>} : memref<128x128xf32, #tpu.memory_space<vmem>>, vector<1x16xf32>,
        %get3A_355 = vector.shape_cast %get3A_354 : vector<1x16xf32> to vector<16xf32>
        %add3A_356 = arith.addf %get3A_351, %get3A_355 : vector<16xf32>
        %swap3A_357 = arith.index_cast %scan3A_265 : i32 to index
        %swap3A_358 = arith.constant 96 : index
        %swap3A_359 = tpu.vector_load %arg19[%swap3A_357, %swap3A_358] {strides = array<i32>} : memref<128x128xf32, #tpu.memory_space<vmem>>, vector<1x16xf32>,
        %swap3A_360 = vector.shape_cast %swap3A_359 : vector<1x16xf32> to vector<16xf32>
        %swap3A_361 = vector.shape_cast %add3A_356 : vector<16xf32> to vector<1x16xf32>
        tpu.vector_store %arg19[%swap3A_357, %swap3A_358], %swap3A_361 {strides = array<i32>} : memref<128x128xf32, #tpu.memory_space<vmem>>, vector<1x16xf32>,
        %get3A_362 = arith.index_cast %scan3A_265 : i32 to index
        %get3A_363 = arith.constant 112 : index
        %get3A_364 = tpu.vector_load %arg19[%get3A_362, %get3A_363] {strides = array<i32>} : memref<128x128xf32, #tpu.memory_space<vmem>>, vector<1x16xf32>,
        %get3A_365 = vector.shape_cast %get3A_364 : vector<1x16xf32> to vector<16xf32>
        %get3A_366 = arith.index_cast %scan3A_265 : i32 to index
        %get3A_367 = arith.constant 112 : index
        %get3A_368 = tpu.vector_load %arg20[%get3A_366, %get3A_367] {strides = array<i32>} : memref<128x128xf32, #tpu.memory_space<vmem>>, vector<1x16xf32>,
        %get3A_369 = vector.shape_cast %get3A_368 : vector<1x16xf32> to vector<16xf32>
        %add3A_370 = arith.addf %get3A_365, %get3A_369 : vector<16xf32>
        %swap3A_371 = arith.index_cast %scan3A_265 : i32 to index
        %swap3A_372 = arith.constant 112 : index
        %swap3A_373 = tpu.vector_load %arg19[%swap3A_371, %swap3A_372] {strides = array<i32>} : memref<128x128xf32, #tpu.memory_space<vmem>>, vector<1x16xf32>,
        %swap3A_374 = vector.shape_cast %swap3A_373 : vector<1x16xf32> to vector<16xf32>
        %swap3A_375 = vector.shape_cast %add3A_370 : vector<16xf32> to vector<1x16xf32>
        tpu.vector_store %arg19[%swap3A_371, %swap3A_372], %swap3A_375 {strides = array<i32>} : memref<128x128xf32, #tpu.memory_space<vmem>>, vector<1x16xf32>,
        %get3A_376 = arith.index_cast %scan3A_265 : i32 to index
        %get3A_377 = arith.constant 0 : index
        %get3A_378 = tpu.vector_load %arg21[%get3A_376, %get3A_377] {strides = array<i32>} : memref<128x16xf32, #tpu.memory_space<vmem>>, vector<1x16xf32>,
        %get3A_379 = vector.shape_cast %get3A_378 : vector<1x16xf32> to vector<16xf32>
        %get3A_380 = arith.index_cast %scan3A_265 : i32 to index
        %get3A_381 = arith.constant 0 : index
        %get3A_382 = tpu.vector_load %arg22[%get3A_380, %get3A_381] {strides = array<i32>} : memref<128x16xf32, #tpu.memory_space<vmem>>, vector<1x16xf32>,
        %get3A_383 = vector.shape_cast %get3A_382 : vector<1x16xf32> to vector<16xf32>
        %sub3A = arith.subf %get3A_379, %get3A_383 : vector<16xf32>
        %swap3A_384 = arith.index_cast %scan3A_265 : i32 to index
        %swap3A_385 = arith.constant 0 : index
        %swap3A_386 = tpu.vector_load %arg21[%swap3A_384, %swap3A_385] {strides = array<i32>} : memref<128x16xf32, #tpu.memory_space<vmem>>, vector<1x16xf32>,
        %swap3A_387 = vector.shape_cast %swap3A_386 : vector<1x16xf32> to vector<16xf32>
        %swap3A_388 = vector.shape_cast %sub3A : vector<16xf32> to vector<1x16xf32>
        tpu.vector_store %arg21[%swap3A_384, %swap3A_385], %swap3A_388 {strides = array<i32>} : memref<128x16xf32, #tpu.memory_space<vmem>>, vector<1x16xf32>,
      }
      %scan3A_244 = arith.constant 128 : i32
      %dma_start3A_245 = arith.constant 0 : i32
      %dma_start3A_246 = tpu.memref_slice %arg7[%add3A_138, %dma_start3A_245] : memref<160000x128xf32, #tpu.memory_space<hbm>> -> memref<128x128xf32, #tpu.memory_space<hbm>>
      %dma_start3A_247 = arith.constant 0 : i32
      %dma_start3A_248 = tpu.memref_slice %arg7[%add3A_138, %dma_start3A_247] : memref<160000x128xf32, #tpu.memory_space<hbm>> -> memref<128x128xf32, #tpu.memory_space<hbm>>
      tpu.enqueue_dma source(%arg19 : memref<128x128xf32, #tpu.memory_space<vmem>>) target(%dma_start3A_248 : memref<128x128xf32, #tpu.memory_space<hbm>>) target_semaphore(%arg26 : memref<!tpu.dma_semaphore, #tpu.memory_space<semaphore_mem>>)
      %dma_start3A_249 = arith.constant 0 : i32
      %dma_start3A_250 = tpu.memref_slice %arg8[%add3A_138, %dma_start3A_249] : memref<160000x16xf32, #tpu.memory_space<hbm>> -> memref<128x16xf32, #tpu.memory_space<hbm>>
      %dma_start3A_251 = arith.constant 0 : i32
      %dma_start3A_252 = tpu.memref_slice %arg8[%add3A_138, %dma_start3A_251] : memref<160000x16xf32, #tpu.memory_space<hbm>> -> memref<128x16xf32, #tpu.memory_space<hbm>>
      tpu.enqueue_dma source(%arg21 : memref<128x16xf32, #tpu.memory_space<vmem>>) target(%dma_start3A_252 : memref<128x16xf32, #tpu.memory_space<hbm>>) target_semaphore(%arg26 : memref<!tpu.dma_semaphore, #tpu.memory_space<semaphore_mem>>)
      %dma_wait3A_253 = arith.constant 0 : i32
      %dma_wait3A_254 = arith.constant 0 : i32
      %dma_wait3A_255 = tpu.memref_slice %arg7[%dma_wait3A_253, %dma_wait3A_254] : memref<160000x128xf32, #tpu.memory_space<hbm>> -> memref<128x128xf32, #tpu.memory_space<hbm>>
      %dma_wait3A_256 = arith.constant 0 : i32
      %dma_wait3A_257 = arith.constant 0 : i32
      %dma_wait3A_258 = tpu.memref_slice %arg7[%dma_wait3A_256, %dma_wait3A_257] : memref<160000x128xf32, #tpu.memory_space<hbm>> -> memref<128x128xf32, #tpu.memory_space<hbm>>
      tpu.wait_dma2 semaphore(%arg26 : memref<!tpu.dma_semaphore, #tpu.memory_space<semaphore_mem>>) src(%arg19 : memref<128x128xf32, #tpu.memory_space<vmem>>) dst(%dma_wait3A_258 : memref<128x128xf32, #tpu.memory_space<hbm>>)
      %dma_wait3A_259 = arith.constant 0 : i32
      %dma_wait3A_260 = arith.constant 0 : i32
      %dma_wait3A_261 = tpu.memref_slice %arg8[%dma_wait3A_259, %dma_wait3A_260] : memref<160000x16xf32, #tpu.memory_space<hbm>> -> memref<128x16xf32, #tpu.memory_space<hbm>>
      %dma_wait3A_262 = arith.constant 0 : i32
      %dma_wait3A_263 = arith.constant 0 : i32
      %dma_wait3A_264 = tpu.memref_slice %arg8[%dma_wait3A_262, %dma_wait3A_263] : memref<160000x16xf32, #tpu.memory_space<hbm>> -> memref<128x16xf32, #tpu.memory_space<hbm>>
      tpu.wait_dma2 semaphore(%arg26 : memref<!tpu.dma_semaphore, #tpu.memory_space<semaphore_mem>>) src(%arg21 : memref<128x16xf32, #tpu.memory_space<vmem>>) dst(%dma_wait3A_264 : memref<128x16xf32, #tpu.memory_space<hbm>>)
    }
    %scan3A_18 = arith.constant 19 : i32
    %add3A_19 = arith.constant 4864 : i32
    %add3A_20 = arith.addi %mul3A_2, %add3A_19 : i32
    %dma_wait3A = arith.constant 0 : i32
    %dma_wait3A_21 = arith.constant 0 : i32
    %dma_wait3A_22 = tpu.memref_slice %arg4[%dma_wait3A, %dma_wait3A_21] : memref<10000x128xf32, #tpu.memory_space<hbm>> -> memref<128x128xf32, #tpu.memory_space<hbm>>
    %dma_wait3A_23 = arith.constant 0 : i32
    %dma_wait3A_24 = arith.constant 0 : i32
    %dma_wait3A_25 = tpu.memref_slice %arg4[%dma_wait3A_23, %dma_wait3A_24] : memref<10000x128xf32, #tpu.memory_space<hbm>> -> memref<128x128xf32, #tpu.memory_space<hbm>>
    tpu.wait_dma2 semaphore(%arg23 : memref<!tpu.dma_semaphore, #tpu.memory_space<semaphore_mem>>) src(%dma_wait3A_25 : memref<128x128xf32, #tpu.memory_space<hbm>>) dst(%arg15 : memref<128x128xf32, #tpu.memory_space<vmem>>)
    %dma_wait3A_26 = arith.constant 0 : i32
    %dma_wait3A_27 = arith.constant 0 : i32
    %dma_wait3A_28 = tpu.memref_slice %arg4[%dma_wait3A_26, %dma_wait3A_27] : memref<10000x128xf32, #tpu.memory_space<hbm>> -> memref<128x128xf32, #tpu.memory_space<hbm>>
    %dma_wait3A_29 = arith.constant 0 : i32
    %dma_wait3A_30 = arith.constant 0 : i32
    %dma_wait3A_31 = tpu.memref_slice %arg4[%dma_wait3A_29, %dma_wait3A_30] : memref<10000x128xf32, #tpu.memory_space<hbm>> -> memref<128x128xf32, #tpu.memory_space<hbm>>
    tpu.wait_dma2 semaphore(%arg23 : memref<!tpu.dma_semaphore, #tpu.memory_space<semaphore_mem>>) src(%dma_wait3A_31 : memref<128x128xf32, #tpu.memory_space<hbm>>) dst(%arg16 : memref<128x128xf32, #tpu.memory_space<vmem>>)
    %dma_wait3A_32 = arith.constant 0 : i32
    %dma_wait3A_33 = arith.constant 0 : i32
    %dma_wait3A_34 = tpu.memref_slice %arg6[%dma_wait3A_32, %dma_wait3A_33] : memref<10000x16xf32, #tpu.memory_space<hbm>> -> memref<128x16xf32, #tpu.memory_space<hbm>>
    %dma_wait3A_35 = arith.constant 0 : i32
    %dma_wait3A_36 = arith.constant 0 : i32
    %dma_wait3A_37 = tpu.memref_slice %arg6[%dma_wait3A_35, %dma_wait3A_36] : memref<10000x16xf32, #tpu.memory_space<hbm>> -> memref<128x16xf32, #tpu.memory_space<hbm>>
    tpu.wait_dma2 semaphore(%arg23 : memref<!tpu.dma_semaphore, #tpu.memory_space<semaphore_mem>>) src(%dma_wait3A_37 : memref<128x16xf32, #tpu.memory_space<hbm>>) dst(%arg17 : memref<128x16xf32, #tpu.memory_space<vmem>>)
    %dma_wait3A_38 = arith.constant 0 : i32
    %dma_wait3A_39 = arith.constant 0 : i32
    %dma_wait3A_40 = tpu.memref_slice %arg6[%dma_wait3A_38, %dma_wait3A_39] : memref<10000x16xf32, #tpu.memory_space<hbm>> -> memref<128x16xf32, #tpu.memory_space<hbm>>
    %dma_wait3A_41 = arith.constant 0 : i32
    %dma_wait3A_42 = arith.constant 0 : i32
    %dma_wait3A_43 = tpu.memref_slice %arg6[%dma_wait3A_41, %dma_wait3A_42] : memref<10000x16xf32, #tpu.memory_space<hbm>> -> memref<128x16xf32, #tpu.memory_space<hbm>>
    tpu.wait_dma2 semaphore(%arg23 : memref<!tpu.dma_semaphore, #tpu.memory_space<semaphore_mem>>) src(%dma_wait3A_43 : memref<128x16xf32, #tpu.memory_space<hbm>>) dst(%arg18 : memref<128x16xf32, #tpu.memory_space<vmem>>)
    %scan3A_44 = arith.constant 0 : i32
    %scan3A_45 = arith.constant 0 : i32
    %scan3A_46 = arith.constant 128 : i32
    %scan3A_47 = arith.addi %scan3A_45, %scan3A_46 : i32
    %scan3A_48 = arith.constant 1 : i32
    scf.for %scan3A_126 = %scan3A_45 to %scan3A_47 step %scan3A_48  : i32 {
      %get3A = arith.index_cast %scan3A_126 : i32 to index
      %get3A_127 = arith.constant 0 : index
      %get3A_128 = tpu.vector_load %arg15[%get3A, %get3A_127] {strides = array<i32>} : memref<128x128xf32, #tpu.memory_space<vmem>>, vector<1x16xf32>,
      %get3A_129 = vector.shape_cast %get3A_128 : vector<1x16xf32> to vector<16xf32>
      %get3A_130 = arith.index_cast %scan3A_126 : i32 to index
      %get3A_131 = arith.constant 0 : index
      %get3A_132 = tpu.vector_load %arg16[%get3A_130, %get3A_131] {strides = array<i32>} : memref<128x128xf32, #tpu.memory_space<vmem>>, vector<1x16xf32>,
      %get3A_133 = vector.shape_cast %get3A_132 : vector<1x16xf32> to vector<16xf32>
      %add3A_134 = arith.addf %get3A_129, %get3A_133 : vector<16xf32>
      %swap3A = arith.index_cast %scan3A_126 : i32 to index
      %swap3A_135 = arith.constant 0 : index
      %swap3A_136 = tpu.vector_load %arg15[%swap3A, %swap3A_135] {strides = array<i32>} : memref<128x128xf32, #tpu.memory_space<vmem>>, vector<1x16xf32>,
      %swap3A_137 = vector.shape_cast %swap3A_136 : vector<1x16xf32> to vector<16xf32>
      %swap3A_138 = vector.shape_cast %add3A_134 : vector<16xf32> to vector<1x16xf32>
      tpu.vector_store %arg15[%swap3A, %swap3A_135], %swap3A_138 {strides = array<i32>} : memref<128x128xf32, #tpu.memory_space<vmem>>, vector<1x16xf32>,
      %get3A_139 = arith.index_cast %scan3A_126 : i32 to index
      %get3A_140 = arith.constant 16 : index
      %get3A_141 = tpu.vector_load %arg15[%get3A_139, %get3A_140] {strides = array<i32>} : memref<128x128xf32, #tpu.memory_space<vmem>>, vector<1x16xf32>,
      %get3A_142 = vector.shape_cast %get3A_141 : vector<1x16xf32> to vector<16xf32>
      %get3A_143 = arith.index_cast %scan3A_126 : i32 to index
      %get3A_144 = arith.constant 16 : index
      %get3A_145 = tpu.vector_load %arg16[%get3A_143, %get3A_144] {strides = array<i32>} : memref<128x128xf32, #tpu.memory_space<vmem>>, vector<1x16xf32>,
      %get3A_146 = vector.shape_cast %get3A_145 : vector<1x16xf32> to vector<16xf32>
      %add3A_147 = arith.addf %get3A_142, %get3A_146 : vector<16xf32>
      %swap3A_148 = arith.index_cast %scan3A_126 : i32 to index
      %swap3A_149 = arith.constant 16 : index
      %swap3A_150 = tpu.vector_load %arg15[%swap3A_148, %swap3A_149] {strides = array<i32>} : memref<128x128xf32, #tpu.memory_space<vmem>>, vector<1x16xf32>,
      %swap3A_151 = vector.shape_cast %swap3A_150 : vector<1x16xf32> to vector<16xf32>
      %swap3A_152 = vector.shape_cast %add3A_147 : vector<16xf32> to vector<1x16xf32>
      tpu.vector_store %arg15[%swap3A_148, %swap3A_149], %swap3A_152 {strides = array<i32>} : memref<128x128xf32, #tpu.memory_space<vmem>>, vector<1x16xf32>,
      %get3A_153 = arith.index_cast %scan3A_126 : i32 to index
      %get3A_154 = arith.constant 32 : index
      %get3A_155 = tpu.vector_load %arg15[%get3A_153, %get3A_154] {strides = array<i32>} : memref<128x128xf32, #tpu.memory_space<vmem>>, vector<1x16xf32>,
      %get3A_156 = vector.shape_cast %get3A_155 : vector<1x16xf32> to vector<16xf32>
      %get3A_157 = arith.index_cast %scan3A_126 : i32 to index
      %get3A_158 = arith.constant 32 : index
      %get3A_159 = tpu.vector_load %arg16[%get3A_157, %get3A_158] {strides = array<i32>} : memref<128x128xf32, #tpu.memory_space<vmem>>, vector<1x16xf32>,
      %get3A_160 = vector.shape_cast %get3A_159 : vector<1x16xf32> to vector<16xf32>
      %add3A_161 = arith.addf %get3A_156, %get3A_160 : vector<16xf32>
      %swap3A_162 = arith.index_cast %scan3A_126 : i32 to index
      %swap3A_163 = arith.constant 32 : index
      %swap3A_164 = tpu.vector_load %arg15[%swap3A_162, %swap3A_163] {strides = array<i32>} : memref<128x128xf32, #tpu.memory_space<vmem>>, vector<1x16xf32>,
      %swap3A_165 = vector.shape_cast %swap3A_164 : vector<1x16xf32> to vector<16xf32>
      %swap3A_166 = vector.shape_cast %add3A_161 : vector<16xf32> to vector<1x16xf32>
      tpu.vector_store %arg15[%swap3A_162, %swap3A_163], %swap3A_166 {strides = array<i32>} : memref<128x128xf32, #tpu.memory_space<vmem>>, vector<1x16xf32>,
      %get3A_167 = arith.index_cast %scan3A_126 : i32 to index
      %get3A_168 = arith.constant 48 : index
      %get3A_169 = tpu.vector_load %arg15[%get3A_167, %get3A_168] {strides = array<i32>} : memref<128x128xf32, #tpu.memory_space<vmem>>, vector<1x16xf32>,
      %get3A_170 = vector.shape_cast %get3A_169 : vector<1x16xf32> to vector<16xf32>
      %get3A_171 = arith.index_cast %scan3A_126 : i32 to index
      %get3A_172 = arith.constant 48 : index
      %get3A_173 = tpu.vector_load %arg16[%get3A_171, %get3A_172] {strides = array<i32>} : memref<128x128xf32, #tpu.memory_space<vmem>>, vector<1x16xf32>,
      %get3A_174 = vector.shape_cast %get3A_173 : vector<1x16xf32> to vector<16xf32>
      %add3A_175 = arith.addf %get3A_170, %get3A_174 : vector<16xf32>
      %swap3A_176 = arith.index_cast %scan3A_126 : i32 to index
      %swap3A_177 = arith.constant 48 : index
      %swap3A_178 = tpu.vector_load %arg15[%swap3A_176, %swap3A_177] {strides = array<i32>} : memref<128x128xf32, #tpu.memory_space<vmem>>, vector<1x16xf32>,
      %swap3A_179 = vector.shape_cast %swap3A_178 : vector<1x16xf32> to vector<16xf32>
      %swap3A_180 = vector.shape_cast %add3A_175 : vector<16xf32> to vector<1x16xf32>
      tpu.vector_store %arg15[%swap3A_176, %swap3A_177], %swap3A_180 {strides = array<i32>} : memref<128x128xf32, #tpu.memory_space<vmem>>, vector<1x16xf32>,
      %get3A_181 = arith.index_cast %scan3A_126 : i32 to index
      %get3A_182 = arith.constant 64 : index
      %get3A_183 = tpu.vector_load %arg15[%get3A_181, %get3A_182] {strides = array<i32>} : memref<128x128xf32, #tpu.memory_space<vmem>>, vector<1x16xf32>,
      %get3A_184 = vector.shape_cast %get3A_183 : vector<1x16xf32> to vector<16xf32>
      %get3A_185 = arith.index_cast %scan3A_126 : i32 to index
      %get3A_186 = arith.constant 64 : index
      %get3A_187 = tpu.vector_load %arg16[%get3A_185, %get3A_186] {strides = array<i32>} : memref<128x128xf32, #tpu.memory_space<vmem>>, vector<1x16xf32>,
      %get3A_188 = vector.shape_cast %get3A_187 : vector<1x16xf32> to vector<16xf32>
      %add3A_189 = arith.addf %get3A_184, %get3A_188 : vector<16xf32>
      %swap3A_190 = arith.index_cast %scan3A_126 : i32 to index
      %swap3A_191 = arith.constant 64 : index
      %swap3A_192 = tpu.vector_load %arg15[%swap3A_190, %swap3A_191] {strides = array<i32>} : memref<128x128xf32, #tpu.memory_space<vmem>>, vector<1x16xf32>,
      %swap3A_193 = vector.shape_cast %swap3A_192 : vector<1x16xf32> to vector<16xf32>
      %swap3A_194 = vector.shape_cast %add3A_189 : vector<16xf32> to vector<1x16xf32>
      tpu.vector_store %arg15[%swap3A_190, %swap3A_191], %swap3A_194 {strides = array<i32>} : memref<128x128xf32, #tpu.memory_space<vmem>>, vector<1x16xf32>,
      %get3A_195 = arith.index_cast %scan3A_126 : i32 to index
      %get3A_196 = arith.constant 80 : index
      %get3A_197 = tpu.vector_load %arg15[%get3A_195, %get3A_196] {strides = array<i32>} : memref<128x128xf32, #tpu.memory_space<vmem>>, vector<1x16xf32>,
      %get3A_198 = vector.shape_cast %get3A_197 : vector<1x16xf32> to vector<16xf32>
      %get3A_199 = arith.index_cast %scan3A_126 : i32 to index
      %get3A_200 = arith.constant 80 : index
      %get3A_201 = tpu.vector_load %arg16[%get3A_199, %get3A_200] {strides = array<i32>} : memref<128x128xf32, #tpu.memory_space<vmem>>, vector<1x16xf32>,
      %get3A_202 = vector.shape_cast %get3A_201 : vector<1x16xf32> to vector<16xf32>
      %add3A_203 = arith.addf %get3A_198, %get3A_202 : vector<16xf32>
      %swap3A_204 = arith.index_cast %scan3A_126 : i32 to index
      %swap3A_205 = arith.constant 80 : index
      %swap3A_206 = tpu.vector_load %arg15[%swap3A_204, %swap3A_205] {strides = array<i32>} : memref<128x128xf32, #tpu.memory_space<vmem>>, vector<1x16xf32>,
      %swap3A_207 = vector.shape_cast %swap3A_206 : vector<1x16xf32> to vector<16xf32>
      %swap3A_208 = vector.shape_cast %add3A_203 : vector<16xf32> to vector<1x16xf32>
      tpu.vector_store %arg15[%swap3A_204, %swap3A_205], %swap3A_208 {strides = array<i32>} : memref<128x128xf32, #tpu.memory_space<vmem>>, vector<1x16xf32>,
      %get3A_209 = arith.index_cast %scan3A_126 : i32 to index
      %get3A_210 = arith.constant 96 : index
      %get3A_211 = tpu.vector_load %arg15[%get3A_209, %get3A_210] {strides = array<i32>} : memref<128x128xf32, #tpu.memory_space<vmem>>, vector<1x16xf32>,
      %get3A_212 = vector.shape_cast %get3A_211 : vector<1x16xf32> to vector<16xf32>
      %get3A_213 = arith.index_cast %scan3A_126 : i32 to index
      %get3A_214 = arith.constant 96 : index
      %get3A_215 = tpu.vector_load %arg16[%get3A_213, %get3A_214] {strides = array<i32>} : memref<128x128xf32, #tpu.memory_space<vmem>>, vector<1x16xf32>,
      %get3A_216 = vector.shape_cast %get3A_215 : vector<1x16xf32> to vector<16xf32>
      %add3A_217 = arith.addf %get3A_212, %get3A_216 : vector<16xf32>
      %swap3A_218 = arith.index_cast %scan3A_126 : i32 to index
      %swap3A_219 = arith.constant 96 : index
      %swap3A_220 = tpu.vector_load %arg15[%swap3A_218, %swap3A_219] {strides = array<i32>} : memref<128x128xf32, #tpu.memory_space<vmem>>, vector<1x16xf32>,
      %swap3A_221 = vector.shape_cast %swap3A_220 : vector<1x16xf32> to vector<16xf32>
      %swap3A_222 = vector.shape_cast %add3A_217 : vector<16xf32> to vector<1x16xf32>
      tpu.vector_store %arg15[%swap3A_218, %swap3A_219], %swap3A_222 {strides = array<i32>} : memref<128x128xf32, #tpu.memory_space<vmem>>, vector<1x16xf32>,
      %get3A_223 = arith.index_cast %scan3A_126 : i32 to index
      %get3A_224 = arith.constant 112 : index
      %get3A_225 = tpu.vector_load %arg15[%get3A_223, %get3A_224] {strides = array<i32>} : memref<128x128xf32, #tpu.memory_space<vmem>>, vector<1x16xf32>,
      %get3A_226 = vector.shape_cast %get3A_225 : vector<1x16xf32> to vector<16xf32>
      %get3A_227 = arith.index_cast %scan3A_126 : i32 to index
      %get3A_228 = arith.constant 112 : index
      %get3A_229 = tpu.vector_load %arg16[%get3A_227, %get3A_228] {strides = array<i32>} : memref<128x128xf32, #tpu.memory_space<vmem>>, vector<1x16xf32>,
      %get3A_230 = vector.shape_cast %get3A_229 : vector<1x16xf32> to vector<16xf32>
      %add3A_231 = arith.addf %get3A_226, %get3A_230 : vector<16xf32>
      %swap3A_232 = arith.index_cast %scan3A_126 : i32 to index
      %swap3A_233 = arith.constant 112 : index
      %swap3A_234 = tpu.vector_load %arg15[%swap3A_232, %swap3A_233] {strides = array<i32>} : memref<128x128xf32, #tpu.memory_space<vmem>>, vector<1x16xf32>,
      %swap3A_235 = vector.shape_cast %swap3A_234 : vector<1x16xf32> to vector<16xf32>
      %swap3A_236 = vector.shape_cast %add3A_231 : vector<16xf32> to vector<1x16xf32>
      tpu.vector_store %arg15[%swap3A_232, %swap3A_233], %swap3A_236 {strides = array<i32>} : memref<128x128xf32, #tpu.memory_space<vmem>>, vector<1x16xf32>,
      %get3A_237 = arith.index_cast %scan3A_126 : i32 to index
      %get3A_238 = arith.constant 0 : index
      %get3A_239 = tpu.vector_load %arg17[%get3A_237, %get3A_238] {strides = array<i32>} : memref<128x16xf32, #tpu.memory_space<vmem>>, vector<1x16xf32>,
      %get3A_240 = vector.shape_cast %get3A_239 : vector<1x16xf32> to vector<16xf32>
      %get3A_241 = arith.index_cast %scan3A_126 : i32 to index
      %get3A_242 = arith.constant 0 : index
      %get3A_243 = tpu.vector_load %arg18[%get3A_241, %get3A_242] {strides = array<i32>} : memref<128x16xf32, #tpu.memory_space<vmem>>, vector<1x16xf32>,
      %get3A_244 = vector.shape_cast %get3A_243 : vector<1x16xf32> to vector<16xf32>
      %sub3A = arith.subf %get3A_240, %get3A_244 : vector<16xf32>
      %swap3A_245 = arith.index_cast %scan3A_126 : i32 to index
      %swap3A_246 = arith.constant 0 : index
      %swap3A_247 = tpu.vector_load %arg17[%swap3A_245, %swap3A_246] {strides = array<i32>} : memref<128x16xf32, #tpu.memory_space<vmem>>, vector<1x16xf32>,
      %swap3A_248 = vector.shape_cast %swap3A_247 : vector<1x16xf32> to vector<16xf32>
      %swap3A_249 = vector.shape_cast %sub3A : vector<16xf32> to vector<1x16xf32>
      tpu.vector_store %arg17[%swap3A_245, %swap3A_246], %swap3A_249 {strides = array<i32>} : memref<128x16xf32, #tpu.memory_space<vmem>>, vector<1x16xf32>,
    }
    %scan3A_49 = arith.constant 128 : i32
    %dma_start3A_50 = arith.constant 0 : i32
    %dma_start3A_51 = tpu.memref_slice %arg7[%add3A_20, %dma_start3A_50] : memref<160000x128xf32, #tpu.memory_space<hbm>> -> memref<128x128xf32, #tpu.memory_space<hbm>>
    %dma_start3A_52 = arith.constant 0 : i32
    %dma_start3A_53 = tpu.memref_slice %arg7[%add3A_20, %dma_start3A_52] : memref<160000x128xf32, #tpu.memory_space<hbm>> -> memref<128x128xf32, #tpu.memory_space<hbm>>
    tpu.enqueue_dma source(%arg15 : memref<128x128xf32, #tpu.memory_space<vmem>>) target(%dma_start3A_53 : memref<128x128xf32, #tpu.memory_space<hbm>>) target_semaphore(%arg25 : memref<!tpu.dma_semaphore, #tpu.memory_space<semaphore_mem>>)
    %dma_start3A_54 = arith.constant 0 : i32
    %dma_start3A_55 = tpu.memref_slice %arg8[%add3A_20, %dma_start3A_54] : memref<160000x16xf32, #tpu.memory_space<hbm>> -> memref<128x16xf32, #tpu.memory_space<hbm>>
    %dma_start3A_56 = arith.constant 0 : i32
    %dma_start3A_57 = tpu.memref_slice %arg8[%add3A_20, %dma_start3A_56] : memref<160000x16xf32, #tpu.memory_space<hbm>> -> memref<128x16xf32, #tpu.memory_space<hbm>>
    tpu.enqueue_dma source(%arg17 : memref<128x16xf32, #tpu.memory_space<vmem>>) target(%dma_start3A_57 : memref<128x16xf32, #tpu.memory_space<hbm>>) target_semaphore(%arg25 : memref<!tpu.dma_semaphore, #tpu.memory_space<semaphore_mem>>)
    %dma_wait3A_58 = arith.constant 0 : i32
    %dma_wait3A_59 = arith.constant 0 : i32
    %dma_wait3A_60 = tpu.memref_slice %arg7[%dma_wait3A_58, %dma_wait3A_59] : memref<160000x128xf32, #tpu.memory_space<hbm>> -> memref<128x128xf32, #tpu.memory_space<hbm>>
    %dma_wait3A_61 = arith.constant 0 : i32
    %dma_wait3A_62 = arith.constant 0 : i32
    %dma_wait3A_63 = tpu.memref_slice %arg7[%dma_wait3A_61, %dma_wait3A_62] : memref<160000x128xf32, #tpu.memory_space<hbm>> -> memref<128x128xf32, #tpu.memory_space<hbm>>
    tpu.wait_dma2 semaphore(%arg25 : memref<!tpu.dma_semaphore, #tpu.memory_space<semaphore_mem>>) src(%arg15 : memref<128x128xf32, #tpu.memory_space<vmem>>) dst(%dma_wait3A_63 : memref<128x128xf32, #tpu.memory_space<hbm>>)
    %dma_wait3A_64 = arith.constant 0 : i32
    %dma_wait3A_65 = arith.constant 0 : i32
    %dma_wait3A_66 = tpu.memref_slice %arg8[%dma_wait3A_64, %dma_wait3A_65] : memref<160000x16xf32, #tpu.memory_space<hbm>> -> memref<128x16xf32, #tpu.memory_space<hbm>>
    %dma_wait3A_67 = arith.constant 0 : i32
    %dma_wait3A_68 = arith.constant 0 : i32
    %dma_wait3A_69 = tpu.memref_slice %arg8[%dma_wait3A_67, %dma_wait3A_68] : memref<160000x16xf32, #tpu.memory_space<hbm>> -> memref<128x16xf32, #tpu.memory_space<hbm>>
    tpu.wait_dma2 semaphore(%arg25 : memref<!tpu.dma_semaphore, #tpu.memory_space<semaphore_mem>>) src(%arg17 : memref<128x16xf32, #tpu.memory_space<vmem>>) dst(%dma_wait3A_69 : memref<128x16xf32, #tpu.memory_space<hbm>>)
    %add3A_70 = arith.constant 4992 : i32
    %add3A_71 = arith.addi %mul3A_2, %add3A_70 : i32
    "tpu.region"() ({
      %run_scoped3A = tpu.sem_alloc : memref<!tpu.dma_semaphore, #tpu.memory_space<semaphore_mem>>
      %dma_start3A_126 = tpu.memref_slice %arg2[%add3A_71] : memref<160000xi32, #tpu.memory_space<hbm>> -> memref<8xi32, #tpu.memory_space<hbm>>
      %dma_start3A_127 = tpu.memref_slice %arg2[%add3A_71] : memref<160000xi32, #tpu.memory_space<hbm>> -> memref<8xi32, #tpu.memory_space<hbm>>
      tpu.enqueue_dma source(%dma_start3A_127 : memref<8xi32, #tpu.memory_space<hbm>>) target(%arg13 : memref<8xi32, #tpu.memory_space<vmem>>) target_semaphore(%run_scoped3A : memref<!tpu.dma_semaphore, #tpu.memory_space<semaphore_mem>>)
      %dma_wait3A_128 = tpu.memref_slice %arg2[%add3A_71] : memref<160000xi32, #tpu.memory_space<hbm>> -> memref<8xi32, #tpu.memory_space<hbm>>
      %dma_wait3A_129 = tpu.memref_slice %arg2[%add3A_71] : memref<160000xi32, #tpu.memory_space<hbm>> -> memref<8xi32, #tpu.memory_space<hbm>>
      tpu.wait_dma2 semaphore(%run_scoped3A : memref<!tpu.dma_semaphore, #tpu.memory_space<semaphore_mem>>) src(%dma_wait3A_129 : memref<8xi32, #tpu.memory_space<hbm>>) dst(%arg13 : memref<8xi32, #tpu.memory_space<vmem>>)
      tpu.yield
    }) : () -> ()
    "tpu.region"() ({
      %run_scoped3A = tpu.sem_alloc : memref<!tpu.dma_semaphore, #tpu.memory_space<semaphore_mem>>
      %dma_start3A_126 = tpu.memref_slice %arg3[%add3A_71] : memref<160000xi32, #tpu.memory_space<hbm>> -> memref<8xi32, #tpu.memory_space<hbm>>
      %dma_start3A_127 = tpu.memref_slice %arg3[%add3A_71] : memref<160000xi32, #tpu.memory_space<hbm>> -> memref<8xi32, #tpu.memory_space<hbm>>
      tpu.enqueue_dma source(%dma_start3A_127 : memref<8xi32, #tpu.memory_space<hbm>>) target(%arg14 : memref<8xi32, #tpu.memory_space<vmem>>) target_semaphore(%run_scoped3A : memref<!tpu.dma_semaphore, #tpu.memory_space<semaphore_mem>>)
      %dma_wait3A_128 = tpu.memref_slice %arg3[%add3A_71] : memref<160000xi32, #tpu.memory_space<hbm>> -> memref<8xi32, #tpu.memory_space<hbm>>
      %dma_wait3A_129 = tpu.memref_slice %arg3[%add3A_71] : memref<160000xi32, #tpu.memory_space<hbm>> -> memref<8xi32, #tpu.memory_space<hbm>>
      tpu.wait_dma2 semaphore(%run_scoped3A : memref<!tpu.dma_semaphore, #tpu.memory_space<semaphore_mem>>) src(%dma_wait3A_129 : memref<8xi32, #tpu.memory_space<hbm>>) dst(%arg14 : memref<8xi32, #tpu.memory_space<vmem>>)
      tpu.yield
    }) : () -> ()
    %dma_start3A_72 = arith.constant 0 : i32
    %dma_start3A_73 = arith.constant 0 : i32
    %dma_start3A_74 = tpu.memref_slice %arg15[%dma_start3A_72, %dma_start3A_73] : memref<128x128xf32, #tpu.memory_space<vmem>> -> memref<8x128xf32, #tpu.memory_space<vmem>>
    %dma_start3A_75 = arith.constant 0 : i32
    %dma_start3A_76 = arith.constant 0 : i32
    %dma_start3A_77 = tpu.memref_slice %arg4[%dma_start3A_75, %dma_start3A_76] : memref<10000x128xf32, #tpu.memory_space<hbm>> -> memref<10000x128xf32, #tpu.memory_space<hbm>>
    tpu.enqueue_indirect_dma source(%dma_start3A_77 : memref<10000x128xf32, #tpu.memory_space<hbm>>) target(%dma_start3A_74 : memref<8x128xf32, #tpu.memory_space<vmem>>) offsets(%arg13 : memref<8xi32, #tpu.memory_space<vmem>>) semaphore(%arg23 : memref<!tpu.dma_semaphore, #tpu.memory_space<semaphore_mem>>)
    %dma_wait3A_78 = arith.constant 0 : i32
    %dma_wait3A_79 = arith.constant 0 : i32
    %dma_wait3A_80 = tpu.memref_slice %arg15[%dma_wait3A_78, %dma_wait3A_79] : memref<128x128xf32, #tpu.memory_space<vmem>> -> memref<8x128xf32, #tpu.memory_space<vmem>>
    %dma_wait3A_81 = arith.constant 0 : i32
    %dma_wait3A_82 = arith.constant 0 : i32
    %dma_wait3A_83 = tpu.memref_slice %arg4[%dma_wait3A_81, %dma_wait3A_82] : memref<10000x128xf32, #tpu.memory_space<hbm>> -> memref<10000x128xf32, #tpu.memory_space<hbm>>
    tpu.wait_indirect_dma semaphore(%arg23 : memref<!tpu.dma_semaphore, #tpu.memory_space<semaphore_mem>>) src(%dma_wait3A_83 : memref<10000x128xf32, #tpu.memory_space<hbm>>) dst(%dma_wait3A_80 : memref<8x128xf32, #tpu.memory_space<vmem>>)
    %dma_start3A_84 = arith.constant 0 : i32
    %dma_start3A_85 = arith.constant 0 : i32
    %dma_start3A_86 = tpu.memref_slice %arg16[%dma_start3A_84, %dma_start3A_85] : memref<128x128xf32, #tpu.memory_space<vmem>> -> memref<8x128xf32, #tpu.memory_space<vmem>>
    %dma_start3A_87 = arith.constant 0 : i32
    %dma_start3A_88 = arith.constant 0 : i32
    %dma_start3A_89 = tpu.memref_slice %arg5[%dma_start3A_87, %dma_start3A_88] : memref<10000x128xf32, #tpu.memory_space<hbm>> -> memref<10000x128xf32, #tpu.memory_space<hbm>>
    tpu.enqueue_indirect_dma source(%dma_start3A_89 : memref<10000x128xf32, #tpu.memory_space<hbm>>) target(%dma_start3A_86 : memref<8x128xf32, #tpu.memory_space<vmem>>) offsets(%arg14 : memref<8xi32, #tpu.memory_space<vmem>>) semaphore(%arg23 : memref<!tpu.dma_semaphore, #tpu.memory_space<semaphore_mem>>)
    %dma_wait3A_90 = arith.constant 0 : i32
    %dma_wait3A_91 = arith.constant 0 : i32
    %dma_wait3A_92 = tpu.memref_slice %arg16[%dma_wait3A_90, %dma_wait3A_91] : memref<128x128xf32, #tpu.memory_space<vmem>> -> memref<8x128xf32, #tpu.memory_space<vmem>>
    %dma_wait3A_93 = arith.constant 0 : i32
    %dma_wait3A_94 = arith.constant 0 : i32
    %dma_wait3A_95 = tpu.memref_slice %arg5[%dma_wait3A_93, %dma_wait3A_94] : memref<10000x128xf32, #tpu.memory_space<hbm>> -> memref<10000x128xf32, #tpu.memory_space<hbm>>
    tpu.wait_indirect_dma semaphore(%arg23 : memref<!tpu.dma_semaphore, #tpu.memory_space<semaphore_mem>>) src(%dma_wait3A_95 : memref<10000x128xf32, #tpu.memory_space<hbm>>) dst(%dma_wait3A_92 : memref<8x128xf32, #tpu.memory_space<vmem>>)
    %dma_start3A_96 = arith.constant 0 : i32
    %dma_start3A_97 = arith.constant 0 : i32
    %dma_start3A_98 = tpu.memref_slice %arg17[%dma_start3A_96, %dma_start3A_97] : memref<128x16xf32, #tpu.memory_space<vmem>> -> memref<8x16xf32, #tpu.memory_space<vmem>>
    %dma_start3A_99 = arith.constant 0 : i32
    %dma_start3A_100 = arith.constant 0 : i32
    %dma_start3A_101 = tpu.memref_slice %arg6[%dma_start3A_99, %dma_start3A_100] : memref<10000x16xf32, #tpu.memory_space<hbm>> -> memref<10000x16xf32, #tpu.memory_space<hbm>>
    tpu.enqueue_indirect_dma source(%dma_start3A_101 : memref<10000x16xf32, #tpu.memory_space<hbm>>) target(%dma_start3A_98 : memref<8x16xf32, #tpu.memory_space<vmem>>) offsets(%arg13 : memref<8xi32, #tpu.memory_space<vmem>>) semaphore(%arg23 : memref<!tpu.dma_semaphore, #tpu.memory_space<semaphore_mem>>)
    %dma_wait3A_102 = arith.constant 0 : i32
    %dma_wait3A_103 = arith.constant 0 : i32
    %dma_wait3A_104 = tpu.memref_slice %arg17[%dma_wait3A_102, %dma_wait3A_103] : memref<128x16xf32, #tpu.memory_space<vmem>> -> memref<8x16xf32, #tpu.memory_space<vmem>>
    %dma_wait3A_105 = arith.constant 0 : i32
    %dma_wait3A_106 = arith.constant 0 : i32
    %dma_wait3A_107 = tpu.memref_slice %arg6[%dma_wait3A_105, %dma_wait3A_106] : memref<10000x16xf32, #tpu.memory_space<hbm>> -> memref<10000x16xf32, #tpu.memory_space<hbm>>
    tpu.wait_indirect_dma semaphore(%arg23 : memref<!tpu.dma_semaphore, #tpu.memory_space<semaphore_mem>>) src(%dma_wait3A_107 : memref<10000x16xf32, #tpu.memory_space<hbm>>) dst(%dma_wait3A_104 : memref<8x16xf32, #tpu.memory_space<vmem>>)
    %dma_start3A_108 = arith.constant 0 : i32
    %dma_start3A_109 = arith.constant 0 : i32
    %dma_start3A_110 = tpu.memref_slice %arg18[%dma_start3A_108, %dma_start3A_109] : memref<128x16xf32, #tpu.memory_space<vmem>> -> memref<8x16xf32, #tpu.memory_space<vmem>>
    %dma_start3A_111 = arith.constant 0 : i32
    %dma_start3A_112 = arith.constant 0 : i32
    %dma_start3A_113 = tpu.memref_slice %arg6[%dma_start3A_111, %dma_start3A_112] : memref<10000x16xf32, #tpu.memory_space<hbm>> -> memref<10000x16xf32, #tpu.memory_space<hbm>>
    tpu.enqueue_indirect_dma source(%dma_start3A_113 : memref<10000x16xf32, #tpu.memory_space<hbm>>) target(%dma_start3A_110 : memref<8x16xf32, #tpu.memory_space<vmem>>) offsets(%arg14 : memref<8xi32, #tpu.memory_space<vmem>>) semaphore(%arg23 : memref<!tpu.dma_semaphore, #tpu.memory_space<semaphore_mem>>)
    %dma_wait3A_114 = arith.constant 0 : i32
    %dma_wait3A_115 = arith.constant 0 : i32
    %dma_wait3A_116 = tpu.memref_slice %arg18[%dma_wait3A_114, %dma_wait3A_115] : memref<128x16xf32, #tpu.memory_space<vmem>> -> memref<8x16xf32, #tpu.memory_space<vmem>>
    %dma_wait3A_117 = arith.constant 0 : i32
    %dma_wait3A_118 = arith.constant 0 : i32
    %dma_wait3A_119 = tpu.memref_slice %arg6[%dma_wait3A_117, %dma_wait3A_118] : memref<10000x16xf32, #tpu.memory_space<hbm>> -> memref<10000x16xf32, #tpu.memory_space<hbm>>
    tpu.wait_indirect_dma semaphore(%arg23 : memref<!tpu.dma_semaphore, #tpu.memory_space<semaphore_mem>>) src(%dma_wait3A_119 : memref<10000x16xf32, #tpu.memory_space<hbm>>) dst(%dma_wait3A_116 : memref<8x16xf32, #tpu.memory_space<vmem>>)
    %scan3A_120 = arith.constant 0 : i32
    %scan3A_121 = arith.constant 0 : i32
    %scan3A_122 = arith.constant 8 : i32
    %scan3A_123 = arith.addi %scan3A_121, %scan3A_122 : i32
    %scan3A_124 = arith.constant 1 : i32
    scf.for %scan3A_126 = %scan3A_121 to %scan3A_123 step %scan3A_124  : i32 {
      %get3A = arith.index_cast %scan3A_126 : i32 to index
      %get3A_127 = arith.constant 0 : index
      %get3A_128 = tpu.vector_load %arg15[%get3A, %get3A_127] {strides = array<i32>} : memref<128x128xf32, #tpu.memory_space<vmem>>, vector<1x16xf32>,
      %get3A_129 = vector.shape_cast %get3A_128 : vector<1x16xf32> to vector<16xf32>
      %get3A_130 = arith.index_cast %scan3A_126 : i32 to index
      %get3A_131 = arith.constant 0 : index
      %get3A_132 = tpu.vector_load %arg16[%get3A_130, %get3A_131] {strides = array<i32>} : memref<128x128xf32, #tpu.memory_space<vmem>>, vector<1x16xf32>,
      %get3A_133 = vector.shape_cast %get3A_132 : vector<1x16xf32> to vector<16xf32>
      %add3A_134 = arith.addf %get3A_129, %get3A_133 : vector<16xf32>
      %swap3A = arith.index_cast %scan3A_126 : i32 to index
      %swap3A_135 = arith.constant 0 : index
      %swap3A_136 = tpu.vector_load %arg15[%swap3A, %swap3A_135] {strides = array<i32>} : memref<128x128xf32, #tpu.memory_space<vmem>>, vector<1x16xf32>,
      %swap3A_137 = vector.shape_cast %swap3A_136 : vector<1x16xf32> to vector<16xf32>
      %swap3A_138 = vector.shape_cast %add3A_134 : vector<16xf32> to vector<1x16xf32>
      tpu.vector_store %arg15[%swap3A, %swap3A_135], %swap3A_138 {strides = array<i32>} : memref<128x128xf32, #tpu.memory_space<vmem>>, vector<1x16xf32>,
      %get3A_139 = arith.index_cast %scan3A_126 : i32 to index
      %get3A_140 = arith.constant 16 : index
      %get3A_141 = tpu.vector_load %arg15[%get3A_139, %get3A_140] {strides = array<i32>} : memref<128x128xf32, #tpu.memory_space<vmem>>, vector<1x16xf32>,
      %get3A_142 = vector.shape_cast %get3A_141 : vector<1x16xf32> to vector<16xf32>
      %get3A_143 = arith.index_cast %scan3A_126 : i32 to index
      %get3A_144 = arith.constant 16 : index
      %get3A_145 = tpu.vector_load %arg16[%get3A_143, %get3A_144] {strides = array<i32>} : memref<128x128xf32, #tpu.memory_space<vmem>>, vector<1x16xf32>,
      %get3A_146 = vector.shape_cast %get3A_145 : vector<1x16xf32> to vector<16xf32>
      %add3A_147 = arith.addf %get3A_142, %get3A_146 : vector<16xf32>
      %swap3A_148 = arith.index_cast %scan3A_126 : i32 to index
      %swap3A_149 = arith.constant 16 : index
      %swap3A_150 = tpu.vector_load %arg15[%swap3A_148, %swap3A_149] {strides = array<i32>} : memref<128x128xf32, #tpu.memory_space<vmem>>, vector<1x16xf32>,
      %swap3A_151 = vector.shape_cast %swap3A_150 : vector<1x16xf32> to vector<16xf32>
      %swap3A_152 = vector.shape_cast %add3A_147 : vector<16xf32> to vector<1x16xf32>
      tpu.vector_store %arg15[%swap3A_148, %swap3A_149], %swap3A_152 {strides = array<i32>} : memref<128x128xf32, #tpu.memory_space<vmem>>, vector<1x16xf32>,
      %get3A_153 = arith.index_cast %scan3A_126 : i32 to index
      %get3A_154 = arith.constant 32 : index
      %get3A_155 = tpu.vector_load %arg15[%get3A_153, %get3A_154] {strides = array<i32>} : memref<128x128xf32, #tpu.memory_space<vmem>>, vector<1x16xf32>,
      %get3A_156 = vector.shape_cast %get3A_155 : vector<1x16xf32> to vector<16xf32>
      %get3A_157 = arith.index_cast %scan3A_126 : i32 to index
      %get3A_158 = arith.constant 32 : index
      %get3A_159 = tpu.vector_load %arg16[%get3A_157, %get3A_158] {strides = array<i32>} : memref<128x128xf32, #tpu.memory_space<vmem>>, vector<1x16xf32>,
      %get3A_160 = vector.shape_cast %get3A_159 : vector<1x16xf32> to vector<16xf32>
      %add3A_161 = arith.addf %get3A_156, %get3A_160 : vector<16xf32>
      %swap3A_162 = arith.index_cast %scan3A_126 : i32 to index
      %swap3A_163 = arith.constant 32 : index
      %swap3A_164 = tpu.vector_load %arg15[%swap3A_162, %swap3A_163] {strides = array<i32>} : memref<128x128xf32, #tpu.memory_space<vmem>>, vector<1x16xf32>,
      %swap3A_165 = vector.shape_cast %swap3A_164 : vector<1x16xf32> to vector<16xf32>
      %swap3A_166 = vector.shape_cast %add3A_161 : vector<16xf32> to vector<1x16xf32>
      tpu.vector_store %arg15[%swap3A_162, %swap3A_163], %swap3A_166 {strides = array<i32>} : memref<128x128xf32, #tpu.memory_space<vmem>>, vector<1x16xf32>,
      %get3A_167 = arith.index_cast %scan3A_126 : i32 to index
      %get3A_168 = arith.constant 48 : index
      %get3A_169 = tpu.vector_load %arg15[%get3A_167, %get3A_168] {strides = array<i32>} : memref<128x128xf32, #tpu.memory_space<vmem>>, vector<1x16xf32>,
      %get3A_170 = vector.shape_cast %get3A_169 : vector<1x16xf32> to vector<16xf32>
      %get3A_171 = arith.index_cast %scan3A_126 : i32 to index
      %get3A_172 = arith.constant 48 : index
      %get3A_173 = tpu.vector_load %arg16[%get3A_171, %get3A_172] {strides = array<i32>} : memref<128x128xf32, #tpu.memory_space<vmem>>, vector<1x16xf32>,
      %get3A_174 = vector.shape_cast %get3A_173 : vector<1x16xf32> to vector<16xf32>
      %add3A_175 = arith.addf %get3A_170, %get3A_174 : vector<16xf32>
      %swap3A_176 = arith.index_cast %scan3A_126 : i32 to index
      %swap3A_177 = arith.constant 48 : index
      %swap3A_178 = tpu.vector_load %arg15[%swap3A_176, %swap3A_177] {strides = array<i32>} : memref<128x128xf32, #tpu.memory_space<vmem>>, vector<1x16xf32>,
      %swap3A_179 = vector.shape_cast %swap3A_178 : vector<1x16xf32> to vector<16xf32>
      %swap3A_180 = vector.shape_cast %add3A_175 : vector<16xf32> to vector<1x16xf32>
      tpu.vector_store %arg15[%swap3A_176, %swap3A_177], %swap3A_180 {strides = array<i32>} : memref<128x128xf32, #tpu.memory_space<vmem>>, vector<1x16xf32>,
      %get3A_181 = arith.index_cast %scan3A_126 : i32 to index
      %get3A_182 = arith.constant 64 : index
      %get3A_183 = tpu.vector_load %arg15[%get3A_181, %get3A_182] {strides = array<i32>} : memref<128x128xf32, #tpu.memory_space<vmem>>, vector<1x16xf32>,
      %get3A_184 = vector.shape_cast %get3A_183 : vector<1x16xf32> to vector<16xf32>
      %get3A_185 = arith.index_cast %scan3A_126 : i32 to index
      %get3A_186 = arith.constant 64 : index
      %get3A_187 = tpu.vector_load %arg16[%get3A_185, %get3A_186] {strides = array<i32>} : memref<128x128xf32, #tpu.memory_space<vmem>>, vector<1x16xf32>,
      %get3A_188 = vector.shape_cast %get3A_187 : vector<1x16xf32> to vector<16xf32>
      %add3A_189 = arith.addf %get3A_184, %get3A_188 : vector<16xf32>
      %swap3A_190 = arith.index_cast %scan3A_126 : i32 to index
      %swap3A_191 = arith.constant 64 : index
      %swap3A_192 = tpu.vector_load %arg15[%swap3A_190, %swap3A_191] {strides = array<i32>} : memref<128x128xf32, #tpu.memory_space<vmem>>, vector<1x16xf32>,
      %swap3A_193 = vector.shape_cast %swap3A_192 : vector<1x16xf32> to vector<16xf32>
      %swap3A_194 = vector.shape_cast %add3A_189 : vector<16xf32> to vector<1x16xf32>
      tpu.vector_store %arg15[%swap3A_190, %swap3A_191], %swap3A_194 {strides = array<i32>} : memref<128x128xf32, #tpu.memory_space<vmem>>, vector<1x16xf32>,
      %get3A_195 = arith.index_cast %scan3A_126 : i32 to index
      %get3A_196 = arith.constant 80 : index
      %get3A_197 = tpu.vector_load %arg15[%get3A_195, %get3A_196] {strides = array<i32>} : memref<128x128xf32, #tpu.memory_space<vmem>>, vector<1x16xf32>,
      %get3A_198 = vector.shape_cast %get3A_197 : vector<1x16xf32> to vector<16xf32>
      %get3A_199 = arith.index_cast %scan3A_126 : i32 to index
      %get3A_200 = arith.constant 80 : index
      %get3A_201 = tpu.vector_load %arg16[%get3A_199, %get3A_200] {strides = array<i32>} : memref<128x128xf32, #tpu.memory_space<vmem>>, vector<1x16xf32>,
      %get3A_202 = vector.shape_cast %get3A_201 : vector<1x16xf32> to vector<16xf32>
      %add3A_203 = arith.addf %get3A_198, %get3A_202 : vector<16xf32>
      %swap3A_204 = arith.index_cast %scan3A_126 : i32 to index
      %swap3A_205 = arith.constant 80 : index
      %swap3A_206 = tpu.vector_load %arg15[%swap3A_204, %swap3A_205] {strides = array<i32>} : memref<128x128xf32, #tpu.memory_space<vmem>>, vector<1x16xf32>,
      %swap3A_207 = vector.shape_cast %swap3A_206 : vector<1x16xf32> to vector<16xf32>
      %swap3A_208 = vector.shape_cast %add3A_203 : vector<16xf32> to vector<1x16xf32>
      tpu.vector_store %arg15[%swap3A_204, %swap3A_205], %swap3A_208 {strides = array<i32>} : memref<128x128xf32, #tpu.memory_space<vmem>>, vector<1x16xf32>,
      %get3A_209 = arith.index_cast %scan3A_126 : i32 to index
      %get3A_210 = arith.constant 96 : index
      %get3A_211 = tpu.vector_load %arg15[%get3A_209, %get3A_210] {strides = array<i32>} : memref<128x128xf32, #tpu.memory_space<vmem>>, vector<1x16xf32>,
      %get3A_212 = vector.shape_cast %get3A_211 : vector<1x16xf32> to vector<16xf32>
      %get3A_213 = arith.index_cast %scan3A_126 : i32 to index
      %get3A_214 = arith.constant 96 : index
      %get3A_215 = tpu.vector_load %arg16[%get3A_213, %get3A_214] {strides = array<i32>} : memref<128x128xf32, #tpu.memory_space<vmem>>, vector<1x16xf32>,
      %get3A_216 = vector.shape_cast %get3A_215 : vector<1x16xf32> to vector<16xf32>
      %add3A_217 = arith.addf %get3A_212, %get3A_216 : vector<16xf32>
      %swap3A_218 = arith.index_cast %scan3A_126 : i32 to index
      %swap3A_219 = arith.constant 96 : index
      %swap3A_220 = tpu.vector_load %arg15[%swap3A_218, %swap3A_219] {strides = array<i32>} : memref<128x128xf32, #tpu.memory_space<vmem>>, vector<1x16xf32>,
      %swap3A_221 = vector.shape_cast %swap3A_220 : vector<1x16xf32> to vector<16xf32>
      %swap3A_222 = vector.shape_cast %add3A_217 : vector<16xf32> to vector<1x16xf32>
      tpu.vector_store %arg15[%swap3A_218, %swap3A_219], %swap3A_222 {strides = array<i32>} : memref<128x128xf32, #tpu.memory_space<vmem>>, vector<1x16xf32>,
      %get3A_223 = arith.index_cast %scan3A_126 : i32 to index
      %get3A_224 = arith.constant 112 : index
      %get3A_225 = tpu.vector_load %arg15[%get3A_223, %get3A_224] {strides = array<i32>} : memref<128x128xf32, #tpu.memory_space<vmem>>, vector<1x16xf32>,
      %get3A_226 = vector.shape_cast %get3A_225 : vector<1x16xf32> to vector<16xf32>
      %get3A_227 = arith.index_cast %scan3A_126 : i32 to index
      %get3A_228 = arith.constant 112 : index
      %get3A_229 = tpu.vector_load %arg16[%get3A_227, %get3A_228] {strides = array<i32>} : memref<128x128xf32, #tpu.memory_space<vmem>>, vector<1x16xf32>,
      %get3A_230 = vector.shape_cast %get3A_229 : vector<1x16xf32> to vector<16xf32>
      %add3A_231 = arith.addf %get3A_226, %get3A_230 : vector<16xf32>
      %swap3A_232 = arith.index_cast %scan3A_126 : i32 to index
      %swap3A_233 = arith.constant 112 : index
      %swap3A_234 = tpu.vector_load %arg15[%swap3A_232, %swap3A_233] {strides = array<i32>} : memref<128x128xf32, #tpu.memory_space<vmem>>, vector<1x16xf32>,
      %swap3A_235 = vector.shape_cast %swap3A_234 : vector<1x16xf32> to vector<16xf32>
      %swap3A_236 = vector.shape_cast %add3A_231 : vector<16xf32> to vector<1x16xf32>
      tpu.vector_store %arg15[%swap3A_232, %swap3A_233], %swap3A_236 {strides = array<i32>} : memref<128x128xf32, #tpu.memory_space<vmem>>, vector<1x16xf32>,
      %get3A_237 = arith.index_cast %scan3A_126 : i32 to index
      %get3A_238 = arith.constant 0 : index
      %get3A_239 = tpu.vector_load %arg17[%get3A_237, %get3A_238] {strides = array<i32>} : memref<128x16xf32, #tpu.memory_space<vmem>>, vector<1x16xf32>,
      %get3A_240 = vector.shape_cast %get3A_239 : vector<1x16xf32> to vector<16xf32>
      %get3A_241 = arith.index_cast %scan3A_126 : i32 to index
      %get3A_242 = arith.constant 0 : index
      %get3A_243 = tpu.vector_load %arg18[%get3A_241, %get3A_242] {strides = array<i32>} : memref<128x16xf32, #tpu.memory_space<vmem>>, vector<1x16xf32>,
      %get3A_244 = vector.shape_cast %get3A_243 : vector<1x16xf32> to vector<16xf32>
      %sub3A = arith.subf %get3A_240, %get3A_244 : vector<16xf32>
      %swap3A_245 = arith.index_cast %scan3A_126 : i32 to index
      %swap3A_246 = arith.constant 0 : index
      %swap3A_247 = tpu.vector_load %arg17[%swap3A_245, %swap3A_246] {strides = array<i32>} : memref<128x16xf32, #tpu.memory_space<vmem>>, vector<1x16xf32>,
      %swap3A_248 = vector.shape_cast %swap3A_247 : vector<1x16xf32> to vector<16xf32>
      %swap3A_249 = vector.shape_cast %sub3A : vector<16xf32> to vector<1x16xf32>
      tpu.vector_store %arg17[%swap3A_245, %swap3A_246], %swap3A_249 {strides = array<i32>} : memref<128x16xf32, #tpu.memory_space<vmem>>, vector<1x16xf32>,
    }
    %scan3A_125 = arith.constant 8 : i32
    "tpu.region"() ({
      %run_scoped3A = tpu.sem_alloc : memref<!tpu.dma_semaphore, #tpu.memory_space<semaphore_mem>>
      %dma_start3A_126 = arith.constant 0 : i32
      %dma_start3A_127 = arith.constant 0 : i32
      %dma_start3A_128 = tpu.memref_slice %arg15[%dma_start3A_126, %dma_start3A_127] : memref<128x128xf32, #tpu.memory_space<vmem>> -> memref<8x128xf32, #tpu.memory_space<vmem>>
      %dma_start3A_129 = arith.constant 0 : i32
      %dma_start3A_130 = tpu.memref_slice %arg7[%add3A_71, %dma_start3A_129] : memref<160000x128xf32, #tpu.memory_space<hbm>> -> memref<8x128xf32, #tpu.memory_space<hbm>>
      %dma_start3A_131 = arith.constant 0 : i32
      %dma_start3A_132 = tpu.memref_slice %arg7[%add3A_71, %dma_start3A_131] : memref<160000x128xf32, #tpu.memory_space<hbm>> -> memref<8x128xf32, #tpu.memory_space<hbm>>
      %dma_start3A_133 = arith.constant 0 : i32
      %dma_start3A_134 = arith.constant 0 : i32
      %dma_start3A_135 = tpu.memref_slice %arg15[%dma_start3A_133, %dma_start3A_134] : memref<128x128xf32, #tpu.memory_space<vmem>> -> memref<8x128xf32, #tpu.memory_space<vmem>>
      tpu.enqueue_dma source(%dma_start3A_135 : memref<8x128xf32, #tpu.memory_space<vmem>>) target(%dma_start3A_132 : memref<8x128xf32, #tpu.memory_space<hbm>>) target_semaphore(%run_scoped3A : memref<!tpu.dma_semaphore, #tpu.memory_space<semaphore_mem>>)
      %dma_wait3A_136 = arith.constant 0 : i32
      %dma_wait3A_137 = arith.constant 0 : i32
      %dma_wait3A_138 = tpu.memref_slice %arg15[%dma_wait3A_136, %dma_wait3A_137] : memref<128x128xf32, #tpu.memory_space<vmem>> -> memref<8x128xf32, #tpu.memory_space<vmem>>
      %dma_wait3A_139 = arith.constant 0 : i32
      %dma_wait3A_140 = tpu.memref_slice %arg7[%add3A_71, %dma_wait3A_139] : memref<160000x128xf32, #tpu.memory_space<hbm>> -> memref<8x128xf32, #tpu.memory_space<hbm>>
      %dma_wait3A_141 = arith.constant 0 : i32
      %dma_wait3A_142 = tpu.memref_slice %arg7[%add3A_71, %dma_wait3A_141] : memref<160000x128xf32, #tpu.memory_space<hbm>> -> memref<8x128xf32, #tpu.memory_space<hbm>>
      %dma_wait3A_143 = arith.constant 0 : i32
      %dma_wait3A_144 = arith.constant 0 : i32
      %dma_wait3A_145 = tpu.memref_slice %arg15[%dma_wait3A_143, %dma_wait3A_144] : memref<128x128xf32, #tpu.memory_space<vmem>> -> memref<8x128xf32, #tpu.memory_space<vmem>>
      tpu.wait_dma2 semaphore(%run_scoped3A : memref<!tpu.dma_semaphore, #tpu.memory_space<semaphore_mem>>) src(%dma_wait3A_145 : memref<8x128xf32, #tpu.memory_space<vmem>>) dst(%dma_wait3A_142 : memref<8x128xf32, #tpu.memory_space<hbm>>)
      tpu.yield
    }) : () -> ()
    "tpu.region"() ({
      %run_scoped3A = tpu.sem_alloc : memref<!tpu.dma_semaphore, #tpu.memory_space<semaphore_mem>>
      %dma_start3A_126 = arith.constant 0 : i32
      %dma_start3A_127 = arith.constant 0 : i32
      %dma_start3A_128 = tpu.memref_slice %arg17[%dma_start3A_126, %dma_start3A_127] : memref<128x16xf32, #tpu.memory_space<vmem>> -> memref<8x16xf32, #tpu.memory_space<vmem>>
      %dma_start3A_129 = arith.constant 0 : i32
      %dma_start3A_130 = tpu.memref_slice %arg8[%add3A_71, %dma_start3A_129] : memref<160000x16xf32, #tpu.memory_space<hbm>> -> memref<8x16xf32, #tpu.memory_space<hbm>>
      %dma_start3A_131 = arith.constant 0 : i32
      %dma_start3A_132 = tpu.memref_slice %arg8[%add3A_71, %dma_start3A_131] : memref<160000x16xf32, #tpu.memory_space<hbm>> -> memref<8x16xf32, #tpu.memory_space<hbm>>
      %dma_start3A_133 = arith.constant 0 : i32
      %dma_start3A_134 = arith.constant 0 : i32
      %dma_start3A_135 = tpu.memref_slice %arg17[%dma_start3A_133, %dma_start3A_134] : memref<128x16xf32, #tpu.memory_space<vmem>> -> memref<8x16xf32, #tpu.memory_space<vmem>>
      tpu.enqueue_dma source(%dma_start3A_135 : memref<8x16xf32, #tpu.memory_space<vmem>>) target(%dma_start3A_132 : memref<8x16xf32, #tpu.memory_space<hbm>>) target_semaphore(%run_scoped3A : memref<!tpu.dma_semaphore, #tpu.memory_space<semaphore_mem>>)
      %dma_wait3A_136 = arith.constant 0 : i32
      %dma_wait3A_137 = arith.constant 0 : i32
      %dma_wait3A_138 = tpu.memref_slice %arg17[%dma_wait3A_136, %dma_wait3A_137] : memref<128x16xf32, #tpu.memory_space<vmem>> -> memref<8x16xf32, #tpu.memory_space<vmem>>
      %dma_wait3A_139 = arith.constant 0 : i32
      %dma_wait3A_140 = tpu.memref_slice %arg8[%add3A_71, %dma_wait3A_139] : memref<160000x16xf32, #tpu.memory_space<hbm>> -> memref<8x16xf32, #tpu.memory_space<hbm>>
      %dma_wait3A_141 = arith.constant 0 : i32
      %dma_wait3A_142 = tpu.memref_slice %arg8[%add3A_71, %dma_wait3A_141] : memref<160000x16xf32, #tpu.memory_space<hbm>> -> memref<8x16xf32, #tpu.memory_space<hbm>>
      %dma_wait3A_143 = arith.constant 0 : i32
      %dma_wait3A_144 = arith.constant 0 : i32
      %dma_wait3A_145 = tpu.memref_slice %arg17[%dma_wait3A_143, %dma_wait3A_144] : memref<128x16xf32, #tpu.memory_space<vmem>> -> memref<8x16xf32, #tpu.memory_space<vmem>>
      tpu.wait_dma2 semaphore(%run_scoped3A : memref<!tpu.dma_semaphore, #tpu.memory_space<semaphore_mem>>) src(%dma_wait3A_145 : memref<8x16xf32, #tpu.memory_space<vmem>>) dst(%dma_wait3A_142 : memref<8x16xf32, #tpu.memory_space<hbm>>)
      tpu.yield
    }) : () -> ()
    return
  }
}

#map = affine_map<(d0, d1) -> (0)>
#map1 = affine_map<(d0, d1) -> (0, 0)>
#map2 = affine_map<(d0, d1) -> (0, 0, 0)>
module attributes {stable_mosaic.version = 14 : i64} {
  func.func @_scatter_body(%arg0: i32, %arg1: i32, %arg2: memref<160000xi32, #tpu.memory_space<hbm>>, %arg3: memref<160000x128xf32, #tpu.memory_space<hbm>>, %arg4: memref<160000x16xf32, #tpu.memory_space<hbm>>, %arg5: memref<2x10240x128xf32, #tpu.memory_space<hbm>>, %arg6: memref<2x10240x16xf32, #tpu.memory_space<hbm>>, %arg7: memref<128xi32, #tpu.memory_space<vmem>>, %arg8: memref<8xi32, #tpu.memory_space<vmem>>, %arg9: memref<128x128xf32, #tpu.memory_space<vmem>>, %arg10: memref<128x16xf32, #tpu.memory_space<vmem>>, %arg11: memref<128xi32, #tpu.memory_space<vmem>>, %arg12: memref<128x128xf32, #tpu.memory_space<vmem>>, %arg13: memref<128x16xf32, #tpu.memory_space<vmem>>, %arg14: memref<!tpu.dma_semaphore, #tpu.memory_space<semaphore_mem>>, %arg15: memref<!tpu.dma_semaphore, #tpu.memory_space<semaphore_mem>>, %arg16: memref<10240x128xf32, #tpu.memory_space<vmem_shared>>, %arg17: memref<10240x16xf32, #tpu.memory_space<vmem_shared>>) attributes {dimension_semantics = [#tpu.dimension_semantics<core_parallel>, #tpu.dimension_semantics<subcore_parallel>], iteration_bounds = array<i64: 2, 16>, scalar_prefetch = 0 : i64, scratch_operands = 11 : i64, tpu.core_type = #tpu.core_type<sc_vector_subcore>, window_params = [{transform_indices = #map}, {transform_indices = #map1}, {transform_indices = #map1}, {transform_indices = #map2}, {transform_indices = #map2}]} {
    %mul3A = arith.constant 2 : i32
    %mul3A_0 = arith.muli %arg1, %mul3A : i32
    %add3A = arith.addi %mul3A_0, %arg0 : i32
    %mul3A_1 = arith.constant 5000 : i32
    %mul3A_2 = arith.muli %add3A, %mul3A_1 : i32
    %mul3A_3 = arith.constant 640 : i32
    %mul3A_4 = arith.muli %arg1, %mul3A_3 : i32
    %broadcast_in_dim3A = arith.constant 0.000000e+00 : f32
    %broadcast_in_dim3A_5 = vector.broadcast %broadcast_in_dim3A : f32 to vector<16xf32>
    %scan3A = arith.constant 0 : i32
    %scan3A_6 = arith.constant 0 : i32
    %scan3A_7 = arith.constant 128 : i32
    %scan3A_8 = arith.addi %scan3A_6, %scan3A_7 : i32
    %scan3A_9 = arith.constant 1 : i32
    scf.for %scan3A_64 = %scan3A_6 to %scan3A_8 step %scan3A_9  : i32 {
      %swap3A = arith.index_cast %scan3A_64 : i32 to index
      %swap3A_65 = arith.constant 0 : index
      %swap3A_66 = tpu.vector_load %arg9[%swap3A, %swap3A_65] {strides = array<i32>} : memref<128x128xf32, #tpu.memory_space<vmem>>, vector<1x16xf32>,
      %swap3A_67 = vector.shape_cast %swap3A_66 : vector<1x16xf32> to vector<16xf32>
      %swap3A_68 = vector.shape_cast %broadcast_in_dim3A_5 : vector<16xf32> to vector<1x16xf32>
      tpu.vector_store %arg9[%swap3A, %swap3A_65], %swap3A_68 {strides = array<i32>} : memref<128x128xf32, #tpu.memory_space<vmem>>, vector<1x16xf32>,
      %swap3A_69 = arith.index_cast %scan3A_64 : i32 to index
      %swap3A_70 = arith.constant 16 : index
      %swap3A_71 = tpu.vector_load %arg9[%swap3A_69, %swap3A_70] {strides = array<i32>} : memref<128x128xf32, #tpu.memory_space<vmem>>, vector<1x16xf32>,
      %swap3A_72 = vector.shape_cast %swap3A_71 : vector<1x16xf32> to vector<16xf32>
      %swap3A_73 = vector.shape_cast %broadcast_in_dim3A_5 : vector<16xf32> to vector<1x16xf32>
      tpu.vector_store %arg9[%swap3A_69, %swap3A_70], %swap3A_73 {strides = array<i32>} : memref<128x128xf32, #tpu.memory_space<vmem>>, vector<1x16xf32>,
      %swap3A_74 = arith.index_cast %scan3A_64 : i32 to index
      %swap3A_75 = arith.constant 32 : index
      %swap3A_76 = tpu.vector_load %arg9[%swap3A_74, %swap3A_75] {strides = array<i32>} : memref<128x128xf32, #tpu.memory_space<vmem>>, vector<1x16xf32>,
      %swap3A_77 = vector.shape_cast %swap3A_76 : vector<1x16xf32> to vector<16xf32>
      %swap3A_78 = vector.shape_cast %broadcast_in_dim3A_5 : vector<16xf32> to vector<1x16xf32>
      tpu.vector_store %arg9[%swap3A_74, %swap3A_75], %swap3A_78 {strides = array<i32>} : memref<128x128xf32, #tpu.memory_space<vmem>>, vector<1x16xf32>,
      %swap3A_79 = arith.index_cast %scan3A_64 : i32 to index
      %swap3A_80 = arith.constant 48 : index
      %swap3A_81 = tpu.vector_load %arg9[%swap3A_79, %swap3A_80] {strides = array<i32>} : memref<128x128xf32, #tpu.memory_space<vmem>>, vector<1x16xf32>,
      %swap3A_82 = vector.shape_cast %swap3A_81 : vector<1x16xf32> to vector<16xf32>
      %swap3A_83 = vector.shape_cast %broadcast_in_dim3A_5 : vector<16xf32> to vector<1x16xf32>
      tpu.vector_store %arg9[%swap3A_79, %swap3A_80], %swap3A_83 {strides = array<i32>} : memref<128x128xf32, #tpu.memory_space<vmem>>, vector<1x16xf32>,
      %swap3A_84 = arith.index_cast %scan3A_64 : i32 to index
      %swap3A_85 = arith.constant 64 : index
      %swap3A_86 = tpu.vector_load %arg9[%swap3A_84, %swap3A_85] {strides = array<i32>} : memref<128x128xf32, #tpu.memory_space<vmem>>, vector<1x16xf32>,
      %swap3A_87 = vector.shape_cast %swap3A_86 : vector<1x16xf32> to vector<16xf32>
      %swap3A_88 = vector.shape_cast %broadcast_in_dim3A_5 : vector<16xf32> to vector<1x16xf32>
      tpu.vector_store %arg9[%swap3A_84, %swap3A_85], %swap3A_88 {strides = array<i32>} : memref<128x128xf32, #tpu.memory_space<vmem>>, vector<1x16xf32>,
      %swap3A_89 = arith.index_cast %scan3A_64 : i32 to index
      %swap3A_90 = arith.constant 80 : index
      %swap3A_91 = tpu.vector_load %arg9[%swap3A_89, %swap3A_90] {strides = array<i32>} : memref<128x128xf32, #tpu.memory_space<vmem>>, vector<1x16xf32>,
      %swap3A_92 = vector.shape_cast %swap3A_91 : vector<1x16xf32> to vector<16xf32>
      %swap3A_93 = vector.shape_cast %broadcast_in_dim3A_5 : vector<16xf32> to vector<1x16xf32>
      tpu.vector_store %arg9[%swap3A_89, %swap3A_90], %swap3A_93 {strides = array<i32>} : memref<128x128xf32, #tpu.memory_space<vmem>>, vector<1x16xf32>,
      %swap3A_94 = arith.index_cast %scan3A_64 : i32 to index
      %swap3A_95 = arith.constant 96 : index
      %swap3A_96 = tpu.vector_load %arg9[%swap3A_94, %swap3A_95] {strides = array<i32>} : memref<128x128xf32, #tpu.memory_space<vmem>>, vector<1x16xf32>,
      %swap3A_97 = vector.shape_cast %swap3A_96 : vector<1x16xf32> to vector<16xf32>
      %swap3A_98 = vector.shape_cast %broadcast_in_dim3A_5 : vector<16xf32> to vector<1x16xf32>
      tpu.vector_store %arg9[%swap3A_94, %swap3A_95], %swap3A_98 {strides = array<i32>} : memref<128x128xf32, #tpu.memory_space<vmem>>, vector<1x16xf32>,
      %swap3A_99 = arith.index_cast %scan3A_64 : i32 to index
      %swap3A_100 = arith.constant 112 : index
      %swap3A_101 = tpu.vector_load %arg9[%swap3A_99, %swap3A_100] {strides = array<i32>} : memref<128x128xf32, #tpu.memory_space<vmem>>, vector<1x16xf32>,
      %swap3A_102 = vector.shape_cast %swap3A_101 : vector<1x16xf32> to vector<16xf32>
      %swap3A_103 = vector.shape_cast %broadcast_in_dim3A_5 : vector<16xf32> to vector<1x16xf32>
      tpu.vector_store %arg9[%swap3A_99, %swap3A_100], %swap3A_103 {strides = array<i32>} : memref<128x128xf32, #tpu.memory_space<vmem>>, vector<1x16xf32>,
      %swap3A_104 = arith.index_cast %scan3A_64 : i32 to index
      %swap3A_105 = arith.constant 0 : index
      %swap3A_106 = tpu.vector_load %arg10[%swap3A_104, %swap3A_105] {strides = array<i32>} : memref<128x16xf32, #tpu.memory_space<vmem>>, vector<1x16xf32>,
      %swap3A_107 = vector.shape_cast %swap3A_106 : vector<1x16xf32> to vector<16xf32>
      %swap3A_108 = vector.shape_cast %broadcast_in_dim3A_5 : vector<16xf32> to vector<1x16xf32>
      tpu.vector_store %arg10[%swap3A_104, %swap3A_105], %swap3A_108 {strides = array<i32>} : memref<128x16xf32, #tpu.memory_space<vmem>>, vector<1x16xf32>,
    }
    %scan3A_10 = arith.constant 128 : i32
    %add3A_11 = arith.constant 0 : i32
    %add3A_12 = arith.addi %mul3A_4, %add3A_11 : i32
    "tpu.region"() ({
      %run_scoped3A = tpu.sem_alloc : memref<!tpu.dma_semaphore, #tpu.memory_space<semaphore_mem>>
      %dma_start3A_64 = arith.constant 0 : i32
      %dma_start3A_65 = tpu.memref_slice %arg16[%add3A_12, %dma_start3A_64] : memref<10240x128xf32, #tpu.memory_space<vmem_shared>> -> memref<128x128xf32, #tpu.memory_space<vmem_shared>>
      %dma_start3A_66 = arith.constant 0 : i32
      %dma_start3A_67 = tpu.memref_slice %arg16[%add3A_12, %dma_start3A_66] : memref<10240x128xf32, #tpu.memory_space<vmem_shared>> -> memref<128x128xf32, #tpu.memory_space<vmem_shared>>
      tpu.enqueue_dma source(%arg9 : memref<128x128xf32, #tpu.memory_space<vmem>>) target(%dma_start3A_67 : memref<128x128xf32, #tpu.memory_space<vmem_shared>>) target_semaphore(%run_scoped3A : memref<!tpu.dma_semaphore, #tpu.memory_space<semaphore_mem>>)
      %dma_wait3A_68 = arith.constant 0 : i32
      %dma_wait3A_69 = tpu.memref_slice %arg16[%add3A_12, %dma_wait3A_68] : memref<10240x128xf32, #tpu.memory_space<vmem_shared>> -> memref<128x128xf32, #tpu.memory_space<vmem_shared>>
      %dma_wait3A_70 = arith.constant 0 : i32
      %dma_wait3A_71 = tpu.memref_slice %arg16[%add3A_12, %dma_wait3A_70] : memref<10240x128xf32, #tpu.memory_space<vmem_shared>> -> memref<128x128xf32, #tpu.memory_space<vmem_shared>>
      tpu.wait_dma2 semaphore(%run_scoped3A : memref<!tpu.dma_semaphore, #tpu.memory_space<semaphore_mem>>) src(%arg9 : memref<128x128xf32, #tpu.memory_space<vmem>>) dst(%dma_wait3A_71 : memref<128x128xf32, #tpu.memory_space<vmem_shared>>)
      tpu.yield
    }) : () -> ()
    "tpu.region"() ({
      %run_scoped3A = tpu.sem_alloc : memref<!tpu.dma_semaphore, #tpu.memory_space<semaphore_mem>>
      %dma_start3A_64 = arith.constant 0 : i32
      %dma_start3A_65 = tpu.memref_slice %arg17[%add3A_12, %dma_start3A_64] : memref<10240x16xf32, #tpu.memory_space<vmem_shared>> -> memref<128x16xf32, #tpu.memory_space<vmem_shared>>
      %dma_start3A_66 = arith.constant 0 : i32
      %dma_start3A_67 = tpu.memref_slice %arg17[%add3A_12, %dma_start3A_66] : memref<10240x16xf32, #tpu.memory_space<vmem_shared>> -> memref<128x16xf32, #tpu.memory_space<vmem_shared>>
      tpu.enqueue_dma source(%arg10 : memref<128x16xf32, #tpu.memory_space<vmem>>) target(%dma_start3A_67 : memref<128x16xf32, #tpu.memory_space<vmem_shared>>) target_semaphore(%run_scoped3A : memref<!tpu.dma_semaphore, #tpu.memory_space<semaphore_mem>>)
      %dma_wait3A_68 = arith.constant 0 : i32
      %dma_wait3A_69 = tpu.memref_slice %arg17[%add3A_12, %dma_wait3A_68] : memref<10240x16xf32, #tpu.memory_space<vmem_shared>> -> memref<128x16xf32, #tpu.memory_space<vmem_shared>>
      %dma_wait3A_70 = arith.constant 0 : i32
      %dma_wait3A_71 = tpu.memref_slice %arg17[%add3A_12, %dma_wait3A_70] : memref<10240x16xf32, #tpu.memory_space<vmem_shared>> -> memref<128x16xf32, #tpu.memory_space<vmem_shared>>
      tpu.wait_dma2 semaphore(%run_scoped3A : memref<!tpu.dma_semaphore, #tpu.memory_space<semaphore_mem>>) src(%arg10 : memref<128x16xf32, #tpu.memory_space<vmem>>) dst(%dma_wait3A_71 : memref<128x16xf32, #tpu.memory_space<vmem_shared>>)
      tpu.yield
    }) : () -> ()
    %add3A_13 = arith.constant 128 : i32
    %add3A_14 = arith.addi %mul3A_4, %add3A_13 : i32
    "tpu.region"() ({
      %run_scoped3A = tpu.sem_alloc : memref<!tpu.dma_semaphore, #tpu.memory_space<semaphore_mem>>
      %dma_start3A_64 = arith.constant 0 : i32
      %dma_start3A_65 = tpu.memref_slice %arg16[%add3A_14, %dma_start3A_64] : memref<10240x128xf32, #tpu.memory_space<vmem_shared>> -> memref<128x128xf32, #tpu.memory_space<vmem_shared>>
      %dma_start3A_66 = arith.constant 0 : i32
      %dma_start3A_67 = tpu.memref_slice %arg16[%add3A_14, %dma_start3A_66] : memref<10240x128xf32, #tpu.memory_space<vmem_shared>> -> memref<128x128xf32, #tpu.memory_space<vmem_shared>>
      tpu.enqueue_dma source(%arg9 : memref<128x128xf32, #tpu.memory_space<vmem>>) target(%dma_start3A_67 : memref<128x128xf32, #tpu.memory_space<vmem_shared>>) target_semaphore(%run_scoped3A : memref<!tpu.dma_semaphore, #tpu.memory_space<semaphore_mem>>)
      %dma_wait3A_68 = arith.constant 0 : i32
      %dma_wait3A_69 = tpu.memref_slice %arg16[%add3A_14, %dma_wait3A_68] : memref<10240x128xf32, #tpu.memory_space<vmem_shared>> -> memref<128x128xf32, #tpu.memory_space<vmem_shared>>
      %dma_wait3A_70 = arith.constant 0 : i32
      %dma_wait3A_71 = tpu.memref_slice %arg16[%add3A_14, %dma_wait3A_70] : memref<10240x128xf32, #tpu.memory_space<vmem_shared>> -> memref<128x128xf32, #tpu.memory_space<vmem_shared>>
      tpu.wait_dma2 semaphore(%run_scoped3A : memref<!tpu.dma_semaphore, #tpu.memory_space<semaphore_mem>>) src(%arg9 : memref<128x128xf32, #tpu.memory_space<vmem>>) dst(%dma_wait3A_71 : memref<128x128xf32, #tpu.memory_space<vmem_shared>>)
      tpu.yield
    }) : () -> ()
    "tpu.region"() ({
      %run_scoped3A = tpu.sem_alloc : memref<!tpu.dma_semaphore, #tpu.memory_space<semaphore_mem>>
      %dma_start3A_64 = arith.constant 0 : i32
      %dma_start3A_65 = tpu.memref_slice %arg17[%add3A_14, %dma_start3A_64] : memref<10240x16xf32, #tpu.memory_space<vmem_shared>> -> memref<128x16xf32, #tpu.memory_space<vmem_shared>>
      %dma_start3A_66 = arith.constant 0 : i32
      %dma_start3A_67 = tpu.memref_slice %arg17[%add3A_14, %dma_start3A_66] : memref<10240x16xf32, #tpu.memory_space<vmem_shared>> -> memref<128x16xf32, #tpu.memory_space<vmem_shared>>
      tpu.enqueue_dma source(%arg10 : memref<128x16xf32, #tpu.memory_space<vmem>>) target(%dma_start3A_67 : memref<128x16xf32, #tpu.memory_space<vmem_shared>>) target_semaphore(%run_scoped3A : memref<!tpu.dma_semaphore, #tpu.memory_space<semaphore_mem>>)
      %dma_wait3A_68 = arith.constant 0 : i32
      %dma_wait3A_69 = tpu.memref_slice %arg17[%add3A_14, %dma_wait3A_68] : memref<10240x16xf32, #tpu.memory_space<vmem_shared>> -> memref<128x16xf32, #tpu.memory_space<vmem_shared>>
      %dma_wait3A_70 = arith.constant 0 : i32
      %dma_wait3A_71 = tpu.memref_slice %arg17[%add3A_14, %dma_wait3A_70] : memref<10240x16xf32, #tpu.memory_space<vmem_shared>> -> memref<128x16xf32, #tpu.memory_space<vmem_shared>>
      tpu.wait_dma2 semaphore(%run_scoped3A : memref<!tpu.dma_semaphore, #tpu.memory_space<semaphore_mem>>) src(%arg10 : memref<128x16xf32, #tpu.memory_space<vmem>>) dst(%dma_wait3A_71 : memref<128x16xf32, #tpu.memory_space<vmem_shared>>)
      tpu.yield
    }) : () -> ()
    %add3A_15 = arith.constant 256 : i32
    %add3A_16 = arith.addi %mul3A_4, %add3A_15 : i32
    "tpu.region"() ({
      %run_scoped3A = tpu.sem_alloc : memref<!tpu.dma_semaphore, #tpu.memory_space<semaphore_mem>>
      %dma_start3A_64 = arith.constant 0 : i32
      %dma_start3A_65 = tpu.memref_slice %arg16[%add3A_16, %dma_start3A_64] : memref<10240x128xf32, #tpu.memory_space<vmem_shared>> -> memref<128x128xf32, #tpu.memory_space<vmem_shared>>
      %dma_start3A_66 = arith.constant 0 : i32
      %dma_start3A_67 = tpu.memref_slice %arg16[%add3A_16, %dma_start3A_66] : memref<10240x128xf32, #tpu.memory_space<vmem_shared>> -> memref<128x128xf32, #tpu.memory_space<vmem_shared>>
      tpu.enqueue_dma source(%arg9 : memref<128x128xf32, #tpu.memory_space<vmem>>) target(%dma_start3A_67 : memref<128x128xf32, #tpu.memory_space<vmem_shared>>) target_semaphore(%run_scoped3A : memref<!tpu.dma_semaphore, #tpu.memory_space<semaphore_mem>>)
      %dma_wait3A_68 = arith.constant 0 : i32
      %dma_wait3A_69 = tpu.memref_slice %arg16[%add3A_16, %dma_wait3A_68] : memref<10240x128xf32, #tpu.memory_space<vmem_shared>> -> memref<128x128xf32, #tpu.memory_space<vmem_shared>>
      %dma_wait3A_70 = arith.constant 0 : i32
      %dma_wait3A_71 = tpu.memref_slice %arg16[%add3A_16, %dma_wait3A_70] : memref<10240x128xf32, #tpu.memory_space<vmem_shared>> -> memref<128x128xf32, #tpu.memory_space<vmem_shared>>
      tpu.wait_dma2 semaphore(%run_scoped3A : memref<!tpu.dma_semaphore, #tpu.memory_space<semaphore_mem>>) src(%arg9 : memref<128x128xf32, #tpu.memory_space<vmem>>) dst(%dma_wait3A_71 : memref<128x128xf32, #tpu.memory_space<vmem_shared>>)
      tpu.yield
    }) : () -> ()
    "tpu.region"() ({
      %run_scoped3A = tpu.sem_alloc : memref<!tpu.dma_semaphore, #tpu.memory_space<semaphore_mem>>
      %dma_start3A_64 = arith.constant 0 : i32
      %dma_start3A_65 = tpu.memref_slice %arg17[%add3A_16, %dma_start3A_64] : memref<10240x16xf32, #tpu.memory_space<vmem_shared>> -> memref<128x16xf32, #tpu.memory_space<vmem_shared>>
      %dma_start3A_66 = arith.constant 0 : i32
      %dma_start3A_67 = tpu.memref_slice %arg17[%add3A_16, %dma_start3A_66] : memref<10240x16xf32, #tpu.memory_space<vmem_shared>> -> memref<128x16xf32, #tpu.memory_space<vmem_shared>>
      tpu.enqueue_dma source(%arg10 : memref<128x16xf32, #tpu.memory_space<vmem>>) target(%dma_start3A_67 : memref<128x16xf32, #tpu.memory_space<vmem_shared>>) target_semaphore(%run_scoped3A : memref<!tpu.dma_semaphore, #tpu.memory_space<semaphore_mem>>)
      %dma_wait3A_68 = arith.constant 0 : i32
      %dma_wait3A_69 = tpu.memref_slice %arg17[%add3A_16, %dma_wait3A_68] : memref<10240x16xf32, #tpu.memory_space<vmem_shared>> -> memref<128x16xf32, #tpu.memory_space<vmem_shared>>
      %dma_wait3A_70 = arith.constant 0 : i32
      %dma_wait3A_71 = tpu.memref_slice %arg17[%add3A_16, %dma_wait3A_70] : memref<10240x16xf32, #tpu.memory_space<vmem_shared>> -> memref<128x16xf32, #tpu.memory_space<vmem_shared>>
      tpu.wait_dma2 semaphore(%run_scoped3A : memref<!tpu.dma_semaphore, #tpu.memory_space<semaphore_mem>>) src(%arg10 : memref<128x16xf32, #tpu.memory_space<vmem>>) dst(%dma_wait3A_71 : memref<128x16xf32, #tpu.memory_space<vmem_shared>>)
      tpu.yield
    }) : () -> ()
    %add3A_17 = arith.constant 384 : i32
    %add3A_18 = arith.addi %mul3A_4, %add3A_17 : i32
    "tpu.region"() ({
      %run_scoped3A = tpu.sem_alloc : memref<!tpu.dma_semaphore, #tpu.memory_space<semaphore_mem>>
      %dma_start3A_64 = arith.constant 0 : i32
      %dma_start3A_65 = tpu.memref_slice %arg16[%add3A_18, %dma_start3A_64] : memref<10240x128xf32, #tpu.memory_space<vmem_shared>> -> memref<128x128xf32, #tpu.memory_space<vmem_shared>>
      %dma_start3A_66 = arith.constant 0 : i32
      %dma_start3A_67 = tpu.memref_slice %arg16[%add3A_18, %dma_start3A_66] : memref<10240x128xf32, #tpu.memory_space<vmem_shared>> -> memref<128x128xf32, #tpu.memory_space<vmem_shared>>
      tpu.enqueue_dma source(%arg9 : memref<128x128xf32, #tpu.memory_space<vmem>>) target(%dma_start3A_67 : memref<128x128xf32, #tpu.memory_space<vmem_shared>>) target_semaphore(%run_scoped3A : memref<!tpu.dma_semaphore, #tpu.memory_space<semaphore_mem>>)
      %dma_wait3A_68 = arith.constant 0 : i32
      %dma_wait3A_69 = tpu.memref_slice %arg16[%add3A_18, %dma_wait3A_68] : memref<10240x128xf32, #tpu.memory_space<vmem_shared>> -> memref<128x128xf32, #tpu.memory_space<vmem_shared>>
      %dma_wait3A_70 = arith.constant 0 : i32
      %dma_wait3A_71 = tpu.memref_slice %arg16[%add3A_18, %dma_wait3A_70] : memref<10240x128xf32, #tpu.memory_space<vmem_shared>> -> memref<128x128xf32, #tpu.memory_space<vmem_shared>>
      tpu.wait_dma2 semaphore(%run_scoped3A : memref<!tpu.dma_semaphore, #tpu.memory_space<semaphore_mem>>) src(%arg9 : memref<128x128xf32, #tpu.memory_space<vmem>>) dst(%dma_wait3A_71 : memref<128x128xf32, #tpu.memory_space<vmem_shared>>)
      tpu.yield
    }) : () -> ()
    "tpu.region"() ({
      %run_scoped3A = tpu.sem_alloc : memref<!tpu.dma_semaphore, #tpu.memory_space<semaphore_mem>>
      %dma_start3A_64 = arith.constant 0 : i32
      %dma_start3A_65 = tpu.memref_slice %arg17[%add3A_18, %dma_start3A_64] : memref<10240x16xf32, #tpu.memory_space<vmem_shared>> -> memref<128x16xf32, #tpu.memory_space<vmem_shared>>
      %dma_start3A_66 = arith.constant 0 : i32
      %dma_start3A_67 = tpu.memref_slice %arg17[%add3A_18, %dma_start3A_66] : memref<10240x16xf32, #tpu.memory_space<vmem_shared>> -> memref<128x16xf32, #tpu.memory_space<vmem_shared>>
      tpu.enqueue_dma source(%arg10 : memref<128x16xf32, #tpu.memory_space<vmem>>) target(%dma_start3A_67 : memref<128x16xf32, #tpu.memory_space<vmem_shared>>) target_semaphore(%run_scoped3A : memref<!tpu.dma_semaphore, #tpu.memory_space<semaphore_mem>>)
      %dma_wait3A_68 = arith.constant 0 : i32
      %dma_wait3A_69 = tpu.memref_slice %arg17[%add3A_18, %dma_wait3A_68] : memref<10240x16xf32, #tpu.memory_space<vmem_shared>> -> memref<128x16xf32, #tpu.memory_space<vmem_shared>>
      %dma_wait3A_70 = arith.constant 0 : i32
      %dma_wait3A_71 = tpu.memref_slice %arg17[%add3A_18, %dma_wait3A_70] : memref<10240x16xf32, #tpu.memory_space<vmem_shared>> -> memref<128x16xf32, #tpu.memory_space<vmem_shared>>
      tpu.wait_dma2 semaphore(%run_scoped3A : memref<!tpu.dma_semaphore, #tpu.memory_space<semaphore_mem>>) src(%arg10 : memref<128x16xf32, #tpu.memory_space<vmem>>) dst(%dma_wait3A_71 : memref<128x16xf32, #tpu.memory_space<vmem_shared>>)
      tpu.yield
    }) : () -> ()
    %add3A_19 = arith.constant 512 : i32
    %add3A_20 = arith.addi %mul3A_4, %add3A_19 : i32
    "tpu.region"() ({
      %run_scoped3A = tpu.sem_alloc : memref<!tpu.dma_semaphore, #tpu.memory_space<semaphore_mem>>
      %dma_start3A_64 = arith.constant 0 : i32
      %dma_start3A_65 = tpu.memref_slice %arg16[%add3A_20, %dma_start3A_64] : memref<10240x128xf32, #tpu.memory_space<vmem_shared>> -> memref<128x128xf32, #tpu.memory_space<vmem_shared>>
      %dma_start3A_66 = arith.constant 0 : i32
      %dma_start3A_67 = tpu.memref_slice %arg16[%add3A_20, %dma_start3A_66] : memref<10240x128xf32, #tpu.memory_space<vmem_shared>> -> memref<128x128xf32, #tpu.memory_space<vmem_shared>>
      tpu.enqueue_dma source(%arg9 : memref<128x128xf32, #tpu.memory_space<vmem>>) target(%dma_start3A_67 : memref<128x128xf32, #tpu.memory_space<vmem_shared>>) target_semaphore(%run_scoped3A : memref<!tpu.dma_semaphore, #tpu.memory_space<semaphore_mem>>)
      %dma_wait3A_68 = arith.constant 0 : i32
      %dma_wait3A_69 = tpu.memref_slice %arg16[%add3A_20, %dma_wait3A_68] : memref<10240x128xf32, #tpu.memory_space<vmem_shared>> -> memref<128x128xf32, #tpu.memory_space<vmem_shared>>
      %dma_wait3A_70 = arith.constant 0 : i32
      %dma_wait3A_71 = tpu.memref_slice %arg16[%add3A_20, %dma_wait3A_70] : memref<10240x128xf32, #tpu.memory_space<vmem_shared>> -> memref<128x128xf32, #tpu.memory_space<vmem_shared>>
      tpu.wait_dma2 semaphore(%run_scoped3A : memref<!tpu.dma_semaphore, #tpu.memory_space<semaphore_mem>>) src(%arg9 : memref<128x128xf32, #tpu.memory_space<vmem>>) dst(%dma_wait3A_71 : memref<128x128xf32, #tpu.memory_space<vmem_shared>>)
      tpu.yield
    }) : () -> ()
    "tpu.region"() ({
      %run_scoped3A = tpu.sem_alloc : memref<!tpu.dma_semaphore, #tpu.memory_space<semaphore_mem>>
      %dma_start3A_64 = arith.constant 0 : i32
      %dma_start3A_65 = tpu.memref_slice %arg17[%add3A_20, %dma_start3A_64] : memref<10240x16xf32, #tpu.memory_space<vmem_shared>> -> memref<128x16xf32, #tpu.memory_space<vmem_shared>>
      %dma_start3A_66 = arith.constant 0 : i32
      %dma_start3A_67 = tpu.memref_slice %arg17[%add3A_20, %dma_start3A_66] : memref<10240x16xf32, #tpu.memory_space<vmem_shared>> -> memref<128x16xf32, #tpu.memory_space<vmem_shared>>
      tpu.enqueue_dma source(%arg10 : memref<128x16xf32, #tpu.memory_space<vmem>>) target(%dma_start3A_67 : memref<128x16xf32, #tpu.memory_space<vmem_shared>>) target_semaphore(%run_scoped3A : memref<!tpu.dma_semaphore, #tpu.memory_space<semaphore_mem>>)
      %dma_wait3A_68 = arith.constant 0 : i32
      %dma_wait3A_69 = tpu.memref_slice %arg17[%add3A_20, %dma_wait3A_68] : memref<10240x16xf32, #tpu.memory_space<vmem_shared>> -> memref<128x16xf32, #tpu.memory_space<vmem_shared>>
      %dma_wait3A_70 = arith.constant 0 : i32
      %dma_wait3A_71 = tpu.memref_slice %arg17[%add3A_20, %dma_wait3A_70] : memref<10240x16xf32, #tpu.memory_space<vmem_shared>> -> memref<128x16xf32, #tpu.memory_space<vmem_shared>>
      tpu.wait_dma2 semaphore(%run_scoped3A : memref<!tpu.dma_semaphore, #tpu.memory_space<semaphore_mem>>) src(%arg10 : memref<128x16xf32, #tpu.memory_space<vmem>>) dst(%dma_wait3A_71 : memref<128x16xf32, #tpu.memory_space<vmem_shared>>)
      tpu.yield
    }) : () -> ()
    %barrier3A = arith.constant 0 : index
    tpu.barrier barrier_id(%barrier3A)
    %dma_start3A = tpu.memref_slice %arg2[%mul3A_2] : memref<160000xi32, #tpu.memory_space<hbm>> -> memref<128xi32, #tpu.memory_space<hbm>>
    %dma_start3A_21 = tpu.memref_slice %arg2[%mul3A_2] : memref<160000xi32, #tpu.memory_space<hbm>> -> memref<128xi32, #tpu.memory_space<hbm>>
    tpu.enqueue_dma source(%dma_start3A_21 : memref<128xi32, #tpu.memory_space<hbm>>) target(%arg7 : memref<128xi32, #tpu.memory_space<vmem>>) target_semaphore(%arg14 : memref<!tpu.dma_semaphore, #tpu.memory_space<semaphore_mem>>)
    %dma_start3A_22 = arith.constant 0 : i32
    %dma_start3A_23 = tpu.memref_slice %arg3[%mul3A_2, %dma_start3A_22] : memref<160000x128xf32, #tpu.memory_space<hbm>> -> memref<128x128xf32, #tpu.memory_space<hbm>>
    %dma_start3A_24 = arith.constant 0 : i32
    %dma_start3A_25 = tpu.memref_slice %arg3[%mul3A_2, %dma_start3A_24] : memref<160000x128xf32, #tpu.memory_space<hbm>> -> memref<128x128xf32, #tpu.memory_space<hbm>>
    tpu.enqueue_dma source(%dma_start3A_25 : memref<128x128xf32, #tpu.memory_space<hbm>>) target(%arg9 : memref<128x128xf32, #tpu.memory_space<vmem>>) target_semaphore(%arg14 : memref<!tpu.dma_semaphore, #tpu.memory_space<semaphore_mem>>)
    %dma_start3A_26 = arith.constant 0 : i32
    %dma_start3A_27 = tpu.memref_slice %arg4[%mul3A_2, %dma_start3A_26] : memref<160000x16xf32, #tpu.memory_space<hbm>> -> memref<128x16xf32, #tpu.memory_space<hbm>>
    %dma_start3A_28 = arith.constant 0 : i32
    %dma_start3A_29 = tpu.memref_slice %arg4[%mul3A_2, %dma_start3A_28] : memref<160000x16xf32, #tpu.memory_space<hbm>> -> memref<128x16xf32, #tpu.memory_space<hbm>>
    tpu.enqueue_dma source(%dma_start3A_29 : memref<128x16xf32, #tpu.memory_space<hbm>>) target(%arg10 : memref<128x16xf32, #tpu.memory_space<vmem>>) target_semaphore(%arg14 : memref<!tpu.dma_semaphore, #tpu.memory_space<semaphore_mem>>)
    %scan3A_30 = arith.constant 0 : i32
    %scan3A_31 = arith.constant 0 : i32
    %scan3A_32 = arith.constant 19 : i32
    %scan3A_33 = arith.addi %scan3A_31, %scan3A_32 : i32
    %scan3A_34 = arith.constant 1 : i32
    scf.for %scan3A_64 = %scan3A_31 to %scan3A_33 step %scan3A_34  : i32 {
      %mul3A_65 = arith.constant 2 : i32
      %mul3A_66 = arith.muli %mul3A_65, %scan3A_64 : i32
      %mul3A_67 = arith.constant 128 : i32
      %mul3A_68 = arith.muli %mul3A_66, %mul3A_67 : i32
      %add3A_69 = arith.addi %mul3A_2, %mul3A_68 : i32
      %mul3A_70 = arith.constant 2 : i32
      %mul3A_71 = arith.muli %mul3A_70, %scan3A_64 : i32
      %add3A_72 = arith.constant 1 : i32
      %add3A_73 = arith.addi %mul3A_71, %add3A_72 : i32
      %mul3A_74 = arith.constant 128 : i32
      %mul3A_75 = arith.muli %add3A_73, %mul3A_74 : i32
      %add3A_76 = arith.addi %mul3A_2, %mul3A_75 : i32
      %dma_wait3A_77 = arith.constant 0 : i32
      %dma_wait3A_78 = tpu.memref_slice %arg2[%dma_wait3A_77] : memref<160000xi32, #tpu.memory_space<hbm>> -> memref<128xi32, #tpu.memory_space<hbm>>
      %dma_wait3A_79 = arith.constant 0 : i32
      %dma_wait3A_80 = tpu.memref_slice %arg2[%dma_wait3A_79] : memref<160000xi32, #tpu.memory_space<hbm>> -> memref<128xi32, #tpu.memory_space<hbm>>
      tpu.wait_dma2 semaphore(%arg14 : memref<!tpu.dma_semaphore, #tpu.memory_space<semaphore_mem>>) src(%dma_wait3A_80 : memref<128xi32, #tpu.memory_space<hbm>>) dst(%arg7 : memref<128xi32, #tpu.memory_space<vmem>>)
      %dma_wait3A_81 = arith.constant 0 : i32
      %dma_wait3A_82 = arith.constant 0 : i32
      %dma_wait3A_83 = tpu.memref_slice %arg3[%dma_wait3A_81, %dma_wait3A_82] : memref<160000x128xf32, #tpu.memory_space<hbm>> -> memref<128x128xf32, #tpu.memory_space<hbm>>
      %dma_wait3A_84 = arith.constant 0 : i32
      %dma_wait3A_85 = arith.constant 0 : i32
      %dma_wait3A_86 = tpu.memref_slice %arg3[%dma_wait3A_84, %dma_wait3A_85] : memref<160000x128xf32, #tpu.memory_space<hbm>> -> memref<128x128xf32, #tpu.memory_space<hbm>>
      tpu.wait_dma2 semaphore(%arg14 : memref<!tpu.dma_semaphore, #tpu.memory_space<semaphore_mem>>) src(%dma_wait3A_86 : memref<128x128xf32, #tpu.memory_space<hbm>>) dst(%arg9 : memref<128x128xf32, #tpu.memory_space<vmem>>)
      %dma_wait3A_87 = arith.constant 0 : i32
      %dma_wait3A_88 = arith.constant 0 : i32
      %dma_wait3A_89 = tpu.memref_slice %arg4[%dma_wait3A_87, %dma_wait3A_88] : memref<160000x16xf32, #tpu.memory_space<hbm>> -> memref<128x16xf32, #tpu.memory_space<hbm>>
      %dma_wait3A_90 = arith.constant 0 : i32
      %dma_wait3A_91 = arith.constant 0 : i32
      %dma_wait3A_92 = tpu.memref_slice %arg4[%dma_wait3A_90, %dma_wait3A_91] : memref<160000x16xf32, #tpu.memory_space<hbm>> -> memref<128x16xf32, #tpu.memory_space<hbm>>
      tpu.wait_dma2 semaphore(%arg14 : memref<!tpu.dma_semaphore, #tpu.memory_space<semaphore_mem>>) src(%dma_wait3A_92 : memref<128x16xf32, #tpu.memory_space<hbm>>) dst(%arg10 : memref<128x16xf32, #tpu.memory_space<vmem>>)
      %dma_start3A_93 = tpu.memref_slice %arg2[%add3A_76] : memref<160000xi32, #tpu.memory_space<hbm>> -> memref<128xi32, #tpu.memory_space<hbm>>
      %dma_start3A_94 = tpu.memref_slice %arg2[%add3A_76] : memref<160000xi32, #tpu.memory_space<hbm>> -> memref<128xi32, #tpu.memory_space<hbm>>
      tpu.enqueue_dma source(%dma_start3A_94 : memref<128xi32, #tpu.memory_space<hbm>>) target(%arg11 : memref<128xi32, #tpu.memory_space<vmem>>) target_semaphore(%arg15 : memref<!tpu.dma_semaphore, #tpu.memory_space<semaphore_mem>>)
      %dma_start3A_95 = arith.constant 0 : i32
      %dma_start3A_96 = tpu.memref_slice %arg3[%add3A_76, %dma_start3A_95] : memref<160000x128xf32, #tpu.memory_space<hbm>> -> memref<128x128xf32, #tpu.memory_space<hbm>>
      %dma_start3A_97 = arith.constant 0 : i32
      %dma_start3A_98 = tpu.memref_slice %arg3[%add3A_76, %dma_start3A_97] : memref<160000x128xf32, #tpu.memory_space<hbm>> -> memref<128x128xf32, #tpu.memory_space<hbm>>
      tpu.enqueue_dma source(%dma_start3A_98 : memref<128x128xf32, #tpu.memory_space<hbm>>) target(%arg12 : memref<128x128xf32, #tpu.memory_space<vmem>>) target_semaphore(%arg15 : memref<!tpu.dma_semaphore, #tpu.memory_space<semaphore_mem>>)
      %dma_start3A_99 = arith.constant 0 : i32
      %dma_start3A_100 = tpu.memref_slice %arg4[%add3A_76, %dma_start3A_99] : memref<160000x16xf32, #tpu.memory_space<hbm>> -> memref<128x16xf32, #tpu.memory_space<hbm>>
      %dma_start3A_101 = arith.constant 0 : i32
      %dma_start3A_102 = tpu.memref_slice %arg4[%add3A_76, %dma_start3A_101] : memref<160000x16xf32, #tpu.memory_space<hbm>> -> memref<128x16xf32, #tpu.memory_space<hbm>>
      tpu.enqueue_dma source(%dma_start3A_102 : memref<128x16xf32, #tpu.memory_space<hbm>>) target(%arg13 : memref<128x16xf32, #tpu.memory_space<vmem>>) target_semaphore(%arg15 : memref<!tpu.dma_semaphore, #tpu.memory_space<semaphore_mem>>)
      "tpu.region"() ({
        %run_scoped3A = tpu.sem_alloc : memref<!tpu.dma_semaphore, #tpu.memory_space<semaphore_mem>>
        %dma_start3A_131 = arith.constant 0 : i32
        %dma_start3A_132 = arith.constant 0 : i32
        %dma_start3A_133 = tpu.memref_slice %arg16[%dma_start3A_131, %dma_start3A_132] : memref<10240x128xf32, #tpu.memory_space<vmem_shared>> -> memref<10240x128xf32, #tpu.memory_space<vmem_shared>>
        tpu.enqueue_indirect_dma source(%arg9 : memref<128x128xf32, #tpu.memory_space<vmem>>) target(%dma_start3A_133 : memref<10240x128xf32, #tpu.memory_space<vmem_shared>>) offsets(%arg7 : memref<128xi32, #tpu.memory_space<vmem>>) semaphore(%run_scoped3A : memref<!tpu.dma_semaphore, #tpu.memory_space<semaphore_mem>>) {add = true}
        %dma_wait3A_134 = arith.constant 0 : i32
        %dma_wait3A_135 = arith.constant 0 : i32
        %dma_wait3A_136 = tpu.memref_slice %arg16[%dma_wait3A_134, %dma_wait3A_135] : memref<10240x128xf32, #tpu.memory_space<vmem_shared>> -> memref<10240x128xf32, #tpu.memory_space<vmem_shared>>
        tpu.wait_indirect_dma semaphore(%run_scoped3A : memref<!tpu.dma_semaphore, #tpu.memory_space<semaphore_mem>>) src(%arg9 : memref<128x128xf32, #tpu.memory_space<vmem>>) dst(%dma_wait3A_136 : memref<10240x128xf32, #tpu.memory_space<vmem_shared>>)
        tpu.yield
      }) : () -> ()
      "tpu.region"() ({
        %run_scoped3A = tpu.sem_alloc : memref<!tpu.dma_semaphore, #tpu.memory_space<semaphore_mem>>
        %dma_start3A_131 = arith.constant 0 : i32
        %dma_start3A_132 = arith.constant 0 : i32
        %dma_start3A_133 = tpu.memref_slice %arg17[%dma_start3A_131, %dma_start3A_132] : memref<10240x16xf32, #tpu.memory_space<vmem_shared>> -> memref<10240x16xf32, #tpu.memory_space<vmem_shared>>
        tpu.enqueue_indirect_dma source(%arg10 : memref<128x16xf32, #tpu.memory_space<vmem>>) target(%dma_start3A_133 : memref<10240x16xf32, #tpu.memory_space<vmem_shared>>) offsets(%arg7 : memref<128xi32, #tpu.memory_space<vmem>>) semaphore(%run_scoped3A : memref<!tpu.dma_semaphore, #tpu.memory_space<semaphore_mem>>) {add = true}
        %dma_wait3A_134 = arith.constant 0 : i32
        %dma_wait3A_135 = arith.constant 0 : i32
        %dma_wait3A_136 = tpu.memref_slice %arg17[%dma_wait3A_134, %dma_wait3A_135] : memref<10240x16xf32, #tpu.memory_space<vmem_shared>> -> memref<10240x16xf32, #tpu.memory_space<vmem_shared>>
        tpu.wait_indirect_dma semaphore(%run_scoped3A : memref<!tpu.dma_semaphore, #tpu.memory_space<semaphore_mem>>) src(%arg10 : memref<128x16xf32, #tpu.memory_space<vmem>>) dst(%dma_wait3A_136 : memref<10240x16xf32, #tpu.memory_space<vmem_shared>>)
        tpu.yield
      }) : () -> ()
      %add3A_103 = arith.constant 256 : i32
      %add3A_104 = arith.addi %add3A_69, %add3A_103 : i32
      %dma_start3A_105 = tpu.memref_slice %arg2[%add3A_104] : memref<160000xi32, #tpu.memory_space<hbm>> -> memref<128xi32, #tpu.memory_space<hbm>>
      %dma_start3A_106 = tpu.memref_slice %arg2[%add3A_104] : memref<160000xi32, #tpu.memory_space<hbm>> -> memref<128xi32, #tpu.memory_space<hbm>>
      tpu.enqueue_dma source(%dma_start3A_106 : memref<128xi32, #tpu.memory_space<hbm>>) target(%arg7 : memref<128xi32, #tpu.memory_space<vmem>>) target_semaphore(%arg14 : memref<!tpu.dma_semaphore, #tpu.memory_space<semaphore_mem>>)
      %dma_start3A_107 = arith.constant 0 : i32
      %dma_start3A_108 = tpu.memref_slice %arg3[%add3A_104, %dma_start3A_107] : memref<160000x128xf32, #tpu.memory_space<hbm>> -> memref<128x128xf32, #tpu.memory_space<hbm>>
      %dma_start3A_109 = arith.constant 0 : i32
      %dma_start3A_110 = tpu.memref_slice %arg3[%add3A_104, %dma_start3A_109] : memref<160000x128xf32, #tpu.memory_space<hbm>> -> memref<128x128xf32, #tpu.memory_space<hbm>>
      tpu.enqueue_dma source(%dma_start3A_110 : memref<128x128xf32, #tpu.memory_space<hbm>>) target(%arg9 : memref<128x128xf32, #tpu.memory_space<vmem>>) target_semaphore(%arg14 : memref<!tpu.dma_semaphore, #tpu.memory_space<semaphore_mem>>)
      %dma_start3A_111 = arith.constant 0 : i32
      %dma_start3A_112 = tpu.memref_slice %arg4[%add3A_104, %dma_start3A_111] : memref<160000x16xf32, #tpu.memory_space<hbm>> -> memref<128x16xf32, #tpu.memory_space<hbm>>
      %dma_start3A_113 = arith.constant 0 : i32
      %dma_start3A_114 = tpu.memref_slice %arg4[%add3A_104, %dma_start3A_113] : memref<160000x16xf32, #tpu.memory_space<hbm>> -> memref<128x16xf32, #tpu.memory_space<hbm>>
      tpu.enqueue_dma source(%dma_start3A_114 : memref<128x16xf32, #tpu.memory_space<hbm>>) target(%arg10 : memref<128x16xf32, #tpu.memory_space<vmem>>) target_semaphore(%arg14 : memref<!tpu.dma_semaphore, #tpu.memory_space<semaphore_mem>>)
      %dma_wait3A_115 = arith.constant 0 : i32
      %dma_wait3A_116 = tpu.memref_slice %arg2[%dma_wait3A_115] : memref<160000xi32, #tpu.memory_space<hbm>> -> memref<128xi32, #tpu.memory_space<hbm>>
      %dma_wait3A_117 = arith.constant 0 : i32
      %dma_wait3A_118 = tpu.memref_slice %arg2[%dma_wait3A_117] : memref<160000xi32, #tpu.memory_space<hbm>> -> memref<128xi32, #tpu.memory_space<hbm>>
      tpu.wait_dma2 semaphore(%arg15 : memref<!tpu.dma_semaphore, #tpu.memory_space<semaphore_mem>>) src(%dma_wait3A_118 : memref<128xi32, #tpu.memory_space<hbm>>) dst(%arg11 : memref<128xi32, #tpu.memory_space<vmem>>)
      %dma_wait3A_119 = arith.constant 0 : i32
      %dma_wait3A_120 = arith.constant 0 : i32
      %dma_wait3A_121 = tpu.memref_slice %arg3[%dma_wait3A_119, %dma_wait3A_120] : memref<160000x128xf32, #tpu.memory_space<hbm>> -> memref<128x128xf32, #tpu.memory_space<hbm>>
      %dma_wait3A_122 = arith.constant 0 : i32
      %dma_wait3A_123 = arith.constant 0 : i32
      %dma_wait3A_124 = tpu.memref_slice %arg3[%dma_wait3A_122, %dma_wait3A_123] : memref<160000x128xf32, #tpu.memory_space<hbm>> -> memref<128x128xf32, #tpu.memory_space<hbm>>
      tpu.wait_dma2 semaphore(%arg15 : memref<!tpu.dma_semaphore, #tpu.memory_space<semaphore_mem>>) src(%dma_wait3A_124 : memref<128x128xf32, #tpu.memory_space<hbm>>) dst(%arg12 : memref<128x128xf32, #tpu.memory_space<vmem>>)
      %dma_wait3A_125 = arith.constant 0 : i32
      %dma_wait3A_126 = arith.constant 0 : i32
      %dma_wait3A_127 = tpu.memref_slice %arg4[%dma_wait3A_125, %dma_wait3A_126] : memref<160000x16xf32, #tpu.memory_space<hbm>> -> memref<128x16xf32, #tpu.memory_space<hbm>>
      %dma_wait3A_128 = arith.constant 0 : i32
      %dma_wait3A_129 = arith.constant 0 : i32
      %dma_wait3A_130 = tpu.memref_slice %arg4[%dma_wait3A_128, %dma_wait3A_129] : memref<160000x16xf32, #tpu.memory_space<hbm>> -> memref<128x16xf32, #tpu.memory_space<hbm>>
      tpu.wait_dma2 semaphore(%arg15 : memref<!tpu.dma_semaphore, #tpu.memory_space<semaphore_mem>>) src(%dma_wait3A_130 : memref<128x16xf32, #tpu.memory_space<hbm>>) dst(%arg13 : memref<128x16xf32, #tpu.memory_space<vmem>>)
      "tpu.region"() ({
        %run_scoped3A = tpu.sem_alloc : memref<!tpu.dma_semaphore, #tpu.memory_space<semaphore_mem>>
        %dma_start3A_131 = arith.constant 0 : i32
        %dma_start3A_132 = arith.constant 0 : i32
        %dma_start3A_133 = tpu.memref_slice %arg16[%dma_start3A_131, %dma_start3A_132] : memref<10240x128xf32, #tpu.memory_space<vmem_shared>> -> memref<10240x128xf32, #tpu.memory_space<vmem_shared>>
        tpu.enqueue_indirect_dma source(%arg12 : memref<128x128xf32, #tpu.memory_space<vmem>>) target(%dma_start3A_133 : memref<10240x128xf32, #tpu.memory_space<vmem_shared>>) offsets(%arg11 : memref<128xi32, #tpu.memory_space<vmem>>) semaphore(%run_scoped3A : memref<!tpu.dma_semaphore, #tpu.memory_space<semaphore_mem>>) {add = true}
        %dma_wait3A_134 = arith.constant 0 : i32
        %dma_wait3A_135 = arith.constant 0 : i32
        %dma_wait3A_136 = tpu.memref_slice %arg16[%dma_wait3A_134, %dma_wait3A_135] : memref<10240x128xf32, #tpu.memory_space<vmem_shared>> -> memref<10240x128xf32, #tpu.memory_space<vmem_shared>>
        tpu.wait_indirect_dma semaphore(%run_scoped3A : memref<!tpu.dma_semaphore, #tpu.memory_space<semaphore_mem>>) src(%arg12 : memref<128x128xf32, #tpu.memory_space<vmem>>) dst(%dma_wait3A_136 : memref<10240x128xf32, #tpu.memory_space<vmem_shared>>)
        tpu.yield
      }) : () -> ()
      "tpu.region"() ({
        %run_scoped3A = tpu.sem_alloc : memref<!tpu.dma_semaphore, #tpu.memory_space<semaphore_mem>>
        %dma_start3A_131 = arith.constant 0 : i32
        %dma_start3A_132 = arith.constant 0 : i32
        %dma_start3A_133 = tpu.memref_slice %arg17[%dma_start3A_131, %dma_start3A_132] : memref<10240x16xf32, #tpu.memory_space<vmem_shared>> -> memref<10240x16xf32, #tpu.memory_space<vmem_shared>>
        tpu.enqueue_indirect_dma source(%arg13 : memref<128x16xf32, #tpu.memory_space<vmem>>) target(%dma_start3A_133 : memref<10240x16xf32, #tpu.memory_space<vmem_shared>>) offsets(%arg11 : memref<128xi32, #tpu.memory_space<vmem>>) semaphore(%run_scoped3A : memref<!tpu.dma_semaphore, #tpu.memory_space<semaphore_mem>>) {add = true}
        %dma_wait3A_134 = arith.constant 0 : i32
        %dma_wait3A_135 = arith.constant 0 : i32
        %dma_wait3A_136 = tpu.memref_slice %arg17[%dma_wait3A_134, %dma_wait3A_135] : memref<10240x16xf32, #tpu.memory_space<vmem_shared>> -> memref<10240x16xf32, #tpu.memory_space<vmem_shared>>
        tpu.wait_indirect_dma semaphore(%run_scoped3A : memref<!tpu.dma_semaphore, #tpu.memory_space<semaphore_mem>>) src(%arg13 : memref<128x16xf32, #tpu.memory_space<vmem>>) dst(%dma_wait3A_136 : memref<10240x16xf32, #tpu.memory_space<vmem_shared>>)
        tpu.yield
      }) : () -> ()
    }
    %scan3A_35 = arith.constant 19 : i32
    %dma_wait3A = arith.constant 0 : i32
    %dma_wait3A_36 = tpu.memref_slice %arg2[%dma_wait3A] : memref<160000xi32, #tpu.memory_space<hbm>> -> memref<128xi32, #tpu.memory_space<hbm>>
    %dma_wait3A_37 = arith.constant 0 : i32
    %dma_wait3A_38 = tpu.memref_slice %arg2[%dma_wait3A_37] : memref<160000xi32, #tpu.memory_space<hbm>> -> memref<128xi32, #tpu.memory_space<hbm>>
    tpu.wait_dma2 semaphore(%arg14 : memref<!tpu.dma_semaphore, #tpu.memory_space<semaphore_mem>>) src(%dma_wait3A_38 : memref<128xi32, #tpu.memory_space<hbm>>) dst(%arg7 : memref<128xi32, #tpu.memory_space<vmem>>)
    %dma_wait3A_39 = arith.constant 0 : i32
    %dma_wait3A_40 = arith.constant 0 : i32
    %dma_wait3A_41 = tpu.memref_slice %arg3[%dma_wait3A_39, %dma_wait3A_40] : memref<160000x128xf32, #tpu.memory_space<hbm>> -> memref<128x128xf32, #tpu.memory_space<hbm>>
    %dma_wait3A_42 = arith.constant 0 : i32
    %dma_wait3A_43 = arith.constant 0 : i32
    %dma_wait3A_44 = tpu.memref_slice %arg3[%dma_wait3A_42, %dma_wait3A_43] : memref<160000x128xf32, #tpu.memory_space<hbm>> -> memref<128x128xf32, #tpu.memory_space<hbm>>
    tpu.wait_dma2 semaphore(%arg14 : memref<!tpu.dma_semaphore, #tpu.memory_space<semaphore_mem>>) src(%dma_wait3A_44 : memref<128x128xf32, #tpu.memory_space<hbm>>) dst(%arg9 : memref<128x128xf32, #tpu.memory_space<vmem>>)
    %dma_wait3A_45 = arith.constant 0 : i32
    %dma_wait3A_46 = arith.constant 0 : i32
    %dma_wait3A_47 = tpu.memref_slice %arg4[%dma_wait3A_45, %dma_wait3A_46] : memref<160000x16xf32, #tpu.memory_space<hbm>> -> memref<128x16xf32, #tpu.memory_space<hbm>>
    %dma_wait3A_48 = arith.constant 0 : i32
    %dma_wait3A_49 = arith.constant 0 : i32
    %dma_wait3A_50 = tpu.memref_slice %arg4[%dma_wait3A_48, %dma_wait3A_49] : memref<160000x16xf32, #tpu.memory_space<hbm>> -> memref<128x16xf32, #tpu.memory_space<hbm>>
    tpu.wait_dma2 semaphore(%arg14 : memref<!tpu.dma_semaphore, #tpu.memory_space<semaphore_mem>>) src(%dma_wait3A_50 : memref<128x16xf32, #tpu.memory_space<hbm>>) dst(%arg10 : memref<128x16xf32, #tpu.memory_space<vmem>>)
    "tpu.region"() ({
      %run_scoped3A = tpu.sem_alloc : memref<!tpu.dma_semaphore, #tpu.memory_space<semaphore_mem>>
      %dma_start3A_64 = arith.constant 0 : i32
      %dma_start3A_65 = arith.constant 0 : i32
      %dma_start3A_66 = tpu.memref_slice %arg16[%dma_start3A_64, %dma_start3A_65] : memref<10240x128xf32, #tpu.memory_space<vmem_shared>> -> memref<10240x128xf32, #tpu.memory_space<vmem_shared>>
      tpu.enqueue_indirect_dma source(%arg9 : memref<128x128xf32, #tpu.memory_space<vmem>>) target(%dma_start3A_66 : memref<10240x128xf32, #tpu.memory_space<vmem_shared>>) offsets(%arg7 : memref<128xi32, #tpu.memory_space<vmem>>) semaphore(%run_scoped3A : memref<!tpu.dma_semaphore, #tpu.memory_space<semaphore_mem>>) {add = true}
      %dma_wait3A_67 = arith.constant 0 : i32
      %dma_wait3A_68 = arith.constant 0 : i32
      %dma_wait3A_69 = tpu.memref_slice %arg16[%dma_wait3A_67, %dma_wait3A_68] : memref<10240x128xf32, #tpu.memory_space<vmem_shared>> -> memref<10240x128xf32, #tpu.memory_space<vmem_shared>>
      tpu.wait_indirect_dma semaphore(%run_scoped3A : memref<!tpu.dma_semaphore, #tpu.memory_space<semaphore_mem>>) src(%arg9 : memref<128x128xf32, #tpu.memory_space<vmem>>) dst(%dma_wait3A_69 : memref<10240x128xf32, #tpu.memory_space<vmem_shared>>)
      tpu.yield
    }) : () -> ()
    "tpu.region"() ({
      %run_scoped3A = tpu.sem_alloc : memref<!tpu.dma_semaphore, #tpu.memory_space<semaphore_mem>>
      %dma_start3A_64 = arith.constant 0 : i32
      %dma_start3A_65 = arith.constant 0 : i32
      %dma_start3A_66 = tpu.memref_slice %arg17[%dma_start3A_64, %dma_start3A_65] : memref<10240x16xf32, #tpu.memory_space<vmem_shared>> -> memref<10240x16xf32, #tpu.memory_space<vmem_shared>>
      tpu.enqueue_indirect_dma source(%arg10 : memref<128x16xf32, #tpu.memory_space<vmem>>) target(%dma_start3A_66 : memref<10240x16xf32, #tpu.memory_space<vmem_shared>>) offsets(%arg7 : memref<128xi32, #tpu.memory_space<vmem>>) semaphore(%run_scoped3A : memref<!tpu.dma_semaphore, #tpu.memory_space<semaphore_mem>>) {add = true}
      %dma_wait3A_67 = arith.constant 0 : i32
      %dma_wait3A_68 = arith.constant 0 : i32
      %dma_wait3A_69 = tpu.memref_slice %arg17[%dma_wait3A_67, %dma_wait3A_68] : memref<10240x16xf32, #tpu.memory_space<vmem_shared>> -> memref<10240x16xf32, #tpu.memory_space<vmem_shared>>
      tpu.wait_indirect_dma semaphore(%run_scoped3A : memref<!tpu.dma_semaphore, #tpu.memory_space<semaphore_mem>>) src(%arg10 : memref<128x16xf32, #tpu.memory_space<vmem>>) dst(%dma_wait3A_69 : memref<10240x16xf32, #tpu.memory_space<vmem_shared>>)
      tpu.yield
    }) : () -> ()
    %add3A_51 = arith.constant 4992 : i32
    %add3A_52 = arith.addi %mul3A_2, %add3A_51 : i32
    "tpu.region"() ({
      %run_scoped3A = tpu.sem_alloc : memref<!tpu.dma_semaphore, #tpu.memory_space<semaphore_mem>>
      %dma_start3A_64 = tpu.memref_slice %arg2[%add3A_52] : memref<160000xi32, #tpu.memory_space<hbm>> -> memref<8xi32, #tpu.memory_space<hbm>>
      %dma_start3A_65 = tpu.memref_slice %arg2[%add3A_52] : memref<160000xi32, #tpu.memory_space<hbm>> -> memref<8xi32, #tpu.memory_space<hbm>>
      tpu.enqueue_dma source(%dma_start3A_65 : memref<8xi32, #tpu.memory_space<hbm>>) target(%arg8 : memref<8xi32, #tpu.memory_space<vmem>>) target_semaphore(%run_scoped3A : memref<!tpu.dma_semaphore, #tpu.memory_space<semaphore_mem>>)
      %dma_wait3A_66 = tpu.memref_slice %arg2[%add3A_52] : memref<160000xi32, #tpu.memory_space<hbm>> -> memref<8xi32, #tpu.memory_space<hbm>>
      %dma_wait3A_67 = tpu.memref_slice %arg2[%add3A_52] : memref<160000xi32, #tpu.memory_space<hbm>> -> memref<8xi32, #tpu.memory_space<hbm>>
      tpu.wait_dma2 semaphore(%run_scoped3A : memref<!tpu.dma_semaphore, #tpu.memory_space<semaphore_mem>>) src(%dma_wait3A_67 : memref<8xi32, #tpu.memory_space<hbm>>) dst(%arg8 : memref<8xi32, #tpu.memory_space<vmem>>)
      tpu.yield
    }) : () -> ()
    "tpu.region"() ({
      %run_scoped3A = tpu.sem_alloc : memref<!tpu.dma_semaphore, #tpu.memory_space<semaphore_mem>>
      %dma_start3A_64 = arith.constant 0 : i32
      %dma_start3A_65 = arith.constant 0 : i32
      %dma_start3A_66 = tpu.memref_slice %arg9[%dma_start3A_64, %dma_start3A_65] : memref<128x128xf32, #tpu.memory_space<vmem>> -> memref<8x128xf32, #tpu.memory_space<vmem>>
      %dma_start3A_67 = arith.constant 0 : i32
      %dma_start3A_68 = tpu.memref_slice %arg3[%add3A_52, %dma_start3A_67] : memref<160000x128xf32, #tpu.memory_space<hbm>> -> memref<8x128xf32, #tpu.memory_space<hbm>>
      %dma_start3A_69 = arith.constant 0 : i32
      %dma_start3A_70 = arith.constant 0 : i32
      %dma_start3A_71 = tpu.memref_slice %arg9[%dma_start3A_69, %dma_start3A_70] : memref<128x128xf32, #tpu.memory_space<vmem>> -> memref<8x128xf32, #tpu.memory_space<vmem>>
      %dma_start3A_72 = arith.constant 0 : i32
      %dma_start3A_73 = tpu.memref_slice %arg3[%add3A_52, %dma_start3A_72] : memref<160000x128xf32, #tpu.memory_space<hbm>> -> memref<8x128xf32, #tpu.memory_space<hbm>>
      tpu.enqueue_dma source(%dma_start3A_73 : memref<8x128xf32, #tpu.memory_space<hbm>>) target(%dma_start3A_71 : memref<8x128xf32, #tpu.memory_space<vmem>>) target_semaphore(%run_scoped3A : memref<!tpu.dma_semaphore, #tpu.memory_space<semaphore_mem>>)
      %dma_wait3A_74 = arith.constant 0 : i32
      %dma_wait3A_75 = arith.constant 0 : i32
      %dma_wait3A_76 = tpu.memref_slice %arg9[%dma_wait3A_74, %dma_wait3A_75] : memref<128x128xf32, #tpu.memory_space<vmem>> -> memref<8x128xf32, #tpu.memory_space<vmem>>
      %dma_wait3A_77 = arith.constant 0 : i32
      %dma_wait3A_78 = tpu.memref_slice %arg3[%add3A_52, %dma_wait3A_77] : memref<160000x128xf32, #tpu.memory_space<hbm>> -> memref<8x128xf32, #tpu.memory_space<hbm>>
      %dma_wait3A_79 = arith.constant 0 : i32
      %dma_wait3A_80 = arith.constant 0 : i32
      %dma_wait3A_81 = tpu.memref_slice %arg9[%dma_wait3A_79, %dma_wait3A_80] : memref<128x128xf32, #tpu.memory_space<vmem>> -> memref<8x128xf32, #tpu.memory_space<vmem>>
      %dma_wait3A_82 = arith.constant 0 : i32
      %dma_wait3A_83 = tpu.memref_slice %arg3[%add3A_52, %dma_wait3A_82] : memref<160000x128xf32, #tpu.memory_space<hbm>> -> memref<8x128xf32, #tpu.memory_space<hbm>>
      tpu.wait_dma2 semaphore(%run_scoped3A : memref<!tpu.dma_semaphore, #tpu.memory_space<semaphore_mem>>) src(%dma_wait3A_83 : memref<8x128xf32, #tpu.memory_space<hbm>>) dst(%dma_wait3A_81 : memref<8x128xf32, #tpu.memory_space<vmem>>)
      tpu.yield
    }) : () -> ()
    "tpu.region"() ({
      %run_scoped3A = tpu.sem_alloc : memref<!tpu.dma_semaphore, #tpu.memory_space<semaphore_mem>>
      %dma_start3A_64 = arith.constant 0 : i32
      %dma_start3A_65 = arith.constant 0 : i32
      %dma_start3A_66 = tpu.memref_slice %arg10[%dma_start3A_64, %dma_start3A_65] : memref<128x16xf32, #tpu.memory_space<vmem>> -> memref<8x16xf32, #tpu.memory_space<vmem>>
      %dma_start3A_67 = arith.constant 0 : i32
      %dma_start3A_68 = tpu.memref_slice %arg4[%add3A_52, %dma_start3A_67] : memref<160000x16xf32, #tpu.memory_space<hbm>> -> memref<8x16xf32, #tpu.memory_space<hbm>>
      %dma_start3A_69 = arith.constant 0 : i32
      %dma_start3A_70 = arith.constant 0 : i32
      %dma_start3A_71 = tpu.memref_slice %arg10[%dma_start3A_69, %dma_start3A_70] : memref<128x16xf32, #tpu.memory_space<vmem>> -> memref<8x16xf32, #tpu.memory_space<vmem>>
      %dma_start3A_72 = arith.constant 0 : i32
      %dma_start3A_73 = tpu.memref_slice %arg4[%add3A_52, %dma_start3A_72] : memref<160000x16xf32, #tpu.memory_space<hbm>> -> memref<8x16xf32, #tpu.memory_space<hbm>>
      tpu.enqueue_dma source(%dma_start3A_73 : memref<8x16xf32, #tpu.memory_space<hbm>>) target(%dma_start3A_71 : memref<8x16xf32, #tpu.memory_space<vmem>>) target_semaphore(%run_scoped3A : memref<!tpu.dma_semaphore, #tpu.memory_space<semaphore_mem>>)
      %dma_wait3A_74 = arith.constant 0 : i32
      %dma_wait3A_75 = arith.constant 0 : i32
      %dma_wait3A_76 = tpu.memref_slice %arg10[%dma_wait3A_74, %dma_wait3A_75] : memref<128x16xf32, #tpu.memory_space<vmem>> -> memref<8x16xf32, #tpu.memory_space<vmem>>
      %dma_wait3A_77 = arith.constant 0 : i32
      %dma_wait3A_78 = tpu.memref_slice %arg4[%add3A_52, %dma_wait3A_77] : memref<160000x16xf32, #tpu.memory_space<hbm>> -> memref<8x16xf32, #tpu.memory_space<hbm>>
      %dma_wait3A_79 = arith.constant 0 : i32
      %dma_wait3A_80 = arith.constant 0 : i32
      %dma_wait3A_81 = tpu.memref_slice %arg10[%dma_wait3A_79, %dma_wait3A_80] : memref<128x16xf32, #tpu.memory_space<vmem>> -> memref<8x16xf32, #tpu.memory_space<vmem>>
      %dma_wait3A_82 = arith.constant 0 : i32
      %dma_wait3A_83 = tpu.memref_slice %arg4[%add3A_52, %dma_wait3A_82] : memref<160000x16xf32, #tpu.memory_space<hbm>> -> memref<8x16xf32, #tpu.memory_space<hbm>>
      tpu.wait_dma2 semaphore(%run_scoped3A : memref<!tpu.dma_semaphore, #tpu.memory_space<semaphore_mem>>) src(%dma_wait3A_83 : memref<8x16xf32, #tpu.memory_space<hbm>>) dst(%dma_wait3A_81 : memref<8x16xf32, #tpu.memory_space<vmem>>)
      tpu.yield
    }) : () -> ()
    "tpu.region"() ({
      %run_scoped3A = tpu.sem_alloc : memref<!tpu.dma_semaphore, #tpu.memory_space<semaphore_mem>>
      %dma_start3A_64 = arith.constant 0 : i32
      %dma_start3A_65 = arith.constant 0 : i32
      %dma_start3A_66 = tpu.memref_slice %arg9[%dma_start3A_64, %dma_start3A_65] : memref<128x128xf32, #tpu.memory_space<vmem>> -> memref<8x128xf32, #tpu.memory_space<vmem>>
      %dma_start3A_67 = arith.constant 0 : i32
      %dma_start3A_68 = arith.constant 0 : i32
      %dma_start3A_69 = tpu.memref_slice %arg16[%dma_start3A_67, %dma_start3A_68] : memref<10240x128xf32, #tpu.memory_space<vmem_shared>> -> memref<10240x128xf32, #tpu.memory_space<vmem_shared>>
      tpu.enqueue_indirect_dma source(%dma_start3A_66 : memref<8x128xf32, #tpu.memory_space<vmem>>) target(%dma_start3A_69 : memref<10240x128xf32, #tpu.memory_space<vmem_shared>>) offsets(%arg8 : memref<8xi32, #tpu.memory_space<vmem>>) semaphore(%run_scoped3A : memref<!tpu.dma_semaphore, #tpu.memory_space<semaphore_mem>>) {add = true}
      %dma_wait3A_70 = arith.constant 0 : i32
      %dma_wait3A_71 = arith.constant 0 : i32
      %dma_wait3A_72 = tpu.memref_slice %arg9[%dma_wait3A_70, %dma_wait3A_71] : memref<128x128xf32, #tpu.memory_space<vmem>> -> memref<8x128xf32, #tpu.memory_space<vmem>>
      %dma_wait3A_73 = arith.constant 0 : i32
      %dma_wait3A_74 = arith.constant 0 : i32
      %dma_wait3A_75 = tpu.memref_slice %arg16[%dma_wait3A_73, %dma_wait3A_74] : memref<10240x128xf32, #tpu.memory_space<vmem_shared>> -> memref<10240x128xf32, #tpu.memory_space<vmem_shared>>
      tpu.wait_indirect_dma semaphore(%run_scoped3A : memref<!tpu.dma_semaphore, #tpu.memory_space<semaphore_mem>>) src(%dma_wait3A_72 : memref<8x128xf32, #tpu.memory_space<vmem>>) dst(%dma_wait3A_75 : memref<10240x128xf32, #tpu.memory_space<vmem_shared>>)
      tpu.yield
    }) : () -> ()
    "tpu.region"() ({
      %run_scoped3A = tpu.sem_alloc : memref<!tpu.dma_semaphore, #tpu.memory_space<semaphore_mem>>
      %dma_start3A_64 = arith.constant 0 : i32
      %dma_start3A_65 = arith.constant 0 : i32
      %dma_start3A_66 = tpu.memref_slice %arg10[%dma_start3A_64, %dma_start3A_65] : memref<128x16xf32, #tpu.memory_space<vmem>> -> memref<8x16xf32, #tpu.memory_space<vmem>>
      %dma_start3A_67 = arith.constant 0 : i32
      %dma_start3A_68 = arith.constant 0 : i32
      %dma_start3A_69 = tpu.memref_slice %arg17[%dma_start3A_67, %dma_start3A_68] : memref<10240x16xf32, #tpu.memory_space<vmem_shared>> -> memref<10240x16xf32, #tpu.memory_space<vmem_shared>>
      tpu.enqueue_indirect_dma source(%dma_start3A_66 : memref<8x16xf32, #tpu.memory_space<vmem>>) target(%dma_start3A_69 : memref<10240x16xf32, #tpu.memory_space<vmem_shared>>) offsets(%arg8 : memref<8xi32, #tpu.memory_space<vmem>>) semaphore(%run_scoped3A : memref<!tpu.dma_semaphore, #tpu.memory_space<semaphore_mem>>) {add = true}
      %dma_wait3A_70 = arith.constant 0 : i32
      %dma_wait3A_71 = arith.constant 0 : i32
      %dma_wait3A_72 = tpu.memref_slice %arg10[%dma_wait3A_70, %dma_wait3A_71] : memref<128x16xf32, #tpu.memory_space<vmem>> -> memref<8x16xf32, #tpu.memory_space<vmem>>
      %dma_wait3A_73 = arith.constant 0 : i32
      %dma_wait3A_74 = arith.constant 0 : i32
      %dma_wait3A_75 = tpu.memref_slice %arg17[%dma_wait3A_73, %dma_wait3A_74] : memref<10240x16xf32, #tpu.memory_space<vmem_shared>> -> memref<10240x16xf32, #tpu.memory_space<vmem_shared>>
      tpu.wait_indirect_dma semaphore(%run_scoped3A : memref<!tpu.dma_semaphore, #tpu.memory_space<semaphore_mem>>) src(%dma_wait3A_72 : memref<8x16xf32, #tpu.memory_space<vmem>>) dst(%dma_wait3A_75 : memref<10240x16xf32, #tpu.memory_space<vmem_shared>>)
      tpu.yield
    }) : () -> ()
    %barrier3A_53 = arith.constant 0 : index
    tpu.barrier barrier_id(%barrier3A_53)
    %add3A_54 = arith.constant 0 : i32
    %add3A_55 = arith.addi %mul3A_4, %add3A_54 : i32
    "tpu.region"() ({
      %run_scoped3A = tpu.sem_alloc : memref<!tpu.dma_semaphore, #tpu.memory_space<semaphore_mem>>
      %dma_start3A_64 = arith.constant 0 : i32
      %dma_start3A_65 = tpu.memref_slice %arg16[%add3A_55, %dma_start3A_64] : memref<10240x128xf32, #tpu.memory_space<vmem_shared>> -> memref<128x128xf32, #tpu.memory_space<vmem_shared>>
      %dma_start3A_66 = arith.constant 0 : i32
      %dma_start3A_67 = tpu.memref_slice %arg16[%add3A_55, %dma_start3A_66] : memref<10240x128xf32, #tpu.memory_space<vmem_shared>> -> memref<128x128xf32, #tpu.memory_space<vmem_shared>>
      tpu.enqueue_dma source(%dma_start3A_67 : memref<128x128xf32, #tpu.memory_space<vmem_shared>>) target(%arg9 : memref<128x128xf32, #tpu.memory_space<vmem>>) target_semaphore(%run_scoped3A : memref<!tpu.dma_semaphore, #tpu.memory_space<semaphore_mem>>)
      %dma_wait3A_68 = arith.constant 0 : i32
      %dma_wait3A_69 = tpu.memref_slice %arg16[%add3A_55, %dma_wait3A_68] : memref<10240x128xf32, #tpu.memory_space<vmem_shared>> -> memref<128x128xf32, #tpu.memory_space<vmem_shared>>
      %dma_wait3A_70 = arith.constant 0 : i32
      %dma_wait3A_71 = tpu.memref_slice %arg16[%add3A_55, %dma_wait3A_70] : memref<10240x128xf32, #tpu.memory_space<vmem_shared>> -> memref<128x128xf32, #tpu.memory_space<vmem_shared>>
      tpu.wait_dma2 semaphore(%run_scoped3A : memref<!tpu.dma_semaphore, #tpu.memory_space<semaphore_mem>>) src(%dma_wait3A_71 : memref<128x128xf32, #tpu.memory_space<vmem_shared>>) dst(%arg9 : memref<128x128xf32, #tpu.memory_space<vmem>>)
      tpu.yield
    }) : () -> ()
    "tpu.region"() ({
      %run_scoped3A = tpu.sem_alloc : memref<!tpu.dma_semaphore, #tpu.memory_space<semaphore_mem>>
      %dma_start3A_64 = arith.constant 0 : i32
      %dma_start3A_65 = tpu.memref_slice %arg17[%add3A_55, %dma_start3A_64] : memref<10240x16xf32, #tpu.memory_space<vmem_shared>> -> memref<128x16xf32, #tpu.memory_space<vmem_shared>>
      %dma_start3A_66 = arith.constant 0 : i32
      %dma_start3A_67 = tpu.memref_slice %arg17[%add3A_55, %dma_start3A_66] : memref<10240x16xf32, #tpu.memory_space<vmem_shared>> -> memref<128x16xf32, #tpu.memory_space<vmem_shared>>
      tpu.enqueue_dma source(%dma_start3A_67 : memref<128x16xf32, #tpu.memory_space<vmem_shared>>) target(%arg10 : memref<128x16xf32, #tpu.memory_space<vmem>>) target_semaphore(%run_scoped3A : memref<!tpu.dma_semaphore, #tpu.memory_space<semaphore_mem>>)
      %dma_wait3A_68 = arith.constant 0 : i32
      %dma_wait3A_69 = tpu.memref_slice %arg17[%add3A_55, %dma_wait3A_68] : memref<10240x16xf32, #tpu.memory_space<vmem_shared>> -> memref<128x16xf32, #tpu.memory_space<vmem_shared>>
      %dma_wait3A_70 = arith.constant 0 : i32
      %dma_wait3A_71 = tpu.memref_slice %arg17[%add3A_55, %dma_wait3A_70] : memref<10240x16xf32, #tpu.memory_space<vmem_shared>> -> memref<128x16xf32, #tpu.memory_space<vmem_shared>>
      tpu.wait_dma2 semaphore(%run_scoped3A : memref<!tpu.dma_semaphore, #tpu.memory_space<semaphore_mem>>) src(%dma_wait3A_71 : memref<128x16xf32, #tpu.memory_space<vmem_shared>>) dst(%arg10 : memref<128x16xf32, #tpu.memory_space<vmem>>)
      tpu.yield
    }) : () -> ()
    "tpu.region"() ({
      %run_scoped3A = tpu.sem_alloc : memref<!tpu.dma_semaphore, #tpu.memory_space<semaphore_mem>>
      %dma_start3A_64 = arith.constant 0 : i32
      %dma_start3A_65 = tpu.memref_slice %arg5[%arg0, %add3A_55, %dma_start3A_64] : memref<2x10240x128xf32, #tpu.memory_space<hbm>> -> memref<1x128x128xf32, #tpu.memory_space<hbm>>
      %dma_start3A_66 = tpu.memref_squeeze %dma_start3A_65 : memref<1x128x128xf32, #tpu.memory_space<hbm>> -> memref<128x128xf32, #tpu.memory_space<hbm>>
      %dma_start3A_67 = arith.constant 0 : i32
      %dma_start3A_68 = tpu.memref_slice %arg5[%arg0, %add3A_55, %dma_start3A_67] : memref<2x10240x128xf32, #tpu.memory_space<hbm>> -> memref<1x128x128xf32, #tpu.memory_space<hbm>>
      %dma_start3A_69 = tpu.memref_squeeze %dma_start3A_68 : memref<1x128x128xf32, #tpu.memory_space<hbm>> -> memref<128x128xf32, #tpu.memory_space<hbm>>
      tpu.enqueue_dma source(%arg9 : memref<128x128xf32, #tpu.memory_space<vmem>>) target(%dma_start3A_69 : memref<128x128xf32, #tpu.memory_space<hbm>>) target_semaphore(%run_scoped3A : memref<!tpu.dma_semaphore, #tpu.memory_space<semaphore_mem>>)
      %dma_wait3A_70 = arith.constant 0 : i32
      %dma_wait3A_71 = tpu.memref_slice %arg5[%arg0, %add3A_55, %dma_wait3A_70] : memref<2x10240x128xf32, #tpu.memory_space<hbm>> -> memref<1x128x128xf32, #tpu.memory_space<hbm>>
      %dma_wait3A_72 = tpu.memref_squeeze %dma_wait3A_71 : memref<1x128x128xf32, #tpu.memory_space<hbm>> -> memref<128x128xf32, #tpu.memory_space<hbm>>
      %dma_wait3A_73 = arith.constant 0 : i32
      %dma_wait3A_74 = tpu.memref_slice %arg5[%arg0, %add3A_55, %dma_wait3A_73] : memref<2x10240x128xf32, #tpu.memory_space<hbm>> -> memref<1x128x128xf32, #tpu.memory_space<hbm>>
      %dma_wait3A_75 = tpu.memref_squeeze %dma_wait3A_74 : memref<1x128x128xf32, #tpu.memory_space<hbm>> -> memref<128x128xf32, #tpu.memory_space<hbm>>
      tpu.wait_dma2 semaphore(%run_scoped3A : memref<!tpu.dma_semaphore, #tpu.memory_space<semaphore_mem>>) src(%arg9 : memref<128x128xf32, #tpu.memory_space<vmem>>) dst(%dma_wait3A_75 : memref<128x128xf32, #tpu.memory_space<hbm>>)
      tpu.yield
    }) : () -> ()
    "tpu.region"() ({
      %run_scoped3A = tpu.sem_alloc : memref<!tpu.dma_semaphore, #tpu.memory_space<semaphore_mem>>
      %dma_start3A_64 = arith.constant 0 : i32
      %dma_start3A_65 = tpu.memref_slice %arg6[%arg0, %add3A_55, %dma_start3A_64] : memref<2x10240x16xf32, #tpu.memory_space<hbm>> -> memref<1x128x16xf32, #tpu.memory_space<hbm>>
      %dma_start3A_66 = tpu.memref_squeeze %dma_start3A_65 : memref<1x128x16xf32, #tpu.memory_space<hbm>> -> memref<128x16xf32, #tpu.memory_space<hbm>>
      %dma_start3A_67 = arith.constant 0 : i32
      %dma_start3A_68 = tpu.memref_slice %arg6[%arg0, %add3A_55, %dma_start3A_67] : memref<2x10240x16xf32, #tpu.memory_space<hbm>> -> memref<1x128x16xf32, #tpu.memory_space<hbm>>
      %dma_start3A_69 = tpu.memref_squeeze %dma_start3A_68 : memref<1x128x16xf32, #tpu.memory_space<hbm>> -> memref<128x16xf32, #tpu.memory_space<hbm>>
      tpu.enqueue_dma source(%arg10 : memref<128x16xf32, #tpu.memory_space<vmem>>) target(%dma_start3A_69 : memref<128x16xf32, #tpu.memory_space<hbm>>) target_semaphore(%run_scoped3A : memref<!tpu.dma_semaphore, #tpu.memory_space<semaphore_mem>>)
      %dma_wait3A_70 = arith.constant 0 : i32
      %dma_wait3A_71 = tpu.memref_slice %arg6[%arg0, %add3A_55, %dma_wait3A_70] : memref<2x10240x16xf32, #tpu.memory_space<hbm>> -> memref<1x128x16xf32, #tpu.memory_space<hbm>>
      %dma_wait3A_72 = tpu.memref_squeeze %dma_wait3A_71 : memref<1x128x16xf32, #tpu.memory_space<hbm>> -> memref<128x16xf32, #tpu.memory_space<hbm>>
      %dma_wait3A_73 = arith.constant 0 : i32
      %dma_wait3A_74 = tpu.memref_slice %arg6[%arg0, %add3A_55, %dma_wait3A_73] : memref<2x10240x16xf32, #tpu.memory_space<hbm>> -> memref<1x128x16xf32, #tpu.memory_space<hbm>>
      %dma_wait3A_75 = tpu.memref_squeeze %dma_wait3A_74 : memref<1x128x16xf32, #tpu.memory_space<hbm>> -> memref<128x16xf32, #tpu.memory_space<hbm>>
      tpu.wait_dma2 semaphore(%run_scoped3A : memref<!tpu.dma_semaphore, #tpu.memory_space<semaphore_mem>>) src(%arg10 : memref<128x16xf32, #tpu.memory_space<vmem>>) dst(%dma_wait3A_75 : memref<128x16xf32, #tpu.memory_space<hbm>>)
      tpu.yield
    }) : () -> ()
    %add3A_56 = arith.constant 128 : i32
    %add3A_57 = arith.addi %mul3A_4, %add3A_56 : i32
    "tpu.region"() ({
      %run_scoped3A = tpu.sem_alloc : memref<!tpu.dma_semaphore, #tpu.memory_space<semaphore_mem>>
      %dma_start3A_64 = arith.constant 0 : i32
      %dma_start3A_65 = tpu.memref_slice %arg16[%add3A_57, %dma_start3A_64] : memref<10240x128xf32, #tpu.memory_space<vmem_shared>> -> memref<128x128xf32, #tpu.memory_space<vmem_shared>>
      %dma_start3A_66 = arith.constant 0 : i32
      %dma_start3A_67 = tpu.memref_slice %arg16[%add3A_57, %dma_start3A_66] : memref<10240x128xf32, #tpu.memory_space<vmem_shared>> -> memref<128x128xf32, #tpu.memory_space<vmem_shared>>
      tpu.enqueue_dma source(%dma_start3A_67 : memref<128x128xf32, #tpu.memory_space<vmem_shared>>) target(%arg9 : memref<128x128xf32, #tpu.memory_space<vmem>>) target_semaphore(%run_scoped3A : memref<!tpu.dma_semaphore, #tpu.memory_space<semaphore_mem>>)
      %dma_wait3A_68 = arith.constant 0 : i32
      %dma_wait3A_69 = tpu.memref_slice %arg16[%add3A_57, %dma_wait3A_68] : memref<10240x128xf32, #tpu.memory_space<vmem_shared>> -> memref<128x128xf32, #tpu.memory_space<vmem_shared>>
      %dma_wait3A_70 = arith.constant 0 : i32
      %dma_wait3A_71 = tpu.memref_slice %arg16[%add3A_57, %dma_wait3A_70] : memref<10240x128xf32, #tpu.memory_space<vmem_shared>> -> memref<128x128xf32, #tpu.memory_space<vmem_shared>>
      tpu.wait_dma2 semaphore(%run_scoped3A : memref<!tpu.dma_semaphore, #tpu.memory_space<semaphore_mem>>) src(%dma_wait3A_71 : memref<128x128xf32, #tpu.memory_space<vmem_shared>>) dst(%arg9 : memref<128x128xf32, #tpu.memory_space<vmem>>)
      tpu.yield
    }) : () -> ()
    "tpu.region"() ({
      %run_scoped3A = tpu.sem_alloc : memref<!tpu.dma_semaphore, #tpu.memory_space<semaphore_mem>>
      %dma_start3A_64 = arith.constant 0 : i32
      %dma_start3A_65 = tpu.memref_slice %arg17[%add3A_57, %dma_start3A_64] : memref<10240x16xf32, #tpu.memory_space<vmem_shared>> -> memref<128x16xf32, #tpu.memory_space<vmem_shared>>
      %dma_start3A_66 = arith.constant 0 : i32
      %dma_start3A_67 = tpu.memref_slice %arg17[%add3A_57, %dma_start3A_66] : memref<10240x16xf32, #tpu.memory_space<vmem_shared>> -> memref<128x16xf32, #tpu.memory_space<vmem_shared>>
      tpu.enqueue_dma source(%dma_start3A_67 : memref<128x16xf32, #tpu.memory_space<vmem_shared>>) target(%arg10 : memref<128x16xf32, #tpu.memory_space<vmem>>) target_semaphore(%run_scoped3A : memref<!tpu.dma_semaphore, #tpu.memory_space<semaphore_mem>>)
      %dma_wait3A_68 = arith.constant 0 : i32
      %dma_wait3A_69 = tpu.memref_slice %arg17[%add3A_57, %dma_wait3A_68] : memref<10240x16xf32, #tpu.memory_space<vmem_shared>> -> memref<128x16xf32, #tpu.memory_space<vmem_shared>>
      %dma_wait3A_70 = arith.constant 0 : i32
      %dma_wait3A_71 = tpu.memref_slice %arg17[%add3A_57, %dma_wait3A_70] : memref<10240x16xf32, #tpu.memory_space<vmem_shared>> -> memref<128x16xf32, #tpu.memory_space<vmem_shared>>
      tpu.wait_dma2 semaphore(%run_scoped3A : memref<!tpu.dma_semaphore, #tpu.memory_space<semaphore_mem>>) src(%dma_wait3A_71 : memref<128x16xf32, #tpu.memory_space<vmem_shared>>) dst(%arg10 : memref<128x16xf32, #tpu.memory_space<vmem>>)
      tpu.yield
    }) : () -> ()
    "tpu.region"() ({
      %run_scoped3A = tpu.sem_alloc : memref<!tpu.dma_semaphore, #tpu.memory_space<semaphore_mem>>
      %dma_start3A_64 = arith.constant 0 : i32
      %dma_start3A_65 = tpu.memref_slice %arg5[%arg0, %add3A_57, %dma_start3A_64] : memref<2x10240x128xf32, #tpu.memory_space<hbm>> -> memref<1x128x128xf32, #tpu.memory_space<hbm>>
      %dma_start3A_66 = tpu.memref_squeeze %dma_start3A_65 : memref<1x128x128xf32, #tpu.memory_space<hbm>> -> memref<128x128xf32, #tpu.memory_space<hbm>>
      %dma_start3A_67 = arith.constant 0 : i32
      %dma_start3A_68 = tpu.memref_slice %arg5[%arg0, %add3A_57, %dma_start3A_67] : memref<2x10240x128xf32, #tpu.memory_space<hbm>> -> memref<1x128x128xf32, #tpu.memory_space<hbm>>
      %dma_start3A_69 = tpu.memref_squeeze %dma_start3A_68 : memref<1x128x128xf32, #tpu.memory_space<hbm>> -> memref<128x128xf32, #tpu.memory_space<hbm>>
      tpu.enqueue_dma source(%arg9 : memref<128x128xf32, #tpu.memory_space<vmem>>) target(%dma_start3A_69 : memref<128x128xf32, #tpu.memory_space<hbm>>) target_semaphore(%run_scoped3A : memref<!tpu.dma_semaphore, #tpu.memory_space<semaphore_mem>>)
      %dma_wait3A_70 = arith.constant 0 : i32
      %dma_wait3A_71 = tpu.memref_slice %arg5[%arg0, %add3A_57, %dma_wait3A_70] : memref<2x10240x128xf32, #tpu.memory_space<hbm>> -> memref<1x128x128xf32, #tpu.memory_space<hbm>>
      %dma_wait3A_72 = tpu.memref_squeeze %dma_wait3A_71 : memref<1x128x128xf32, #tpu.memory_space<hbm>> -> memref<128x128xf32, #tpu.memory_space<hbm>>
      %dma_wait3A_73 = arith.constant 0 : i32
      %dma_wait3A_74 = tpu.memref_slice %arg5[%arg0, %add3A_57, %dma_wait3A_73] : memref<2x10240x128xf32, #tpu.memory_space<hbm>> -> memref<1x128x128xf32, #tpu.memory_space<hbm>>
      %dma_wait3A_75 = tpu.memref_squeeze %dma_wait3A_74 : memref<1x128x128xf32, #tpu.memory_space<hbm>> -> memref<128x128xf32, #tpu.memory_space<hbm>>
      tpu.wait_dma2 semaphore(%run_scoped3A : memref<!tpu.dma_semaphore, #tpu.memory_space<semaphore_mem>>) src(%arg9 : memref<128x128xf32, #tpu.memory_space<vmem>>) dst(%dma_wait3A_75 : memref<128x128xf32, #tpu.memory_space<hbm>>)
      tpu.yield
    }) : () -> ()
    "tpu.region"() ({
      %run_scoped3A = tpu.sem_alloc : memref<!tpu.dma_semaphore, #tpu.memory_space<semaphore_mem>>
      %dma_start3A_64 = arith.constant 0 : i32
      %dma_start3A_65 = tpu.memref_slice %arg6[%arg0, %add3A_57, %dma_start3A_64] : memref<2x10240x16xf32, #tpu.memory_space<hbm>> -> memref<1x128x16xf32, #tpu.memory_space<hbm>>
      %dma_start3A_66 = tpu.memref_squeeze %dma_start3A_65 : memref<1x128x16xf32, #tpu.memory_space<hbm>> -> memref<128x16xf32, #tpu.memory_space<hbm>>
      %dma_start3A_67 = arith.constant 0 : i32
      %dma_start3A_68 = tpu.memref_slice %arg6[%arg0, %add3A_57, %dma_start3A_67] : memref<2x10240x16xf32, #tpu.memory_space<hbm>> -> memref<1x128x16xf32, #tpu.memory_space<hbm>>
      %dma_start3A_69 = tpu.memref_squeeze %dma_start3A_68 : memref<1x128x16xf32, #tpu.memory_space<hbm>> -> memref<128x16xf32, #tpu.memory_space<hbm>>
      tpu.enqueue_dma source(%arg10 : memref<128x16xf32, #tpu.memory_space<vmem>>) target(%dma_start3A_69 : memref<128x16xf32, #tpu.memory_space<hbm>>) target_semaphore(%run_scoped3A : memref<!tpu.dma_semaphore, #tpu.memory_space<semaphore_mem>>)
      %dma_wait3A_70 = arith.constant 0 : i32
      %dma_wait3A_71 = tpu.memref_slice %arg6[%arg0, %add3A_57, %dma_wait3A_70] : memref<2x10240x16xf32, #tpu.memory_space<hbm>> -> memref<1x128x16xf32, #tpu.memory_space<hbm>>
      %dma_wait3A_72 = tpu.memref_squeeze %dma_wait3A_71 : memref<1x128x16xf32, #tpu.memory_space<hbm>> -> memref<128x16xf32, #tpu.memory_space<hbm>>
      %dma_wait3A_73 = arith.constant 0 : i32
      %dma_wait3A_74 = tpu.memref_slice %arg6[%arg0, %add3A_57, %dma_wait3A_73] : memref<2x10240x16xf32, #tpu.memory_space<hbm>> -> memref<1x128x16xf32, #tpu.memory_space<hbm>>
      %dma_wait3A_75 = tpu.memref_squeeze %dma_wait3A_74 : memref<1x128x16xf32, #tpu.memory_space<hbm>> -> memref<128x16xf32, #tpu.memory_space<hbm>>
      tpu.wait_dma2 semaphore(%run_scoped3A : memref<!tpu.dma_semaphore, #tpu.memory_space<semaphore_mem>>) src(%arg10 : memref<128x16xf32, #tpu.memory_space<vmem>>) dst(%dma_wait3A_75 : memref<128x16xf32, #tpu.memory_space<hbm>>)
      tpu.yield
    }) : () -> ()
    %add3A_58 = arith.constant 256 : i32
    %add3A_59 = arith.addi %mul3A_4, %add3A_58 : i32
    "tpu.region"() ({
      %run_scoped3A = tpu.sem_alloc : memref<!tpu.dma_semaphore, #tpu.memory_space<semaphore_mem>>
      %dma_start3A_64 = arith.constant 0 : i32
      %dma_start3A_65 = tpu.memref_slice %arg16[%add3A_59, %dma_start3A_64] : memref<10240x128xf32, #tpu.memory_space<vmem_shared>> -> memref<128x128xf32, #tpu.memory_space<vmem_shared>>
      %dma_start3A_66 = arith.constant 0 : i32
      %dma_start3A_67 = tpu.memref_slice %arg16[%add3A_59, %dma_start3A_66] : memref<10240x128xf32, #tpu.memory_space<vmem_shared>> -> memref<128x128xf32, #tpu.memory_space<vmem_shared>>
      tpu.enqueue_dma source(%dma_start3A_67 : memref<128x128xf32, #tpu.memory_space<vmem_shared>>) target(%arg9 : memref<128x128xf32, #tpu.memory_space<vmem>>) target_semaphore(%run_scoped3A : memref<!tpu.dma_semaphore, #tpu.memory_space<semaphore_mem>>)
      %dma_wait3A_68 = arith.constant 0 : i32
      %dma_wait3A_69 = tpu.memref_slice %arg16[%add3A_59, %dma_wait3A_68] : memref<10240x128xf32, #tpu.memory_space<vmem_shared>> -> memref<128x128xf32, #tpu.memory_space<vmem_shared>>
      %dma_wait3A_70 = arith.constant 0 : i32
      %dma_wait3A_71 = tpu.memref_slice %arg16[%add3A_59, %dma_wait3A_70] : memref<10240x128xf32, #tpu.memory_space<vmem_shared>> -> memref<128x128xf32, #tpu.memory_space<vmem_shared>>
      tpu.wait_dma2 semaphore(%run_scoped3A : memref<!tpu.dma_semaphore, #tpu.memory_space<semaphore_mem>>) src(%dma_wait3A_71 : memref<128x128xf32, #tpu.memory_space<vmem_shared>>) dst(%arg9 : memref<128x128xf32, #tpu.memory_space<vmem>>)
      tpu.yield
    }) : () -> ()
    "tpu.region"() ({
      %run_scoped3A = tpu.sem_alloc : memref<!tpu.dma_semaphore, #tpu.memory_space<semaphore_mem>>
      %dma_start3A_64 = arith.constant 0 : i32
      %dma_start3A_65 = tpu.memref_slice %arg17[%add3A_59, %dma_start3A_64] : memref<10240x16xf32, #tpu.memory_space<vmem_shared>> -> memref<128x16xf32, #tpu.memory_space<vmem_shared>>
      %dma_start3A_66 = arith.constant 0 : i32
      %dma_start3A_67 = tpu.memref_slice %arg17[%add3A_59, %dma_start3A_66] : memref<10240x16xf32, #tpu.memory_space<vmem_shared>> -> memref<128x16xf32, #tpu.memory_space<vmem_shared>>
      tpu.enqueue_dma source(%dma_start3A_67 : memref<128x16xf32, #tpu.memory_space<vmem_shared>>) target(%arg10 : memref<128x16xf32, #tpu.memory_space<vmem>>) target_semaphore(%run_scoped3A : memref<!tpu.dma_semaphore, #tpu.memory_space<semaphore_mem>>)
      %dma_wait3A_68 = arith.constant 0 : i32
      %dma_wait3A_69 = tpu.memref_slice %arg17[%add3A_59, %dma_wait3A_68] : memref<10240x16xf32, #tpu.memory_space<vmem_shared>> -> memref<128x16xf32, #tpu.memory_space<vmem_shared>>
      %dma_wait3A_70 = arith.constant 0 : i32
      %dma_wait3A_71 = tpu.memref_slice %arg17[%add3A_59, %dma_wait3A_70] : memref<10240x16xf32, #tpu.memory_space<vmem_shared>> -> memref<128x16xf32, #tpu.memory_space<vmem_shared>>
      tpu.wait_dma2 semaphore(%run_scoped3A : memref<!tpu.dma_semaphore, #tpu.memory_space<semaphore_mem>>) src(%dma_wait3A_71 : memref<128x16xf32, #tpu.memory_space<vmem_shared>>) dst(%arg10 : memref<128x16xf32, #tpu.memory_space<vmem>>)
      tpu.yield
    }) : () -> ()
    "tpu.region"() ({
      %run_scoped3A = tpu.sem_alloc : memref<!tpu.dma_semaphore, #tpu.memory_space<semaphore_mem>>
      %dma_start3A_64 = arith.constant 0 : i32
      %dma_start3A_65 = tpu.memref_slice %arg5[%arg0, %add3A_59, %dma_start3A_64] : memref<2x10240x128xf32, #tpu.memory_space<hbm>> -> memref<1x128x128xf32, #tpu.memory_space<hbm>>
      %dma_start3A_66 = tpu.memref_squeeze %dma_start3A_65 : memref<1x128x128xf32, #tpu.memory_space<hbm>> -> memref<128x128xf32, #tpu.memory_space<hbm>>
      %dma_start3A_67 = arith.constant 0 : i32
      %dma_start3A_68 = tpu.memref_slice %arg5[%arg0, %add3A_59, %dma_start3A_67] : memref<2x10240x128xf32, #tpu.memory_space<hbm>> -> memref<1x128x128xf32, #tpu.memory_space<hbm>>
      %dma_start3A_69 = tpu.memref_squeeze %dma_start3A_68 : memref<1x128x128xf32, #tpu.memory_space<hbm>> -> memref<128x128xf32, #tpu.memory_space<hbm>>
      tpu.enqueue_dma source(%arg9 : memref<128x128xf32, #tpu.memory_space<vmem>>) target(%dma_start3A_69 : memref<128x128xf32, #tpu.memory_space<hbm>>) target_semaphore(%run_scoped3A : memref<!tpu.dma_semaphore, #tpu.memory_space<semaphore_mem>>)
      %dma_wait3A_70 = arith.constant 0 : i32
      %dma_wait3A_71 = tpu.memref_slice %arg5[%arg0, %add3A_59, %dma_wait3A_70] : memref<2x10240x128xf32, #tpu.memory_space<hbm>> -> memref<1x128x128xf32, #tpu.memory_space<hbm>>
      %dma_wait3A_72 = tpu.memref_squeeze %dma_wait3A_71 : memref<1x128x128xf32, #tpu.memory_space<hbm>> -> memref<128x128xf32, #tpu.memory_space<hbm>>
      %dma_wait3A_73 = arith.constant 0 : i32
      %dma_wait3A_74 = tpu.memref_slice %arg5[%arg0, %add3A_59, %dma_wait3A_73] : memref<2x10240x128xf32, #tpu.memory_space<hbm>> -> memref<1x128x128xf32, #tpu.memory_space<hbm>>
      %dma_wait3A_75 = tpu.memref_squeeze %dma_wait3A_74 : memref<1x128x128xf32, #tpu.memory_space<hbm>> -> memref<128x128xf32, #tpu.memory_space<hbm>>
      tpu.wait_dma2 semaphore(%run_scoped3A : memref<!tpu.dma_semaphore, #tpu.memory_space<semaphore_mem>>) src(%arg9 : memref<128x128xf32, #tpu.memory_space<vmem>>) dst(%dma_wait3A_75 : memref<128x128xf32, #tpu.memory_space<hbm>>)
      tpu.yield
    }) : () -> ()
    "tpu.region"() ({
      %run_scoped3A = tpu.sem_alloc : memref<!tpu.dma_semaphore, #tpu.memory_space<semaphore_mem>>
      %dma_start3A_64 = arith.constant 0 : i32
      %dma_start3A_65 = tpu.memref_slice %arg6[%arg0, %add3A_59, %dma_start3A_64] : memref<2x10240x16xf32, #tpu.memory_space<hbm>> -> memref<1x128x16xf32, #tpu.memory_space<hbm>>
      %dma_start3A_66 = tpu.memref_squeeze %dma_start3A_65 : memref<1x128x16xf32, #tpu.memory_space<hbm>> -> memref<128x16xf32, #tpu.memory_space<hbm>>
      %dma_start3A_67 = arith.constant 0 : i32
      %dma_start3A_68 = tpu.memref_slice %arg6[%arg0, %add3A_59, %dma_start3A_67] : memref<2x10240x16xf32, #tpu.memory_space<hbm>> -> memref<1x128x16xf32, #tpu.memory_space<hbm>>
      %dma_start3A_69 = tpu.memref_squeeze %dma_start3A_68 : memref<1x128x16xf32, #tpu.memory_space<hbm>> -> memref<128x16xf32, #tpu.memory_space<hbm>>
      tpu.enqueue_dma source(%arg10 : memref<128x16xf32, #tpu.memory_space<vmem>>) target(%dma_start3A_69 : memref<128x16xf32, #tpu.memory_space<hbm>>) target_semaphore(%run_scoped3A : memref<!tpu.dma_semaphore, #tpu.memory_space<semaphore_mem>>)
      %dma_wait3A_70 = arith.constant 0 : i32
      %dma_wait3A_71 = tpu.memref_slice %arg6[%arg0, %add3A_59, %dma_wait3A_70] : memref<2x10240x16xf32, #tpu.memory_space<hbm>> -> memref<1x128x16xf32, #tpu.memory_space<hbm>>
      %dma_wait3A_72 = tpu.memref_squeeze %dma_wait3A_71 : memref<1x128x16xf32, #tpu.memory_space<hbm>> -> memref<128x16xf32, #tpu.memory_space<hbm>>
      %dma_wait3A_73 = arith.constant 0 : i32
      %dma_wait3A_74 = tpu.memref_slice %arg6[%arg0, %add3A_59, %dma_wait3A_73] : memref<2x10240x16xf32, #tpu.memory_space<hbm>> -> memref<1x128x16xf32, #tpu.memory_space<hbm>>
      %dma_wait3A_75 = tpu.memref_squeeze %dma_wait3A_74 : memref<1x128x16xf32, #tpu.memory_space<hbm>> -> memref<128x16xf32, #tpu.memory_space<hbm>>
      tpu.wait_dma2 semaphore(%run_scoped3A : memref<!tpu.dma_semaphore, #tpu.memory_space<semaphore_mem>>) src(%arg10 : memref<128x16xf32, #tpu.memory_space<vmem>>) dst(%dma_wait3A_75 : memref<128x16xf32, #tpu.memory_space<hbm>>)
      tpu.yield
    }) : () -> ()
    %add3A_60 = arith.constant 384 : i32
    %add3A_61 = arith.addi %mul3A_4, %add3A_60 : i32
    "tpu.region"() ({
      %run_scoped3A = tpu.sem_alloc : memref<!tpu.dma_semaphore, #tpu.memory_space<semaphore_mem>>
      %dma_start3A_64 = arith.constant 0 : i32
      %dma_start3A_65 = tpu.memref_slice %arg16[%add3A_61, %dma_start3A_64] : memref<10240x128xf32, #tpu.memory_space<vmem_shared>> -> memref<128x128xf32, #tpu.memory_space<vmem_shared>>
      %dma_start3A_66 = arith.constant 0 : i32
      %dma_start3A_67 = tpu.memref_slice %arg16[%add3A_61, %dma_start3A_66] : memref<10240x128xf32, #tpu.memory_space<vmem_shared>> -> memref<128x128xf32, #tpu.memory_space<vmem_shared>>
      tpu.enqueue_dma source(%dma_start3A_67 : memref<128x128xf32, #tpu.memory_space<vmem_shared>>) target(%arg9 : memref<128x128xf32, #tpu.memory_space<vmem>>) target_semaphore(%run_scoped3A : memref<!tpu.dma_semaphore, #tpu.memory_space<semaphore_mem>>)
      %dma_wait3A_68 = arith.constant 0 : i32
      %dma_wait3A_69 = tpu.memref_slice %arg16[%add3A_61, %dma_wait3A_68] : memref<10240x128xf32, #tpu.memory_space<vmem_shared>> -> memref<128x128xf32, #tpu.memory_space<vmem_shared>>
      %dma_wait3A_70 = arith.constant 0 : i32
      %dma_wait3A_71 = tpu.memref_slice %arg16[%add3A_61, %dma_wait3A_70] : memref<10240x128xf32, #tpu.memory_space<vmem_shared>> -> memref<128x128xf32, #tpu.memory_space<vmem_shared>>
      tpu.wait_dma2 semaphore(%run_scoped3A : memref<!tpu.dma_semaphore, #tpu.memory_space<semaphore_mem>>) src(%dma_wait3A_71 : memref<128x128xf32, #tpu.memory_space<vmem_shared>>) dst(%arg9 : memref<128x128xf32, #tpu.memory_space<vmem>>)
      tpu.yield
    }) : () -> ()
    "tpu.region"() ({
      %run_scoped3A = tpu.sem_alloc : memref<!tpu.dma_semaphore, #tpu.memory_space<semaphore_mem>>
      %dma_start3A_64 = arith.constant 0 : i32
      %dma_start3A_65 = tpu.memref_slice %arg17[%add3A_61, %dma_start3A_64] : memref<10240x16xf32, #tpu.memory_space<vmem_shared>> -> memref<128x16xf32, #tpu.memory_space<vmem_shared>>
      %dma_start3A_66 = arith.constant 0 : i32
      %dma_start3A_67 = tpu.memref_slice %arg17[%add3A_61, %dma_start3A_66] : memref<10240x16xf32, #tpu.memory_space<vmem_shared>> -> memref<128x16xf32, #tpu.memory_space<vmem_shared>>
      tpu.enqueue_dma source(%dma_start3A_67 : memref<128x16xf32, #tpu.memory_space<vmem_shared>>) target(%arg10 : memref<128x16xf32, #tpu.memory_space<vmem>>) target_semaphore(%run_scoped3A : memref<!tpu.dma_semaphore, #tpu.memory_space<semaphore_mem>>)
      %dma_wait3A_68 = arith.constant 0 : i32
      %dma_wait3A_69 = tpu.memref_slice %arg17[%add3A_61, %dma_wait3A_68] : memref<10240x16xf32, #tpu.memory_space<vmem_shared>> -> memref<128x16xf32, #tpu.memory_space<vmem_shared>>
      %dma_wait3A_70 = arith.constant 0 : i32
      %dma_wait3A_71 = tpu.memref_slice %arg17[%add3A_61, %dma_wait3A_70] : memref<10240x16xf32, #tpu.memory_space<vmem_shared>> -> memref<128x16xf32, #tpu.memory_space<vmem_shared>>
      tpu.wait_dma2 semaphore(%run_scoped3A : memref<!tpu.dma_semaphore, #tpu.memory_space<semaphore_mem>>) src(%dma_wait3A_71 : memref<128x16xf32, #tpu.memory_space<vmem_shared>>) dst(%arg10 : memref<128x16xf32, #tpu.memory_space<vmem>>)
      tpu.yield
    }) : () -> ()
    "tpu.region"() ({
      %run_scoped3A = tpu.sem_alloc : memref<!tpu.dma_semaphore, #tpu.memory_space<semaphore_mem>>
      %dma_start3A_64 = arith.constant 0 : i32
      %dma_start3A_65 = tpu.memref_slice %arg5[%arg0, %add3A_61, %dma_start3A_64] : memref<2x10240x128xf32, #tpu.memory_space<hbm>> -> memref<1x128x128xf32, #tpu.memory_space<hbm>>
      %dma_start3A_66 = tpu.memref_squeeze %dma_start3A_65 : memref<1x128x128xf32, #tpu.memory_space<hbm>> -> memref<128x128xf32, #tpu.memory_space<hbm>>
      %dma_start3A_67 = arith.constant 0 : i32
      %dma_start3A_68 = tpu.memref_slice %arg5[%arg0, %add3A_61, %dma_start3A_67] : memref<2x10240x128xf32, #tpu.memory_space<hbm>> -> memref<1x128x128xf32, #tpu.memory_space<hbm>>
      %dma_start3A_69 = tpu.memref_squeeze %dma_start3A_68 : memref<1x128x128xf32, #tpu.memory_space<hbm>> -> memref<128x128xf32, #tpu.memory_space<hbm>>
      tpu.enqueue_dma source(%arg9 : memref<128x128xf32, #tpu.memory_space<vmem>>) target(%dma_start3A_69 : memref<128x128xf32, #tpu.memory_space<hbm>>) target_semaphore(%run_scoped3A : memref<!tpu.dma_semaphore, #tpu.memory_space<semaphore_mem>>)
      %dma_wait3A_70 = arith.constant 0 : i32
      %dma_wait3A_71 = tpu.memref_slice %arg5[%arg0, %add3A_61, %dma_wait3A_70] : memref<2x10240x128xf32, #tpu.memory_space<hbm>> -> memref<1x128x128xf32, #tpu.memory_space<hbm>>
      %dma_wait3A_72 = tpu.memref_squeeze %dma_wait3A_71 : memref<1x128x128xf32, #tpu.memory_space<hbm>> -> memref<128x128xf32, #tpu.memory_space<hbm>>
      %dma_wait3A_73 = arith.constant 0 : i32
      %dma_wait3A_74 = tpu.memref_slice %arg5[%arg0, %add3A_61, %dma_wait3A_73] : memref<2x10240x128xf32, #tpu.memory_space<hbm>> -> memref<1x128x128xf32, #tpu.memory_space<hbm>>
      %dma_wait3A_75 = tpu.memref_squeeze %dma_wait3A_74 : memref<1x128x128xf32, #tpu.memory_space<hbm>> -> memref<128x128xf32, #tpu.memory_space<hbm>>
      tpu.wait_dma2 semaphore(%run_scoped3A : memref<!tpu.dma_semaphore, #tpu.memory_space<semaphore_mem>>) src(%arg9 : memref<128x128xf32, #tpu.memory_space<vmem>>) dst(%dma_wait3A_75 : memref<128x128xf32, #tpu.memory_space<hbm>>)
      tpu.yield
    }) : () -> ()
    "tpu.region"() ({
      %run_scoped3A = tpu.sem_alloc : memref<!tpu.dma_semaphore, #tpu.memory_space<semaphore_mem>>
      %dma_start3A_64 = arith.constant 0 : i32
      %dma_start3A_65 = tpu.memref_slice %arg6[%arg0, %add3A_61, %dma_start3A_64] : memref<2x10240x16xf32, #tpu.memory_space<hbm>> -> memref<1x128x16xf32, #tpu.memory_space<hbm>>
      %dma_start3A_66 = tpu.memref_squeeze %dma_start3A_65 : memref<1x128x16xf32, #tpu.memory_space<hbm>> -> memref<128x16xf32, #tpu.memory_space<hbm>>
      %dma_start3A_67 = arith.constant 0 : i32
      %dma_start3A_68 = tpu.memref_slice %arg6[%arg0, %add3A_61, %dma_start3A_67] : memref<2x10240x16xf32, #tpu.memory_space<hbm>> -> memref<1x128x16xf32, #tpu.memory_space<hbm>>
      %dma_start3A_69 = tpu.memref_squeeze %dma_start3A_68 : memref<1x128x16xf32, #tpu.memory_space<hbm>> -> memref<128x16xf32, #tpu.memory_space<hbm>>
      tpu.enqueue_dma source(%arg10 : memref<128x16xf32, #tpu.memory_space<vmem>>) target(%dma_start3A_69 : memref<128x16xf32, #tpu.memory_space<hbm>>) target_semaphore(%run_scoped3A : memref<!tpu.dma_semaphore, #tpu.memory_space<semaphore_mem>>)
      %dma_wait3A_70 = arith.constant 0 : i32
      %dma_wait3A_71 = tpu.memref_slice %arg6[%arg0, %add3A_61, %dma_wait3A_70] : memref<2x10240x16xf32, #tpu.memory_space<hbm>> -> memref<1x128x16xf32, #tpu.memory_space<hbm>>
      %dma_wait3A_72 = tpu.memref_squeeze %dma_wait3A_71 : memref<1x128x16xf32, #tpu.memory_space<hbm>> -> memref<128x16xf32, #tpu.memory_space<hbm>>
      %dma_wait3A_73 = arith.constant 0 : i32
      %dma_wait3A_74 = tpu.memref_slice %arg6[%arg0, %add3A_61, %dma_wait3A_73] : memref<2x10240x16xf32, #tpu.memory_space<hbm>> -> memref<1x128x16xf32, #tpu.memory_space<hbm>>
      %dma_wait3A_75 = tpu.memref_squeeze %dma_wait3A_74 : memref<1x128x16xf32, #tpu.memory_space<hbm>> -> memref<128x16xf32, #tpu.memory_space<hbm>>
      tpu.wait_dma2 semaphore(%run_scoped3A : memref<!tpu.dma_semaphore, #tpu.memory_space<semaphore_mem>>) src(%arg10 : memref<128x16xf32, #tpu.memory_space<vmem>>) dst(%dma_wait3A_75 : memref<128x16xf32, #tpu.memory_space<hbm>>)
      tpu.yield
    }) : () -> ()
    %add3A_62 = arith.constant 512 : i32
    %add3A_63 = arith.addi %mul3A_4, %add3A_62 : i32
    "tpu.region"() ({
      %run_scoped3A = tpu.sem_alloc : memref<!tpu.dma_semaphore, #tpu.memory_space<semaphore_mem>>
      %dma_start3A_64 = arith.constant 0 : i32
      %dma_start3A_65 = tpu.memref_slice %arg16[%add3A_63, %dma_start3A_64] : memref<10240x128xf32, #tpu.memory_space<vmem_shared>> -> memref<128x128xf32, #tpu.memory_space<vmem_shared>>
      %dma_start3A_66 = arith.constant 0 : i32
      %dma_start3A_67 = tpu.memref_slice %arg16[%add3A_63, %dma_start3A_66] : memref<10240x128xf32, #tpu.memory_space<vmem_shared>> -> memref<128x128xf32, #tpu.memory_space<vmem_shared>>
      tpu.enqueue_dma source(%dma_start3A_67 : memref<128x128xf32, #tpu.memory_space<vmem_shared>>) target(%arg9 : memref<128x128xf32, #tpu.memory_space<vmem>>) target_semaphore(%run_scoped3A : memref<!tpu.dma_semaphore, #tpu.memory_space<semaphore_mem>>)
      %dma_wait3A_68 = arith.constant 0 : i32
      %dma_wait3A_69 = tpu.memref_slice %arg16[%add3A_63, %dma_wait3A_68] : memref<10240x128xf32, #tpu.memory_space<vmem_shared>> -> memref<128x128xf32, #tpu.memory_space<vmem_shared>>
      %dma_wait3A_70 = arith.constant 0 : i32
      %dma_wait3A_71 = tpu.memref_slice %arg16[%add3A_63, %dma_wait3A_70] : memref<10240x128xf32, #tpu.memory_space<vmem_shared>> -> memref<128x128xf32, #tpu.memory_space<vmem_shared>>
      tpu.wait_dma2 semaphore(%run_scoped3A : memref<!tpu.dma_semaphore, #tpu.memory_space<semaphore_mem>>) src(%dma_wait3A_71 : memref<128x128xf32, #tpu.memory_space<vmem_shared>>) dst(%arg9 : memref<128x128xf32, #tpu.memory_space<vmem>>)
      tpu.yield
    }) : () -> ()
    "tpu.region"() ({
      %run_scoped3A = tpu.sem_alloc : memref<!tpu.dma_semaphore, #tpu.memory_space<semaphore_mem>>
      %dma_start3A_64 = arith.constant 0 : i32
      %dma_start3A_65 = tpu.memref_slice %arg17[%add3A_63, %dma_start3A_64] : memref<10240x16xf32, #tpu.memory_space<vmem_shared>> -> memref<128x16xf32, #tpu.memory_space<vmem_shared>>
      %dma_start3A_66 = arith.constant 0 : i32
      %dma_start3A_67 = tpu.memref_slice %arg17[%add3A_63, %dma_start3A_66] : memref<10240x16xf32, #tpu.memory_space<vmem_shared>> -> memref<128x16xf32, #tpu.memory_space<vmem_shared>>
      tpu.enqueue_dma source(%dma_start3A_67 : memref<128x16xf32, #tpu.memory_space<vmem_shared>>) target(%arg10 : memref<128x16xf32, #tpu.memory_space<vmem>>) target_semaphore(%run_scoped3A : memref<!tpu.dma_semaphore, #tpu.memory_space<semaphore_mem>>)
      %dma_wait3A_68 = arith.constant 0 : i32
      %dma_wait3A_69 = tpu.memref_slice %arg17[%add3A_63, %dma_wait3A_68] : memref<10240x16xf32, #tpu.memory_space<vmem_shared>> -> memref<128x16xf32, #tpu.memory_space<vmem_shared>>
      %dma_wait3A_70 = arith.constant 0 : i32
      %dma_wait3A_71 = tpu.memref_slice %arg17[%add3A_63, %dma_wait3A_70] : memref<10240x16xf32, #tpu.memory_space<vmem_shared>> -> memref<128x16xf32, #tpu.memory_space<vmem_shared>>
      tpu.wait_dma2 semaphore(%run_scoped3A : memref<!tpu.dma_semaphore, #tpu.memory_space<semaphore_mem>>) src(%dma_wait3A_71 : memref<128x16xf32, #tpu.memory_space<vmem_shared>>) dst(%arg10 : memref<128x16xf32, #tpu.memory_space<vmem>>)
      tpu.yield
    }) : () -> ()
    "tpu.region"() ({
      %run_scoped3A = tpu.sem_alloc : memref<!tpu.dma_semaphore, #tpu.memory_space<semaphore_mem>>
      %dma_start3A_64 = arith.constant 0 : i32
      %dma_start3A_65 = tpu.memref_slice %arg5[%arg0, %add3A_63, %dma_start3A_64] : memref<2x10240x128xf32, #tpu.memory_space<hbm>> -> memref<1x128x128xf32, #tpu.memory_space<hbm>>
      %dma_start3A_66 = tpu.memref_squeeze %dma_start3A_65 : memref<1x128x128xf32, #tpu.memory_space<hbm>> -> memref<128x128xf32, #tpu.memory_space<hbm>>
      %dma_start3A_67 = arith.constant 0 : i32
      %dma_start3A_68 = tpu.memref_slice %arg5[%arg0, %add3A_63, %dma_start3A_67] : memref<2x10240x128xf32, #tpu.memory_space<hbm>> -> memref<1x128x128xf32, #tpu.memory_space<hbm>>
      %dma_start3A_69 = tpu.memref_squeeze %dma_start3A_68 : memref<1x128x128xf32, #tpu.memory_space<hbm>> -> memref<128x128xf32, #tpu.memory_space<hbm>>
      tpu.enqueue_dma source(%arg9 : memref<128x128xf32, #tpu.memory_space<vmem>>) target(%dma_start3A_69 : memref<128x128xf32, #tpu.memory_space<hbm>>) target_semaphore(%run_scoped3A : memref<!tpu.dma_semaphore, #tpu.memory_space<semaphore_mem>>)
      %dma_wait3A_70 = arith.constant 0 : i32
      %dma_wait3A_71 = tpu.memref_slice %arg5[%arg0, %add3A_63, %dma_wait3A_70] : memref<2x10240x128xf32, #tpu.memory_space<hbm>> -> memref<1x128x128xf32, #tpu.memory_space<hbm>>
      %dma_wait3A_72 = tpu.memref_squeeze %dma_wait3A_71 : memref<1x128x128xf32, #tpu.memory_space<hbm>> -> memref<128x128xf32, #tpu.memory_space<hbm>>
      %dma_wait3A_73 = arith.constant 0 : i32
      %dma_wait3A_74 = tpu.memref_slice %arg5[%arg0, %add3A_63, %dma_wait3A_73] : memref<2x10240x128xf32, #tpu.memory_space<hbm>> -> memref<1x128x128xf32, #tpu.memory_space<hbm>>
      %dma_wait3A_75 = tpu.memref_squeeze %dma_wait3A_74 : memref<1x128x128xf32, #tpu.memory_space<hbm>> -> memref<128x128xf32, #tpu.memory_space<hbm>>
      tpu.wait_dma2 semaphore(%run_scoped3A : memref<!tpu.dma_semaphore, #tpu.memory_space<semaphore_mem>>) src(%arg9 : memref<128x128xf32, #tpu.memory_space<vmem>>) dst(%dma_wait3A_75 : memref<128x128xf32, #tpu.memory_space<hbm>>)
      tpu.yield
    }) : () -> ()
    "tpu.region"() ({
      %run_scoped3A = tpu.sem_alloc : memref<!tpu.dma_semaphore, #tpu.memory_space<semaphore_mem>>
      %dma_start3A_64 = arith.constant 0 : i32
      %dma_start3A_65 = tpu.memref_slice %arg6[%arg0, %add3A_63, %dma_start3A_64] : memref<2x10240x16xf32, #tpu.memory_space<hbm>> -> memref<1x128x16xf32, #tpu.memory_space<hbm>>
      %dma_start3A_66 = tpu.memref_squeeze %dma_start3A_65 : memref<1x128x16xf32, #tpu.memory_space<hbm>> -> memref<128x16xf32, #tpu.memory_space<hbm>>
      %dma_start3A_67 = arith.constant 0 : i32
      %dma_start3A_68 = tpu.memref_slice %arg6[%arg0, %add3A_63, %dma_start3A_67] : memref<2x10240x16xf32, #tpu.memory_space<hbm>> -> memref<1x128x16xf32, #tpu.memory_space<hbm>>
      %dma_start3A_69 = tpu.memref_squeeze %dma_start3A_68 : memref<1x128x16xf32, #tpu.memory_space<hbm>> -> memref<128x16xf32, #tpu.memory_space<hbm>>
      tpu.enqueue_dma source(%arg10 : memref<128x16xf32, #tpu.memory_space<vmem>>) target(%dma_start3A_69 : memref<128x16xf32, #tpu.memory_space<hbm>>) target_semaphore(%run_scoped3A : memref<!tpu.dma_semaphore, #tpu.memory_space<semaphore_mem>>)
      %dma_wait3A_70 = arith.constant 0 : i32
      %dma_wait3A_71 = tpu.memref_slice %arg6[%arg0, %add3A_63, %dma_wait3A_70] : memref<2x10240x16xf32, #tpu.memory_space<hbm>> -> memref<1x128x16xf32, #tpu.memory_space<hbm>>
      %dma_wait3A_72 = tpu.memref_squeeze %dma_wait3A_71 : memref<1x128x16xf32, #tpu.memory_space<hbm>> -> memref<128x16xf32, #tpu.memory_space<hbm>>
      %dma_wait3A_73 = arith.constant 0 : i32
      %dma_wait3A_74 = tpu.memref_slice %arg6[%arg0, %add3A_63, %dma_wait3A_73] : memref<2x10240x16xf32, #tpu.memory_space<hbm>> -> memref<1x128x16xf32, #tpu.memory_space<hbm>>
      %dma_wait3A_75 = tpu.memref_squeeze %dma_wait3A_74 : memref<1x128x16xf32, #tpu.memory_space<hbm>> -> memref<128x16xf32, #tpu.memory_space<hbm>>
      tpu.wait_dma2 semaphore(%run_scoped3A : memref<!tpu.dma_semaphore, #tpu.memory_space<semaphore_mem>>) src(%arg10 : memref<128x16xf32, #tpu.memory_space<vmem>>) dst(%dma_wait3A_75 : memref<128x16xf32, #tpu.memory_space<hbm>>)
      tpu.yield
    }) : () -> ()
    return
  }
}

module attributes {stable_mosaic.version = 14 : i64} {
  func.func @_k1_body(%arg0: memref<10000x128xf32, #tpu.memory_space<vmem>>, %arg1: memref<128x128xf32, #tpu.memory_space<vmem>>, %arg2: memref<128x128xf32, #tpu.memory_space<vmem>>, %arg3: memref<1x128xf32, #tpu.memory_space<vmem>>, %arg4: memref<10000x128xf32, #tpu.memory_space<vmem>>, %arg5: memref<10000x128xf32, #tpu.memory_space<vmem>>) attributes {dimension_semantics = [], scalar_prefetch = 0 : i64, scratch_operands = 0 : i64, tpu.core_type = #tpu.core_type<tc>} {
    %get3A = arith.constant 0 : index
    %get3A_0 = arith.constant 0 : index
    %get3A_1 = vector.load %arg0[%get3A, %get3A_0] : memref<10000x128xf32, #tpu.memory_space<vmem>>, vector<10000x128xf32>
    %get3A_2 = arith.constant 0 : index
    %get3A_3 = arith.constant 0 : index
    %get3A_4 = vector.load %arg1[%get3A_2, %get3A_3] : memref<128x128xf32, #tpu.memory_space<vmem>>, vector<128x128xf32>
    %dot_general3A = arith.constant dense<0.000000e+00> : vector<10000x128xf32>
    %dot_general3A_5 = tpu.matmul %get3A_1, %get3A_4, %dot_general3A {dimension_numbers = #tpu.dot_dimension_numbers<[1], [0], [0], [1], [0, 0, 1, 1], [], []>, transpose_lhs_hint = false} : vector<10000x128xf32>, vector<128x128xf32>, vector<10000x128xf32> -> vector<10000x128xf32>
    %get3A_6 = arith.constant 0 : index
    %get3A_7 = arith.constant 0 : index
    %get3A_8 = vector.load %arg3[%get3A_6, %get3A_7] : memref<1x128xf32, #tpu.memory_space<vmem>>, vector<1x128xf32>
    %add3A = vector.broadcast %get3A_8 : vector<1x128xf32> to vector<10000x128xf32>
    %add3A_9 = arith.addf %dot_general3A_5, %add3A : vector<10000x128xf32>
    %swap3A = arith.constant 0 : index
    %swap3A_10 = arith.constant 0 : index
    %swap3A_11 = vector.load %arg4[%swap3A, %swap3A_10] : memref<10000x128xf32, #tpu.memory_space<vmem>>, vector<10000x128xf32>
    tpu.vector_store %arg4[%swap3A, %swap3A_10], %add3A_9 {strides = array<i32>} : memref<10000x128xf32, #tpu.memory_space<vmem>>, vector<10000x128xf32>,
    %get3A_12 = arith.constant 0 : index
    %get3A_13 = arith.constant 0 : index
    %get3A_14 = vector.load %arg2[%get3A_12, %get3A_13] : memref<128x128xf32, #tpu.memory_space<vmem>>, vector<128x128xf32>
    %dot_general3A_15 = arith.constant dense<0.000000e+00> : vector<10000x128xf32>
    %dot_general3A_16 = tpu.matmul %get3A_1, %get3A_14, %dot_general3A_15 {dimension_numbers = #tpu.dot_dimension_numbers<[1], [0], [0], [1], [0, 0, 1, 1], [], []>, transpose_lhs_hint = false} : vector<10000x128xf32>, vector<128x128xf32>, vector<10000x128xf32> -> vector<10000x128xf32>
    %swap3A_17 = arith.constant 0 : index
    %swap3A_18 = arith.constant 0 : index
    %swap3A_19 = vector.load %arg5[%swap3A_17, %swap3A_18] : memref<10000x128xf32, #tpu.memory_space<vmem>>, vector<10000x128xf32>
    tpu.vector_store %arg5[%swap3A_17, %swap3A_18], %dot_general3A_16 {strides = array<i32>} : memref<10000x128xf32, #tpu.memory_space<vmem>>, vector<10000x128xf32>,
    return
  }
}

module attributes {stable_mosaic.version = 14 : i64} {
  func.func @_p1_body(%arg0: i32, %arg1: memref<2000x16xf32, #tpu.memory_space<vmem>>, %arg2: memref<16x48xf32, #tpu.memory_space<vmem>>, %arg3: memref<16x48xf32, #tpu.memory_space<vmem>>, %arg4: memref<48x16xf32, #tpu.memory_space<vmem>>, %arg5: memref<1x16xf32, #tpu.memory_space<vmem>>) attributes {dimension_semantics = [#tpu.dimension_semantics<arbitrary>], iteration_bounds = array<i64: 80>, scalar_prefetch = 0 : i64, scratch_operands = 0 : i64, tpu.core_type = #tpu.core_type<tc>, window_params = [{transform_indices = @transform_0, window_bounds = array<i64: 2000, 16>}, {pipeline_mode = #tpu.pipeline_mode<synchronous>, transform_indices = @transform_1, window_bounds = array<i64: 16, 48>}, {pipeline_mode = #tpu.pipeline_mode<synchronous>, transform_indices = @transform_2, window_bounds = array<i64: 16, 48>}, {pipeline_mode = #tpu.pipeline_mode<synchronous>, transform_indices = @transform_3, window_bounds = array<i64: 48, 16>}, {pipeline_mode = #tpu.pipeline_mode<synchronous>, transform_indices = @transform_4, window_bounds = array<i64: 1, 16>}]} {
    %get3A = arith.constant 0 : index
    %get3A_0 = arith.constant 0 : index
    %get3A_1 = vector.load %arg1[%get3A, %get3A_0] : memref<2000x16xf32, #tpu.memory_space<vmem>>, vector<2000x16xf32>
    %get3A_2 = arith.constant 0 : index
    %get3A_3 = arith.constant 0 : index
    %get3A_4 = vector.load %arg2[%get3A_2, %get3A_3] : memref<16x48xf32, #tpu.memory_space<vmem>>, vector<16x48xf32>
    %dot_general3A = arith.constant dense<0.000000e+00> : vector<2000x48xf32>
    %dot_general3A_5 = tpu.matmul %get3A_1, %get3A_4, %dot_general3A {dimension_numbers = #tpu.dot_dimension_numbers<[1], [0], [0], [1], [0, 0, 1, 1], [], []>, transpose_lhs_hint = false} : vector<2000x16xf32>, vector<16x48xf32>, vector<2000x48xf32> -> vector<2000x48xf32>
    %get3A_6 = arith.constant 0 : index
    %get3A_7 = arith.constant 0 : index
    %get3A_8 = vector.load %arg3[%get3A_6, %get3A_7] : memref<16x48xf32, #tpu.memory_space<vmem>>, vector<16x48xf32>
    %dot_general3A_9 = arith.constant dense<0.000000e+00> : vector<2000x48xf32>
    %dot_general3A_10 = tpu.matmul %get3A_1, %get3A_8, %dot_general3A_9 {dimension_numbers = #tpu.dot_dimension_numbers<[1], [0], [0], [1], [0, 0, 1, 1], [], []>, transpose_lhs_hint = false} : vector<2000x16xf32>, vector<16x48xf32>, vector<2000x48xf32> -> vector<2000x48xf32>
    %mul3A = arith.mulf %dot_general3A_5, %dot_general3A_10 : vector<2000x48xf32>
    %get3A_11 = arith.constant 0 : index
    %get3A_12 = arith.constant 0 : index
    %get3A_13 = vector.load %arg4[%get3A_11, %get3A_12] : memref<48x16xf32, #tpu.memory_space<vmem>>, vector<48x16xf32>
    %dot_general3A_14 = arith.constant dense<0.000000e+00> : vector<2000x16xf32>
    %dot_general3A_15 = tpu.matmul %mul3A, %get3A_13, %dot_general3A_14 {dimension_numbers = #tpu.dot_dimension_numbers<[1], [0], [0], [1], [0, 0, 1, 1], [], []>, transpose_lhs_hint = false} : vector<2000x48xf32>, vector<48x16xf32>, vector<2000x16xf32> -> vector<2000x16xf32>
    %mul3A_16 = arith.mulf %dot_general3A_15, %dot_general3A_15 : vector<2000x16xf32>
    %reduce_sum3A = arith.constant dense<0.000000e+00> : vector<16xf32>
    %reduce_sum3A_17 = vector.multi_reduction <add>, %mul3A_16, %reduce_sum3A [0] : vector<2000x16xf32> to vector<16xf32>
    %broadcast_in_dim3A = vector.shape_cast %reduce_sum3A_17 : vector<16xf32> to vector<1x16xf32>
    %eq3A = arith.constant 0 : i32
    %eq3A_18 = arith.cmpi eq, %arg0, %eq3A : i32
    %convert_element_type3A = arith.extui %eq3A_18 : i1 to i32
    %cond3A = arith.constant 0 : i32
    %cond3A_19 = arith.cmpi ne, %convert_element_type3A, %cond3A : i32
    scf.if %cond3A_19 {
      %broadcast_in_dim3A_25 = arith.constant 0.000000e+00 : f32
      %broadcast_in_dim3A_26 = vector.broadcast %broadcast_in_dim3A_25 : f32 to vector<1x16xf32>
      %swap3A_27 = arith.constant 0 : index
      %swap3A_28 = arith.constant 0 : index
      %swap3A_29 = vector.load %arg5[%swap3A_27, %swap3A_28] : memref<1x16xf32, #tpu.memory_space<vmem>>, vector<1x16xf32>
      tpu.vector_store %arg5[%swap3A_27, %swap3A_28], %broadcast_in_dim3A_26 {strides = array<i32>} : memref<1x16xf32, #tpu.memory_space<vmem>>, vector<1x16xf32>,
    } else {
    }
    %get3A_20 = arith.constant 0 : index
    %get3A_21 = arith.constant 0 : index
    %get3A_22 = vector.load %arg5[%get3A_20, %get3A_21] : memref<1x16xf32, #tpu.memory_space<vmem>>, vector<1x16xf32>
    %add3A = arith.addf %get3A_22, %broadcast_in_dim3A : vector<1x16xf32>
    %swap3A = arith.constant 0 : index
    %swap3A_23 = arith.constant 0 : index
    %swap3A_24 = vector.load %arg5[%swap3A, %swap3A_23] : memref<1x16xf32, #tpu.memory_space<vmem>>, vector<1x16xf32>
    tpu.vector_store %arg5[%swap3A, %swap3A_23], %add3A {strides = array<i32>} : memref<1x16xf32, #tpu.memory_space<vmem>>, vector<1x16xf32>,
    return
  }
  func.func @transform_0(%arg0: i32) -> (i32, i32) {
    %c0_i32 = arith.constant 0 : i32
    %c0_i32_0 = arith.constant 0 : i32
    return %arg0, %c0_i32 : i32, i32
  }
  func.func @transform_1(%arg0: i32) -> (i32, i32) {
    %c0_i32 = arith.constant 0 : i32
    %c0_i32_0 = arith.constant 0 : i32
    %c0_i32_1 = arith.constant 0 : i32
    return %c0_i32, %c0_i32_0 : i32, i32
  }
  func.func @transform_2(%arg0: i32) -> (i32, i32) {
    %c0_i32 = arith.constant 0 : i32
    %c0_i32_0 = arith.constant 0 : i32
    %c0_i32_1 = arith.constant 0 : i32
    return %c0_i32, %c0_i32_0 : i32, i32
  }
  func.func @transform_3(%arg0: i32) -> (i32, i32) {
    %c0_i32 = arith.constant 0 : i32
    %c0_i32_0 = arith.constant 0 : i32
    %c0_i32_1 = arith.constant 0 : i32
    return %c0_i32, %c0_i32_0 : i32, i32
  }
  func.func @transform_4(%arg0: i32) -> (i32, i32) {
    %c0_i32 = arith.constant 0 : i32
    %c0_i32_0 = arith.constant 0 : i32
    %c0_i32_1 = arith.constant 0 : i32
    return %c0_i32, %c0_i32_0 : i32, i32
  }
}

module attributes {stable_mosaic.version = 14 : i64} {
  func.func @_p2_body(%arg0: i32, %arg1: memref<1000x128xf32, #tpu.memory_space<vmem>>, %arg2: memref<1000x16xf32, #tpu.memory_space<vmem>>, %arg3: memref<1000x16xf32, #tpu.memory_space<vmem>>, %arg4: memref<16x48xf32, #tpu.memory_space<vmem>>, %arg5: memref<16x48xf32, #tpu.memory_space<vmem>>, %arg6: memref<48x16xf32, #tpu.memory_space<vmem>>, %arg7: memref<16x128xf32, #tpu.memory_space<vmem>>, %arg8: memref<1x128xf32, #tpu.memory_space<vmem>>, %arg9: memref<128x128xf32, #tpu.memory_space<vmem>>, %arg10: memref<1x128xf32, #tpu.memory_space<vmem>>, %arg11: memref<128x192xf32, #tpu.memory_space<vmem>>, %arg12: memref<1x192xf32, #tpu.memory_space<vmem>>, %arg13: memref<192x32xf32, #tpu.memory_space<vmem>>, %arg14: memref<1x32xf32, #tpu.memory_space<vmem>>, %arg15: memref<128x32xf32, #tpu.memory_space<vmem>>, %arg16: memref<1x32xf32, #tpu.memory_space<vmem>>, %arg17: memref<32x32xf32, #tpu.memory_space<vmem>>, %arg18: memref<1x32xf32, #tpu.memory_space<vmem>>, %arg19: memref<128x128xf32, #tpu.memory_space<vmem>>, %arg20: memref<32x128xf32, #tpu.memory_space<vmem>>, %arg21: memref<16x128xf32, #tpu.memory_space<vmem>>, %arg22: memref<1x128xf32, #tpu.memory_space<vmem>>, %arg23: memref<128x128xf32, #tpu.memory_space<vmem>>, %arg24: memref<1x128xf32, #tpu.memory_space<vmem>>, %arg25: memref<128x128xf32, #tpu.memory_space<vmem>>, %arg26: memref<1x128xf32, #tpu.memory_space<vmem>>, %arg27: memref<128x16xf32, #tpu.memory_space<vmem>>, %arg28: memref<1000x128xf32, #tpu.memory_space<vmem>>, %arg29: memref<1000x16xf32, #tpu.memory_space<vmem>>) attributes {dimension_semantics = [#tpu.dimension_semantics<arbitrary>], iteration_bounds = array<i64: 160>, scalar_prefetch = 0 : i64, scratch_operands = 0 : i64, tpu.core_type = #tpu.core_type<tc>, window_params = [{transform_indices = @transform_0, window_bounds = array<i64: 1000, 128>}, {transform_indices = @transform_1, window_bounds = array<i64: 1000, 16>}, {transform_indices = @transform_2, window_bounds = array<i64: 1000, 16>}, {pipeline_mode = #tpu.pipeline_mode<synchronous>, transform_indices = @transform_3, window_bounds = array<i64: 16, 48>}, {pipeline_mode = #tpu.pipeline_mode<synchronous>, transform_indices = @transform_4, window_bounds = array<i64: 16, 48>}, {pipeline_mode = #tpu.pipeline_mode<synchronous>, transform_indices = @transform_5, window_bounds = array<i64: 48, 16>}, {pipeline_mode = #tpu.pipeline_mode<synchronous>, transform_indices = @transform_6, window_bounds = array<i64: 16, 128>}, {pipeline_mode = #tpu.pipeline_mode<synchronous>, transform_indices = @transform_7, window_bounds = array<i64: 1, 128>}, {pipeline_mode = #tpu.pipeline_mode<synchronous>, transform_indices = @transform_8, window_bounds = array<i64: 128, 128>}, {pipeline_mode = #tpu.pipeline_mode<synchronous>, transform_indices = @transform_9, window_bounds = array<i64: 1, 128>}, {pipeline_mode = #tpu.pipeline_mode<synchronous>, transform_indices = @transform_10, window_bounds = array<i64: 128, 192>}, {pipeline_mode = #tpu.pipeline_mode<synchronous>, transform_indices = @transform_11, window_bounds = array<i64: 1, 192>}, {pipeline_mode = #tpu.pipeline_mode<synchronous>, transform_indices = @transform_12, window_bounds = array<i64: 192, 32>}, {pipeline_mode = #tpu.pipeline_mode<synchronous>, transform_indices = @transform_13, window_bounds = array<i64: 1, 32>}, {pipeline_mode = #tpu.pipeline_mode<synchronous>, transform_indices = @transform_14, window_bounds = array<i64: 128, 32>}, {pipeline_mode = #tpu.pipeline_mode<synchronous>, transform_indices = @transform_15, window_bounds = array<i64: 1, 32>}, {pipeline_mode = #tpu.pipeline_mode<synchronous>, transform_indices = @transform_16, window_bounds = array<i64: 32, 32>}, {pipeline_mode = #tpu.pipeline_mode<synchronous>, transform_indices = @transform_17, window_bounds = array<i64: 1, 32>}, {pipeline_mode = #tpu.pipeline_mode<synchronous>, transform_indices = @transform_18, window_bounds = array<i64: 128, 128>}, {pipeline_mode = #tpu.pipeline_mode<synchronous>, transform_indices = @transform_19, window_bounds = array<i64: 32, 128>}, {pipeline_mode = #tpu.pipeline_mode<synchronous>, transform_indices = @transform_20, window_bounds = array<i64: 16, 128>}, {pipeline_mode = #tpu.pipeline_mode<synchronous>, transform_indices = @transform_21, window_bounds = array<i64: 1, 128>}, {pipeline_mode = #tpu.pipeline_mode<synchronous>, transform_indices = @transform_22, window_bounds = array<i64: 128, 128>}, {pipeline_mode = #tpu.pipeline_mode<synchronous>, transform_indices = @transform_23, window_bounds = array<i64: 1, 128>}, {pipeline_mode = #tpu.pipeline_mode<synchronous>, transform_indices = @transform_24, window_bounds = array<i64: 128, 128>}, {pipeline_mode = #tpu.pipeline_mode<synchronous>, transform_indices = @transform_25, window_bounds = array<i64: 1, 128>}, {pipeline_mode = #tpu.pipeline_mode<synchronous>, transform_indices = @transform_26, window_bounds = array<i64: 128, 16>}, {transform_indices = @transform_27, window_bounds = array<i64: 1000, 128>}, {transform_indices = @transform_28, window_bounds = array<i64: 1000, 16>}]} {
    %get3A = arith.constant 0 : index
    %get3A_0 = arith.constant 0 : index
    %get3A_1 = vector.load %arg2[%get3A, %get3A_0] : memref<1000x16xf32, #tpu.memory_space<vmem>>, vector<1000x16xf32>
    %get3A_2 = arith.constant 0 : index
    %get3A_3 = arith.constant 0 : index
    %get3A_4 = vector.load %arg4[%get3A_2, %get3A_3] : memref<16x48xf32, #tpu.memory_space<vmem>>, vector<16x48xf32>
    %dot_general3A = arith.constant dense<0.000000e+00> : vector<1000x48xf32>
    %dot_general3A_5 = tpu.matmul %get3A_1, %get3A_4, %dot_general3A {dimension_numbers = #tpu.dot_dimension_numbers<[1], [0], [0], [1], [0, 0, 1, 1], [], []>, transpose_lhs_hint = false} : vector<1000x16xf32>, vector<16x48xf32>, vector<1000x48xf32> -> vector<1000x48xf32>
    %get3A_6 = arith.constant 0 : index
    %get3A_7 = arith.constant 0 : index
    %get3A_8 = vector.load %arg5[%get3A_6, %get3A_7] : memref<16x48xf32, #tpu.memory_space<vmem>>, vector<16x48xf32>
    %dot_general3A_9 = arith.constant dense<0.000000e+00> : vector<1000x48xf32>
    %dot_general3A_10 = tpu.matmul %get3A_1, %get3A_8, %dot_general3A_9 {dimension_numbers = #tpu.dot_dimension_numbers<[1], [0], [0], [1], [0, 0, 1, 1], [], []>, transpose_lhs_hint = false} : vector<1000x16xf32>, vector<16x48xf32>, vector<1000x48xf32> -> vector<1000x48xf32>
    %mul3A = arith.mulf %dot_general3A_5, %dot_general3A_10 : vector<1000x48xf32>
    %get3A_11 = arith.constant 0 : index
    %get3A_12 = arith.constant 0 : index
    %get3A_13 = vector.load %arg6[%get3A_11, %get3A_12] : memref<48x16xf32, #tpu.memory_space<vmem>>, vector<48x16xf32>
    %dot_general3A_14 = arith.constant dense<0.000000e+00> : vector<1000x16xf32>
    %dot_general3A_15 = tpu.matmul %mul3A, %get3A_13, %dot_general3A_14 {dimension_numbers = #tpu.dot_dimension_numbers<[1], [0], [0], [1], [0, 0, 1, 1], [], []>, transpose_lhs_hint = false} : vector<1000x48xf32>, vector<48x16xf32>, vector<1000x16xf32> -> vector<1000x16xf32>
    %get3A_16 = arith.constant 0 : index
    %get3A_17 = arith.constant 0 : index
    %get3A_18 = vector.load %arg7[%get3A_16, %get3A_17] : memref<16x128xf32, #tpu.memory_space<vmem>>, vector<16x128xf32>
    %dot_general3A_19 = arith.constant dense<0.000000e+00> : vector<1000x128xf32>
    %dot_general3A_20 = tpu.matmul %dot_general3A_15, %get3A_18, %dot_general3A_19 {dimension_numbers = #tpu.dot_dimension_numbers<[1], [0], [0], [1], [0, 0, 1, 1], [], []>, transpose_lhs_hint = false} : vector<1000x16xf32>, vector<16x128xf32>, vector<1000x128xf32> -> vector<1000x128xf32>
    %get3A_21 = arith.constant 0 : index
    %get3A_22 = arith.constant 0 : index
    %get3A_23 = vector.load %arg8[%get3A_21, %get3A_22] : memref<1x128xf32, #tpu.memory_space<vmem>>, vector<1x128xf32>
    %add3A = vector.broadcast %get3A_23 : vector<1x128xf32> to vector<1000x128xf32>
    %add3A_24 = arith.addf %dot_general3A_20, %add3A : vector<1000x128xf32>
    %logistic3A = arith.negf %add3A_24 : vector<1000x128xf32>
    %logistic3A_25 = math.exp %logistic3A : vector<1000x128xf32>
    %logistic3A_26 = arith.constant 1.000000e+00 : f32
    %logistic3A_27 = vector.broadcast %logistic3A_26 : f32 to vector<1000x128xf32>
    %logistic3A_28 = arith.addf %logistic3A_27, %logistic3A_25 : vector<1000x128xf32>
    %logistic3A_29 = arith.divf %logistic3A_27, %logistic3A_28 : vector<1000x128xf32>
    %mul3A_30 = arith.mulf %add3A_24, %logistic3A_29 : vector<1000x128xf32>
    %get3A_31 = arith.constant 0 : index
    %get3A_32 = arith.constant 0 : index
    %get3A_33 = vector.load %arg9[%get3A_31, %get3A_32] : memref<128x128xf32, #tpu.memory_space<vmem>>, vector<128x128xf32>
    %dot_general3A_34 = arith.constant dense<0.000000e+00> : vector<1000x128xf32>
    %dot_general3A_35 = tpu.matmul %mul3A_30, %get3A_33, %dot_general3A_34 {dimension_numbers = #tpu.dot_dimension_numbers<[1], [0], [0], [1], [0, 0, 1, 1], [], []>, transpose_lhs_hint = false} : vector<1000x128xf32>, vector<128x128xf32>, vector<1000x128xf32> -> vector<1000x128xf32>
    %get3A_36 = arith.constant 0 : index
    %get3A_37 = arith.constant 0 : index
    %get3A_38 = vector.load %arg10[%get3A_36, %get3A_37] : memref<1x128xf32, #tpu.memory_space<vmem>>, vector<1x128xf32>
    %add3A_39 = vector.broadcast %get3A_38 : vector<1x128xf32> to vector<1000x128xf32>
    %add3A_40 = arith.addf %dot_general3A_35, %add3A_39 : vector<1000x128xf32>
    %mul3A_41 = arith.mulf %add3A_40, %add3A_40 : vector<1000x128xf32>
    %reduce_sum3A = arith.constant dense<0.000000e+00> : vector<1000xf32>
    %reduce_sum3A_42 = vector.multi_reduction <add>, %mul3A_41, %reduce_sum3A [1] : vector<1000x128xf32> to vector<1000xf32>
    %broadcast_in_dim3A = vector.shape_cast %reduce_sum3A_42 : vector<1000xf32> to vector<1000x1xf32>
    %sqrt3A = math.sqrt %broadcast_in_dim3A : vector<1000x1xf32>
    %add3A_43 = arith.constant 9.99999993E-9 : f32
    %add3A_44 = vector.broadcast %add3A_43 : f32 to vector<1000x1xf32>
    %add3A_45 = arith.addf %sqrt3A, %add3A_44 : vector<1000x1xf32>
    %div3A = arith.constant 1.000000e+00 : f32
    %div3A_46 = vector.broadcast %div3A : f32 to vector<1000x1xf32>
    %div3A_47 = arith.divf %div3A_46, %add3A_45 : vector<1000x1xf32>
    %mul3A_48 = vector.broadcast %div3A_47 : vector<1000x1xf32> to vector<1000x128xf32>
    %mul3A_49 = arith.mulf %add3A_40, %mul3A_48 : vector<1000x128xf32>
    %get3A_50 = arith.constant 0 : index
    %get3A_51 = arith.constant 0 : index
    %get3A_52 = vector.load %arg11[%get3A_50, %get3A_51] : memref<128x192xf32, #tpu.memory_space<vmem>>, vector<128x192xf32>
    %dot_general3A_53 = arith.constant dense<0.000000e+00> : vector<1000x192xf32>
    %dot_general3A_54 = tpu.matmul %add3A_40, %get3A_52, %dot_general3A_53 {dimension_numbers = #tpu.dot_dimension_numbers<[1], [0], [0], [1], [0, 0, 1, 1], [], []>, transpose_lhs_hint = false} : vector<1000x128xf32>, vector<128x192xf32>, vector<1000x192xf32> -> vector<1000x192xf32>
    %get3A_55 = arith.constant 0 : index
    %get3A_56 = arith.constant 0 : index
    %get3A_57 = vector.load %arg12[%get3A_55, %get3A_56] : memref<1x192xf32, #tpu.memory_space<vmem>>, vector<1x192xf32>
    %add3A_58 = vector.broadcast %get3A_57 : vector<1x192xf32> to vector<1000x192xf32>
    %add3A_59 = arith.addf %dot_general3A_54, %add3A_58 : vector<1000x192xf32>
    %mul3A_60 = arith.constant 0.159154937 : f32
    %mul3A_61 = vector.broadcast %mul3A_60 : f32 to vector<1000x192xf32>
    %mul3A_62 = arith.mulf %add3A_59, %mul3A_61 : vector<1000x192xf32>
    %round3A = math.roundeven %mul3A_62 : vector<1000x192xf32>
    %sub3A = arith.subf %mul3A_62, %round3A : vector<1000x192xf32>
    %mul3A_63 = arith.constant 6.28318548 : f32
    %mul3A_64 = vector.broadcast %mul3A_63 : f32 to vector<1000x192xf32>
    %mul3A_65 = arith.mulf %sub3A, %mul3A_64 : vector<1000x192xf32>
    %abs3A = math.absf %mul3A_65 : vector<1000x192xf32>
    %gt3A = arith.constant 1.57079637 : f32
    %gt3A_66 = vector.broadcast %gt3A : f32 to vector<1000x192xf32>
    %gt3A_67 = arith.cmpf ogt, %abs3A, %gt3A_66 : vector<1000x192xf32>
    %sub3A_68 = arith.constant 3.14159274 : f32
    %sub3A_69 = vector.broadcast %sub3A_68 : f32 to vector<1000x192xf32>
    %sub3A_70 = arith.subf %sub3A_69, %abs3A : vector<1000x192xf32>
    %select_n3A = arith.select %gt3A_67, %sub3A_70, %abs3A : vector<1000x192xi1>, vector<1000x192xf32>
    %mul3A_71 = arith.mulf %select_n3A, %select_n3A : vector<1000x192xf32>
    %mul3A_72 = arith.constant 2.75573188E-6 : f32
    %mul3A_73 = vector.broadcast %mul3A_72 : f32 to vector<1000x192xf32>
    %mul3A_74 = arith.mulf %mul3A_71, %mul3A_73 : vector<1000x192xf32>
    %add3A_75 = arith.constant -1.98412701E-4 : f32
    %add3A_76 = vector.broadcast %add3A_75 : f32 to vector<1000x192xf32>
    %add3A_77 = arith.addf %add3A_76, %mul3A_74 : vector<1000x192xf32>
    %mul3A_78 = arith.mulf %mul3A_71, %add3A_77 : vector<1000x192xf32>
    %add3A_79 = arith.constant 0.00833333377 : f32
    %add3A_80 = vector.broadcast %add3A_79 : f32 to vector<1000x192xf32>
    %add3A_81 = arith.addf %add3A_80, %mul3A_78 : vector<1000x192xf32>
    %mul3A_82 = arith.mulf %mul3A_71, %add3A_81 : vector<1000x192xf32>
    %add3A_83 = arith.constant -0.166666672 : f32
    %add3A_84 = vector.broadcast %add3A_83 : f32 to vector<1000x192xf32>
    %add3A_85 = arith.addf %add3A_84, %mul3A_82 : vector<1000x192xf32>
    %mul3A_86 = arith.mulf %mul3A_71, %add3A_85 : vector<1000x192xf32>
    %add3A_87 = arith.constant 1.000000e+00 : f32
    %add3A_88 = vector.broadcast %add3A_87 : f32 to vector<1000x192xf32>
    %add3A_89 = arith.addf %add3A_88, %mul3A_86 : vector<1000x192xf32>
    %mul3A_90 = arith.mulf %select_n3A, %add3A_89 : vector<1000x192xf32>
    %lt3A = arith.constant 0.000000e+00 : f32
    %lt3A_91 = vector.broadcast %lt3A : f32 to vector<1000x192xf32>
    %lt3A_92 = arith.cmpf olt, %mul3A_65, %lt3A_91 : vector<1000x192xf32>
    %neg3A = arith.constant 0.000000e+00 : f32
    %neg3A_93 = vector.broadcast %neg3A : f32 to vector<1000x192xf32>
    %neg3A_94 = arith.subf %neg3A_93, %mul3A_90 : vector<1000x192xf32>
    %select_n3A_95 = arith.select %lt3A_92, %neg3A_94, %mul3A_90 : vector<1000x192xi1>, vector<1000x192xf32>
    %get3A_96 = arith.constant 0 : index
    %get3A_97 = arith.constant 0 : index
    %get3A_98 = vector.load %arg13[%get3A_96, %get3A_97] : memref<192x32xf32, #tpu.memory_space<vmem>>, vector<192x32xf32>
    %dot_general3A_99 = arith.constant dense<0.000000e+00> : vector<1000x32xf32>
    %dot_general3A_100 = tpu.matmul %select_n3A_95, %get3A_98, %dot_general3A_99 {dimension_numbers = #tpu.dot_dimension_numbers<[1], [0], [0], [1], [0, 0, 1, 1], [], []>, transpose_lhs_hint = false} : vector<1000x192xf32>, vector<192x32xf32>, vector<1000x32xf32> -> vector<1000x32xf32>
    %get3A_101 = arith.constant 0 : index
    %get3A_102 = arith.constant 0 : index
    %get3A_103 = vector.load %arg14[%get3A_101, %get3A_102] : memref<1x32xf32, #tpu.memory_space<vmem>>, vector<1x32xf32>
    %mul3A_104 = vector.broadcast %sqrt3A : vector<1000x1xf32> to vector<1000x32xf32>
    %mul3A_105 = vector.broadcast %get3A_103 : vector<1x32xf32> to vector<1000x32xf32>
    %mul3A_106 = arith.mulf %mul3A_104, %mul3A_105 : vector<1000x32xf32>
    %add3A_107 = arith.addf %dot_general3A_100, %mul3A_106 : vector<1000x32xf32>
    %get3A_108 = arith.constant 0 : index
    %get3A_109 = arith.constant 0 : index
    %get3A_110 = vector.load %arg15[%get3A_108, %get3A_109] : memref<128x32xf32, #tpu.memory_space<vmem>>, vector<128x32xf32>
    %dot_general3A_111 = arith.constant dense<0.000000e+00> : vector<1000x32xf32>
    %dot_general3A_112 = tpu.matmul %mul3A_49, %get3A_110, %dot_general3A_111 {dimension_numbers = #tpu.dot_dimension_numbers<[1], [0], [0], [1], [0, 0, 1, 1], [], []>, transpose_lhs_hint = false} : vector<1000x128xf32>, vector<128x32xf32>, vector<1000x32xf32> -> vector<1000x32xf32>
    %add3A_113 = arith.addf %add3A_107, %dot_general3A_112 : vector<1000x32xf32>
    %get3A_114 = arith.constant 0 : index
    %get3A_115 = arith.constant 0 : index
    %get3A_116 = vector.load %arg16[%get3A_114, %get3A_115] : memref<1x32xf32, #tpu.memory_space<vmem>>, vector<1x32xf32>
    %add3A_117 = vector.broadcast %get3A_116 : vector<1x32xf32> to vector<1000x32xf32>
    %add3A_118 = arith.addf %add3A_113, %add3A_117 : vector<1000x32xf32>
    %logistic3A_119 = arith.negf %add3A_118 : vector<1000x32xf32>
    %logistic3A_120 = math.exp %logistic3A_119 : vector<1000x32xf32>
    %logistic3A_121 = arith.constant 1.000000e+00 : f32
    %logistic3A_122 = vector.broadcast %logistic3A_121 : f32 to vector<1000x32xf32>
    %logistic3A_123 = arith.addf %logistic3A_122, %logistic3A_120 : vector<1000x32xf32>
    %logistic3A_124 = arith.divf %logistic3A_122, %logistic3A_123 : vector<1000x32xf32>
    %mul3A_125 = arith.mulf %add3A_118, %logistic3A_124 : vector<1000x32xf32>
    %get3A_126 = arith.constant 0 : index
    %get3A_127 = arith.constant 0 : index
    %get3A_128 = vector.load %arg17[%get3A_126, %get3A_127] : memref<32x32xf32, #tpu.memory_space<vmem>>, vector<32x32xf32>
    %dot_general3A_129 = arith.constant dense<0.000000e+00> : vector<1000x32xf32>
    %dot_general3A_130 = tpu.matmul %mul3A_125, %get3A_128, %dot_general3A_129 {dimension_numbers = #tpu.dot_dimension_numbers<[1], [0], [0], [1], [0, 0, 1, 1], [], []>, transpose_lhs_hint = false} : vector<1000x32xf32>, vector<32x32xf32>, vector<1000x32xf32> -> vector<1000x32xf32>
    %get3A_131 = arith.constant 0 : index
    %get3A_132 = arith.constant 0 : index
    %get3A_133 = vector.load %arg18[%get3A_131, %get3A_132] : memref<1x32xf32, #tpu.memory_space<vmem>>, vector<1x32xf32>
    %add3A_134 = vector.broadcast %get3A_133 : vector<1x32xf32> to vector<1000x32xf32>
    %add3A_135 = arith.addf %dot_general3A_130, %add3A_134 : vector<1000x32xf32>
    %get3A_136 = arith.constant 0 : index
    %get3A_137 = arith.constant 0 : index
    %get3A_138 = vector.load %arg1[%get3A_136, %get3A_137] : memref<1000x128xf32, #tpu.memory_space<vmem>>, vector<1000x128xf32>
    %logistic3A_139 = arith.negf %get3A_138 : vector<1000x128xf32>
    %logistic3A_140 = math.exp %logistic3A_139 : vector<1000x128xf32>
    %logistic3A_141 = arith.constant 1.000000e+00 : f32
    %logistic3A_142 = vector.broadcast %logistic3A_141 : f32 to vector<1000x128xf32>
    %logistic3A_143 = arith.addf %logistic3A_142, %logistic3A_140 : vector<1000x128xf32>
    %logistic3A_144 = arith.divf %logistic3A_142, %logistic3A_143 : vector<1000x128xf32>
    %mul3A_145 = arith.mulf %get3A_138, %logistic3A_144 : vector<1000x128xf32>
    %get3A_146 = arith.constant 0 : index
    %get3A_147 = arith.constant 0 : index
    %get3A_148 = vector.load %arg19[%get3A_146, %get3A_147] : memref<128x128xf32, #tpu.memory_space<vmem>>, vector<128x128xf32>
    %dot_general3A_149 = arith.constant dense<0.000000e+00> : vector<1000x128xf32>
    %dot_general3A_150 = tpu.matmul %mul3A_145, %get3A_148, %dot_general3A_149 {dimension_numbers = #tpu.dot_dimension_numbers<[1], [0], [0], [1], [0, 0, 1, 1], [], []>, transpose_lhs_hint = false} : vector<1000x128xf32>, vector<128x128xf32>, vector<1000x128xf32> -> vector<1000x128xf32>
    %get3A_151 = arith.constant 0 : index
    %get3A_152 = arith.constant 0 : index
    %get3A_153 = vector.load %arg20[%get3A_151, %get3A_152] : memref<32x128xf32, #tpu.memory_space<vmem>>, vector<32x128xf32>
    %dot_general3A_154 = arith.constant dense<0.000000e+00> : vector<1000x128xf32>
    %dot_general3A_155 = tpu.matmul %add3A_135, %get3A_153, %dot_general3A_154 {dimension_numbers = #tpu.dot_dimension_numbers<[1], [0], [0], [1], [0, 0, 1, 1], [], []>, transpose_lhs_hint = false} : vector<1000x32xf32>, vector<32x128xf32>, vector<1000x128xf32> -> vector<1000x128xf32>
    %add3A_156 = arith.addf %dot_general3A_150, %dot_general3A_155 : vector<1000x128xf32>
    %get3A_157 = arith.constant 0 : index
    %get3A_158 = arith.constant 0 : index
    %get3A_159 = vector.load %arg3[%get3A_157, %get3A_158] : memref<1000x16xf32, #tpu.memory_space<vmem>>, vector<1000x16xf32>
    %get3A_160 = arith.constant 0 : index
    %get3A_161 = arith.constant 0 : index
    %get3A_162 = vector.load %arg21[%get3A_160, %get3A_161] : memref<16x128xf32, #tpu.memory_space<vmem>>, vector<16x128xf32>
    %dot_general3A_163 = arith.constant dense<0.000000e+00> : vector<1000x128xf32>
    %dot_general3A_164 = tpu.matmul %get3A_159, %get3A_162, %dot_general3A_163 {dimension_numbers = #tpu.dot_dimension_numbers<[1], [0], [0], [1], [0, 0, 1, 1], [], []>, transpose_lhs_hint = false} : vector<1000x16xf32>, vector<16x128xf32>, vector<1000x128xf32> -> vector<1000x128xf32>
    %add3A_165 = arith.addf %add3A_156, %dot_general3A_164 : vector<1000x128xf32>
    %get3A_166 = arith.constant 0 : index
    %get3A_167 = arith.constant 0 : index
    %get3A_168 = vector.load %arg22[%get3A_166, %get3A_167] : memref<1x128xf32, #tpu.memory_space<vmem>>, vector<1x128xf32>
    %add3A_169 = vector.broadcast %get3A_168 : vector<1x128xf32> to vector<1000x128xf32>
    %add3A_170 = arith.addf %add3A_165, %add3A_169 : vector<1000x128xf32>
    %logistic3A_171 = arith.negf %add3A_170 : vector<1000x128xf32>
    %logistic3A_172 = math.exp %logistic3A_171 : vector<1000x128xf32>
    %logistic3A_173 = arith.constant 1.000000e+00 : f32
    %logistic3A_174 = vector.broadcast %logistic3A_173 : f32 to vector<1000x128xf32>
    %logistic3A_175 = arith.addf %logistic3A_174, %logistic3A_172 : vector<1000x128xf32>
    %logistic3A_176 = arith.divf %logistic3A_174, %logistic3A_175 : vector<1000x128xf32>
    %mul3A_177 = arith.mulf %add3A_170, %logistic3A_176 : vector<1000x128xf32>
    %get3A_178 = arith.constant 0 : index
    %get3A_179 = arith.constant 0 : index
    %get3A_180 = vector.load %arg23[%get3A_178, %get3A_179] : memref<128x128xf32, #tpu.memory_space<vmem>>, vector<128x128xf32>
    %dot_general3A_181 = arith.constant dense<0.000000e+00> : vector<1000x128xf32>
    %dot_general3A_182 = tpu.matmul %mul3A_177, %get3A_180, %dot_general3A_181 {dimension_numbers = #tpu.dot_dimension_numbers<[1], [0], [0], [1], [0, 0, 1, 1], [], []>, transpose_lhs_hint = false} : vector<1000x128xf32>, vector<128x128xf32>, vector<1000x128xf32> -> vector<1000x128xf32>
    %get3A_183 = arith.constant 0 : index
    %get3A_184 = arith.constant 0 : index
    %get3A_185 = vector.load %arg24[%get3A_183, %get3A_184] : memref<1x128xf32, #tpu.memory_space<vmem>>, vector<1x128xf32>
    %add3A_186 = vector.broadcast %get3A_185 : vector<1x128xf32> to vector<1000x128xf32>
    %add3A_187 = arith.addf %dot_general3A_182, %add3A_186 : vector<1000x128xf32>
    %logistic3A_188 = arith.negf %add3A_187 : vector<1000x128xf32>
    %logistic3A_189 = math.exp %logistic3A_188 : vector<1000x128xf32>
    %logistic3A_190 = arith.constant 1.000000e+00 : f32
    %logistic3A_191 = vector.broadcast %logistic3A_190 : f32 to vector<1000x128xf32>
    %logistic3A_192 = arith.addf %logistic3A_191, %logistic3A_189 : vector<1000x128xf32>
    %logistic3A_193 = arith.divf %logistic3A_191, %logistic3A_192 : vector<1000x128xf32>
    %mul3A_194 = arith.mulf %add3A_187, %logistic3A_193 : vector<1000x128xf32>
    %swap3A = arith.constant 0 : index
    %swap3A_195 = arith.constant 0 : index
    %swap3A_196 = vector.load %arg28[%swap3A, %swap3A_195] : memref<1000x128xf32, #tpu.memory_space<vmem>>, vector<1000x128xf32>
    tpu.vector_store %arg28[%swap3A, %swap3A_195], %mul3A_194 {strides = array<i32>} : memref<1000x128xf32, #tpu.memory_space<vmem>>, vector<1000x128xf32>,
    %get3A_197 = arith.constant 0 : index
    %get3A_198 = arith.constant 0 : index
    %get3A_199 = vector.load %arg25[%get3A_197, %get3A_198] : memref<128x128xf32, #tpu.memory_space<vmem>>, vector<128x128xf32>
    %dot_general3A_200 = arith.constant dense<0.000000e+00> : vector<1000x128xf32>
    %dot_general3A_201 = tpu.matmul %mul3A_194, %get3A_199, %dot_general3A_200 {dimension_numbers = #tpu.dot_dimension_numbers<[1], [0], [0], [1], [0, 0, 1, 1], [], []>, transpose_lhs_hint = false} : vector<1000x128xf32>, vector<128x128xf32>, vector<1000x128xf32> -> vector<1000x128xf32>
    %get3A_202 = arith.constant 0 : index
    %get3A_203 = arith.constant 0 : index
    %get3A_204 = vector.load %arg26[%get3A_202, %get3A_203] : memref<1x128xf32, #tpu.memory_space<vmem>>, vector<1x128xf32>
    %add3A_205 = vector.broadcast %get3A_204 : vector<1x128xf32> to vector<1000x128xf32>
    %add3A_206 = arith.addf %dot_general3A_201, %add3A_205 : vector<1000x128xf32>
    %logistic3A_207 = arith.negf %add3A_206 : vector<1000x128xf32>
    %logistic3A_208 = math.exp %logistic3A_207 : vector<1000x128xf32>
    %logistic3A_209 = arith.constant 1.000000e+00 : f32
    %logistic3A_210 = vector.broadcast %logistic3A_209 : f32 to vector<1000x128xf32>
    %logistic3A_211 = arith.addf %logistic3A_210, %logistic3A_208 : vector<1000x128xf32>
    %logistic3A_212 = arith.divf %logistic3A_210, %logistic3A_211 : vector<1000x128xf32>
    %mul3A_213 = arith.mulf %add3A_206, %logistic3A_212 : vector<1000x128xf32>
    %get3A_214 = arith.constant 0 : index
    %get3A_215 = arith.constant 0 : index
    %get3A_216 = vector.load %arg27[%get3A_214, %get3A_215] : memref<128x16xf32, #tpu.memory_space<vmem>>, vector<128x16xf32>
    %dot_general3A_217 = arith.constant dense<0.000000e+00> : vector<1000x16xf32>
    %dot_general3A_218 = tpu.matmul %mul3A_213, %get3A_216, %dot_general3A_217 {dimension_numbers = #tpu.dot_dimension_numbers<[1], [0], [0], [1], [0, 0, 1, 1], [], []>, transpose_lhs_hint = false} : vector<1000x128xf32>, vector<128x16xf32>, vector<1000x16xf32> -> vector<1000x16xf32>
    %iota3A = tpu.iota {dimensions = array<i32: 1>} : vector<1000x16xi32>
    %eq3A = arith.constant 12 : i32
    %eq3A_219 = vector.broadcast %eq3A : i32 to vector<1000x16xi32>
    %eq3A_220 = arith.cmpi eq, %iota3A, %eq3A_219 : vector<1000x16xi32>
    %jit3A = arith.constant 1.000000e+00 : f32
    %jit3A_221 = arith.constant 0.000000e+00 : f32
    %broadcast_in_dim3A_222 = vector.broadcast %jit3A : f32 to vector<1000x16xf32>
    %broadcast_in_dim3A_223 = vector.broadcast %jit3A_221 : f32 to vector<1000x16xf32>
    %select_n3A_224 = arith.select %eq3A_220, %broadcast_in_dim3A_222, %broadcast_in_dim3A_223 : vector<1000x16xi1>, vector<1000x16xf32>
    %mul3A_225 = arith.mulf %get3A_1, %dot_general3A_218 : vector<1000x16xf32>
    %add3A_226 = arith.addf %mul3A_225, %select_n3A_224 : vector<1000x16xf32>
    %swap3A_227 = arith.constant 0 : index
    %swap3A_228 = arith.constant 0 : index
    %swap3A_229 = vector.load %arg29[%swap3A_227, %swap3A_228] : memref<1000x16xf32, #tpu.memory_space<vmem>>, vector<1000x16xf32>
    tpu.vector_store %arg29[%swap3A_227, %swap3A_228], %add3A_226 {strides = array<i32>} : memref<1000x16xf32, #tpu.memory_space<vmem>>, vector<1000x16xf32>,
    return
  }
  func.func @transform_0(%arg0: i32) -> (i32, i32) {
    %c0_i32 = arith.constant 0 : i32
    %c0_i32_0 = arith.constant 0 : i32
    return %arg0, %c0_i32 : i32, i32
  }
  func.func @transform_1(%arg0: i32) -> (i32, i32) {
    %c0_i32 = arith.constant 0 : i32
    %c0_i32_0 = arith.constant 0 : i32
    return %arg0, %c0_i32 : i32, i32
  }
  func.func @transform_2(%arg0: i32) -> (i32, i32) {
    %c0_i32 = arith.constant 0 : i32
    %c0_i32_0 = arith.constant 0 : i32
    return %arg0, %c0_i32 : i32, i32
  }
  func.func @transform_3(%arg0: i32) -> (i32, i32) {
    %c0_i32 = arith.constant 0 : i32
    %c0_i32_0 = arith.constant 0 : i32
    %c0_i32_1 = arith.constant 0 : i32
    return %c0_i32, %c0_i32_0 : i32, i32
  }
  func.func @transform_4(%arg0: i32) -> (i32, i32) {
    %c0_i32 = arith.constant 0 : i32
    %c0_i32_0 = arith.constant 0 : i32
    %c0_i32_1 = arith.constant 0 : i32
    return %c0_i32, %c0_i32_0 : i32, i32
  }
  func.func @transform_5(%arg0: i32) -> (i32, i32) {
    %c0_i32 = arith.constant 0 : i32
    %c0_i32_0 = arith.constant 0 : i32
    %c0_i32_1 = arith.constant 0 : i32
    return %c0_i32, %c0_i32_0 : i32, i32
  }
  func.func @transform_6(%arg0: i32) -> (i32, i32) {
    %c0_i32 = arith.constant 0 : i32
    %c0_i32_0 = arith.constant 0 : i32
    %c0_i32_1 = arith.constant 0 : i32
    return %c0_i32, %c0_i32_0 : i32, i32
  }
  func.func @transform_7(%arg0: i32) -> (i32, i32) {
    %c0_i32 = arith.constant 0 : i32
    %c0_i32_0 = arith.constant 0 : i32
    %c0_i32_1 = arith.constant 0 : i32
    return %c0_i32, %c0_i32_0 : i32, i32
  }
  func.func @transform_8(%arg0: i32) -> (i32, i32) {
    %c0_i32 = arith.constant 0 : i32
    %c0_i32_0 = arith.constant 0 : i32
    %c0_i32_1 = arith.constant 0 : i32
    return %c0_i32, %c0_i32_0 : i32, i32
  }
  func.func @transform_9(%arg0: i32) -> (i32, i32) {
    %c0_i32 = arith.constant 0 : i32
    %c0_i32_0 = arith.constant 0 : i32
    %c0_i32_1 = arith.constant 0 : i32
    return %c0_i32, %c0_i32_0 : i32, i32
  }
  func.func @transform_10(%arg0: i32) -> (i32, i32) {
    %c0_i32 = arith.constant 0 : i32
    %c0_i32_0 = arith.constant 0 : i32
    %c0_i32_1 = arith.constant 0 : i32
    return %c0_i32, %c0_i32_0 : i32, i32
  }
  func.func @transform_11(%arg0: i32) -> (i32, i32) {
    %c0_i32 = arith.constant 0 : i32
    %c0_i32_0 = arith.constant 0 : i32
    %c0_i32_1 = arith.constant 0 : i32
    return %c0_i32, %c0_i32_0 : i32, i32
  }
  func.func @transform_12(%arg0: i32) -> (i32, i32) {
    %c0_i32 = arith.constant 0 : i32
    %c0_i32_0 = arith.constant 0 : i32
    %c0_i32_1 = arith.constant 0 : i32
    return %c0_i32, %c0_i32_0 : i32, i32
  }
  func.func @transform_13(%arg0: i32) -> (i32, i32) {
    %c0_i32 = arith.constant 0 : i32
    %c0_i32_0 = arith.constant 0 : i32
    %c0_i32_1 = arith.constant 0 : i32
    return %c0_i32, %c0_i32_0 : i32, i32
  }
  func.func @transform_14(%arg0: i32) -> (i32, i32) {
    %c0_i32 = arith.constant 0 : i32
    %c0_i32_0 = arith.constant 0 : i32
    %c0_i32_1 = arith.constant 0 : i32
    return %c0_i32, %c0_i32_0 : i32, i32
  }
  func.func @transform_15(%arg0: i32) -> (i32, i32) {
    %c0_i32 = arith.constant 0 : i32
    %c0_i32_0 = arith.constant 0 : i32
    %c0_i32_1 = arith.constant 0 : i32
    return %c0_i32, %c0_i32_0 : i32, i32
  }
  func.func @transform_16(%arg0: i32) -> (i32, i32) {
    %c0_i32 = arith.constant 0 : i32
    %c0_i32_0 = arith.constant 0 : i32
    %c0_i32_1 = arith.constant 0 : i32
    return %c0_i32, %c0_i32_0 : i32, i32
  }
  func.func @transform_17(%arg0: i32) -> (i32, i32) {
    %c0_i32 = arith.constant 0 : i32
    %c0_i32_0 = arith.constant 0 : i32
    %c0_i32_1 = arith.constant 0 : i32
    return %c0_i32, %c0_i32_0 : i32, i32
  }
  func.func @transform_18(%arg0: i32) -> (i32, i32) {
    %c0_i32 = arith.constant 0 : i32
    %c0_i32_0 = arith.constant 0 : i32
    %c0_i32_1 = arith.constant 0 : i32
    return %c0_i32, %c0_i32_0 : i32, i32
  }
  func.func @transform_19(%arg0: i32) -> (i32, i32) {
    %c0_i32 = arith.constant 0 : i32
    %c0_i32_0 = arith.constant 0 : i32
    %c0_i32_1 = arith.constant 0 : i32
    return %c0_i32, %c0_i32_0 : i32, i32
  }
  func.func @transform_20(%arg0: i32) -> (i32, i32) {
    %c0_i32 = arith.constant 0 : i32
    %c0_i32_0 = arith.constant 0 : i32
    %c0_i32_1 = arith.constant 0 : i32
    return %c0_i32, %c0_i32_0 : i32, i32
  }
  func.func @transform_21(%arg0: i32) -> (i32, i32) {
    %c0_i32 = arith.constant 0 : i32
    %c0_i32_0 = arith.constant 0 : i32
    %c0_i32_1 = arith.constant 0 : i32
    return %c0_i32, %c0_i32_0 : i32, i32
  }
  func.func @transform_22(%arg0: i32) -> (i32, i32) {
    %c0_i32 = arith.constant 0 : i32
    %c0_i32_0 = arith.constant 0 : i32
    %c0_i32_1 = arith.constant 0 : i32
    return %c0_i32, %c0_i32_0 : i32, i32
  }
  func.func @transform_23(%arg0: i32) -> (i32, i32) {
    %c0_i32 = arith.constant 0 : i32
    %c0_i32_0 = arith.constant 0 : i32
    %c0_i32_1 = arith.constant 0 : i32
    return %c0_i32, %c0_i32_0 : i32, i32
  }
  func.func @transform_24(%arg0: i32) -> (i32, i32) {
    %c0_i32 = arith.constant 0 : i32
    %c0_i32_0 = arith.constant 0 : i32
    %c0_i32_1 = arith.constant 0 : i32
    return %c0_i32, %c0_i32_0 : i32, i32
  }
  func.func @transform_25(%arg0: i32) -> (i32, i32) {
    %c0_i32 = arith.constant 0 : i32
    %c0_i32_0 = arith.constant 0 : i32
    %c0_i32_1 = arith.constant 0 : i32
    return %c0_i32, %c0_i32_0 : i32, i32
  }
  func.func @transform_26(%arg0: i32) -> (i32, i32) {
    %c0_i32 = arith.constant 0 : i32
    %c0_i32_0 = arith.constant 0 : i32
    %c0_i32_1 = arith.constant 0 : i32
    return %c0_i32, %c0_i32_0 : i32, i32
  }
  func.func @transform_27(%arg0: i32) -> (i32, i32) {
    %c0_i32 = arith.constant 0 : i32
    %c0_i32_0 = arith.constant 0 : i32
    return %arg0, %c0_i32 : i32, i32
  }
  func.func @transform_28(%arg0: i32) -> (i32, i32) {
    %c0_i32 = arith.constant 0 : i32
    %c0_i32_0 = arith.constant 0 : i32
    return %arg0, %c0_i32 : i32, i32
  }
}

module attributes {stable_mosaic.version = 14 : i64} {
  func.func @_k5_body(%arg0: memref<10000x128xf32, #tpu.memory_space<vmem>>, %arg1: memref<10000x16xf32, #tpu.memory_space<vmem>>, %arg2: memref<2x10240x128xf32, #tpu.memory_space<vmem>>, %arg3: memref<2x10240x16xf32, #tpu.memory_space<vmem>>, %arg4: memref<128x128xf32, #tpu.memory_space<vmem>>, %arg5: memref<128x128xf32, #tpu.memory_space<vmem>>, %arg6: memref<128x128xf32, #tpu.memory_space<vmem>>, %arg7: memref<1x128xf32, #tpu.memory_space<vmem>>, %arg8: memref<128x128xf32, #tpu.memory_space<vmem>>, %arg9: memref<1x128xf32, #tpu.memory_space<vmem>>, %arg10: memref<10000x128xf32, #tpu.memory_space<vmem>>, %arg11: memref<10000x16xf32, #tpu.memory_space<vmem>>) attributes {dimension_semantics = [], scalar_prefetch = 0 : i64, scratch_operands = 0 : i64, tpu.core_type = #tpu.core_type<tc>} {
    %get3A = arith.constant 0 : index
    %get3A_0 = arith.constant 0 : index
    %get3A_1 = arith.constant 0 : index
    %get3A_2 = vector.load %arg2[%get3A, %get3A_0, %get3A_1] : memref<2x10240x128xf32, #tpu.memory_space<vmem>>, vector<1x10240x128xf32>
    %get3A_3 = vector.shape_cast %get3A_2 : vector<1x10240x128xf32> to vector<10240x128xf32>
    %get3A_4 = arith.constant 1 : index
    %get3A_5 = arith.constant 0 : index
    %get3A_6 = arith.constant 0 : index
    %get3A_7 = vector.load %arg2[%get3A_4, %get3A_5, %get3A_6] : memref<2x10240x128xf32, #tpu.memory_space<vmem>>, vector<1x10240x128xf32>
    %get3A_8 = vector.shape_cast %get3A_7 : vector<1x10240x128xf32> to vector<10240x128xf32>
    %add3A = arith.addf %get3A_3, %get3A_8 : vector<10240x128xf32>
    %slice3A = vector.extract_strided_slice %add3A {offsets = [0, 0], sizes = [10000, 128], strides = [1, 1]} : vector<10240x128xf32> to vector<10000x128xf32>
    %get3A_9 = arith.constant 0 : index
    %get3A_10 = arith.constant 0 : index
    %get3A_11 = vector.load %arg4[%get3A_9, %get3A_10] : memref<128x128xf32, #tpu.memory_space<vmem>>, vector<128x128xf32>
    %dot_general3A = arith.constant dense<0.000000e+00> : vector<10000x128xf32>
    %dot_general3A_12 = tpu.matmul %slice3A, %get3A_11, %dot_general3A {dimension_numbers = #tpu.dot_dimension_numbers<[1], [0], [0], [1], [0, 0, 1, 1], [], []>, transpose_lhs_hint = false} : vector<10000x128xf32>, vector<128x128xf32>, vector<10000x128xf32> -> vector<10000x128xf32>
    %get3A_13 = arith.constant 0 : index
    %get3A_14 = arith.constant 0 : index
    %get3A_15 = vector.load %arg0[%get3A_13, %get3A_14] : memref<10000x128xf32, #tpu.memory_space<vmem>>, vector<10000x128xf32>
    %get3A_16 = arith.constant 0 : index
    %get3A_17 = arith.constant 0 : index
    %get3A_18 = vector.load %arg5[%get3A_16, %get3A_17] : memref<128x128xf32, #tpu.memory_space<vmem>>, vector<128x128xf32>
    %dot_general3A_19 = arith.constant dense<0.000000e+00> : vector<10000x128xf32>
    %dot_general3A_20 = tpu.matmul %get3A_15, %get3A_18, %dot_general3A_19 {dimension_numbers = #tpu.dot_dimension_numbers<[1], [0], [0], [1], [0, 0, 1, 1], [], []>, transpose_lhs_hint = false} : vector<10000x128xf32>, vector<128x128xf32>, vector<10000x128xf32> -> vector<10000x128xf32>
    %get3A_21 = arith.constant 0 : index
    %get3A_22 = arith.constant 0 : index
    %get3A_23 = vector.load %arg6[%get3A_21, %get3A_22] : memref<128x128xf32, #tpu.memory_space<vmem>>, vector<128x128xf32>
    %dot_general3A_24 = arith.constant dense<0.000000e+00> : vector<10000x128xf32>
    %dot_general3A_25 = tpu.matmul %dot_general3A_12, %get3A_23, %dot_general3A_24 {dimension_numbers = #tpu.dot_dimension_numbers<[1], [0], [0], [1], [0, 0, 1, 1], [], []>, transpose_lhs_hint = false} : vector<10000x128xf32>, vector<128x128xf32>, vector<10000x128xf32> -> vector<10000x128xf32>
    %add3A_26 = arith.addf %dot_general3A_20, %dot_general3A_25 : vector<10000x128xf32>
    %get3A_27 = arith.constant 0 : index
    %get3A_28 = arith.constant 0 : index
    %get3A_29 = vector.load %arg7[%get3A_27, %get3A_28] : memref<1x128xf32, #tpu.memory_space<vmem>>, vector<1x128xf32>
    %add3A_30 = vector.broadcast %get3A_29 : vector<1x128xf32> to vector<10000x128xf32>
    %add3A_31 = arith.addf %add3A_26, %add3A_30 : vector<10000x128xf32>
    %logistic3A = arith.negf %add3A_31 : vector<10000x128xf32>
    %logistic3A_32 = math.exp %logistic3A : vector<10000x128xf32>
    %logistic3A_33 = arith.constant 1.000000e+00 : f32
    %logistic3A_34 = vector.broadcast %logistic3A_33 : f32 to vector<10000x128xf32>
    %logistic3A_35 = arith.addf %logistic3A_34, %logistic3A_32 : vector<10000x128xf32>
    %logistic3A_36 = arith.divf %logistic3A_34, %logistic3A_35 : vector<10000x128xf32>
    %mul3A = arith.mulf %add3A_31, %logistic3A_36 : vector<10000x128xf32>
    %get3A_37 = arith.constant 0 : index
    %get3A_38 = arith.constant 0 : index
    %get3A_39 = vector.load %arg8[%get3A_37, %get3A_38] : memref<128x128xf32, #tpu.memory_space<vmem>>, vector<128x128xf32>
    %dot_general3A_40 = arith.constant dense<0.000000e+00> : vector<10000x128xf32>
    %dot_general3A_41 = tpu.matmul %mul3A, %get3A_39, %dot_general3A_40 {dimension_numbers = #tpu.dot_dimension_numbers<[1], [0], [0], [1], [0, 0, 1, 1], [], []>, transpose_lhs_hint = false} : vector<10000x128xf32>, vector<128x128xf32>, vector<10000x128xf32> -> vector<10000x128xf32>
    %add3A_42 = arith.addf %get3A_15, %dot_general3A_41 : vector<10000x128xf32>
    %get3A_43 = arith.constant 0 : index
    %get3A_44 = arith.constant 0 : index
    %get3A_45 = vector.load %arg9[%get3A_43, %get3A_44] : memref<1x128xf32, #tpu.memory_space<vmem>>, vector<1x128xf32>
    %add3A_46 = vector.broadcast %get3A_45 : vector<1x128xf32> to vector<10000x128xf32>
    %add3A_47 = arith.addf %add3A_42, %add3A_46 : vector<10000x128xf32>
    %swap3A = arith.constant 0 : index
    %swap3A_48 = arith.constant 0 : index
    %swap3A_49 = vector.load %arg10[%swap3A, %swap3A_48] : memref<10000x128xf32, #tpu.memory_space<vmem>>, vector<10000x128xf32>
    tpu.vector_store %arg10[%swap3A, %swap3A_48], %add3A_47 {strides = array<i32>} : memref<10000x128xf32, #tpu.memory_space<vmem>>, vector<10000x128xf32>,
    %get3A_50 = arith.constant 0 : index
    %get3A_51 = arith.constant 0 : index
    %get3A_52 = arith.constant 0 : index
    %get3A_53 = vector.load %arg3[%get3A_50, %get3A_51, %get3A_52] : memref<2x10240x16xf32, #tpu.memory_space<vmem>>, vector<1x10240x16xf32>
    %get3A_54 = vector.shape_cast %get3A_53 : vector<1x10240x16xf32> to vector<10240x16xf32>
    %get3A_55 = arith.constant 1 : index
    %get3A_56 = arith.constant 0 : index
    %get3A_57 = arith.constant 0 : index
    %get3A_58 = vector.load %arg3[%get3A_55, %get3A_56, %get3A_57] : memref<2x10240x16xf32, #tpu.memory_space<vmem>>, vector<1x10240x16xf32>
    %get3A_59 = vector.shape_cast %get3A_58 : vector<1x10240x16xf32> to vector<10240x16xf32>
    %add3A_60 = arith.addf %get3A_54, %get3A_59 : vector<10240x16xf32>
    %slice3A_61 = vector.extract_strided_slice %add3A_60 {offsets = [0, 0], sizes = [10000, 16], strides = [1, 1]} : vector<10240x16xf32> to vector<10000x16xf32>
    %slice3A_62 = vector.extract_strided_slice %slice3A_61 {offsets = [0, 12], sizes = [10000, 1], strides = [1, 1]} : vector<10000x16xf32> to vector<10000x1xf32>
    %iota3A = tpu.iota {dimensions = array<i32: 1>} : vector<10000x16xi32>
    %lt3A = arith.constant 12 : i32
    %lt3A_63 = vector.broadcast %lt3A : i32 to vector<10000x16xi32>
    %lt3A_64 = arith.cmpi slt, %iota3A, %lt3A_63 : vector<10000x16xi32>
    %jit3A = arith.constant 0.000000e+00 : f32
    %broadcast_in_dim3A = vector.broadcast %jit3A : f32 to vector<10000x16xf32>
    %select_n3A = arith.select %lt3A_64, %slice3A_61, %broadcast_in_dim3A : vector<10000x16xi1>, vector<10000x16xf32>
    %get3A_65 = arith.constant 0 : index
    %get3A_66 = arith.constant 0 : index
    %get3A_67 = vector.load %arg1[%get3A_65, %get3A_66] : memref<10000x16xf32, #tpu.memory_space<vmem>>, vector<10000x16xf32>
    %max3A = arith.constant 1.000000e+00 : f32
    %max3A_68 = vector.broadcast %max3A : f32 to vector<10000x1xf32>
    %max3A_69 = arith.maximumf %slice3A_62, %max3A_68 : vector<10000x1xf32>
    %div3A = arith.constant 1.000000e+00 : f32
    %div3A_70 = vector.broadcast %div3A : f32 to vector<10000x1xf32>
    %div3A_71 = arith.divf %div3A_70, %max3A_69 : vector<10000x1xf32>
    %mul3A_72 = vector.broadcast %div3A_71 : vector<10000x1xf32> to vector<10000x16xf32>
    %mul3A_73 = arith.mulf %select_n3A, %mul3A_72 : vector<10000x16xf32>
    %add3A_74 = arith.addf %get3A_67, %mul3A_73 : vector<10000x16xf32>
    %swap3A_75 = arith.constant 0 : index
    %swap3A_76 = arith.constant 0 : index
    %swap3A_77 = vector.load %arg11[%swap3A_75, %swap3A_76] : memref<10000x16xf32, #tpu.memory_space<vmem>>, vector<10000x16xf32>
    tpu.vector_store %arg11[%swap3A_75, %swap3A_76], %add3A_74 {strides = array<i32>} : memref<10000x16xf32, #tpu.memory_space<vmem>>, vector<10000x16xf32>,
    return
  }
}

</mosaic_0001>

<sc_bundles>
// kernel: kernel.11.cloned.1.call-start
scs
__scs_entry_jumppad:
0x0: {  	(pc) =	sbr.rel $0x88, $3  }
0x1: {  	(tag) =	ssettag $0x0;
	lr =	simm.s32 $0x1  }
0x2: {  	[smem:$0x3F86] =	sst lr;
	_ =	strace $0xD0000000  }
0x3: {  	_ = 	snop  }
0x4: {  	_ = 	snop  }
0x5: {  	_ = 	snop  }
0x6: {  	_ = 	snop  }
0x7: {  	_ = 	snop  }
__scs_overlays_trampoline_lowered:
0x8: {  	[smem:$0x3F95] =	sst s0  }
0x9: {  	[smem:$0x3F96] =	sst s1  }
0xa: {  	[smem:$0x3F97] =	sst s2  }
0xb: {  	[smem:$0x3F98] =	sst s3  }
0xc: {  	[smem:$0x3F99] =	sst s4  }
0xd: {  	[smem:$0x3F9A] =	sst s5  }
0xe: {  	[smem:$0x3F9B] =	sst s6  }
0xf: {  	[smem:$0x3F9C] =	sst s7  }
0x10: {  	[smem:$0x3F9D] =	sst s8  }
0x11: {  	[smem:$0x3F9E] =	sst s9;
	s0 =	simm.s32 @!p0 $0x0  }
0x12: {  	s1 =	sld [smem:$0x3F84];
	s0 =	simm.s32 @p0 $0x1  }
0x13: {  	[smem:$0x3F9F] =	sst s0;
	s0 =	simm.s32 @!p1 $0x0  }
0x14: {  	s2 =	sld [smem:$0x3F83];
	s0 =	simm.s32 @p1 $0x1  }
0x15: {  	[smem:$0x3FA0] =	sst s0;
	s0 =	simm.s32 @!p2 $0x0  }
0x16: {  	s3 =	sld [smem:$0x3FDB];
	s0 =	simm.s32 @p2 $0x1  }
0x17: {  	s4 =	simm.s32 $0x1BF5;
	[smem:$0x3FA2] =	sst s0  }
0x18: {  	s0 =	sld [smem:$0x3F85];
	_ =	swait.ge [sflag:s4], $0x0  }
0x19: {  	s7 =	sld [smem:$0x3F86]  }
0x1a: {  	s8 =	sadd.s32 $0xFFFFE003, lr  }
0x1b: {  	s9 =	sadd.s32 $0xFFFFFEF7, lr;
	s5 =	simm.s32 $0xFFFFFFFF;
	p2 =	slt.u32 s8, $0xFFFFF086  }
0x1c: {  	p1 =	slt.u32 s9, $0xF7A;
	s5 =	simm.s32 @!p2 $0x0  }
0x1d: {  	s5 =	simm.s32 @p1 $0x1;
	p0 =	seq.s32 s7, s2  }
0x1e: {  	s7 =	smul.u32 @!p0 $0xF7A, s2;
	p2 =	seq.s32 @!p0 s5, $0x0  }
0x1f: {  	s9 =	smul.u32 $0xF7A, s1;
	s8 =	simm.s32 @!p0 $0x1BF5;
	p2 =	por !p2, p0  }
0x20: {  	[sflag:s8] =	ssyncset.s32 @!p0 $0xFFFFF086;
	s6 =	sadd.s32 @!p0 s3, s7;
	s7 =	simm.s32 @!p0 $0x108  }
0x21: {  	s3 =	sadd.s32 s3, s9;
	s6 =	sadd.s32 @!p0 $0x88, s6;
	s7 =	simm.s32 @p2 $0x1082  }
0x22: {  	[simem:s7], [sflag:s8] =	dma.local @!p0 [hbm:s6], $0xF7A  }
0x23: {  	s9 =	sor.u32 $0xD0000000, s2;
	s6 =	simm.s32 $0x108;
	_ =	swait.ge @!p0 [sflag:s8], $0x0  }
0x24: {  	s3 =	sadd.s32 $0x88, s3;
	s6 =	simm.s32 @!p1 $0x1082;
	[sflag:s4] =	ssyncset.s32 $0xFFFFF086  }
0x25: {  	[simem:s6], [sflag:s4] =	dma.local [hbm:s3], $0xF7A  }
0x26: {  	[smem:$0x3F86] =	sst s1;
	(tag) =	ssettag s2;
	_ =	strace s9  }
0x27: {  	s1 =	sld [smem:$0x3F96]  }
0x28: {  	s2 =	sld [smem:$0x3F97]  }
0x29: {  	s4 =	sld [smem:$0x3F99]  }
0x2a: {  	p0 =	seq.s32 s5, $0x0;
	s5 =	sld [smem:$0x3F9A]  }
0x2b: {  	s6 =	sld [smem:$0x3F9B]  }
0x2c: {  	s7 =	sld [smem:$0x3F9C]  }
0x2d: {  	s3 =	simm.s32 $0x108;
	s8 =	sld [smem:$0x3F9D]  }
0x2e: {  	s3 =	simm.s32 @!p0 $0x1082;
	s9 =	sld [smem:$0x3F9E]  }
0x2f: {  	lr =	sadd.s32 s0, s3;
	s0 =	sld [smem:$0x3F95]  }
0x30: {  	s3 =	sld [smem:$0x3F98]  }
0x31: {  	[smem:$0x3FA1] =	sst s10  }
0x32: {  	s10 =	sld [smem:$0x3F9F];
	_ =	sdelay $0x3  }
0x33: {  	p0 =	seq.s32 s10, $0x1;
	s10 =	sld [smem:$0x3FA1];
	_ =	sdelay $0x3  }
0x34: {  	[smem:$0x3FA1] =	sst s10  }
0x35: {  	s10 =	sld [smem:$0x3FA0];
	_ =	sdelay $0x3  }
0x36: {  	p1 =	seq.s32 s10, $0x1;
	s10 =	sld [smem:$0x3FA1];
	_ =	sdelay $0x3  }
0x37: {  	[smem:$0x3FA1] =	sst s10  }
0x38: {  	s10 =	sld [smem:$0x3FA2]  }
0x39: {  	_ = 	snop;
	(pc) =	sbr.ind lr, $3  }
0x3a: {  	_ = 	snop  }
0x3b: {  	_ = 	snop  }
0x3c: {  	p2 =	seq.s32 s10, $0x1;
	s10 =	sld [smem:$0x3FA1]  }
0x3d: {  	_ =	shalt  }
0x3e: {  	_ =	shalt  }
0x3f: {  	_ =	shalt  }
0x40: {  	_ =	shalt  }
0x41: {  	_ =	shalt  }
0x42: {  	_ =	shalt  }
0x43: {  	_ =	shalt  }
0x44: {  	_ =	shalt  }
0x45: {  	_ =	shalt  }
0x46: {  	_ =	shalt  }
0x47: {  	_ =	shalt  }
0x48: {  	_ =	shalt  }
0x49: {  	_ =	shalt  }
0x4a: {  	_ =	shalt  }
0x4b: {  	_ =	shalt  }
0x4c: {  	_ =	shalt  }
0x4d: {  	_ =	shalt  }
0x4e: {  	_ =	shalt  }
0x4f: {  	_ =	shalt  }
0x50: {  	_ =	shalt  }
0x51: {  	_ =	shalt  }
0x52: {  	_ =	shalt  }
0x53: {  	_ =	shalt  }
0x54: {  	_ =	shalt  }
0x55: {  	_ =	shalt  }
0x56: {  	_ =	shalt  }
0x57: {  	_ =	shalt  }
0x58: {  	_ =	shalt  }
0x59: {  	_ =	shalt  }
0x5a: {  	_ =	shalt  }
0x5b: {  	_ =	shalt  }
0x5c: {  	_ =	shalt  }
0x5d: {  	_ =	shalt  }
0x5e: {  	_ =	shalt  }
0x5f: {  	_ =	shalt  }
0x60: {  	_ =	shalt  }
0x61: {  	_ =	shalt  }
0x62: {  	_ =	shalt  }
0x63: {  	_ =	shalt  }
0x64: {  	_ =	shalt  }
0x65: {  	_ =	shalt  }
0x66: {  	_ =	shalt  }
0x67: {  	_ =	shalt  }
0x68: {  	_ =	shalt  }
0x69: {  	_ =	shalt  }
0x6a: {  	_ =	shalt  }
0x6b: {  	_ =	shalt  }
0x6c: {  	_ =	shalt  }
0x6d: {  	_ =	shalt  }
0x6e: {  	_ =	shalt  }
0x6f: {  	_ =	shalt  }
0x70: {  	_ =	shalt  }
0x71: {  	_ =	shalt  }
0x72: {  	_ =	shalt  }
0x73: {  	_ =	shalt  }
0x74: {  	_ =	shalt  }
0x75: {  	_ =	shalt  }
0x76: {  	_ =	shalt  }
0x77: {  	_ =	shalt  }
0x78: {  	_ =	shalt  }
0x79: {  	_ =	shalt  }
0x7a: {  	_ =	shalt  }
0x7b: {  	_ =	shalt  }
0x7c: {  	_ =	shalt  }
0x7d: {  	_ =	shalt  }
0x7e: {  	_ =	shalt  }
0x7f: {  	_ =	shalt  }
0x80: {  	_ =	shalt  }
0x81: {  	_ =	shalt  }
0x82: {  	_ =	shalt  }
0x83: {  	_ =	shalt  }
0x84: {  	_ =	shalt  }
0x85: {  	_ =	shalt  }
0x86: {  	_ =	shalt  }
0x87: {  	_ =	shalt  }
.Lfunc_end0:
.L_simem_size_0:
called_computation.1_lowered:
.L_overlay_start_0:
0x88: {  	s2 =	sld [smem:$0x3FD9]  }
0x89: {  	s3 =	sld [smem:$0x3FFE];
	_ =	sdelay $0x1  }
0x8a: {  	s1 =	srdreg.scid  }
0x8b: {  	s0 =	sand.u32 $0x1, s1  }
0x8c: {  	s16 =	sshll.u32 s0, $0xA;
	s2 =	sadd.s32 s3, s2  }
0x8d: {  	s2 =	sadd.s32 s2, s16  }
0x8e: {  	[smem:$0x3FAD] =	sst s2  }
0x8f: {  	_ = 	snop  }
0x90: {  	(tm) =	ssettm $0x1  }
0x91: {  	s17 =	sld [smem:$0x3FFB];
	_ =	sdelay $0x3  }
0x92: {  	_ =	strace s17  }
0x93: {  	s2 =	sld [smem:$0x3FFC];
	_ =	sdelay $0x3  }
0x94: {  	_ =	strace s2  }
0x95: {  	s2 =	sld [smem:$0x3FFD];
	_ =	sdelay $0x3  }
0x96: {  	_ =	strace s2  }
0x97: {  	_ =	strace $0x8FFFFFFF  }
0x98: {  	s18 =	sld [smem:$0x3FDB];
	_ =	sdelay $0x1  }
0x99: {  	s19 =	simm.s32 $_scs_section_size  }
0x9a: {  	s4 =	simm.s32 $_size__tile_overlayer_lowered;
	s5 =	simm.s32 $_tile_overlayer_lowered  }
0x9b: {  	s22 =	simm.s32 $0x1BFF;
	s21 =	sshll.u32 s5, $0x1;
	s2 =	sadd.s32 s19, s18  }
0x9c: {  	s6 =	simm.s32 $0x0;
	s20 =	sshll.u32 s4, $0x1;
	s4 =	sadd.s32 s21, s2  }
0x9d: {  	[timem:s6], [sflag:s22] =	dma.local [hbm:s4], s20  }
0x9e: {  	_ =	swait.ge [sflag:s22], s20  }
0x9f: {  	s3 =	ssub.s32 $0x0, s20;
	[sflag:s22] =	ssyncset.done $0x0  }
0xa0: {  	[sflag:s22] =	ssyncadd.s32 s3;
	_ =	sdelay $0x1  }
0xa1: {  	s23 =	simm.s32 $0x1B8B  }
0xa2: {  	_ =	swait.ge [sflag:s23], $0x1  }
0xa3: {  	[sflag:s23] =	ssyncset.done $0x0  }
0xa4: {  	s25 =	simm.s32 $0x1B8E;
	s24 =	sld [smem:$0x3FFE];
	[sflag:s23] =	ssyncadd.s32 $0xFFFFFFFF  }
0xa5: {  	s26 =	simm.s32 $execute0_lowered;
	[smem:$0x3FD2] =	sst s25  }
0xa6: {  	s4 =	sshll.u32 s26, $0x1;
	_ =	strace $0x80000049;
	[dreg:$0x1] =	wrdreg $0xFFFFFFFF  }
0xa7: {  	s28 =	simm.s32 $_size_execute0_lowered;
	s2 =	sadd.s32 s2, s4;
	[dreg:$0x0] =	wrdreg $0x0  }
0xa8: {  	s4 =	sshll.u32 s28, $0x1;
	[dreg:$0x2] =	wrdreg s2  }
0xa9: {  	[dreg:$0x3] =	wrdreg s4  }
0xaa: {  	[dreg:$0x4] =	wrdreg $0xC0  }
0xab: {  	_ =	task [dreg:s6], $0x5FFFF  }
0xac: {  	[dreg:$0x1] =	wrdreg $0xFFFFFFFF  }
0xad: {  	[dreg:$0x0] =	wrdreg $0x60  }
0xae: {  	[dreg:$0x2] =	wrdreg s24  }
0xaf: {  	[dreg:$0x3] =	wrdreg $0x91080  }
0xb0: {  	[dreg:$0x4] =	wrdreg $0x1D1080  }
0xb1: {  	[dreg:$0x5] =	wrdreg $0x9  }
0xb2: {  	_ =	task.clear_ibuf [dreg:s6], $0x6FFFF;
	_ =	strace $0x90000049  }
0xb3: {  	s29 =	simm.s32 $0x9;
	_ =	strace $0x8000004B  }
0xb4: {  	_ =	swait.ge [sflag:s29], $0x1  }
0xb5: {  	[sflag:s29] =	ssyncadd.s32 $0xFFFFFFFF  }
0xb6: {  	_ =	strace $0x9000004B  }
0xb7: {  	_ =	sfence  }
0xb8: {  	s30 =	sld [smem:$0x0];
	_ =	sdelay $0x2  }
0xb9: {  	s31 =	sshll.u32 s1, $0xD;
	s1 =	sshrl.u32 s1, $0x2  }
0xba: {  	s3 =	sand.u32 $0x4000, s31;
	s1 =	sadd.s32 s1, s30  }
0xbb: {  	s0 =	sor.u32 s3, s0;
	s1 =	sshll.u32 s1, $0x11  }
0xbc: {  	s0 =	sor.u32 s1, s0  }
0xbd: {  	s0 =	sadd.s32 $0x8F2B, s0  }
0xbe: {  	[sflag:s0] =	ssyncadd.remote.s32 $0x1  }
0xbf: {  	_ =	sfence.sel $0xFFFF  }
0xc0: {  	[dreg:$0x0] =	wrdreg $0xFFFFFFFF;
	(pc) =	sbr.abs _section_cstart, $3  }
0xc1: {  	[dreg:$0x1] =	wrdreg $0xFFFFFFFF  }
0xc2: {  	_ =	task.clear_ibuf [dreg:s6], $0x2FFFF;
	_ =	strace $0x9FFFFFFF  }
0xc3: {  	(tm) =	ssettm $0x7FFFFFFF  }
tec
execute0_lowered:
.L_overlay_start_1:
0x0: {  	(tag) =	ssettag $0x1  }
0x1: {  	s0 =	srdreg.scid  }
0x2: {  	s21 =	stileid.u32;
	s12 =	sand.u32 $0x1, s0  }
0x3: {  	s0 =	rddreg [dreg:$0x0];
	s10 =	smul.u32 $0x280, s21;
	s18 =	sshll.u32 s21, $0x1  }
0x4: {  	s1 =	ssub.s32 $0x2, s12;
	s13 =	sadd.s32 $0x69600, s0;
	s16 =	smul.u32 $0x140000, s12  }
0x5: {  	s14 =	sadd.s32 $0x5F600, s0;
	s15 =	sor.u32 s12, s18;
	s17 =	smul.u32 $0x28000, s12  }
0x6: {  	s12 =	smul.u32 $0x1388, s12;
	s2 =	sshrl.u32 s1, $0x1;
	s5 =	sadd.s32 $0x80, s10  }
0x7: {  	s7 =	sadd.s32 $0x100, s10;
	s4 =	ssub.s32 s1, s2;
	s1 =	smul.u32 $0x14000, s21  }
0x8: {  	s9 =	sadd.s32 $0x180, s10;
	s11 =	sadd.s32 $0x200, s10;
	s2 =	smul.u32 $0x2800, s21  }
0x9: {  	s3 =	sshll.u32 s5, $0x7;
	s5 =	sshll.u32 s5, $0x4;
	s6 =	sshll.u32 s7, $0x7  }
0xa: {  	s7 =	sshll.u32 s7, $0x4;
	s8 =	sshll.u32 s9, $0x7;
	s9 =	sshll.u32 s9, $0x4  }
0xb: {  	s10 =	sshll.u32 s11, $0x7;
	s11 =	sshll.u32 s11, $0x4;
	s20 =	sadd.s32 s16, s3  }
0xc: {  	s22 =	sadd.s32 s17, s5;
	s26 =	sadd.s32 s17, s7;
	s18 =	sadd.s32 s1, s16  }
0xd: {  	s30 =	sadd.s32 s16, s8;
	s19 =	sadd.s32 s2, s17;
	s18 =	sshrl.u32 s18, $0x3  }
0xe: {  	s23 =	sshrl.u32 s22, $0x3;
	s19 =	sshrl.u32 s19, $0x3;
	s18 =	sadd.s32 s13, s18  }
0xf: {  	s31 =	sshrl.u32 s30, $0x3;
	s19 =	sadd.s32 s14, s19;
	[dreg:$0x4] =	wrdreg s18  }
0x10: {  	s22 =	smul.u32 $0x13880, s15;
	[dreg:$0x5] =	wrdreg s19;
	s18 =	sshrl.u32 s20, $0x3  }
0x11: {  	s20 =	sadd.s32 s16, s6;
	s16 =	sadd.s32 s16, s10;
	s19 =	smul.u32 $0x2710, s21  }
0x12: {  	s21 =	smul.u32 $0x2710, s15;
	s18 =	sadd.s32 s13, s18;
	s24 =	sshrl.u32 s20, $0x3  }
0x13: {  	s16 =	sshrl.u32 s16, $0x3;
	[dreg:$0x6] =	wrdreg s18;
	s18 =	sadd.s32 s14, s23  }
0x14: {  	s25 =	sadd.s32 s13, s24;
	s12 =	sadd.s32 s12, s19;
	[dreg:$0x7] =	wrdreg s18  }
0x15: {  	[dreg:$0x8] =	wrdreg s25;
	s18 =	sshrl.u32 s26, $0x3;
	s26 =	sadd.s32 $0x100, s12  }
0x16: {  	s25 =	sadd.s32 $0x11400, s0;
	s18 =	sadd.s32 s14, s18;
	[dreg:$0xf] =	wrdreg s26  }
0x17: {  	[dreg:$0x9] =	wrdreg s18;
	s18 =	sadd.s32 s13, s31;
	s13 =	sadd.s32 s13, s16  }
0x18: {  	s16 =	sadd.s32 s17, s9;
	s17 =	sadd.s32 s17, s11;
	[dreg:$0xa] =	wrdreg s18  }
0x19: {  	s31 =	sshrl.u32 s26, $0x3;
	[dreg:$0xb] =	wrdreg s13;
	s13 =	sshrl.u32 s16, $0x3  }
0x1a: {  	s16 =	sshrl.u32 s17, $0x3;
	[dreg:$0x10] =	wrdreg s31;
	s13 =	sadd.s32 s14, s13  }
0x1b: {  	s12 =	sadd.s32 $0x80, s12;
	s20 =	sadd.s32 s14, s16;
	[dreg:$0xc] =	wrdreg s13  }
0x1c: {  	s12 =	sshrl.u32 s12, $0x3;
	s16 =	simm.s32 $0x0;
	[dreg:$0xd] =	wrdreg s20  }
0x1d: {  	s24 =	sshll.u32 s12, $0x4;
	s18 =	smul.u32 $0x1388, s15;
	[smem:$0x7FF] =	sst s16  }
0x1e: {  	s23 =	sshll.u32 s31, $0x4;
	s13 =	sadd.s32 s25, s21;
	s20 =	rddreg [dreg:$0x1]  }
0x1f: {  	s17 =	sadd.s32 s24, s25;
	s19 =	sshrl.u32 s18, $0x3;
	[dreg:$0xe] =	wrdreg s13  }
0x20: {  	s13 =	sadd.s32 $0x1380, s18;
	s24 =	sadd.s32 s1, s20;
	s28 =	sadd.s32 s3, s20  }
0x21: {  	s6 =	sadd.s32 s6, s20;
	s18 =	simm.s32 $0x4908;
	s30 =	sshll.u32 s13, $0x1  }
0x22: {  	s26 =	sshll.u32 s13, $0x4;
	s21 =	sshrl.u32 s13, $0x3;
	s15 =	sadd.s32 s25, s30  }
0x23: {  	[dreg:$0x11] =	wrdreg s15;
	s15 =	sadd.s32 s23, s25;
	s25 =	sadd.s32 $0xA76A00, s0  }
0x24: {  	s13 =	simm.s32 $0x2;
	s14 =	sadd.s32 s25, s22;
	s22 =	rddreg [dreg:$0x2]  }
0x25: {  	s30 =	sshll.u32 s31, $0x7;
	s31 =	sshll.u32 s12, $0x7;
	[dreg:$0x12] =	wrdreg s14  }
0x26: {  	s14 =	sadd.s32 s25, s26;
	s26 =	sadd.s32 s2, s22;
	s29 =	sadd.s32 s5, s22  }
0x27: {  	s7 =	sadd.s32 s7, s22;
	[dreg:$0x13] =	wrdreg s14;
	s14 =	sadd.s32 s30, s25  }
0x28: {  	s1 =	sadd.s32 s9, s22;
	[dreg:$0x14] =	wrdreg s14;
	s14 =	sadd.s32 s31, s25  }
0x29: {  	s2 =	sadd.s32 s10, s20;
	s3 =	sadd.s32 s11, s22;
	[dreg:$0x15] =	wrdreg s14  }
0x2a: {  	s9 =	simm.s32 $0x3;
	_ =	strace $0x8000004A;
	[dreg:$0x16] =	wrdreg s6  }
0x2b: {  	s25 =	sadd.s32 $0xC400, s0;
	s14 =	sadd.s32 s8, s20;
	[dreg:$0x17] =	wrdreg s7  }
0x2c: {  	s10 =	simm.s32 $0x4088;
	s23 =	sadd.s32 s25, s19;
	[dreg:$0x18] =	wrdreg s14  }
0x2d: {  	s11 =	simm.s32 $0x1;
	s30 =	sadd.s32 s25, s21;
	[dreg:$0x19] =	wrdreg s23  }
0x2e: {  	s5 =	simm.s32 $0x0;
	s31 =	smax.u32 s4, $0x1;
	[dreg:$0x1a] =	wrdreg s30  }
0x2f: {  	s8 =	simm.s32 $0x88;
	s21 =	simm.s32 $0x8908;
	[dreg:$0x1b] =	wrdreg s31  }
0x30: {  	v0 =	vimm.f32 $0.0e+00;
	s7 =	sadd.s32 s12, s25;
	s14 =	simm.s32 $0x4888;
	s12 =	simm.s32 $0x80  }
.LBB2_1:
0x31: {  	s4 =	simm.s32 $0xC8  }
0x32: {  	[tilespmem:s4+$0xFFFFFFD0] =	vst v0  }
0x33: {  	[tilespmem:s4+$0xFFFFFFE0] =	vst v0  }
0x34: {  	[tilespmem:s4+$0xFFFFFFF0] =	vst v0  }
0x35: {  	[tilespmem:s4+$0x0] =	vst v0  }
0x36: {  	[tilespmem:s4+$0x10] =	vst v0  }
0x37: {  	[tilespmem:s4+$0x20] =	vst v0  }
0x38: {  	[tilespmem:s4+$0x30] =	vst v0  }
0x39: {  	s23 =	simm.s32 $0x0;
	s6 =	simm.s32 $0x40;
	[tilespmem:s4+$0xFFFFFFC0] =	vst v0  }
.LBB2_2:
0x3a: {  	p0 =	sne.s32 s6, $0x1FC0;
	[tilespmem:s23+$0x4088] =	vst v0;
	s4 =	sadd.s32 $0x80, s4  }
0x3b: {  	[tilespmem:s4+$0xFFFFFFD0] =	vst v0  }
0x3c: {  	[tilespmem:s4+$0xFFFFFFE0] =	vst v0  }
0x3d: {  	[tilespmem:s4+$0xFFFFFFF0] =	vst v0  }
.Ltmp0:
0x3e: {  	[tilespmem:s4+$0x0] =	vst v0;
	(pc) =	sbr.rel @p0 .LBB2_2-.Ltmp0, $4  }
0x3f: {  	[tilespmem:s4+$0x10] =	vst v0  }
0x40: {  	[tilespmem:s4+$0x20] =	vst v0  }
0x41: {  	[tilespmem:s4+$0x30] =	vst v0  }
0x42: {  	s23 =	sshra.s32 s6, $0x2;
	s6 =	sadd.s32 $0x40, s6;
	[tilespmem:s4+$0xFFFFFFC0] =	vst v0  }
0x43: {  	[tilespmem:s23+$0x4088] =	vst v0  }
0x44: {  	[spmem:s24] =	stream.linear.scatter [tilespmem:s8], [sflag:$0x3], $0x4000, $0x38;
	[tilespmem:$0x1F908] =	vst v63  }
0x45: {  	_ =	swait.ge [sflag:s9], $0x4000  }
0x46: {  	[sflag:s9] =	ssyncset.done $0x0  }
0x47: {  	[sflag:s9] =	ssyncadd.s32 $0xFFFFC000  }
0x48: {  	[spmem:s26] =	stream.linear.scatter [tilespmem:s10], [sflag:$0x3], $0x800, $0x38;
	[tilespmem:$0x1F908] =	vst v63  }
0x49: {  	_ =	swait.ge [sflag:s9], $0x800  }
0x4a: {  	[sflag:s9] =	ssyncset.done $0x0  }
0x4b: {  	[sflag:s9] =	ssyncadd.s32 $0xFFFFF800  }
0x4c: {  	[spmem:s28] =	stream.linear.scatter [tilespmem:s8], [sflag:$0x3], $0x4000, $0x38;
	[tilespmem:$0x1F908] =	vst v63  }
0x4d: {  	_ =	swait.ge [sflag:s9], $0x4000  }
0x4e: {  	[sflag:s9] =	ssyncset.done $0x0  }
0x4f: {  	[sflag:s9] =	ssyncadd.s32 $0xFFFFC000  }
0x50: {  	[spmem:s29] =	stream.linear.scatter [tilespmem:s10], [sflag:$0x3], $0x800, $0x38;
	[tilespmem:$0x1F908] =	vst v63  }
0x51: {  	_ =	swait.ge [sflag:s9], $0x800  }
0x52: {  	[sflag:s9] =	ssyncset.done $0x0  }
0x53: {  	s4 =	rddreg [dreg:$0x16];
	[sflag:s9] =	ssyncadd.s32 $0xFFFFF800  }
0x54: {  	[spmem:s4] =	stream.linear.scatter [tilespmem:s8], [sflag:$0x3], $0x4000, $0x38;
	[tilespmem:$0x1F908] =	vst v63  }
0x55: {  	_ =	swait.ge [sflag:s9], $0x4000  }
0x56: {  	[sflag:s9] =	ssyncset.done $0x0  }
0x57: {  	s31 =	smov.u32 s26;
	s26 =	rddreg [dreg:$0x17];
	[sflag:s9] =	ssyncadd.s32 $0xFFFFC000  }
0x58: {  	[spmem:s26] =	stream.linear.scatter [tilespmem:s10], [sflag:$0x3], $0x800, $0x38;
	[tilespmem:$0x1F908] =	vst v63  }
0x59: {  	_ =	swait.ge [sflag:s9], $0x800  }
0x5a: {  	[sflag:s9] =	ssyncset.done $0x0  }
0x5b: {  	s19 =	smov.u32 s28;
	s28 =	rddreg [dreg:$0x18];
	[sflag:s9] =	ssyncadd.s32 $0xFFFFF800  }
0x5c: {  	[spmem:s28] =	stream.linear.scatter [tilespmem:s8], [sflag:$0x3], $0x4000, $0x38;
	[tilespmem:$0x1F908] =	vst v63  }
0x5d: {  	_ =	swait.ge [sflag:s9], $0x4000  }
0x5e: {  	[sflag:s9] =	ssyncset.done $0x0  }
0x5f: {  	[sflag:s9] =	ssyncadd.s32 $0xFFFFC000  }
0x60: {  	[spmem:s1] =	stream.linear.scatter [tilespmem:s10], [sflag:$0x3], $0x800, $0x38;
	[tilespmem:$0x1F908] =	vst v63  }
0x61: {  	_ =	swait.ge [sflag:s9], $0x800  }
0x62: {  	[sflag:s9] =	ssyncset.done $0x0  }
0x63: {  	[sflag:s9] =	ssyncadd.s32 $0xFFFFF800  }
0x64: {  	[spmem:s2] =	stream.linear.scatter [tilespmem:s8], [sflag:$0x3], $0x4000, $0x38;
	[tilespmem:$0x1F908] =	vst v63  }
0x65: {  	_ =	swait.ge [sflag:s9], $0x4000  }
0x66: {  	[sflag:s9] =	ssyncset.done $0x0  }
0x67: {  	[sflag:s9] =	ssyncadd.s32 $0xFFFFC000  }
0x68: {  	[spmem:s3] =	stream.linear.scatter [tilespmem:s10], [sflag:$0x3], $0x800, $0x38;
	[tilespmem:$0x1F908] =	vst v63  }
0x69: {  	_ =	swait.ge [sflag:s9], $0x800  }
0x6a: {  	[sflag:s9] =	ssyncset.done $0x0  }
0x6b: {  	[sflag:s9] =	ssyncadd.s32 $0xFFFFF800  }
0x6c: {  	[bflag:$0x0] =	sbarrier.arrive $0xFFFF  }
0x6d: {  	s0 =	smov.u32 s29;
	s29 =	simm.s32 $0x0;
	s6 =	rddreg [dreg:$0x19]  }
0x6e: {  	[tilespmem:s29], [sflag:$0x1] =	stream.linear.gather [hbm4b:s6+s29], $0x80, $0x38;
	[tilespmem:$0x1F908] =	vst v63  }
0x6f: {  	s23 =	rddreg [dreg:$0x12]  }
0x70: {  	[tilespmem:s8], [sflag:$0x1] =	stream.linear.gather [hbm4b:s23+s29], $0x4000, $0x38;
	[tilespmem:$0x1F908] =	vst v63  }
0x71: {  	s30 =	smov.u32 s24;
	s24 =	rddreg [dreg:$0xe]  }
0x72: {  	[tilespmem:s10], [sflag:$0x1] =	stream.linear.gather [hbm4b:s24+s29], $0x800, $0x38;
	[tilespmem:$0x1F908] =	vst v63  }
0x73: {  	_ =	swait.ge [sflag:s11], $0x80  }
0x74: {  	[sflag:s11] =	ssyncset.done $0x0  }
0x75: {  	[sflag:s11] =	ssyncadd.s32 $0xFFFFFF80  }
0x76: {  	_ =	swait.ge [sflag:s11], $0x4000  }
0x77: {  	[sflag:s11] =	ssyncset.done $0x0  }
0x78: {  	[sflag:s11] =	ssyncadd.s32 $0xFFFFC000  }
0x79: {  	_ =	swait.ge [sflag:s11], $0x800  }
0x7a: {  	[sflag:s11] =	ssyncset.done $0x0  }
0x7b: {  	[sflag:s11] =	ssyncadd.s32 $0xFFFFF800  }
0x7c: {  	[tilespmem:s14], [sflag:$0x2] =	stream.linear.gather [hbm4b:s7+s16], $0x80, $0x38;
	[tilespmem:$0x1F908] =	vst v63  }
0x7d: {  	s24 =	rddreg [dreg:$0x15]  }
0x7e: {  	[tilespmem:s18], [sflag:$0x2] =	stream.linear.gather [hbm4b:s24+s16], $0x4000, $0x38;
	[tilespmem:$0x1F908] =	vst v63  }
0x7f: {  	s26 =	sadd.s32 $0x0, s17  }
0x80: {  	[tilespmem:s21], [sflag:$0x2] =	stream.linear.gather [hbm4b:s26+s16], $0x800, $0x38;
	[tilespmem:$0x1F908] =	vst v63  }
0x81: {  	_ = 	snop  }
0x82: {  	[spmem:s20] =	stream.indirect.scatter.add.f32 [tilespmem:s8], [sflag:$0x3], $0x80, s16, s12, $0xb8;
	[tilespmem:$0x1F908] =	vst v63  }
0x83: {  	_ =	swait.ge [sflag:s9], $0x4000  }
0x84: {  	[sflag:s9] =	ssyncset.done $0x0  }
0x85: {  	[sflag:s9] =	ssyncadd.s32 $0xFFFFC000  }
0x86: {  	[spmem:s22] =	stream.indirect.scatter.add.f32 [tilespmem:s10], [sflag:$0x3], $0x10, s16, s12, $0xb8;
	[tilespmem:$0x1F908] =	vst v63  }
0x87: {  	_ =	swait.ge [sflag:s9], $0x800  }
0x88: {  	[sflag:s9] =	ssyncset.done $0x0;
	s28 =	rddreg [dreg:$0x10]  }
0x89: {  	[sflag:s9] =	ssyncadd.s32 $0xFFFFF800;
	s4 =	sadd.s32 s25, s28  }
0x8a: {  	[tilespmem:s16], [sflag:$0x1] =	stream.linear.gather [hbm4b:s4+s16], $0x80, $0x38;
	[tilespmem:$0x1F908] =	vst v63  }
0x8b: {  	s23 =	rddreg [dreg:$0x14]  }
0x8c: {  	[tilespmem:s8], [sflag:$0x1] =	stream.linear.gather [hbm4b:s23+s16], $0x4000, $0x38;
	[tilespmem:$0x1F908] =	vst v63  }
0x8d: {  	s29 =	sadd.s32 $0x0, s15  }
0x8e: {  	[tilespmem:s10], [sflag:$0x1] =	stream.linear.gather [hbm4b:s29+s16], $0x800, $0x38;
	[tilespmem:$0x1F908] =	vst v63  }
0x8f: {  	_ =	swait.ge [sflag:s13], $0x80  }
0x90: {  	[sflag:s13] =	ssyncset.done $0x0  }
0x91: {  	[sflag:s13] =	ssyncadd.s32 $0xFFFFFF80  }
0x92: {  	_ =	swait.ge [sflag:s13], $0x4000  }
0x93: {  	[sflag:s13] =	ssyncset.done $0x0  }
0x94: {  	[sflag:s13] =	ssyncadd.s32 $0xFFFFC000  }
0x95: {  	_ =	swait.ge [sflag:s13], $0x800  }
0x96: {  	[sflag:s13] =	ssyncset.done $0x0  }
0x97: {  	[sflag:s13] =	ssyncadd.s32 $0xFFFFF800  }
0x98: {  	[spmem:s20] =	stream.indirect.scatter.add.f32 [tilespmem:s18], [sflag:$0x3], $0x80, s14, s12, $0xb8;
	[tilespmem:$0x1F908] =	vst v63  }
0x99: {  	_ =	swait.ge [sflag:s9], $0x4000  }
0x9a: {  	[sflag:s9] =	ssyncset.done $0x0  }
0x9b: {  	[sflag:s9] =	ssyncadd.s32 $0xFFFFC000  }
0x9c: {  	[spmem:s22] =	stream.indirect.scatter.add.f32 [tilespmem:s21], [sflag:$0x3], $0x10, s14, s12, $0xb8;
	[tilespmem:$0x1F908] =	vst v63  }
0x9d: {  	s6 =	simm.s32 $0x200;
	s4 =	sadd.s32 $0x1000, s24;
	_ =	swait.ge [sflag:s9], $0x800  }
0x9e: {  	s24 =	sadd.s32 $0x20, s7;
	[sflag:s9] =	ssyncset.done $0x0;
	s26 =	rddreg [dreg:$0xf]  }
.LBB2_4:
0x9f: {  	[sflag:s9] =	ssyncadd.s32 $0xFFFFF800  }
0xa0: {  	s23 =	sadd.s32 $0x1000, s23;
	s26 =	sadd.s32 $0x100, s26;
	s28 =	smov.u32 s6  }
0xa1: {  	p0 =	sne.s32 s6, $0x2400;
	s6 =	sadd.s32 $0x200, s6;
	_ =	swait.ge [sflag:s11], $0x80  }
0xa2: {  	[sflag:s11] =	ssyncset.done $0x0  }
0xa3: {  	[sflag:s11] =	ssyncadd.s32 $0xFFFFFF80  }
0xa4: {  	_ =	swait.ge [sflag:s11], $0x4000  }
0xa5: {  	[sflag:s11] =	ssyncset.done $0x0  }
0xa6: {  	[sflag:s11] =	ssyncadd.s32 $0xFFFFC000  }
0xa7: {  	_ =	swait.ge [sflag:s11], $0x800  }
0xa8: {  	[sflag:s11] =	ssyncset.done $0x0  }
0xa9: {  	[sflag:s11] =	ssyncadd.s32 $0xFFFFF800  }
0xaa: {  	[tilespmem:s14], [sflag:$0x2] =	stream.linear.gather [hbm4b:s24+s16], $0x80, $0x38;
	[tilespmem:$0x1F908] =	vst v63  }
0xab: {  	_ = 	snop  }
0xac: {  	[tilespmem:s18], [sflag:$0x2] =	stream.linear.gather [hbm4b:s4+s16], $0x4000, $0x38;
	[tilespmem:$0x1F908] =	vst v63  }
0xad: {  	s29 =	sadd.s32 s28, s17  }
0xae: {  	[tilespmem:s21], [sflag:$0x2] =	stream.linear.gather [hbm4b:s29+s16], $0x800, $0x38;
	[tilespmem:$0x1F908] =	vst v63  }
0xaf: {  	_ = 	snop  }
0xb0: {  	[spmem:s20] =	stream.indirect.scatter.add.f32 [tilespmem:s8], [sflag:$0x3], $0x80, s16, s12, $0xb8;
	[tilespmem:$0x1F908] =	vst v63  }
0xb1: {  	_ =	swait.ge [sflag:s9], $0x4000  }
0xb2: {  	[sflag:s9] =	ssyncset.done $0x0  }
0xb3: {  	[sflag:s9] =	ssyncadd.s32 $0xFFFFC000  }
0xb4: {  	[spmem:s22] =	stream.indirect.scatter.add.f32 [tilespmem:s10], [sflag:$0x3], $0x10, s16, s12, $0xb8;
	[tilespmem:$0x1F908] =	vst v63  }
0xb5: {  	_ =	swait.ge [sflag:s9], $0x800  }
0xb6: {  	s29 =	sshrl.u32 s26, $0x3;
	[sflag:s9] =	ssyncset.done $0x0  }
0xb7: {  	s29 =	sadd.s32 s25, s29;
	[sflag:s9] =	ssyncadd.s32 $0xFFFFF800  }
0xb8: {  	[tilespmem:s16], [sflag:$0x1] =	stream.linear.gather [hbm4b:s29+s16], $0x80, $0x38;
	[tilespmem:$0x1F908] =	vst v63  }
0xb9: {  	_ = 	snop  }
0xba: {  	[tilespmem:s8], [sflag:$0x1] =	stream.linear.gather [hbm4b:s23+s16], $0x4000, $0x38;
	[tilespmem:$0x1F908] =	vst v63  }
0xbb: {  	s28 =	sadd.s32 s28, s15  }
0xbc: {  	[tilespmem:s10], [sflag:$0x1] =	stream.linear.gather [hbm4b:s28+s16], $0x800, $0x38;
	[tilespmem:$0x1F908] =	vst v63  }
0xbd: {  	_ =	swait.ge [sflag:s13], $0x80  }
0xbe: {  	[sflag:s13] =	ssyncset.done $0x0  }
0xbf: {  	[sflag:s13] =	ssyncadd.s32 $0xFFFFFF80  }
0xc0: {  	_ =	swait.ge [sflag:s13], $0x4000  }
0xc1: {  	[sflag:s13] =	ssyncset.done $0x0  }
0xc2: {  	[sflag:s13] =	ssyncadd.s32 $0xFFFFC000  }
0xc3: {  	_ =	swait.ge [sflag:s13], $0x800  }
0xc4: {  	[sflag:s13] =	ssyncset.done $0x0  }
0xc5: {  	[sflag:s13] =	ssyncadd.s32 $0xFFFFF800  }
0xc6: {  	[spmem:s20] =	stream.indirect.scatter.add.f32 [tilespmem:s18], [sflag:$0x3], $0x80, s14, s12, $0xb8;
	[tilespmem:$0x1F908] =	vst v63  }
0xc7: {  	_ =	swait.ge [sflag:s9], $0x4000  }
.Ltmp1:
0xc8: {  	[sflag:s9] =	ssyncset.done $0x0;
	(pc) =	sbr.rel @p0 .LBB2_4-.Ltmp1, $4  }
0xc9: {  	[sflag:s9] =	ssyncadd.s32 $0xFFFFC000  }
0xca: {  	[spmem:s22] =	stream.indirect.scatter.add.f32 [tilespmem:s21], [sflag:$0x3], $0x10, s14, s12, $0xb8;
	[tilespmem:$0x1F908] =	vst v63  }
0xcb: {  	_ =	swait.ge [sflag:s9], $0x800  }
0xcc: {  	s24 =	sadd.s32 $0x20, s24;
	s4 =	sadd.s32 $0x1000, s4;
	[sflag:s9] =	ssyncset.done $0x0  }
0xcd: {  	[sflag:s9] =	ssyncadd.s32 $0xFFFFF800  }
0xce: {  	_ =	swait.ge [sflag:s11], $0x80  }
0xcf: {  	[sflag:s11] =	ssyncset.done $0x0  }
0xd0: {  	[sflag:s11] =	ssyncadd.s32 $0xFFFFFF80  }
0xd1: {  	_ =	swait.ge [sflag:s11], $0x4000  }
0xd2: {  	[sflag:s11] =	ssyncset.done $0x0  }
0xd3: {  	[sflag:s11] =	ssyncadd.s32 $0xFFFFC000  }
0xd4: {  	_ =	swait.ge [sflag:s11], $0x800  }
0xd5: {  	[sflag:s11] =	ssyncset.done $0x0  }
0xd6: {  	[sflag:s11] =	ssyncadd.s32 $0xFFFFF800  }
0xd7: {  	[spmem:s20] =	stream.indirect.scatter.add.f32 [tilespmem:s8], [sflag:$0x3], $0x80, s16, s12, $0xb8;
	[tilespmem:$0x1F908] =	vst v63  }
0xd8: {  	_ =	swait.ge [sflag:s9], $0x4000  }
0xd9: {  	[sflag:s9] =	ssyncset.done $0x0  }
0xda: {  	[sflag:s9] =	ssyncadd.s32 $0xFFFFC000  }
0xdb: {  	[spmem:s22] =	stream.indirect.scatter.add.f32 [tilespmem:s10], [sflag:$0x3], $0x10, s16, s12, $0xb8;
	[tilespmem:$0x1F908] =	vst v63  }
0xdc: {  	_ =	swait.ge [sflag:s9], $0x800  }
0xdd: {  	[sflag:s9] =	ssyncset.done $0x0  }
0xde: {  	s4 =	rddreg [dreg:$0x1a];
	[sflag:s9] =	ssyncadd.s32 $0xFFFFF800  }
0xdf: {  	[tilespmem:s12], [sflag:$0x3] =	stream.linear.gather [hbm4b:s4+s16], $0x8, $0x38;
	[tilespmem:$0x1F908] =	vst v63  }
0xe0: {  	_ =	swait.ge [sflag:s9], $0x8  }
0xe1: {  	[sflag:s9] =	ssyncset.done $0x0  }
0xe2: {  	s23 =	rddreg [dreg:$0x13];
	[sflag:s9] =	ssyncadd.s32 $0xFFFFFFF8  }
0xe3: {  	[tilespmem:s8], [sflag:$0x3] =	stream.linear.gather [hbm4b:s23+s16], $0x400, $0x38;
	[tilespmem:$0x1F908] =	vst v63  }
0xe4: {  	_ =	swait.ge [sflag:s9], $0x400  }
0xe5: {  	[sflag:s9] =	ssyncset.done $0x0  }
0xe6: {  	s24 =	rddreg [dreg:$0x11];
	[sflag:s9] =	ssyncadd.s32 $0xFFFFFC00  }
0xe7: {  	[tilespmem:s10], [sflag:$0x3] =	stream.linear.gather [hbm4b:s24+s16], $0x80, $0x38;
	[tilespmem:$0x1F908] =	vst v63  }
0xe8: {  	_ =	swait.ge [sflag:s9], $0x80  }
0xe9: {  	[sflag:s9] =	ssyncset.done $0x0  }
0xea: {  	s26 =	simm.s32 $0x8;
	[sflag:s9] =	ssyncadd.s32 $0xFFFFFF80  }
0xeb: {  	[spmem:s20] =	stream.indirect.scatter.add.f32 [tilespmem:s8], [sflag:$0x3], $0x80, s12, s26, $0xb8;
	[tilespmem:$0x1F908] =	vst v63  }
0xec: {  	_ =	swait.ge [sflag:s9], $0x400  }
0xed: {  	[sflag:s9] =	ssyncset.done $0x0  }
0xee: {  	[sflag:s9] =	ssyncadd.s32 $0xFFFFFC00  }
0xef: {  	[spmem:s22] =	stream.indirect.scatter.add.f32 [tilespmem:s10], [sflag:$0x3], $0x10, s12, s26, $0xb8;
	[tilespmem:$0x1F908] =	vst v63  }
0xf0: {  	_ =	swait.ge [sflag:s9], $0x80  }
0xf1: {  	[sflag:s9] =	ssyncset.done $0x0  }
0xf2: {  	[sflag:s9] =	ssyncadd.s32 $0xFFFFFF80  }
0xf3: {  	[bflag:$0x0] =	sbarrier.arrive $0xFFFF  }
0xf4: {  	[tilespmem:s8], [sflag:$0x3] =	stream.linear.gather [spmem:s30], $0x4000, $0x38;
	[tilespmem:$0x1F908] =	vst v63  }
0xf5: {  	_ =	swait.ge [sflag:s9], $0x4000  }
0xf6: {  	[sflag:s9] =	ssyncset.done $0x0  }
0xf7: {  	[sflag:s9] =	ssyncadd.s32 $0xFFFFC000  }
0xf8: {  	[tilespmem:s10], [sflag:$0x3] =	stream.linear.gather [spmem:s31], $0x800, $0x38;
	[tilespmem:$0x1F908] =	vst v63  }
0xf9: {  	_ =	swait.ge [sflag:s9], $0x800  }
0xfa: {  	[sflag:s9] =	ssyncset.done $0x0  }
0xfb: {  	s24 =	smov.u32 s30;
	s30 =	rddreg [dreg:$0x4];
	[sflag:s9] =	ssyncadd.s32 $0xFFFFF800  }
0xfc: {  	[hbm4b:s30+s16] =	stream.linear.scatter [tilespmem:s8], [sflag:$0x3], $0x4000, $0x38;
	[tilespmem:$0x1F908] =	vst v63  }
0xfd: {  	_ =	swait.ge [sflag:s9], $0x4000  }
0xfe: {  	[sflag:s9] =	ssyncset.done $0x0  }
0xff: {  	s26 =	smov.u32 s31;
	s31 =	rddreg [dreg:$0x5];
	[sflag:s9] =	ssyncadd.s32 $0xFFFFC000  }
0x100: {  	[hbm4b:s31+s16] =	stream.linear.scatter [tilespmem:s10], [sflag:$0x3], $0x800, $0x38;
	[tilespmem:$0x1F908] =	vst v63  }
0x101: {  	_ =	swait.ge [sflag:s9], $0x800  }
0x102: {  	[sflag:s9] =	ssyncset.done $0x0  }
0x103: {  	[sflag:s9] =	ssyncadd.s32 $0xFFFFF800  }
0x104: {  	[tilespmem:s8], [sflag:$0x3] =	stream.linear.gather [spmem:s19], $0x4000, $0x38;
	[tilespmem:$0x1F908] =	vst v63  }
0x105: {  	_ =	swait.ge [sflag:s9], $0x4000  }
0x106: {  	[sflag:s9] =	ssyncset.done $0x0  }
0x107: {  	[sflag:s9] =	ssyncadd.s32 $0xFFFFC000  }
0x108: {  	[tilespmem:s10], [sflag:$0x3] =	stream.linear.gather [spmem:s0], $0x800, $0x38;
	[tilespmem:$0x1F908] =	vst v63  }
0x109: {  	_ =	swait.ge [sflag:s9], $0x800  }
0x10a: {  	[sflag:s9] =	ssyncset.done $0x0  }
0x10b: {  	s6 =	rddreg [dreg:$0x6];
	[sflag:s9] =	ssyncadd.s32 $0xFFFFF800  }
0x10c: {  	[hbm4b:s6+s16] =	stream.linear.scatter [tilespmem:s8], [sflag:$0x3], $0x4000, $0x38;
	[tilespmem:$0x1F908] =	vst v63  }
0x10d: {  	_ =	swait.ge [sflag:s9], $0x4000  }
0x10e: {  	[sflag:s9] =	ssyncset.done $0x0  }
0x10f: {  	s28 =	smov.u32 s19;
	s19 =	rddreg [dreg:$0x7];
	[sflag:s9] =	ssyncadd.s32 $0xFFFFC000  }
0x110: {  	[hbm4b:s19+s16] =	stream.linear.scatter [tilespmem:s10], [sflag:$0x3], $0x800, $0x38;
	[tilespmem:$0x1F908] =	vst v63  }
0x111: {  	_ =	swait.ge [sflag:s9], $0x800  }
0x112: {  	[sflag:s9] =	ssyncset.done $0x0  }
0x113: {  	s23 =	rddreg [dreg:$0x16];
	[sflag:s9] =	ssyncadd.s32 $0xFFFFF800  }
0x114: {  	[tilespmem:s8], [sflag:$0x3] =	stream.linear.gather [spmem:s23], $0x4000, $0x38;
	[tilespmem:$0x1F908] =	vst v63  }
0x115: {  	_ =	swait.ge [sflag:s9], $0x4000  }
0x116: {  	[sflag:s9] =	ssyncset.done $0x0  }
0x117: {  	s30 =	rddreg [dreg:$0x17];
	[sflag:s9] =	ssyncadd.s32 $0xFFFFC000  }
0x118: {  	[tilespmem:s10], [sflag:$0x3] =	stream.linear.gather [spmem:s30], $0x800, $0x38;
	[tilespmem:$0x1F908] =	vst v63  }
0x119: {  	_ =	swait.ge [sflag:s9], $0x800  }
0x11a: {  	[sflag:s9] =	ssyncset.done $0x0  }
0x11b: {  	s31 =	rddreg [dreg:$0x8];
	[sflag:s9] =	ssyncadd.s32 $0xFFFFF800  }
0x11c: {  	[hbm4b:s31+s16] =	stream.linear.scatter [tilespmem:s8], [sflag:$0x3], $0x4000, $0x38;
	[tilespmem:$0x1F908] =	vst v63  }
0x11d: {  	_ =	swait.ge [sflag:s9], $0x4000  }
0x11e: {  	[sflag:s9] =	ssyncset.done $0x0  }
0x11f: {  	s29 =	smov.u32 s0;
	s0 =	rddreg [dreg:$0x9];
	[sflag:s9] =	ssyncadd.s32 $0xFFFFC000  }
0x120: {  	[hbm4b:s0+s16] =	stream.linear.scatter [tilespmem:s10], [sflag:$0x3], $0x800, $0x38;
	[tilespmem:$0x1F908] =	vst v63  }
0x121: {  	_ =	swait.ge [sflag:s9], $0x800  }
0x122: {  	[sflag:s9] =	ssyncset.done $0x0  }
0x123: {  	s4 =	rddreg [dreg:$0x18];
	[sflag:s9] =	ssyncadd.s32 $0xFFFFF800  }
0x124: {  	[tilespmem:s8], [sflag:$0x3] =	stream.linear.gather [spmem:s4], $0x4000, $0x38;
	[tilespmem:$0x1F908] =	vst v63  }
0x125: {  	_ =	swait.ge [sflag:s9], $0x4000  }
0x126: {  	[sflag:s9] =	ssyncset.done $0x0  }
0x127: {  	[sflag:s9] =	ssyncadd.s32 $0xFFFFC000  }
0x128: {  	[tilespmem:s10], [sflag:$0x3] =	stream.linear.gather [spmem:s1], $0x800, $0x38;
	[tilespmem:$0x1F908] =	vst v63  }
0x129: {  	_ =	swait.ge [sflag:s9], $0x800  }
0x12a: {  	[sflag:s9] =	ssyncset.done $0x0  }
0x12b: {  	s6 =	rddreg [dreg:$0xa];
	[sflag:s9] =	ssyncadd.s32 $0xFFFFF800  }
0x12c: {  	[hbm4b:s6+s16] =	stream.linear.scatter [tilespmem:s8], [sflag:$0x3], $0x4000, $0x38;
	[tilespmem:$0x1F908] =	vst v63  }
0x12d: {  	_ =	swait.ge [sflag:s9], $0x4000  }
0x12e: {  	[sflag:s9] =	ssyncset.done $0x0  }
0x12f: {  	s19 =	rddreg [dreg:$0xc];
	[sflag:s9] =	ssyncadd.s32 $0xFFFFC000  }
0x130: {  	[hbm4b:s19+s16] =	stream.linear.scatter [tilespmem:s10], [sflag:$0x3], $0x800, $0x38;
	[tilespmem:$0x1F908] =	vst v63  }
0x131: {  	_ =	swait.ge [sflag:s9], $0x800  }
0x132: {  	[sflag:s9] =	ssyncset.done $0x0  }
0x133: {  	[sflag:s9] =	ssyncadd.s32 $0xFFFFF800  }
0x134: {  	[tilespmem:s8], [sflag:$0x3] =	stream.linear.gather [spmem:s2], $0x4000, $0x38;
	[tilespmem:$0x1F908] =	vst v63  }
0x135: {  	_ =	swait.ge [sflag:s9], $0x4000  }
0x136: {  	[sflag:s9] =	ssyncset.done $0x0  }
0x137: {  	[sflag:s9] =	ssyncadd.s32 $0xFFFFC000  }
0x138: {  	[tilespmem:s10], [sflag:$0x3] =	stream.linear.gather [spmem:s3], $0x800, $0x38;
	[tilespmem:$0x1F908] =	vst v63  }
0x139: {  	_ =	swait.ge [sflag:s9], $0x800  }
0x13a: {  	[sflag:s9] =	ssyncset.done $0x0  }
0x13b: {  	s23 =	rddreg [dreg:$0xb];
	[sflag:s9] =	ssyncadd.s32 $0xFFFFF800  }
0x13c: {  	[hbm4b:s23+s16] =	stream.linear.scatter [tilespmem:s8], [sflag:$0x3], $0x4000, $0x38;
	[tilespmem:$0x1F908] =	vst v63  }
0x13d: {  	_ =	swait.ge [sflag:s9], $0x4000  }
0x13e: {  	[sflag:s9] =	ssyncset.done $0x0  }
0x13f: {  	s30 =	rddreg [dreg:$0xd];
	[sflag:s9] =	ssyncadd.s32 $0xFFFFC000  }
0x140: {  	[hbm4b:s30+s16] =	stream.linear.scatter [tilespmem:s10], [sflag:$0x3], $0x800, $0x38;
	[tilespmem:$0x1F908] =	vst v63  }
0x141: {  	_ =	swait.ge [sflag:s9], $0x800  }
0x142: {  	s5 =	sadd.s32 $0x1, s5;
	s31 =	rddreg [dreg:$0x1b]  }
0x143: {  	p0 =	sne.s32 s5, s31  }
.Ltmp2:
0x144: {  	_ = 	snop;
	(pc) =	sbr.rel @p0 .LBB2_1-.Ltmp2, $3  }
0x145: {  	_ =	sdelay $0x1  }
0x146: {  	[sflag:s9] =	ssyncset.done $0x0  }
0x147: {  	[sflag:s9] =	ssyncadd.s32 $0xFFFFF800  }
0x148: {  	_ =	sfence.sel $0x180000  }
0x149: {  	[bflag:$0x0] =	sbarrier.arrive $0xFFFF  }
0x14a: {  	_ =	strace $0x9000004A  }
0x14b: {  	s0 =	stileid.u32;
	[bflag:$0x2] =	sbarrier.arrive $0xFFFF  }
0x14c: {  	p0 =	sne.s32 s0, $0x0;
	s0 =	rddreg [dreg:$0x3]  }
0x14d: {  	s0 =	sadd.s32 @!p0 $0x100000, s0  }
0x14e: {  	[sflag:s0] =	ssyncadd.tile.s32 @!p0 $0x1;
	_ =	shalt  }
.Lfunc_end2:
_tile_overlayer_lowered:
.L_overlay_start_2:
0x14f: {  	(tag) =	ssettag $0x2  }
0x150: {  	s0 =	rddreg [dreg:$0x0];
	s2 =	stileid.u32  }
0x151: {  	s1 =	rddreg [dreg:$0x1];
	p0 =	sne.s32 s2, $0x0  }
0x152: {  	s3 =	rddreg [dreg:$0x2];
	[bflag:$0x3] =	sbarrier.arrive $0xFFFF;
	s2 =	simm.s32 @!p0 $0x1C03  }
0x153: {  	[timem:s3], [sflag:s2] =	dma.local @!p0 [hbm:s0], s1  }
0x154: {  	s0 =	simm.s32 @!p0 $0x3  }
0x155: {  	_ =	swait.ge @!p0 [sflag:s0], s1  }
0x156: {  	s1 =	ssub.s32 @!p0 $0x0, s1;
	[sflag:s0] =	ssyncset.done @!p0 $0x0  }
0x157: {  	[sflag:s0] =	ssyncadd.s32 @!p0 s1  }
0x158: {  	[bflag:$0x3] =	sbarrier.arrive $0xFFFF  }
0x159: {  	_ =	shalt  }

// kernel: kernel.8.cloned.1.call-start
scs
__scs_entry_jumppad:
0x0: {  	(pc) =	sbr.rel $0x88, $3  }
0x1: {  	(tag) =	ssettag $0x0;
	lr =	simm.s32 $0x1  }
0x2: {  	[smem:$0x3F86] =	sst lr;
	_ =	strace $0xD0000000  }
0x3: {  	_ = 	snop  }
0x4: {  	_ = 	snop  }
0x5: {  	_ = 	snop  }
0x6: {  	_ = 	snop  }
0x7: {  	_ = 	snop  }
__scs_overlays_trampoline_lowered:
0x8: {  	[smem:$0x3F95] =	sst s0  }
0x9: {  	[smem:$0x3F96] =	sst s1  }
0xa: {  	[smem:$0x3F97] =	sst s2  }
0xb: {  	[smem:$0x3F98] =	sst s3  }
0xc: {  	[smem:$0x3F99] =	sst s4  }
0xd: {  	[smem:$0x3F9A] =	sst s5  }
0xe: {  	[smem:$0x3F9B] =	sst s6  }
0xf: {  	[smem:$0x3F9C] =	sst s7  }
0x10: {  	[smem:$0x3F9D] =	sst s8  }
0x11: {  	[smem:$0x3F9E] =	sst s9;
	s0 =	simm.s32 @!p0 $0x0  }
0x12: {  	s1 =	sld [smem:$0x3F84];
	s0 =	simm.s32 @p0 $0x1  }
0x13: {  	[smem:$0x3F9F] =	sst s0;
	s0 =	simm.s32 @!p1 $0x0  }
0x14: {  	s2 =	sld [smem:$0x3F83];
	s0 =	simm.s32 @p1 $0x1  }
0x15: {  	[smem:$0x3FA0] =	sst s0;
	s0 =	simm.s32 @!p2 $0x0  }
0x16: {  	s3 =	sld [smem:$0x3FDB];
	s0 =	simm.s32 @p2 $0x1  }
0x17: {  	s4 =	simm.s32 $0x1BF5;
	[smem:$0x3FA2] =	sst s0  }
0x18: {  	s0 =	sld [smem:$0x3F85];
	_ =	swait.ge [sflag:s4], $0x0  }
0x19: {  	s7 =	sld [smem:$0x3F86]  }
0x1a: {  	s8 =	sadd.s32 $0xFFFFE003, lr  }
0x1b: {  	s9 =	sadd.s32 $0xFFFFFEF7, lr;
	s5 =	simm.s32 $0xFFFFFFFF;
	p2 =	slt.u32 s8, $0xFFFFF086  }
0x1c: {  	p1 =	slt.u32 s9, $0xF7A;
	s5 =	simm.s32 @!p2 $0x0  }
0x1d: {  	s5 =	simm.s32 @p1 $0x1;
	p0 =	seq.s32 s7, s2  }
0x1e: {  	s7 =	smul.u32 @!p0 $0xF7A, s2;
	p2 =	seq.s32 @!p0 s5, $0x0  }
0x1f: {  	s9 =	smul.u32 $0xF7A, s1;
	s8 =	simm.s32 @!p0 $0x1BF5;
	p2 =	por !p2, p0  }
0x20: {  	[sflag:s8] =	ssyncset.s32 @!p0 $0xFFFFF086;
	s6 =	sadd.s32 @!p0 s3, s7;
	s7 =	simm.s32 @!p0 $0x108  }
0x21: {  	s3 =	sadd.s32 s3, s9;
	s6 =	sadd.s32 @!p0 $0x88, s6;
	s7 =	simm.s32 @p2 $0x1082  }
0x22: {  	[simem:s7], [sflag:s8] =	dma.local @!p0 [hbm:s6], $0xF7A  }
0x23: {  	s9 =	sor.u32 $0xD0000000, s2;
	s6 =	simm.s32 $0x108;
	_ =	swait.ge @!p0 [sflag:s8], $0x0  }
0x24: {  	s3 =	sadd.s32 $0x88, s3;
	s6 =	simm.s32 @!p1 $0x1082;
	[sflag:s4] =	ssyncset.s32 $0xFFFFF086  }
0x25: {  	[simem:s6], [sflag:s4] =	dma.local [hbm:s3], $0xF7A  }
0x26: {  	[smem:$0x3F86] =	sst s1;
	(tag) =	ssettag s2;
	_ =	strace s9  }
0x27: {  	s1 =	sld [smem:$0x3F96]  }
0x28: {  	s2 =	sld [smem:$0x3F97]  }
0x29: {  	s4 =	sld [smem:$0x3F99]  }
0x2a: {  	p0 =	seq.s32 s5, $0x0;
	s5 =	sld [smem:$0x3F9A]  }
0x2b: {  	s6 =	sld [smem:$0x3F9B]  }
0x2c: {  	s7 =	sld [smem:$0x3F9C]  }
0x2d: {  	s3 =	simm.s32 $0x108;
	s8 =	sld [smem:$0x3F9D]  }
0x2e: {  	s3 =	simm.s32 @!p0 $0x1082;
	s9 =	sld [smem:$0x3F9E]  }
0x2f: {  	lr =	sadd.s32 s0, s3;
	s0 =	sld [smem:$0x3F95]  }
0x30: {  	s3 =	sld [smem:$0x3F98]  }
0x31: {  	[smem:$0x3FA1] =	sst s10  }
0x32: {  	s10 =	sld [smem:$0x3F9F];
	_ =	sdelay $0x3  }
0x33: {  	p0 =	seq.s32 s10, $0x1;
	s10 =	sld [smem:$0x3FA1];
	_ =	sdelay $0x3  }
0x34: {  	[smem:$0x3FA1] =	sst s10  }
0x35: {  	s10 =	sld [smem:$0x3FA0];
	_ =	sdelay $0x3  }
0x36: {  	p1 =	seq.s32 s10, $0x1;
	s10 =	sld [smem:$0x3FA1];
	_ =	sdelay $0x3  }
0x37: {  	[smem:$0x3FA1] =	sst s10  }
0x38: {  	s10 =	sld [smem:$0x3FA2]  }
0x39: {  	_ = 	snop;
	(pc) =	sbr.ind lr, $3  }
0x3a: {  	_ = 	snop  }
0x3b: {  	_ = 	snop  }
0x3c: {  	p2 =	seq.s32 s10, $0x1;
	s10 =	sld [smem:$0x3FA1]  }
0x3d: {  	_ =	shalt  }
0x3e: {  	_ =	shalt  }
0x3f: {  	_ =	shalt  }
0x40: {  	_ =	shalt  }
0x41: {  	_ =	shalt  }
0x42: {  	_ =	shalt  }
0x43: {  	_ =	shalt  }
0x44: {  	_ =	shalt  }
0x45: {  	_ =	shalt  }
0x46: {  	_ =	shalt  }
0x47: {  	_ =	shalt  }
0x48: {  	_ =	shalt  }
0x49: {  	_ =	shalt  }
0x4a: {  	_ =	shalt  }
0x4b: {  	_ =	shalt  }
0x4c: {  	_ =	shalt  }
0x4d: {  	_ =	shalt  }
0x4e: {  	_ =	shalt  }
0x4f: {  	_ =	shalt  }
0x50: {  	_ =	shalt  }
0x51: {  	_ =	shalt  }
0x52: {  	_ =	shalt  }
0x53: {  	_ =	shalt  }
0x54: {  	_ =	shalt  }
0x55: {  	_ =	shalt  }
0x56: {  	_ =	shalt  }
0x57: {  	_ =	shalt  }
0x58: {  	_ =	shalt  }
0x59: {  	_ =	shalt  }
0x5a: {  	_ =	shalt  }
0x5b: {  	_ =	shalt  }
0x5c: {  	_ =	shalt  }
0x5d: {  	_ =	shalt  }
0x5e: {  	_ =	shalt  }
0x5f: {  	_ =	shalt  }
0x60: {  	_ =	shalt  }
0x61: {  	_ =	shalt  }
0x62: {  	_ =	shalt  }
0x63: {  	_ =	shalt  }
0x64: {  	_ =	shalt  }
0x65: {  	_ =	shalt  }
0x66: {  	_ =	shalt  }
0x67: {  	_ =	shalt  }
0x68: {  	_ =	shalt  }
0x69: {  	_ =	shalt  }
0x6a: {  	_ =	shalt  }
0x6b: {  	_ =	shalt  }
0x6c: {  	_ =	shalt  }
0x6d: {  	_ =	shalt  }
0x6e: {  	_ =	shalt  }
0x6f: {  	_ =	shalt  }
0x70: {  	_ =	shalt  }
0x71: {  	_ =	shalt  }
0x72: {  	_ =	shalt  }
0x73: {  	_ =	shalt  }
0x74: {  	_ =	shalt  }
0x75: {  	_ =	shalt  }
0x76: {  	_ =	shalt  }
0x77: {  	_ =	shalt  }
0x78: {  	_ =	shalt  }
0x79: {  	_ =	shalt  }
0x7a: {  	_ =	shalt  }
0x7b: {  	_ =	shalt  }
0x7c: {  	_ =	shalt  }
0x7d: {  	_ =	shalt  }
0x7e: {  	_ =	shalt  }
0x7f: {  	_ =	shalt  }
0x80: {  	_ =	shalt  }
0x81: {  	_ =	shalt  }
0x82: {  	_ =	shalt  }
0x83: {  	_ =	shalt  }
0x84: {  	_ =	shalt  }
0x85: {  	_ =	shalt  }
0x86: {  	_ =	shalt  }
0x87: {  	_ =	shalt  }
.Lfunc_end0:
.L_simem_size_0:
called_computation_lowered:
.L_overlay_start_0:
0x88: {  	s2 =	sld [smem:$0x3FD9]  }
0x89: {  	s3 =	sld [smem:$0x3FFE];
	_ =	sdelay $0x1  }
0x8a: {  	s1 =	srdreg.scid  }
0x8b: {  	s0 =	sand.u32 $0x1, s1  }
0x8c: {  	s16 =	sshll.u32 s0, $0xA;
	s2 =	sadd.s32 s3, s2  }
0x8d: {  	s2 =	sadd.s32 s2, s16  }
0x8e: {  	[smem:$0x3FAD] =	sst s2  }
0x8f: {  	_ = 	snop  }
0x90: {  	(tm) =	ssettm $0x1  }
0x91: {  	s17 =	sld [smem:$0x3FFB];
	_ =	sdelay $0x3  }
0x92: {  	_ =	strace s17  }
0x93: {  	s2 =	sld [smem:$0x3FFC];
	_ =	sdelay $0x3  }
0x94: {  	_ =	strace s2  }
0x95: {  	s2 =	sld [smem:$0x3FFD];
	_ =	sdelay $0x3  }
0x96: {  	_ =	strace s2  }
0x97: {  	_ =	strace $0x8FFFFFFF  }
0x98: {  	s18 =	sld [smem:$0x3FDB];
	_ =	sdelay $0x1  }
0x99: {  	s19 =	simm.s32 $_scs_section_size  }
0x9a: {  	s4 =	simm.s32 $_size__tile_overlayer_lowered;
	s5 =	simm.s32 $_tile_overlayer_lowered  }
0x9b: {  	s22 =	simm.s32 $0x1BFF;
	s21 =	sshll.u32 s5, $0x1;
	s2 =	sadd.s32 s19, s18  }
0x9c: {  	s6 =	simm.s32 $0x0;
	s20 =	sshll.u32 s4, $0x1;
	s4 =	sadd.s32 s21, s2  }
0x9d: {  	[timem:s6], [sflag:s22] =	dma.local [hbm:s4], s20  }
0x9e: {  	_ =	swait.ge [sflag:s22], s20  }
0x9f: {  	s3 =	ssub.s32 $0x0, s20;
	[sflag:s22] =	ssyncset.done $0x0  }
0xa0: {  	[sflag:s22] =	ssyncadd.s32 s3;
	_ =	sdelay $0x1  }
0xa1: {  	s23 =	simm.s32 $0x1B8B  }
0xa2: {  	_ =	swait.ge [sflag:s23], $0x1  }
0xa3: {  	[sflag:s23] =	ssyncset.done $0x0  }
0xa4: {  	s25 =	simm.s32 $0x1B8E;
	s24 =	sld [smem:$0x3FFE];
	[sflag:s23] =	ssyncadd.s32 $0xFFFFFFFF  }
0xa5: {  	s26 =	simm.s32 $execute0_lowered;
	[smem:$0x3FD2] =	sst s25  }
0xa6: {  	s4 =	sshll.u32 s26, $0x1;
	_ =	strace $0x80000046;
	[dreg:$0x1] =	wrdreg $0xFFFFFFFF  }
0xa7: {  	s28 =	simm.s32 $_size_execute0_lowered;
	s2 =	sadd.s32 s2, s4;
	[dreg:$0x0] =	wrdreg $0x0  }
0xa8: {  	s4 =	sshll.u32 s28, $0x1;
	[dreg:$0x2] =	wrdreg s2  }
0xa9: {  	[dreg:$0x3] =	wrdreg s4  }
0xaa: {  	[dreg:$0x4] =	wrdreg $0xC0  }
0xab: {  	_ =	task [dreg:s6], $0x5FFFF  }
0xac: {  	[dreg:$0x1] =	wrdreg $0xFFFFFFFF  }
0xad: {  	[dreg:$0x0] =	wrdreg $0x60  }
0xae: {  	[dreg:$0x2] =	wrdreg s24  }
0xaf: {  	[dreg:$0x3] =	wrdreg $0x9  }
0xb0: {  	_ =	task.clear_ibuf [dreg:s6], $0x4FFFF;
	_ =	strace $0x90000046  }
0xb1: {  	s29 =	simm.s32 $0x9;
	_ =	strace $0x80000048  }
0xb2: {  	_ =	swait.ge [sflag:s29], $0x1  }
0xb3: {  	[sflag:s29] =	ssyncadd.s32 $0xFFFFFFFF  }
0xb4: {  	_ =	strace $0x90000048  }
0xb5: {  	_ =	sfence  }
0xb6: {  	s30 =	sld [smem:$0x0];
	_ =	sdelay $0x2  }
0xb7: {  	s31 =	sshll.u32 s1, $0xD;
	s1 =	sshrl.u32 s1, $0x2  }
0xb8: {  	s3 =	sand.u32 $0x4000, s31;
	s1 =	sadd.s32 s1, s30  }
0xb9: {  	s0 =	sor.u32 s3, s0;
	s1 =	sshll.u32 s1, $0x11  }
0xba: {  	s0 =	sor.u32 s1, s0  }
0xbb: {  	s0 =	sadd.s32 $0x8F2B, s0  }
0xbc: {  	[sflag:s0] =	ssyncadd.remote.s32 $0x1  }
0xbd: {  	_ =	sfence.sel $0xFFFF  }
0xbe: {  	[dreg:$0x0] =	wrdreg $0xFFFFFFFF;
	(pc) =	sbr.abs _section_cstart, $3  }
0xbf: {  	[dreg:$0x1] =	wrdreg $0xFFFFFFFF  }
0xc0: {  	_ =	task.clear_ibuf [dreg:s6], $0x2FFFF;
	_ =	strace $0x9FFFFFFF  }
0xc1: {  	(tm) =	ssettm $0x7FFFFFFF  }
tec
execute0_lowered:
.L_overlay_start_1:
0x0: {  	(tag) =	ssettag $0x1  }
0x1: {  	s0 =	rddreg [dreg:$0x0];
	s2 =	simm.s32 $0x0  }
0x2: {  	s1 =	srdreg.scid;
	s4 =	stileid.u32;
	s28 =	simm.s32 $0x100  }
0x3: {  	s29 =	simm.s32 $0x180;
	s30 =	simm.s32 $0x9210;
	s13 =	simm.s32 $0x4  }
0x4: {  	s15 =	simm.s32 $0x0;
	[smem:$0x7FF] =	sst s2;
	s3 =	sadd.s32 $0xC400, s0  }
0x5: {  	s1 =	sand.u32 $0x1, s1;
	s6 =	sshll.u32 s4, $0x1;
	s4 =	sadd.s32 $0x7400, s0  }
0x6: {  	s5 =	sadd.s32 $0x16400, s0;
	s8 =	sadd.s32 $0x11400, s0;
	s7 =	sor.u32 s1, s6  }
0x7: {  	s9 =	sadd.s32 $0xB2A00, s0;
	s1 =	ssub.s32 $0x2, s1;
	s7 =	smul.u32 $0x1388, s7  }
0x8: {  	s10 =	sadd.s32 $0x64800, s0;
	_ =	strace $0x80000047;
	s11 =	sshrl.u32 s1, $0x1  }
0x9: {  	s6 =	sadd.s32 $0x3D600, s0;
	s18 =	ssub.s32 s1, s11;
	s19 =	sshrl.u32 s7, $0x3  }
0xa: {  	s21 =	sadd.s32 $0x1300, s7;
	s12 =	sadd.s32 $0x1380, s7;
	s0 =	smax.u32 s18, $0x1  }
0xb: {  	s20 =	sadd.s32 s3, s19;
	s1 =	sadd.s32 s4, s19;
	s22 =	sshll.u32 s21, $0x4  }
0xc: {  	s23 =	sshrl.u32 s12, $0x3;
	s25 =	sshll.u32 s12, $0x4;
	[dreg:$0xa] =	wrdreg s0  }
0xd: {  	s12 =	sshll.u32 s12, $0x1;
	s0 =	simm.s32 $0x11210;
	[dreg:$0x2] =	wrdreg s20  }
0xe: {  	[dreg:$0x3] =	wrdreg s1;
	s1 =	sshll.u32 s21, $0x1;
	s11 =	sadd.s32 s9, s22  }
0xf: {  	s24 =	sadd.s32 s3, s23;
	s26 =	sadd.s32 s9, s25;
	s31 =	sadd.s32 s10, s12  }
0x10: {  	s20 =	simm.s32 $0x5;
	s21 =	simm.s32 $0x80;
	[dreg:$0x4] =	wrdreg s11  }
0x11: {  	s22 =	simm.s32 $0x210;
	s25 =	simm.s32 $0x8A10;
	[dreg:$0x6] =	wrdreg s24  }
0x12: {  	s12 =	simm.s32 $0x3;
	s1 =	sadd.s32 s10, s1;
	[dreg:$0x8] =	wrdreg s26  }
0x13: {  	[dreg:$0x9] =	wrdreg s31;
	s24 =	simm.s32 $0x8210;
	s26 =	simm.s32 $0x1  }
0x14: {  	s11 =	simm.s32 $0x2;
	[dreg:$0x5] =	wrdreg s1;
	s1 =	sadd.s32 s4, s23  }
0x15: {  	s23 =	simm.s32 $0x4210;
	[dreg:$0x7] =	wrdreg s1;
	s1 =	simm.s32 $0x11A10  }
.LBB2_1:
0x16: {  	[dreg:$0xb] =	wrdreg s15  }
0x17: {  	s14 =	rddreg [dreg:$0x2]  }
0x18: {  	[tilespmem:s2], [sflag:$0x5] =	stream.linear.gather [hbm4b:s14+s2], $0x80, $0x38;
	[tilespmem:$0x12210] =	vst v63  }
0x19: {  	_ =	swait.ge [sflag:s20], $0x80  }
0x1a: {  	[sflag:s20] =	ssyncset.done $0x0  }
0x1b: {  	s31 =	rddreg [dreg:$0x3];
	[sflag:s20] =	ssyncadd.s32 $0xFFFFFF80  }
0x1c: {  	[tilespmem:s21], [sflag:$0x5] =	stream.linear.gather [hbm4b:s31+s2], $0x80, $0x38;
	[tilespmem:$0x12210] =	vst v63  }
0x1d: {  	_ =	swait.ge [sflag:s20], $0x80  }
0x1e: {  	[sflag:s20] =	ssyncset.done $0x0  }
0x1f: {  	[sflag:s20] =	ssyncadd.s32 $0xFFFFFF80  }
0x20: {  	[tilespmem:s22], [sflag:$0x1] =	stream.indirect.gather [hbm4b:s5+s21], $0x80, s2, s21, $0xb8;
	[tilespmem:$0x12210] =	vst v63  }
0x21: {  	_ = 	snop  }
0x22: {  	[tilespmem:s23], [sflag:$0x1] =	stream.indirect.gather [hbm4b:s6+s21], $0x80, s21, s21, $0xb8;
	[tilespmem:$0x12210] =	vst v63  }
0x23: {  	_ = 	snop  }
0x24: {  	[tilespmem:s24], [sflag:$0x1] =	stream.indirect.gather [hbm4b:s8+s21], $0x10, s2, s21, $0xb8;
	[tilespmem:$0x12210] =	vst v63  }
0x25: {  	s18 =	simm.s32 $0x0  }
0x26: {  	[tilespmem:s25], [sflag:$0x1] =	stream.indirect.gather [hbm4b:s8+s21], $0x10, s21, s21, $0xb8;
	[tilespmem:$0x12210] =	vst v63  }
.LBB2_2:
0x27: {  	_ =	swait.ge [sflag:s26], $0x4000  }
0x28: {  	[sflag:s26] =	ssyncset.done $0x0  }
0x29: {  	[sflag:s26] =	ssyncadd.s32 $0xFFFFC000  }
0x2a: {  	_ =	swait.ge [sflag:s26], $0x4000  }
0x2b: {  	[sflag:s26] =	ssyncset.done $0x0  }
0x2c: {  	[sflag:s26] =	ssyncadd.s32 $0xFFFFC000  }
0x2d: {  	_ =	swait.ge [sflag:s26], $0x800  }
0x2e: {  	s14 =	sshll.u32 s18, $0x8;
	[sflag:s26] =	ssyncset.done $0x0  }
0x2f: {  	s15 =	sadd.s32 s14, s7;
	[sflag:s26] =	ssyncadd.s32 $0xFFFFF800  }
0x30: {  	s19 =	sadd.s32 $0x80, s15;
	_ =	swait.ge [sflag:s26], $0x800  }
0x31: {  	s15 =	sshrl.u32 s19, $0x3;
	[sflag:s26] =	ssyncset.done $0x0  }
0x32: {  	s17 =	simm.s32 $0x0;
	s16 =	sadd.s32 s3, s15;
	[sflag:s26] =	ssyncadd.s32 $0xFFFFF800  }
0x33: {  	[tilespmem:s28], [sflag:$0x5] =	stream.linear.gather [hbm4b:s16+s17], $0x80, $0x38;
	[tilespmem:$0x12210] =	vst v63  }
0x34: {  	_ =	swait.ge [sflag:s20], $0x80  }
0x35: {  	[sflag:s20] =	ssyncset.done $0x0  }
0x36: {  	s15 =	sadd.s32 s4, s15;
	[sflag:s20] =	ssyncadd.s32 $0xFFFFFF80  }
0x37: {  	[tilespmem:s29], [sflag:$0x5] =	stream.linear.gather [hbm4b:s15+s17], $0x80, $0x38;
	[tilespmem:$0x12210] =	vst v63  }
0x38: {  	_ =	swait.ge [sflag:s20], $0x80  }
0x39: {  	[sflag:s20] =	ssyncset.done $0x0  }
0x3a: {  	[sflag:s20] =	ssyncadd.s32 $0xFFFFFF80  }
0x3b: {  	[tilespmem:s30], [sflag:$0x2] =	stream.indirect.gather [hbm4b:s5+s21], $0x80, s28, s21, $0xb8;
	[tilespmem:$0x12210] =	vst v63  }
0x3c: {  	s17 =	simm.s32 $0xD210  }
0x3d: {  	[tilespmem:s17], [sflag:$0x2] =	stream.indirect.gather [hbm4b:s6+s21], $0x80, s29, s21, $0xb8;
	[tilespmem:$0x12210] =	vst v63  }
0x3e: {  	_ = 	snop  }
0x3f: {  	[tilespmem:s0], [sflag:$0x2] =	stream.indirect.gather [hbm4b:s8+s21], $0x10, s28, s21, $0xb8;
	[tilespmem:$0x12210] =	vst v63  }
0x40: {  	s15 =	simm.s32 $0x250  }
0x41: {  	[tilespmem:s1], [sflag:$0x2] =	stream.indirect.gather [hbm4b:s8+s21], $0x10, s29, s21, $0xb8;
	[tilespmem:$0x12210] =	vst v63  }
0x42: {  	s16 =	simm.s32 $0x4250;
	v0 =	vld [tilespmem:s15+$0xFFFFFFC0]  }
0x43: {  	v1 =	vld [tilespmem:s16+$0xFFFFFFC0];
	_ =	sdelay $0x4  }
0x44: {  	v0 =	vadd.f32 v1, v0;
	_ =	sdelay $0x1  }
0x45: {  	[tilespmem:s15+$0xFFFFFFC0] =	vst v0;
	v0 =	vld [tilespmem:s15+$0xFFFFFFD0]  }
0x46: {  	v1 =	vld [tilespmem:s16+$0xFFFFFFD0];
	_ =	sdelay $0x4  }
0x47: {  	v0 =	vadd.f32 v1, v0;
	_ =	sdelay $0x1  }
0x48: {  	[tilespmem:s15+$0xFFFFFFD0] =	vst v0;
	v0 =	vld [tilespmem:s15+$0xFFFFFFE0]  }
0x49: {  	v1 =	vld [tilespmem:s16+$0xFFFFFFE0];
	_ =	sdelay $0x4  }
0x4a: {  	v0 =	vadd.f32 v1, v0;
	_ =	sdelay $0x1  }
0x4b: {  	[tilespmem:s15+$0xFFFFFFE0] =	vst v0;
	v0 =	vld [tilespmem:s15+$0xFFFFFFF0]  }
0x4c: {  	v1 =	vld [tilespmem:s16+$0xFFFFFFF0];
	_ =	sdelay $0x4  }
0x4d: {  	v0 =	vadd.f32 v1, v0;
	_ =	sdelay $0x1  }
0x4e: {  	[tilespmem:s15+$0xFFFFFFF0] =	vst v0;
	v0 =	vld [tilespmem:s15+$0x0]  }
0x4f: {  	v1 =	vld [tilespmem:s16+$0x0];
	_ =	sdelay $0x4  }
0x50: {  	v0 =	vadd.f32 v1, v0;
	_ =	sdelay $0x1  }
0x51: {  	[tilespmem:s15+$0x0] =	vst v0;
	v0 =	vld [tilespmem:s15+$0x10]  }
0x52: {  	v1 =	vld [tilespmem:s16+$0x10];
	_ =	sdelay $0x4  }
0x53: {  	v0 =	vadd.f32 v1, v0;
	_ =	sdelay $0x1  }
0x54: {  	[tilespmem:s15+$0x10] =	vst v0;
	v0 =	vld [tilespmem:s15+$0x20]  }
0x55: {  	v1 =	vld [tilespmem:s16+$0x20];
	_ =	sdelay $0x4  }
0x56: {  	v0 =	vadd.f32 v1, v0;
	_ =	sdelay $0x1  }
0x57: {  	[tilespmem:s15+$0x20] =	vst v0;
	v0 =	vld [tilespmem:s15+$0x30]  }
0x58: {  	v1 =	vld [tilespmem:s16+$0x30];
	_ =	sdelay $0x4  }
0x59: {  	v0 =	vadd.f32 v1, v0;
	_ =	sdelay $0x1  }
0x5a: {  	s31 =	simm.s32 $0x0;
	[tilespmem:s15+$0x30] =	vst v0  }
0x5b: {  	v0 =	vld [tilespmem:s31+$0x8A10]  }
0x5c: {  	v1 =	vld [tilespmem:s31+$0x8210];
	_ =	sdelay $0x4  }
0x5d: {  	s17 =	simm.s32 $0x40;
	v0 =	vsub.f32 v1, v0  }
.LBB2_3:
0x5e: {  	p0 =	sne.s32 s17, $0x1FC0;
	s15 =	sadd.s32 $0x80, s15;
	s16 =	sadd.s32 $0x80, s16  }
0x5f: {  	[tilespmem:s31+$0x8210] =	vst v0;
	s31 =	smov.u32 s17;
	s17 =	sadd.s32 $0x40, s17  }
0x60: {  	v0 =	vld [tilespmem:s15+$0xFFFFFFC0]  }
0x61: {  	v1 =	vld [tilespmem:s16+$0xFFFFFFC0];
	_ =	sdelay $0x4  }
0x62: {  	v0 =	vadd.f32 v1, v0;
	_ =	sdelay $0x1  }
0x63: {  	[tilespmem:s15+$0xFFFFFFC0] =	vst v0;
	v0 =	vld [tilespmem:s15+$0xFFFFFFD0]  }
0x64: {  	v1 =	vld [tilespmem:s16+$0xFFFFFFD0];
	_ =	sdelay $0x4  }
0x65: {  	v0 =	vadd.f32 v1, v0;
	_ =	sdelay $0x1  }
0x66: {  	[tilespmem:s15+$0xFFFFFFD0] =	vst v0;
	v0 =	vld [tilespmem:s15+$0xFFFFFFE0]  }
0x67: {  	v1 =	vld [tilespmem:s16+$0xFFFFFFE0];
	_ =	sdelay $0x4  }
0x68: {  	v0 =	vadd.f32 v1, v0;
	_ =	sdelay $0x1  }
0x69: {  	[tilespmem:s15+$0xFFFFFFE0] =	vst v0;
	v0 =	vld [tilespmem:s15+$0xFFFFFFF0]  }
0x6a: {  	v1 =	vld [tilespmem:s16+$0xFFFFFFF0];
	_ =	sdelay $0x4  }
0x6b: {  	v0 =	vadd.f32 v1, v0;
	_ =	sdelay $0x1  }
0x6c: {  	[tilespmem:s15+$0xFFFFFFF0] =	vst v0;
	v0 =	vld [tilespmem:s15+$0x0]  }
0x6d: {  	v1 =	vld [tilespmem:s16+$0x0];
	_ =	sdelay $0x4  }
0x6e: {  	v0 =	vadd.f32 v1, v0;
	_ =	sdelay $0x1  }
0x6f: {  	[tilespmem:s15+$0x0] =	vst v0;
	v0 =	vld [tilespmem:s15+$0x10]  }
0x70: {  	v1 =	vld [tilespmem:s16+$0x10];
	_ =	sdelay $0x4  }
0x71: {  	v0 =	vadd.f32 v1, v0;
	_ =	sdelay $0x1  }
0x72: {  	[tilespmem:s15+$0x10] =	vst v0;
	v0 =	vld [tilespmem:s15+$0x20]  }
0x73: {  	v1 =	vld [tilespmem:s16+$0x20];
	_ =	sdelay $0x4  }
0x74: {  	v0 =	vadd.f32 v1, v0;
	_ =	sdelay $0x1  }
0x75: {  	[tilespmem:s15+$0x20] =	vst v0;
	v0 =	vld [tilespmem:s15+$0x30]  }
0x76: {  	v1 =	vld [tilespmem:s16+$0x30];
	_ =	sdelay $0x4  }
0x77: {  	v0 =	vadd.f32 v1, v0;
	_ =	sdelay $0x1  }
0x78: {  	s31 =	sshra.s32 s31, $0x2;
	[tilespmem:s15+$0x30] =	vst v0  }
0x79: {  	v0 =	vld [tilespmem:s31+$0x8A10]  }
0x7a: {  	v1 =	vld [tilespmem:s31+$0x8210]  }
.Ltmp0:
0x7b: {  	(pc) =	sbr.rel @p0 .LBB2_3-.Ltmp0, $2  }
0x7c: {  	_ =	sdelay $0x2  }
0x7d: {  	v0 =	vsub.f32 v1, v0  }
0x7e: {  	s14 =	sadd.s32 s7, s14  }
0x7f: {  	s15 =	sshll.u32 s14, $0x4  }
0x80: {  	s16 =	simm.s32 $0x0;
	[tilespmem:s31+$0x8210] =	vst v0;
	s17 =	sshll.u32 s14, $0x1;
	s15 =	sadd.s32 s9, s15  }
0x81: {  	[hbm4b:s15+s16] =	stream.linear.scatter [tilespmem:s22], [sflag:$0x3], $0x4000, $0x38;
	[tilespmem:$0x12210] =	vst v63  }
0x82: {  	s15 =	sadd.s32 s10, s17  }
0x83: {  	[hbm4b:s15+s16] =	stream.linear.scatter [tilespmem:s24], [sflag:$0x3], $0x800, $0x38;
	[tilespmem:$0x12210] =	vst v63  }
0x84: {  	_ =	swait.ge [sflag:s11], $0x4000  }
0x85: {  	[sflag:s11] =	ssyncset.done $0x0  }
0x86: {  	[sflag:s11] =	ssyncadd.s32 $0xFFFFC000  }
0x87: {  	_ =	swait.ge [sflag:s11], $0x4000  }
0x88: {  	[sflag:s11] =	ssyncset.done $0x0  }
0x89: {  	[sflag:s11] =	ssyncadd.s32 $0xFFFFC000  }
0x8a: {  	_ =	swait.ge [sflag:s11], $0x800  }
0x8b: {  	[sflag:s11] =	ssyncset.done $0x0  }
0x8c: {  	[sflag:s11] =	ssyncadd.s32 $0xFFFFF800  }
0x8d: {  	s14 =	sshrl.u32 s14, $0x3;
	_ =	swait.ge [sflag:s11], $0x800  }
0x8e: {  	s14 =	sadd.s32 $0x20, s14;
	[sflag:s11] =	ssyncset.done $0x0  }
0x8f: {  	s31 =	sadd.s32 s3, s14;
	[sflag:s11] =	ssyncadd.s32 $0xFFFFF800  }
0x90: {  	[tilespmem:s16], [sflag:$0x5] =	stream.linear.gather [hbm4b:s31+s16], $0x80, $0x38;
	[tilespmem:$0x12210] =	vst v63  }
0x91: {  	_ =	swait.ge [sflag:s20], $0x80  }
0x92: {  	[sflag:s20] =	ssyncset.done $0x0  }
0x93: {  	s14 =	sadd.s32 s4, s14;
	[sflag:s20] =	ssyncadd.s32 $0xFFFFFF80  }
0x94: {  	[tilespmem:s21], [sflag:$0x5] =	stream.linear.gather [hbm4b:s14+s16], $0x80, $0x38;
	[tilespmem:$0x12210] =	vst v63  }
0x95: {  	_ =	swait.ge [sflag:s20], $0x80  }
0x96: {  	[sflag:s20] =	ssyncset.done $0x0  }
0x97: {  	[sflag:s20] =	ssyncadd.s32 $0xFFFFFF80  }
0x98: {  	_ =	swait.ge [sflag:s12], $0x4000  }
0x99: {  	[sflag:s12] =	ssyncset.done $0x0  }
0x9a: {  	[sflag:s12] =	ssyncadd.s32 $0xFFFFC000  }
0x9b: {  	_ =	swait.ge [sflag:s12], $0x800  }
0x9c: {  	[sflag:s12] =	ssyncset.done $0x0  }
0x9d: {  	[sflag:s12] =	ssyncadd.s32 $0xFFFFF800  }
0x9e: {  	[tilespmem:s22], [sflag:$0x1] =	stream.indirect.gather [hbm4b:s5+s21], $0x80, s16, s21, $0xb8;
	[tilespmem:$0x12210] =	vst v63  }
0x9f: {  	_ = 	snop  }
0xa0: {  	[tilespmem:s23], [sflag:$0x1] =	stream.indirect.gather [hbm4b:s6+s21], $0x80, s21, s21, $0xb8;
	[tilespmem:$0x12210] =	vst v63  }
0xa1: {  	_ = 	snop  }
0xa2: {  	[tilespmem:s24], [sflag:$0x1] =	stream.indirect.gather [hbm4b:s8+s21], $0x10, s16, s21, $0xb8;
	[tilespmem:$0x12210] =	vst v63  }
0xa3: {  	s14 =	simm.s32 $0x9250  }
0xa4: {  	[tilespmem:s25], [sflag:$0x1] =	stream.indirect.gather [hbm4b:s8+s21], $0x10, s21, s21, $0xb8;
	[tilespmem:$0x12210] =	vst v63  }
0xa5: {  	s15 =	simm.s32 $0xD250;
	v0 =	vld [tilespmem:s14+$0xFFFFFFC0]  }
0xa6: {  	v1 =	vld [tilespmem:s15+$0xFFFFFFC0];
	_ =	sdelay $0x4  }
0xa7: {  	v0 =	vadd.f32 v1, v0;
	_ =	sdelay $0x1  }
0xa8: {  	[tilespmem:s14+$0xFFFFFFC0] =	vst v0;
	v0 =	vld [tilespmem:s14+$0xFFFFFFD0]  }
0xa9: {  	v1 =	vld [tilespmem:s15+$0xFFFFFFD0];
	_ =	sdelay $0x4  }
0xaa: {  	v0 =	vadd.f32 v1, v0;
	_ =	sdelay $0x1  }
0xab: {  	[tilespmem:s14+$0xFFFFFFD0] =	vst v0;
	v0 =	vld [tilespmem:s14+$0xFFFFFFE0]  }
0xac: {  	v1 =	vld [tilespmem:s15+$0xFFFFFFE0];
	_ =	sdelay $0x4  }
0xad: {  	v0 =	vadd.f32 v1, v0;
	_ =	sdelay $0x1  }
0xae: {  	[tilespmem:s14+$0xFFFFFFE0] =	vst v0;
	v0 =	vld [tilespmem:s14+$0xFFFFFFF0]  }
0xaf: {  	v1 =	vld [tilespmem:s15+$0xFFFFFFF0];
	_ =	sdelay $0x4  }
0xb0: {  	v0 =	vadd.f32 v1, v0;
	_ =	sdelay $0x1  }
0xb1: {  	[tilespmem:s14+$0xFFFFFFF0] =	vst v0;
	v0 =	vld [tilespmem:s14+$0x0]  }
0xb2: {  	v1 =	vld [tilespmem:s15+$0x0];
	_ =	sdelay $0x4  }
0xb3: {  	v0 =	vadd.f32 v1, v0;
	_ =	sdelay $0x1  }
0xb4: {  	[tilespmem:s14+$0x0] =	vst v0;
	v0 =	vld [tilespmem:s14+$0x10]  }
0xb5: {  	v1 =	vld [tilespmem:s15+$0x10];
	_ =	sdelay $0x4  }
0xb6: {  	v0 =	vadd.f32 v1, v0;
	_ =	sdelay $0x1  }
0xb7: {  	[tilespmem:s14+$0x10] =	vst v0;
	v0 =	vld [tilespmem:s14+$0x20]  }
0xb8: {  	v1 =	vld [tilespmem:s15+$0x20];
	_ =	sdelay $0x4  }
0xb9: {  	v0 =	vadd.f32 v1, v0;
	_ =	sdelay $0x1  }
0xba: {  	[tilespmem:s14+$0x20] =	vst v0;
	v0 =	vld [tilespmem:s14+$0x30]  }
0xbb: {  	v1 =	vld [tilespmem:s15+$0x30];
	_ =	sdelay $0x4  }
0xbc: {  	v0 =	vadd.f32 v1, v0;
	_ =	sdelay $0x1  }
0xbd: {  	s17 =	simm.s32 $0x0;
	[tilespmem:s14+$0x30] =	vst v0  }
0xbe: {  	v0 =	vld [tilespmem:s17+$0x11A10]  }
0xbf: {  	v1 =	vld [tilespmem:s17+$0x11210];
	_ =	sdelay $0x4  }
0xc0: {  	s16 =	simm.s32 $0x40;
	v0 =	vsub.f32 v1, v0  }
.LBB2_5:
0xc1: {  	p0 =	sne.s32 s16, $0x1FC0;
	s14 =	sadd.s32 $0x80, s14;
	s15 =	sadd.s32 $0x80, s15  }
0xc2: {  	[tilespmem:s17+$0x11210] =	vst v0;
	s17 =	smov.u32 s16;
	s16 =	sadd.s32 $0x40, s16  }
0xc3: {  	v0 =	vld [tilespmem:s14+$0xFFFFFFC0]  }
0xc4: {  	v1 =	vld [tilespmem:s15+$0xFFFFFFC0];
	_ =	sdelay $0x4  }
0xc5: {  	v0 =	vadd.f32 v1, v0;
	_ =	sdelay $0x1  }
0xc6: {  	[tilespmem:s14+$0xFFFFFFC0] =	vst v0;
	v0 =	vld [tilespmem:s14+$0xFFFFFFD0]  }
0xc7: {  	v1 =	vld [tilespmem:s15+$0xFFFFFFD0];
	_ =	sdelay $0x4  }
0xc8: {  	v0 =	vadd.f32 v1, v0;
	_ =	sdelay $0x1  }
0xc9: {  	[tilespmem:s14+$0xFFFFFFD0] =	vst v0;
	v0 =	vld [tilespmem:s14+$0xFFFFFFE0]  }
0xca: {  	v1 =	vld [tilespmem:s15+$0xFFFFFFE0];
	_ =	sdelay $0x4  }
0xcb: {  	v0 =	vadd.f32 v1, v0;
	_ =	sdelay $0x1  }
0xcc: {  	[tilespmem:s14+$0xFFFFFFE0] =	vst v0;
	v0 =	vld [tilespmem:s14+$0xFFFFFFF0]  }
0xcd: {  	v1 =	vld [tilespmem:s15+$0xFFFFFFF0];
	_ =	sdelay $0x4  }
0xce: {  	v0 =	vadd.f32 v1, v0;
	_ =	sdelay $0x1  }
0xcf: {  	[tilespmem:s14+$0xFFFFFFF0] =	vst v0;
	v0 =	vld [tilespmem:s14+$0x0]  }
0xd0: {  	v1 =	vld [tilespmem:s15+$0x0];
	_ =	sdelay $0x4  }
0xd1: {  	v0 =	vadd.f32 v1, v0;
	_ =	sdelay $0x1  }
0xd2: {  	[tilespmem:s14+$0x0] =	vst v0;
	v0 =	vld [tilespmem:s14+$0x10]  }
0xd3: {  	v1 =	vld [tilespmem:s15+$0x10];
	_ =	sdelay $0x4  }
0xd4: {  	v0 =	vadd.f32 v1, v0;
	_ =	sdelay $0x1  }
0xd5: {  	[tilespmem:s14+$0x10] =	vst v0;
	v0 =	vld [tilespmem:s14+$0x20]  }
0xd6: {  	v1 =	vld [tilespmem:s15+$0x20];
	_ =	sdelay $0x4  }
0xd7: {  	v0 =	vadd.f32 v1, v0;
	_ =	sdelay $0x1  }
0xd8: {  	[tilespmem:s14+$0x20] =	vst v0;
	v0 =	vld [tilespmem:s14+$0x30]  }
0xd9: {  	v1 =	vld [tilespmem:s15+$0x30];
	_ =	sdelay $0x4  }
0xda: {  	v0 =	vadd.f32 v1, v0;
	_ =	sdelay $0x1  }
0xdb: {  	s17 =	sshra.s32 s17, $0x2;
	[tilespmem:s14+$0x30] =	vst v0  }
0xdc: {  	v0 =	vld [tilespmem:s17+$0x11A10]  }
0xdd: {  	v1 =	vld [tilespmem:s17+$0x11210]  }
.Ltmp1:
0xde: {  	(pc) =	sbr.rel @p0 .LBB2_5-.Ltmp1, $2  }
0xdf: {  	_ =	sdelay $0x2  }
0xe0: {  	v0 =	vsub.f32 v1, v0  }
0xe1: {  	s14 =	sshll.u32 s19, $0x4  }
0xe2: {  	s14 =	sand.u32 $0x1FFFFF80, s14  }
0xe3: {  	s31 =	sshll.u32 s19, $0x1;
	[tilespmem:s17+$0x11210] =	vst v0;
	s14 =	sadd.s32 s9, s14  }
0xe4: {  	[hbm4b:s14+s2] =	stream.linear.scatter [tilespmem:s30], [sflag:$0x4], $0x4000, $0x38;
	[tilespmem:$0x12210] =	vst v63  }
0xe5: {  	s14 =	sand.u32 $0x1FFFFFF0, s31  }
0xe6: {  	s18 =	sadd.s32 $0x1, s18;
	s14 =	sadd.s32 s10, s14  }
0xe7: {  	[hbm4b:s14+s2] =	stream.linear.scatter [tilespmem:s0], [sflag:$0x4], $0x800, $0x38;
	[tilespmem:$0x12210] =	vst v63  }
0xe8: {  	p0 =	sne.s32 s18, $0x13;
	_ =	swait.ge [sflag:s13], $0x4000  }
.Ltmp2:
0xe9: {  	[sflag:s13] =	ssyncset.done $0x0;
	(pc) =	sbr.rel @p0 .LBB2_2-.Ltmp2, $4  }
0xea: {  	[sflag:s13] =	ssyncadd.s32 $0xFFFFC000  }
0xeb: {  	_ =	swait.ge [sflag:s13], $0x800  }
0xec: {  	[sflag:s13] =	ssyncset.done $0x0  }
0xed: {  	[sflag:s13] =	ssyncadd.s32 $0xFFFFF800  }
0xee: {  	_ =	swait.ge [sflag:s26], $0x4000  }
0xef: {  	[sflag:s26] =	ssyncset.done $0x0  }
0xf0: {  	[sflag:s26] =	ssyncadd.s32 $0xFFFFC000  }
0xf1: {  	_ =	swait.ge [sflag:s26], $0x4000  }
0xf2: {  	[sflag:s26] =	ssyncset.done $0x0  }
0xf3: {  	[sflag:s26] =	ssyncadd.s32 $0xFFFFC000  }
0xf4: {  	_ =	swait.ge [sflag:s26], $0x800  }
0xf5: {  	[sflag:s26] =	ssyncset.done $0x0  }
0xf6: {  	[sflag:s26] =	ssyncadd.s32 $0xFFFFF800  }
0xf7: {  	_ =	swait.ge [sflag:s26], $0x800  }
0xf8: {  	[sflag:s26] =	ssyncset.done $0x0  }
0xf9: {  	s14 =	simm.s32 $0x250;
	[sflag:s26] =	ssyncadd.s32 $0xFFFFF800  }
0xfa: {  	s15 =	simm.s32 $0x4250;
	v0 =	vld [tilespmem:s14+$0xFFFFFFC0]  }
0xfb: {  	v1 =	vld [tilespmem:s15+$0xFFFFFFC0];
	_ =	sdelay $0x4  }
0xfc: {  	v0 =	vadd.f32 v1, v0;
	_ =	sdelay $0x1  }
0xfd: {  	[tilespmem:s14+$0xFFFFFFC0] =	vst v0;
	v0 =	vld [tilespmem:s14+$0xFFFFFFD0]  }
0xfe: {  	v1 =	vld [tilespmem:s15+$0xFFFFFFD0];
	_ =	sdelay $0x4  }
0xff: {  	v0 =	vadd.f32 v1, v0;
	_ =	sdelay $0x1  }
0x100: {  	[tilespmem:s14+$0xFFFFFFD0] =	vst v0;
	v0 =	vld [tilespmem:s14+$0xFFFFFFE0]  }
0x101: {  	v1 =	vld [tilespmem:s15+$0xFFFFFFE0];
	_ =	sdelay $0x4  }
0x102: {  	v0 =	vadd.f32 v1, v0;
	_ =	sdelay $0x1  }
0x103: {  	[tilespmem:s14+$0xFFFFFFE0] =	vst v0;
	v0 =	vld [tilespmem:s14+$0xFFFFFFF0]  }
0x104: {  	v1 =	vld [tilespmem:s15+$0xFFFFFFF0];
	_ =	sdelay $0x4  }
0x105: {  	v0 =	vadd.f32 v1, v0;
	_ =	sdelay $0x1  }
0x106: {  	[tilespmem:s14+$0xFFFFFFF0] =	vst v0;
	v0 =	vld [tilespmem:s14+$0x0]  }
0x107: {  	v1 =	vld [tilespmem:s15+$0x0];
	_ =	sdelay $0x4  }
0x108: {  	v0 =	vadd.f32 v1, v0;
	_ =	sdelay $0x1  }
0x109: {  	[tilespmem:s14+$0x0] =	vst v0;
	v0 =	vld [tilespmem:s14+$0x10]  }
0x10a: {  	v1 =	vld [tilespmem:s15+$0x10];
	_ =	sdelay $0x4  }
0x10b: {  	v0 =	vadd.f32 v1, v0;
	_ =	sdelay $0x1  }
0x10c: {  	[tilespmem:s14+$0x10] =	vst v0;
	v0 =	vld [tilespmem:s14+$0x20]  }
0x10d: {  	v1 =	vld [tilespmem:s15+$0x20];
	_ =	sdelay $0x4  }
0x10e: {  	v0 =	vadd.f32 v1, v0;
	_ =	sdelay $0x1  }
0x10f: {  	[tilespmem:s14+$0x20] =	vst v0;
	v0 =	vld [tilespmem:s14+$0x30]  }
0x110: {  	v1 =	vld [tilespmem:s15+$0x30];
	_ =	sdelay $0x4  }
0x111: {  	v0 =	vadd.f32 v1, v0;
	_ =	sdelay $0x1  }
0x112: {  	s17 =	simm.s32 $0x0;
	[tilespmem:s14+$0x30] =	vst v0  }
0x113: {  	v0 =	vld [tilespmem:s17+$0x8A10]  }
0x114: {  	v1 =	vld [tilespmem:s17+$0x8210];
	_ =	sdelay $0x4  }
0x115: {  	s16 =	simm.s32 $0x40;
	v0 =	vsub.f32 v1, v0  }
.LBB2_8:
0x116: {  	p0 =	sne.s32 s16, $0x1FC0;
	s14 =	sadd.s32 $0x80, s14;
	s15 =	sadd.s32 $0x80, s15  }
0x117: {  	[tilespmem:s17+$0x8210] =	vst v0;
	s17 =	smov.u32 s16;
	s16 =	sadd.s32 $0x40, s16  }
0x118: {  	v0 =	vld [tilespmem:s14+$0xFFFFFFC0]  }
0x119: {  	v1 =	vld [tilespmem:s15+$0xFFFFFFC0];
	_ =	sdelay $0x4  }
0x11a: {  	v0 =	vadd.f32 v1, v0;
	_ =	sdelay $0x1  }
0x11b: {  	[tilespmem:s14+$0xFFFFFFC0] =	vst v0;
	v0 =	vld [tilespmem:s14+$0xFFFFFFD0]  }
0x11c: {  	v1 =	vld [tilespmem:s15+$0xFFFFFFD0];
	_ =	sdelay $0x4  }
0x11d: {  	v0 =	vadd.f32 v1, v0;
	_ =	sdelay $0x1  }
0x11e: {  	[tilespmem:s14+$0xFFFFFFD0] =	vst v0;
	v0 =	vld [tilespmem:s14+$0xFFFFFFE0]  }
0x11f: {  	v1 =	vld [tilespmem:s15+$0xFFFFFFE0];
	_ =	sdelay $0x4  }
0x120: {  	v0 =	vadd.f32 v1, v0;
	_ =	sdelay $0x1  }
0x121: {  	[tilespmem:s14+$0xFFFFFFE0] =	vst v0;
	v0 =	vld [tilespmem:s14+$0xFFFFFFF0]  }
0x122: {  	v1 =	vld [tilespmem:s15+$0xFFFFFFF0];
	_ =	sdelay $0x4  }
0x123: {  	v0 =	vadd.f32 v1, v0;
	_ =	sdelay $0x1  }
0x124: {  	[tilespmem:s14+$0xFFFFFFF0] =	vst v0;
	v0 =	vld [tilespmem:s14+$0x0]  }
0x125: {  	v1 =	vld [tilespmem:s15+$0x0];
	_ =	sdelay $0x4  }
0x126: {  	v0 =	vadd.f32 v1, v0;
	_ =	sdelay $0x1  }
0x127: {  	[tilespmem:s14+$0x0] =	vst v0;
	v0 =	vld [tilespmem:s14+$0x10]  }
0x128: {  	v1 =	vld [tilespmem:s15+$0x10];
	_ =	sdelay $0x4  }
0x129: {  	v0 =	vadd.f32 v1, v0;
	_ =	sdelay $0x1  }
0x12a: {  	[tilespmem:s14+$0x10] =	vst v0;
	v0 =	vld [tilespmem:s14+$0x20]  }
0x12b: {  	v1 =	vld [tilespmem:s15+$0x20];
	_ =	sdelay $0x4  }
0x12c: {  	v0 =	vadd.f32 v1, v0;
	_ =	sdelay $0x1  }
0x12d: {  	[tilespmem:s14+$0x20] =	vst v0;
	v0 =	vld [tilespmem:s14+$0x30]  }
0x12e: {  	v1 =	vld [tilespmem:s15+$0x30];
	_ =	sdelay $0x4  }
0x12f: {  	v0 =	vadd.f32 v1, v0;
	_ =	sdelay $0x1  }
0x130: {  	s17 =	sshra.s32 s17, $0x2;
	[tilespmem:s14+$0x30] =	vst v0  }
0x131: {  	v0 =	vld [tilespmem:s17+$0x8A10]  }
0x132: {  	v1 =	vld [tilespmem:s17+$0x8210]  }
.Ltmp3:
0x133: {  	(pc) =	sbr.rel @p0 .LBB2_8-.Ltmp3, $2  }
0x134: {  	_ =	sdelay $0x2  }
0x135: {  	v0 =	vsub.f32 v1, v0  }
0x136: {  	_ = 	snop  }
0x137: {  	s14 =	simm.s32 $0x0;
	s15 =	rddreg [dreg:$0x4];
	[tilespmem:s17+$0x8210] =	vst v0  }
0x138: {  	[hbm4b:s15+s14] =	stream.linear.scatter [tilespmem:s22], [sflag:$0x3], $0x4000, $0x38;
	[tilespmem:$0x12210] =	vst v63  }
0x139: {  	s16 =	rddreg [dreg:$0x5]  }
0x13a: {  	[hbm4b:s16+s14] =	stream.linear.scatter [tilespmem:s24], [sflag:$0x3], $0x800, $0x38;
	[tilespmem:$0x12210] =	vst v63  }
0x13b: {  	_ =	swait.ge [sflag:s12], $0x4000  }
0x13c: {  	[sflag:s12] =	ssyncset.done $0x0  }
0x13d: {  	[sflag:s12] =	ssyncadd.s32 $0xFFFFC000  }
0x13e: {  	_ =	swait.ge [sflag:s12], $0x800  }
0x13f: {  	[sflag:s12] =	ssyncset.done $0x0  }
0x140: {  	s16 =	simm.s32 $0x200;
	s17 =	rddreg [dreg:$0x6];
	[sflag:s12] =	ssyncadd.s32 $0xFFFFF800  }
0x141: {  	[tilespmem:s16], [sflag:$0x5] =	stream.linear.gather [hbm4b:s17+s14], $0x8, $0x38;
	[tilespmem:$0x12210] =	vst v63  }
0x142: {  	_ =	swait.ge [sflag:s20], $0x8  }
0x143: {  	[sflag:s20] =	ssyncset.done $0x0  }
0x144: {  	s19 =	simm.s32 $0x208;
	s18 =	rddreg [dreg:$0x7];
	[sflag:s20] =	ssyncadd.s32 $0xFFFFFFF8  }
0x145: {  	[tilespmem:s19], [sflag:$0x5] =	stream.linear.gather [hbm4b:s18+s14], $0x8, $0x38;
	[tilespmem:$0x12210] =	vst v63  }
0x146: {  	_ =	swait.ge [sflag:s20], $0x8  }
0x147: {  	[sflag:s20] =	ssyncset.done $0x0  }
0x148: {  	s31 =	simm.s32 $0x8;
	[sflag:s20] =	ssyncadd.s32 $0xFFFFFFF8  }
0x149: {  	[tilespmem:s22], [sflag:$0x1] =	stream.indirect.gather [hbm4b:s5+s31], $0x80, s16, s31, $0xb8;
	[tilespmem:$0x12210] =	vst v63  }
0x14a: {  	_ =	swait.ge [sflag:s26], $0x400  }
0x14b: {  	[sflag:s26] =	ssyncset.done $0x0  }
0x14c: {  	[sflag:s26] =	ssyncadd.s32 $0xFFFFFC00  }
0x14d: {  	[tilespmem:s23], [sflag:$0x1] =	stream.indirect.gather [hbm4b:s6+s31], $0x80, s19, s31, $0xb8;
	[tilespmem:$0x12210] =	vst v63  }
0x14e: {  	_ =	swait.ge [sflag:s26], $0x400  }
0x14f: {  	[sflag:s26] =	ssyncset.done $0x0  }
0x150: {  	[sflag:s26] =	ssyncadd.s32 $0xFFFFFC00  }
0x151: {  	[tilespmem:s24], [sflag:$0x1] =	stream.indirect.gather [hbm4b:s8+s31], $0x10, s16, s31, $0xb8;
	[tilespmem:$0x12210] =	vst v63  }
0x152: {  	_ =	swait.ge [sflag:s26], $0x80  }
0x153: {  	[sflag:s26] =	ssyncset.done $0x0  }
0x154: {  	[sflag:s26] =	ssyncadd.s32 $0xFFFFFF80  }
0x155: {  	[tilespmem:s25], [sflag:$0x1] =	stream.indirect.gather [hbm4b:s8+s31], $0x10, s19, s31, $0xb8;
	[tilespmem:$0x12210] =	vst v63  }
0x156: {  	_ =	swait.ge [sflag:s26], $0x80  }
0x157: {  	[sflag:s26] =	ssyncset.done $0x0  }
0x158: {  	s14 =	simm.s32 $0x250;
	[sflag:s26] =	ssyncadd.s32 $0xFFFFFF80  }
0x159: {  	s15 =	simm.s32 $0x4250;
	v0 =	vld [tilespmem:s14+$0xFFFFFFC0]  }
0x15a: {  	v1 =	vld [tilespmem:s15+$0xFFFFFFC0];
	_ =	sdelay $0x4  }
0x15b: {  	v0 =	vadd.f32 v1, v0;
	_ =	sdelay $0x1  }
0x15c: {  	[tilespmem:s14+$0xFFFFFFC0] =	vst v0;
	v0 =	vld [tilespmem:s14+$0xFFFFFFD0]  }
0x15d: {  	v1 =	vld [tilespmem:s15+$0xFFFFFFD0];
	_ =	sdelay $0x4  }
0x15e: {  	v0 =	vadd.f32 v1, v0;
	_ =	sdelay $0x1  }
0x15f: {  	[tilespmem:s14+$0xFFFFFFD0] =	vst v0;
	v0 =	vld [tilespmem:s14+$0xFFFFFFE0]  }
0x160: {  	v1 =	vld [tilespmem:s15+$0xFFFFFFE0];
	_ =	sdelay $0x4  }
0x161: {  	v0 =	vadd.f32 v1, v0;
	_ =	sdelay $0x1  }
0x162: {  	[tilespmem:s14+$0xFFFFFFE0] =	vst v0;
	v0 =	vld [tilespmem:s14+$0xFFFFFFF0]  }
0x163: {  	v1 =	vld [tilespmem:s15+$0xFFFFFFF0];
	_ =	sdelay $0x4  }
0x164: {  	v0 =	vadd.f32 v1, v0;
	_ =	sdelay $0x1  }
0x165: {  	[tilespmem:s14+$0xFFFFFFF0] =	vst v0;
	v0 =	vld [tilespmem:s14+$0x0]  }
0x166: {  	v1 =	vld [tilespmem:s15+$0x0];
	_ =	sdelay $0x4  }
0x167: {  	v0 =	vadd.f32 v1, v0;
	_ =	sdelay $0x1  }
0x168: {  	[tilespmem:s14+$0x0] =	vst v0;
	v0 =	vld [tilespmem:s14+$0x10]  }
0x169: {  	v1 =	vld [tilespmem:s15+$0x10];
	_ =	sdelay $0x4  }
0x16a: {  	v0 =	vadd.f32 v1, v0;
	_ =	sdelay $0x1  }
0x16b: {  	[tilespmem:s14+$0x10] =	vst v0;
	v0 =	vld [tilespmem:s14+$0x20]  }
0x16c: {  	v1 =	vld [tilespmem:s15+$0x20];
	_ =	sdelay $0x4  }
0x16d: {  	v0 =	vadd.f32 v1, v0;
	_ =	sdelay $0x1  }
0x16e: {  	[tilespmem:s14+$0x20] =	vst v0;
	v0 =	vld [tilespmem:s14+$0x30]  }
0x16f: {  	v1 =	vld [tilespmem:s15+$0x30];
	_ =	sdelay $0x4  }
0x170: {  	v0 =	vadd.f32 v1, v0;
	_ =	sdelay $0x1  }
0x171: {  	s17 =	simm.s32 $0x0;
	[tilespmem:s14+$0x30] =	vst v0  }
0x172: {  	v0 =	vld [tilespmem:s17+$0x8A10]  }
0x173: {  	v1 =	vld [tilespmem:s17+$0x8210];
	_ =	sdelay $0x4  }
0x174: {  	s16 =	simm.s32 $0x40;
	v0 =	vsub.f32 v1, v0  }
.LBB2_10:
0x175: {  	p0 =	sne.s32 s16, $0x1C0;
	s14 =	sadd.s32 $0x80, s14;
	s15 =	sadd.s32 $0x80, s15  }
0x176: {  	[tilespmem:s17+$0x8210] =	vst v0;
	s17 =	smov.u32 s16;
	s16 =	sadd.s32 $0x40, s16  }
0x177: {  	v0 =	vld [tilespmem:s14+$0xFFFFFFC0]  }
0x178: {  	v1 =	vld [tilespmem:s15+$0xFFFFFFC0];
	_ =	sdelay $0x4  }
0x179: {  	v0 =	vadd.f32 v1, v0;
	_ =	sdelay $0x1  }
0x17a: {  	[tilespmem:s14+$0xFFFFFFC0] =	vst v0;
	v0 =	vld [tilespmem:s14+$0xFFFFFFD0]  }
0x17b: {  	v1 =	vld [tilespmem:s15+$0xFFFFFFD0];
	_ =	sdelay $0x4  }
0x17c: {  	v0 =	vadd.f32 v1, v0;
	_ =	sdelay $0x1  }
0x17d: {  	[tilespmem:s14+$0xFFFFFFD0] =	vst v0;
	v0 =	vld [tilespmem:s14+$0xFFFFFFE0]  }
0x17e: {  	v1 =	vld [tilespmem:s15+$0xFFFFFFE0];
	_ =	sdelay $0x4  }
0x17f: {  	v0 =	vadd.f32 v1, v0;
	_ =	sdelay $0x1  }
0x180: {  	[tilespmem:s14+$0xFFFFFFE0] =	vst v0;
	v0 =	vld [tilespmem:s14+$0xFFFFFFF0]  }
0x181: {  	v1 =	vld [tilespmem:s15+$0xFFFFFFF0];
	_ =	sdelay $0x4  }
0x182: {  	v0 =	vadd.f32 v1, v0;
	_ =	sdelay $0x1  }
0x183: {  	[tilespmem:s14+$0xFFFFFFF0] =	vst v0;
	v0 =	vld [tilespmem:s14+$0x0]  }
0x184: {  	v1 =	vld [tilespmem:s15+$0x0];
	_ =	sdelay $0x4  }
0x185: {  	v0 =	vadd.f32 v1, v0;
	_ =	sdelay $0x1  }
0x186: {  	[tilespmem:s14+$0x0] =	vst v0;
	v0 =	vld [tilespmem:s14+$0x10]  }
0x187: {  	v1 =	vld [tilespmem:s15+$0x10];
	_ =	sdelay $0x4  }
0x188: {  	v0 =	vadd.f32 v1, v0;
	_ =	sdelay $0x1  }
0x189: {  	[tilespmem:s14+$0x10] =	vst v0;
	v0 =	vld [tilespmem:s14+$0x20]  }
0x18a: {  	v1 =	vld [tilespmem:s15+$0x20];
	_ =	sdelay $0x4  }
0x18b: {  	v0 =	vadd.f32 v1, v0;
	_ =	sdelay $0x1  }
0x18c: {  	[tilespmem:s14+$0x20] =	vst v0;
	v0 =	vld [tilespmem:s14+$0x30]  }
0x18d: {  	v1 =	vld [tilespmem:s15+$0x30];
	_ =	sdelay $0x4  }
0x18e: {  	v0 =	vadd.f32 v1, v0;
	_ =	sdelay $0x1  }
0x18f: {  	s17 =	sshra.s32 s17, $0x2;
	[tilespmem:s14+$0x30] =	vst v0  }
0x190: {  	v0 =	vld [tilespmem:s17+$0x8A10]  }
0x191: {  	v1 =	vld [tilespmem:s17+$0x8210]  }
.Ltmp4:
0x192: {  	(pc) =	sbr.rel @p0 .LBB2_10-.Ltmp4, $2  }
0x193: {  	_ =	sdelay $0x2  }
0x194: {  	v0 =	vsub.f32 v1, v0  }
0x195: {  	_ = 	snop  }
0x196: {  	s14 =	rddreg [dreg:$0x8];
	[tilespmem:s17+$0x8210] =	vst v0  }
0x197: {  	[hbm4b:s14+s2] =	stream.linear.scatter [tilespmem:s22], [sflag:$0x5], $0x400, $0x38;
	[tilespmem:$0x12210] =	vst v63  }
0x198: {  	_ =	swait.ge [sflag:s20], $0x400  }
0x199: {  	[sflag:s20] =	ssyncset.done $0x0  }
0x19a: {  	s19 =	rddreg [dreg:$0x9];
	[sflag:s20] =	ssyncadd.s32 $0xFFFFFC00  }
0x19b: {  	[hbm4b:s19+s2] =	stream.linear.scatter [tilespmem:s24], [sflag:$0x5], $0x80, $0x38;
	[tilespmem:$0x12210] =	vst v63  }
0x19c: {  	_ =	swait.ge [sflag:s20], $0x80  }
0x19d: {  	s15 =	rddreg [dreg:$0xb]  }
0x19e: {  	s31 =	rddreg [dreg:$0xa];
	s15 =	sadd.s32 $0x1, s15  }
0x19f: {  	p0 =	sne.s32 s15, s31  }
.Ltmp5:
0x1a0: {  	_ = 	snop;
	(pc) =	sbr.rel @p0 .LBB2_1-.Ltmp5, $3  }
0x1a1: {  	_ =	sdelay $0x1  }
0x1a2: {  	[sflag:s20] =	ssyncset.done $0x0  }
0x1a3: {  	[sflag:s20] =	ssyncadd.s32 $0xFFFFFF80  }
0x1a4: {  	_ =	sfence.sel $0x180000  }
0x1a5: {  	[bflag:$0x0] =	sbarrier.arrive $0xFFFF  }
0x1a6: {  	_ =	strace $0x90000047  }
0x1a7: {  	s0 =	stileid.u32;
	[bflag:$0x2] =	sbarrier.arrive $0xFFFF  }
0x1a8: {  	p0 =	sne.s32 s0, $0x0;
	s0 =	rddreg [dreg:$0x1]  }
0x1a9: {  	s0 =	sadd.s32 @!p0 $0x100000, s0  }
0x1aa: {  	[sflag:s0] =	ssyncadd.tile.s32 @!p0 $0x1;
	_ =	shalt  }
.Lfunc_end2:
_tile_overlayer_lowered:
.L_overlay_start_2:
0x1ab: {  	(tag) =	ssettag $0x2  }
0x1ac: {  	s0 =	rddreg [dreg:$0x0];
	s2 =	stileid.u32  }
0x1ad: {  	s1 =	rddreg [dreg:$0x1];
	p0 =	sne.s32 s2, $0x0  }
0x1ae: {  	s3 =	rddreg [dreg:$0x2];
	[bflag:$0x3] =	sbarrier.arrive $0xFFFF;
	s2 =	simm.s32 @!p0 $0x1C05  }
0x1af: {  	[timem:s3], [sflag:s2] =	dma.local @!p0 [hbm:s0], s1  }
0x1b0: {  	s0 =	simm.s32 @!p0 $0x5  }
0x1b1: {  	_ =	swait.ge @!p0 [sflag:s0], s1  }
0x1b2: {  	s1 =	ssub.s32 @!p0 $0x0, s1;
	[sflag:s0] =	ssyncset.done @!p0 $0x0  }
0x1b3: {  	[sflag:s0] =	ssyncadd.s32 @!p0 s1  }
0x1b4: {  	[bflag:$0x3] =	sbarrier.arrive $0xFFFF  }
0x1b5: {  	_ =	shalt  }

</sc_bundles>
